<compile_context>
chip_gen: v7x
topology: tpu7x:2x2x1
jax: 0.10.2.dev20260603
libtpu: 0.0.44.dev20260713+nightly
codegen_flags: <defaults>
</compile_context>

<pallas_src>
import jax
import jax.numpy as jnp
from jax import lax
from jax.experimental import pallas as pl
from jax.experimental.pallas import tpu as pltpu
from jax.experimental.pallas import tpu_sc as plsc

L = 200
B = 1024
V = 100000
NCAT = 8
D = 32
NNUM = 4
NED = 32
ROWS = L * B
NG = NNUM + 1
CY = NG * NED
CTOT = NCAT * D + CY
LT = L // 8
BT = B // 128

_info = plsc.get_sparse_core_info()
NC, NS = _info.num_cores, _info.num_subcores
NW = NC * NS
RPW = ROWS // NW
CHUNK = 128
NCHUNK = RPW // CHUNK


def _sc_body(c0, c1, c2, c3, c4, c5, c6, c7,
             xt, wflat, bflat,
             t0, t1, t2, t3, t4, t5, t6, t7,
             out,
             ia0, ia1, ia2, ia3, ia4, ia5, ia6, ia7,
             ib0, ib1, ib2, ib3, ib4, ib5, ib6, ib7,
             ga0, ga1, ga2, ga3, ga4, ga5, ga6, ga7,
             gb0, gb1, gb2, gb3, gb4, gb5, gb6, gb7,
             xta, xtb, xa, xb, ya, yb, wbuf, bbuf,
             isa, isb, gsema, gsemb, wsema, wsemb):
    cats = [c0, c1, c2, c3, c4, c5, c6, c7]
    tables = [t0, t1, t2, t3, t4, t5, t6, t7]
    sets = [
        dict(idx=[ia0, ia1, ia2, ia3, ia4, ia5, ia6, ia7],
             gbuf=[ga0, ga1, ga2, ga3, ga4, ga5, ga6, ga7],
             xtb=xta, xbuf=xa, ybuf=ya, isem=isa, gsem=gsema, wsem=wsema),
        dict(idx=[ib0, ib1, ib2, ib3, ib4, ib5, ib6, ib7],
             gbuf=[gb0, gb1, gb2, gb3, gb4, gb5, gb6, gb7],
             xtb=xtb, xbuf=xb, ybuf=yb, isem=isb, gsem=gsemb, wsem=wsemb),
    ]

    wid = lax.axis_index("s") * NC + lax.axis_index("c")

    pltpu.sync_copy(wflat, wbuf)
    pltpu.sync_copy(bflat, bbuf)
    wv = [wbuf[pl.ds(h * 16, 16)] for h in range(2 * NG)]
    bv = [bbuf[pl.ds(h * 16, 16)] for h in range(2 * NG)]
    iota = lax.iota(jnp.int32, 16)

    def coords(j):
        base = wid * RPW + j * CHUNK
        l = base // B
        b0 = base - l * B
        return base, l, b0

    def idx_copies(j, s):
        base, l, b0 = coords(j)
        lt = l // 8
        sub = l - lt * 8
        bt = b0 // 128
        cps = [pltpu.make_async_copy(cats[i].at[lt, bt, sub, :],
                                     s["idx"][i], s["isem"])
               for i in range(NCAT)]
        cps.append(pltpu.make_async_copy(
            xt.at[:, pl.ds(base, CHUNK)], s["xtb"], s["isem"]))
        return cps

    def start(j, s):
        for cp in idx_copies(j, s):
            cp.start()

    def out_copies(j, s):
        base, l, b0 = coords(j)
        cps = [pltpu.make_async_copy(
            s["gbuf"][i],
            out.at[l, pl.ds(b0, CHUNK), pl.ds(i * D, D)], s["wsem"])
            for i in range(NCAT)]
        cps.append(pltpu.make_async_copy(
            s["ybuf"],
            out.at[l, pl.ds(b0, CHUNK), pl.ds(NCAT * D, CY)], s["wsem"]))
        return cps

    def finish(j, s):
        for cp in idx_copies(j, s):
            cp.wait()

        @pl.when(j >= 2)
        def _():
            for cp in out_copies(j, s):
                cp.wait()

        gcps = [pltpu.make_async_copy(tables[i].at[s["idx"][i]],
                                      s["gbuf"][i], s["gsem"])
                for i in range(NCAT)]
        for cp in gcps:
            cp.start()

        for g in range(NG):
            colv = jnp.full((16,), g, jnp.int32)
            for m in range(8):
                v = s["xtb"][g, pl.ds(16 * m, 16)]
                plsc.store_scatter(s["xbuf"], [16 * m + iota, colv], v)

        ybuf = s["ybuf"]

        def row_body(r, _c):
            xrow = s["xbuf"][r, :]
            for g in range(NG):
                xv = jnp.full((16,), xrow[g], jnp.float32)
                for h in range(2):
                    q = 2 * g + h
                    ybuf[r, pl.ds(q * 16, 16)] = xv * wv[q] + bv[q]
            return _c
        lax.fori_loop(0, CHUNK, row_body, 0)

        for cp in gcps:
            cp.wait()
        for cp in out_copies(j, s):
            cp.start()

    start(0, sets[0])
    start(1, sets[1])

    def iter_body(k, _c):
        finish(2 * k, sets[0])

        @pl.when(k < NCHUNK // 2 - 1)
        def _():
            start(2 * k + 2, sets[0])
        finish(2 * k + 1, sets[1])

        @pl.when(k < NCHUNK // 2 - 1)
        def _():
            start(2 * k + 3, sets[1])
        return _c

    lax.fori_loop(0, NCHUNK // 2, iter_body, 0)

    for cp in out_copies(NCHUNK - 2, sets[0]):
        cp.wait()
    for cp in out_copies(NCHUNK - 1, sets[1]):
        cp.wait()


@jax.jit
def _sc_call(cats_t, xt, tables, wflat, bflat):
    mesh = plsc.VectorSubcoreMesh(core_axis_name="c", subcore_axis_name="s")
    scratch = (
        [pltpu.VMEM((CHUNK,), jnp.int32) for _ in range(2 * NCAT)]
        + [pltpu.VMEM((CHUNK, D), jnp.float32) for _ in range(2 * NCAT)]
        + [pltpu.VMEM((NG, CHUNK), jnp.float32) for _ in range(2)]
        + [pltpu.VMEM((CHUNK, 16), jnp.float32) for _ in range(2)]
        + [pltpu.VMEM((CHUNK, CY), jnp.float32) for _ in range(2)]
        + [pltpu.VMEM((CY,), jnp.float32),
           pltpu.VMEM((CY,), jnp.float32)]
        + [pltpu.SemaphoreType.DMA for _ in range(6)]
    )
    fn = pl.kernel(
        _sc_body,
        out_type=jax.ShapeDtypeStruct((L, B, CTOT), jnp.float32),
        mesh=mesh,
        scratch_types=scratch,
        compiler_params=pltpu.CompilerParams(use_tc_tiling_on_sc=False,
                                             needs_layout_passes=False),
    )
    return fn(*cats_t, xt, wflat, bflat, *tables)


def kernel(cat0, cat1, cat2, cat3, cat4, cat5, cat6, cat7,
           num_features, time, lengths,
           table0, table1, table2, table3, table4, table5, table6, table7,
           W, b):
    cats_t = [c.astype(jnp.int32).reshape(LT, 8, BT, 128).swapaxes(1, 2)
              for c in (cat0, cat1, cat2, cat3, cat4, cat5, cat6, cat7)]
    tables = [table0, table1, table2, table3, table4, table5, table6, table7]
    xt = jnp.concatenate(
        [num_features.reshape(ROWS, NNUM).T,
         time.reshape(1, ROWS).astype(jnp.float32)], axis=0)
    return _sc_call(cats_t, xt, tables, W.reshape(CY), b.reshape(CY))

# --- scband reference (transcript-rebuilt; emitter-appended) ---
"""Pipeline reference for scband-batch2-transformed-seq-34849364640080 (READ-ONLY COPY).

The authoritative reference and input builder live on the scoring server;
editing this copy changes nothing except your own understanding.
"""

import jax, jax.numpy as jnp
import numpy as np

L = 200
B = 1024
V = 100000
NCAT = 8
D = 32
NNUM = 4
NED = 32


def setup_inputs(seed: int = 0) -> dict:
    key = jax.random.key(seed)
    ks = jax.random.split(key, 21)
    inp = {}
    for i in range(NCAT):
        inp['cat%d' % i] = jax.random.randint(ks[i], (L, B), 0, V)
    inp['num_features'] = jax.random.normal(ks[8], (L, B, NNUM), dtype=jnp.float32)
    inp['time'] = jax.random.uniform(ks[9], (L, B), dtype=jnp.float32)
    inp['lengths'] = jax.random.randint(ks[10], (B,), 1, L + 1)
    for i in range(NCAT):
        inp['table%d' % i] = jax.random.normal(ks[11 + i], (V, D), dtype=jnp.float32) * 0.02
    inp['W'] = jax.random.normal(ks[19], (NNUM + 1, NED), dtype=jnp.float32) * 0.1
    inp['b'] = jax.random.normal(ks[20], (NNUM + 1, NED), dtype=jnp.float32) * 0.01
    return inp


def reference(cat0, cat1, cat2, cat3, cat4, cat5, cat6, cat7,
              num_features, time, lengths,
              table0, table1, table2, table3, table4, table5, table6, table7,
              W, b):
    cats = [cat0, cat1, cat2, cat3, cat4, cat5, cat6, cat7]
    tables = [table0, table1, table2, table3, table4, table5, table6, table7]
    # categorical embedding lookups (gather) -> each [L, B, D]
    embs = [jnp.take(tables[i], cats[i], axis=0) for i in range(NCAT)]
    # numeric features + time channel -> [L, B, NNUM+1]
    x = jnp.concatenate([num_features, time[..., None]], axis=2)
    # grouped Conv1d with kernel_size=1, groups=num_count: per-channel affine expansion
    # out channel (g*NED + k) = x[..., g] * W[g, k] + b[g, k]
    y = x[..., :, None] * W[None, None, :, :] + b[None, None, :, :]
    y = y.reshape(L, B, (NNUM + 1) * NED)
    embs.append(y)
    tokens = jnp.concatenate(embs, axis=2)  # [L, B, NCAT*D + (NNUM+1)*NED]
    return tokens

if __name__ == "__main__":
    import jax
    _d = setup_inputs()
    print(jax.jit(kernel)(*tuple(_d.values())))

</pallas_src>

<mosaic_0001>
#map = affine_map<(d0, d1) -> (0, 0, 0, 0)>
#map1 = affine_map<(d0, d1) -> (0, 0)>
#map2 = affine_map<(d0, d1) -> (0)>
#map3 = affine_map<(d0, d1) -> (0, 0, 0)>
module attributes {stable_mosaic.version = 14 : i64} {
  func.func @_sc_body(%arg0: i32, %arg1: i32, %arg2: memref<25x8x8x128xi32, #tpu.memory_space<hbm>>, %arg3: memref<25x8x8x128xi32, #tpu.memory_space<hbm>>, %arg4: memref<25x8x8x128xi32, #tpu.memory_space<hbm>>, %arg5: memref<25x8x8x128xi32, #tpu.memory_space<hbm>>, %arg6: memref<25x8x8x128xi32, #tpu.memory_space<hbm>>, %arg7: memref<25x8x8x128xi32, #tpu.memory_space<hbm>>, %arg8: memref<25x8x8x128xi32, #tpu.memory_space<hbm>>, %arg9: memref<25x8x8x128xi32, #tpu.memory_space<hbm>>, %arg10: memref<5x204800xf32, #tpu.memory_space<hbm>>, %arg11: memref<160xf32, #tpu.memory_space<hbm>>, %arg12: memref<160xf32, #tpu.memory_space<hbm>>, %arg13: memref<100000x32xf32, #tpu.memory_space<hbm>>, %arg14: memref<100000x32xf32, #tpu.memory_space<hbm>>, %arg15: memref<100000x32xf32, #tpu.memory_space<hbm>>, %arg16: memref<100000x32xf32, #tpu.memory_space<hbm>>, %arg17: memref<100000x32xf32, #tpu.memory_space<hbm>>, %arg18: memref<100000x32xf32, #tpu.memory_space<hbm>>, %arg19: memref<100000x32xf32, #tpu.memory_space<hbm>>, %arg20: memref<100000x32xf32, #tpu.memory_space<hbm>>, %arg21: memref<200x1024x416xf32, #tpu.memory_space<hbm>>, %arg22: memref<128xi32, #tpu.memory_space<vmem>>, %arg23: memref<128xi32, #tpu.memory_space<vmem>>, %arg24: memref<128xi32, #tpu.memory_space<vmem>>, %arg25: memref<128xi32, #tpu.memory_space<vmem>>, %arg26: memref<128xi32, #tpu.memory_space<vmem>>, %arg27: memref<128xi32, #tpu.memory_space<vmem>>, %arg28: memref<128xi32, #tpu.memory_space<vmem>>, %arg29: memref<128xi32, #tpu.memory_space<vmem>>, %arg30: memref<128xi32, #tpu.memory_space<vmem>>, %arg31: memref<128xi32, #tpu.memory_space<vmem>>, %arg32: memref<128xi32, #tpu.memory_space<vmem>>, %arg33: memref<128xi32, #tpu.memory_space<vmem>>, %arg34: memref<128xi32, #tpu.memory_space<vmem>>, %arg35: memref<128xi32, #tpu.memory_space<vmem>>, %arg36: memref<128xi32, #tpu.memory_space<vmem>>, %arg37: memref<128xi32, #tpu.memory_space<vmem>>, %arg38: memref<128x32xf32, #tpu.memory_space<vmem>>, %arg39: memref<128x32xf32, #tpu.memory_space<vmem>>, %arg40: memref<128x32xf32, #tpu.memory_space<vmem>>, %arg41: memref<128x32xf32, #tpu.memory_space<vmem>>, %arg42: memref<128x32xf32, #tpu.memory_space<vmem>>, %arg43: memref<128x32xf32, #tpu.memory_space<vmem>>, %arg44: memref<128x32xf32, #tpu.memory_space<vmem>>, %arg45: memref<128x32xf32, #tpu.memory_space<vmem>>, %arg46: memref<128x32xf32, #tpu.memory_space<vmem>>, %arg47: memref<128x32xf32, #tpu.memory_space<vmem>>, %arg48: memref<128x32xf32, #tpu.memory_space<vmem>>, %arg49: memref<128x32xf32, #tpu.memory_space<vmem>>, %arg50: memref<128x32xf32, #tpu.memory_space<vmem>>, %arg51: memref<128x32xf32, #tpu.memory_space<vmem>>, %arg52: memref<128x32xf32, #tpu.memory_space<vmem>>, %arg53: memref<128x32xf32, #tpu.memory_space<vmem>>, %arg54: memref<5x128xf32, #tpu.memory_space<vmem>>, %arg55: memref<5x128xf32, #tpu.memory_space<vmem>>, %arg56: memref<128x16xf32, #tpu.memory_space<vmem>>, %arg57: memref<128x16xf32, #tpu.memory_space<vmem>>, %arg58: memref<128x160xf32, #tpu.memory_space<vmem>>, %arg59: memref<128x160xf32, #tpu.memory_space<vmem>>, %arg60: memref<160xf32, #tpu.memory_space<vmem>>, %arg61: memref<160xf32, #tpu.memory_space<vmem>>, %arg62: memref<!tpu.dma_semaphore, #tpu.memory_space<semaphore_mem>>, %arg63: memref<!tpu.dma_semaphore, #tpu.memory_space<semaphore_mem>>, %arg64: memref<!tpu.dma_semaphore, #tpu.memory_space<semaphore_mem>>, %arg65: memref<!tpu.dma_semaphore, #tpu.memory_space<semaphore_mem>>, %arg66: memref<!tpu.dma_semaphore, #tpu.memory_space<semaphore_mem>>, %arg67: memref<!tpu.dma_semaphore, #tpu.memory_space<semaphore_mem>>) attributes {dimension_semantics = [#tpu.dimension_semantics<core_parallel>, #tpu.dimension_semantics<subcore_parallel>], iteration_bounds = array<i64: 2, 16>, scalar_prefetch = 0 : i64, scratch_operands = 46 : i64, tpu.core_type = #tpu.core_type<sc_vector_subcore>, window_params = [{transform_indices = #map}, {transform_indices = #map}, {transform_indices = #map}, {transform_indices = #map}, {transform_indices = #map}, {transform_indices = #map}, {transform_indices = #map}, {transform_indices = #map}, {transform_indices = #map1}, {transform_indices = #map2}, {transform_indices = #map2}, {transform_indices = #map1}, {transform_indices = #map1}, {transform_indices = #map1}, {transform_indices = #map1}, {transform_indices = #map1}, {transform_indices = #map1}, {transform_indices = #map1}, {transform_indices = #map1}, {transform_indices = #map3}]} {
    %mul3A = arith.constant 2 : i32
    %mul3A_0 = arith.muli %arg1, %mul3A : i32
    %add3A = arith.addi %mul3A_0, %arg0 : i32
    "tpu.region"() ({
      %run_scoped3A = tpu.sem_alloc : memref<!tpu.dma_semaphore, #tpu.memory_space<semaphore_mem>>
      tpu.enqueue_dma source(%arg11 : memref<160xf32, #tpu.memory_space<hbm>>) target(%arg60 : memref<160xf32, #tpu.memory_space<vmem>>) target_semaphore(%run_scoped3A : memref<!tpu.dma_semaphore, #tpu.memory_space<semaphore_mem>>)
      tpu.wait_dma2 semaphore(%run_scoped3A : memref<!tpu.dma_semaphore, #tpu.memory_space<semaphore_mem>>) src(%arg11 : memref<160xf32, #tpu.memory_space<hbm>>) dst(%arg60 : memref<160xf32, #tpu.memory_space<vmem>>)
      tpu.yield
    }) : () -> ()
    "tpu.region"() ({
      %run_scoped3A = tpu.sem_alloc : memref<!tpu.dma_semaphore, #tpu.memory_space<semaphore_mem>>
      tpu.enqueue_dma source(%arg12 : memref<160xf32, #tpu.memory_space<hbm>>) target(%arg61 : memref<160xf32, #tpu.memory_space<vmem>>) target_semaphore(%run_scoped3A : memref<!tpu.dma_semaphore, #tpu.memory_space<semaphore_mem>>)
      tpu.wait_dma2 semaphore(%run_scoped3A : memref<!tpu.dma_semaphore, #tpu.memory_space<semaphore_mem>>) src(%arg12 : memref<160xf32, #tpu.memory_space<hbm>>) dst(%arg61 : memref<160xf32, #tpu.memory_space<vmem>>)
      tpu.yield
    }) : () -> ()
    %get3A = arith.constant 0 : index
    %get3A_1 = tpu.vector_load %arg60[%get3A] {strides = array<i32>} : memref<160xf32, #tpu.memory_space<vmem>>, vector<16xf32>,
    %get3A_2 = arith.constant 16 : index
    %get3A_3 = tpu.vector_load %arg60[%get3A_2] {strides = array<i32>} : memref<160xf32, #tpu.memory_space<vmem>>, vector<16xf32>,
    %get3A_4 = arith.constant 32 : index
    %get3A_5 = tpu.vector_load %arg60[%get3A_4] {strides = array<i32>} : memref<160xf32, #tpu.memory_space<vmem>>, vector<16xf32>,
    %get3A_6 = arith.constant 48 : index
    %get3A_7 = tpu.vector_load %arg60[%get3A_6] {strides = array<i32>} : memref<160xf32, #tpu.memory_space<vmem>>, vector<16xf32>,
    %get3A_8 = arith.constant 64 : index
    %get3A_9 = tpu.vector_load %arg60[%get3A_8] {strides = array<i32>} : memref<160xf32, #tpu.memory_space<vmem>>, vector<16xf32>,
    %get3A_10 = arith.constant 80 : index
    %get3A_11 = tpu.vector_load %arg60[%get3A_10] {strides = array<i32>} : memref<160xf32, #tpu.memory_space<vmem>>, vector<16xf32>,
    %get3A_12 = arith.constant 96 : index
    %get3A_13 = tpu.vector_load %arg60[%get3A_12] {strides = array<i32>} : memref<160xf32, #tpu.memory_space<vmem>>, vector<16xf32>,
    %get3A_14 = arith.constant 112 : index
    %get3A_15 = tpu.vector_load %arg60[%get3A_14] {strides = array<i32>} : memref<160xf32, #tpu.memory_space<vmem>>, vector<16xf32>,
    %get3A_16 = arith.constant 128 : index
    %get3A_17 = tpu.vector_load %arg60[%get3A_16] {strides = array<i32>} : memref<160xf32, #tpu.memory_space<vmem>>, vector<16xf32>,
    %get3A_18 = arith.constant 144 : index
    %get3A_19 = tpu.vector_load %arg60[%get3A_18] {strides = array<i32>} : memref<160xf32, #tpu.memory_space<vmem>>, vector<16xf32>,
    %get3A_20 = arith.constant 0 : index
    %get3A_21 = tpu.vector_load %arg61[%get3A_20] {strides = array<i32>} : memref<160xf32, #tpu.memory_space<vmem>>, vector<16xf32>,
    %get3A_22 = arith.constant 16 : index
    %get3A_23 = tpu.vector_load %arg61[%get3A_22] {strides = array<i32>} : memref<160xf32, #tpu.memory_space<vmem>>, vector<16xf32>,
    %get3A_24 = arith.constant 32 : index
    %get3A_25 = tpu.vector_load %arg61[%get3A_24] {strides = array<i32>} : memref<160xf32, #tpu.memory_space<vmem>>, vector<16xf32>,
    %get3A_26 = arith.constant 48 : index
    %get3A_27 = tpu.vector_load %arg61[%get3A_26] {strides = array<i32>} : memref<160xf32, #tpu.memory_space<vmem>>, vector<16xf32>,
    %get3A_28 = arith.constant 64 : index
    %get3A_29 = tpu.vector_load %arg61[%get3A_28] {strides = array<i32>} : memref<160xf32, #tpu.memory_space<vmem>>, vector<16xf32>,
    %get3A_30 = arith.constant 80 : index
    %get3A_31 = tpu.vector_load %arg61[%get3A_30] {strides = array<i32>} : memref<160xf32, #tpu.memory_space<vmem>>, vector<16xf32>,
    %get3A_32 = arith.constant 96 : index
    %get3A_33 = tpu.vector_load %arg61[%get3A_32] {strides = array<i32>} : memref<160xf32, #tpu.memory_space<vmem>>, vector<16xf32>,
    %get3A_34 = arith.constant 112 : index
    %get3A_35 = tpu.vector_load %arg61[%get3A_34] {strides = array<i32>} : memref<160xf32, #tpu.memory_space<vmem>>, vector<16xf32>,
    %get3A_36 = arith.constant 128 : index
    %get3A_37 = tpu.vector_load %arg61[%get3A_36] {strides = array<i32>} : memref<160xf32, #tpu.memory_space<vmem>>, vector<16xf32>,
    %get3A_38 = arith.constant 144 : index
    %get3A_39 = tpu.vector_load %arg61[%get3A_38] {strides = array<i32>} : memref<160xf32, #tpu.memory_space<vmem>>, vector<16xf32>,
    %iota3A = tpu.iota {dimensions = array<i32: 0>} : vector<16xi32>
    %mul3A_40 = arith.constant 6400 : i32
    %mul3A_41 = arith.muli %add3A, %mul3A_40 : i32
    %add3A_42 = arith.constant 0 : i32
    %add3A_43 = arith.addi %mul3A_41, %add3A_42 : i32
    %jit3A = arith.constant 1024 : i32
    %div3A = arith.divsi %add3A_43, %jit3A : i32
    %sign3A = arith.constant 0 : i32
    %sign3A_44 = arith.cmpi sgt, %add3A_43, %sign3A : i32
    %sign3A_45 = arith.extui %sign3A_44 : i1 to i32
    %sign3A_46 = arith.constant 0 : i32
    %sign3A_47 = arith.cmpi slt, %add3A_43, %sign3A_46 : i32
    %sign3A_48 = arith.extui %sign3A_47 : i1 to i32
    %sign3A_49 = arith.subi %sign3A_45, %sign3A_48 : i32
    %sign3A_50 = arith.constant 0 : i32
    %sign3A_51 = arith.cmpi sgt, %jit3A, %sign3A_50 : i32
    %sign3A_52 = arith.extui %sign3A_51 : i1 to i32
    %sign3A_53 = arith.constant 0 : i32
    %sign3A_54 = arith.cmpi slt, %jit3A, %sign3A_53 : i32
    %sign3A_55 = arith.extui %sign3A_54 : i1 to i32
    %sign3A_56 = arith.subi %sign3A_52, %sign3A_55 : i32
    %ne3A = arith.cmpi ne, %sign3A_49, %sign3A_56 : i32
    %rem3A = arith.remsi %add3A_43, %jit3A : i32
    %ne3A_57 = arith.constant 0 : i32
    %ne3A_58 = arith.cmpi ne, %rem3A, %ne3A_57 : i32
    %and3A = arith.andi %ne3A, %ne3A_58 : i1
    %sub3A = arith.constant 1 : i32
    %sub3A_59 = arith.subi %div3A, %sub3A : i32
    %select_n3A = arith.select %and3A, %sub3A_59, %div3A : i32
    %mul3A_60 = arith.constant 1024 : i32
    %mul3A_61 = arith.muli %select_n3A, %mul3A_60 : i32
    %sub3A_62 = arith.subi %add3A_43, %mul3A_61 : i32
    %jit3A_63 = arith.constant 8 : i32
    %div3A_64 = arith.divsi %select_n3A, %jit3A_63 : i32
    %sign3A_65 = arith.constant 0 : i32
    %sign3A_66 = arith.cmpi sgt, %select_n3A, %sign3A_65 : i32
    %sign3A_67 = arith.extui %sign3A_66 : i1 to i32
    %sign3A_68 = arith.constant 0 : i32
    %sign3A_69 = arith.cmpi slt, %select_n3A, %sign3A_68 : i32
    %sign3A_70 = arith.extui %sign3A_69 : i1 to i32
    %sign3A_71 = arith.subi %sign3A_67, %sign3A_70 : i32
    %sign3A_72 = arith.constant 0 : i32
    %sign3A_73 = arith.cmpi sgt, %jit3A_63, %sign3A_72 : i32
    %sign3A_74 = arith.extui %sign3A_73 : i1 to i32
    %sign3A_75 = arith.constant 0 : i32
    %sign3A_76 = arith.cmpi slt, %jit3A_63, %sign3A_75 : i32
    %sign3A_77 = arith.extui %sign3A_76 : i1 to i32
    %sign3A_78 = arith.subi %sign3A_74, %sign3A_77 : i32
    %ne3A_79 = arith.cmpi ne, %sign3A_71, %sign3A_78 : i32
    %rem3A_80 = arith.remsi %select_n3A, %jit3A_63 : i32
    %ne3A_81 = arith.constant 0 : i32
    %ne3A_82 = arith.cmpi ne, %rem3A_80, %ne3A_81 : i32
    %and3A_83 = arith.andi %ne3A_79, %ne3A_82 : i1
    %sub3A_84 = arith.constant 1 : i32
    %sub3A_85 = arith.subi %div3A_64, %sub3A_84 : i32
    %select_n3A_86 = arith.select %and3A_83, %sub3A_85, %div3A_64 : i32
    %mul3A_87 = arith.constant 8 : i32
    %mul3A_88 = arith.muli %select_n3A_86, %mul3A_87 : i32
    %sub3A_89 = arith.subi %select_n3A, %mul3A_88 : i32
    %jit3A_90 = arith.constant 128 : i32
    %div3A_91 = arith.divsi %sub3A_62, %jit3A_90 : i32
    %sign3A_92 = arith.constant 0 : i32
    %sign3A_93 = arith.cmpi sgt, %sub3A_62, %sign3A_92 : i32
    %sign3A_94 = arith.extui %sign3A_93 : i1 to i32
    %sign3A_95 = arith.constant 0 : i32
    %sign3A_96 = arith.cmpi slt, %sub3A_62, %sign3A_95 : i32
    %sign3A_97 = arith.extui %sign3A_96 : i1 to i32
    %sign3A_98 = arith.subi %sign3A_94, %sign3A_97 : i32
    %sign3A_99 = arith.constant 0 : i32
    %sign3A_100 = arith.cmpi sgt, %jit3A_90, %sign3A_99 : i32
    %sign3A_101 = arith.extui %sign3A_100 : i1 to i32
    %sign3A_102 = arith.constant 0 : i32
    %sign3A_103 = arith.cmpi slt, %jit3A_90, %sign3A_102 : i32
    %sign3A_104 = arith.extui %sign3A_103 : i1 to i32
    %sign3A_105 = arith.subi %sign3A_101, %sign3A_104 : i32
    %ne3A_106 = arith.cmpi ne, %sign3A_98, %sign3A_105 : i32
    %rem3A_107 = arith.remsi %sub3A_62, %jit3A_90 : i32
    %ne3A_108 = arith.constant 0 : i32
    %ne3A_109 = arith.cmpi ne, %rem3A_107, %ne3A_108 : i32
    %and3A_110 = arith.andi %ne3A_106, %ne3A_109 : i1
    %sub3A_111 = arith.constant 1 : i32
    %sub3A_112 = arith.subi %div3A_91, %sub3A_111 : i32
    %select_n3A_113 = arith.select %and3A_110, %sub3A_112, %div3A_91 : i32
    %dma_start3A = arith.constant 0 : i32
    %dma_start3A_114 = tpu.memref_slice %arg2[%select_n3A_86, %select_n3A_113, %sub3A_89, %dma_start3A] : memref<25x8x8x128xi32, #tpu.memory_space<hbm>> -> memref<1x1x1x128xi32, #tpu.memory_space<hbm>>
    %dma_start3A_115 = tpu.memref_squeeze %dma_start3A_114 : memref<1x1x1x128xi32, #tpu.memory_space<hbm>> -> memref<128xi32, #tpu.memory_space<hbm>>
    %dma_start3A_116 = arith.constant 0 : i32
    %dma_start3A_117 = tpu.memref_slice %arg2[%select_n3A_86, %select_n3A_113, %sub3A_89, %dma_start3A_116] : memref<25x8x8x128xi32, #tpu.memory_space<hbm>> -> memref<1x1x1x128xi32, #tpu.memory_space<hbm>>
    %dma_start3A_118 = tpu.memref_squeeze %dma_start3A_117 : memref<1x1x1x128xi32, #tpu.memory_space<hbm>> -> memref<128xi32, #tpu.memory_space<hbm>>
    tpu.enqueue_dma source(%dma_start3A_118 : memref<128xi32, #tpu.memory_space<hbm>>) target(%arg22 : memref<128xi32, #tpu.memory_space<vmem>>) target_semaphore(%arg62 : memref<!tpu.dma_semaphore, #tpu.memory_space<semaphore_mem>>)
    %dma_start3A_119 = arith.constant 0 : i32
    %dma_start3A_120 = tpu.memref_slice %arg3[%select_n3A_86, %select_n3A_113, %sub3A_89, %dma_start3A_119] : memref<25x8x8x128xi32, #tpu.memory_space<hbm>> -> memref<1x1x1x128xi32, #tpu.memory_space<hbm>>
    %dma_start3A_121 = tpu.memref_squeeze %dma_start3A_120 : memref<1x1x1x128xi32, #tpu.memory_space<hbm>> -> memref<128xi32, #tpu.memory_space<hbm>>
    %dma_start3A_122 = arith.constant 0 : i32
    %dma_start3A_123 = tpu.memref_slice %arg3[%select_n3A_86, %select_n3A_113, %sub3A_89, %dma_start3A_122] : memref<25x8x8x128xi32, #tpu.memory_space<hbm>> -> memref<1x1x1x128xi32, #tpu.memory_space<hbm>>
    %dma_start3A_124 = tpu.memref_squeeze %dma_start3A_123 : memref<1x1x1x128xi32, #tpu.memory_space<hbm>> -> memref<128xi32, #tpu.memory_space<hbm>>
    tpu.enqueue_dma source(%dma_start3A_124 : memref<128xi32, #tpu.memory_space<hbm>>) target(%arg23 : memref<128xi32, #tpu.memory_space<vmem>>) target_semaphore(%arg62 : memref<!tpu.dma_semaphore, #tpu.memory_space<semaphore_mem>>)
    %dma_start3A_125 = arith.constant 0 : i32
    %dma_start3A_126 = tpu.memref_slice %arg4[%select_n3A_86, %select_n3A_113, %sub3A_89, %dma_start3A_125] : memref<25x8x8x128xi32, #tpu.memory_space<hbm>> -> memref<1x1x1x128xi32, #tpu.memory_space<hbm>>
    %dma_start3A_127 = tpu.memref_squeeze %dma_start3A_126 : memref<1x1x1x128xi32, #tpu.memory_space<hbm>> -> memref<128xi32, #tpu.memory_space<hbm>>
    %dma_start3A_128 = arith.constant 0 : i32
    %dma_start3A_129 = tpu.memref_slice %arg4[%select_n3A_86, %select_n3A_113, %sub3A_89, %dma_start3A_128] : memref<25x8x8x128xi32, #tpu.memory_space<hbm>> -> memref<1x1x1x128xi32, #tpu.memory_space<hbm>>
    %dma_start3A_130 = tpu.memref_squeeze %dma_start3A_129 : memref<1x1x1x128xi32, #tpu.memory_space<hbm>> -> memref<128xi32, #tpu.memory_space<hbm>>
    tpu.enqueue_dma source(%dma_start3A_130 : memref<128xi32, #tpu.memory_space<hbm>>) target(%arg24 : memref<128xi32, #tpu.memory_space<vmem>>) target_semaphore(%arg62 : memref<!tpu.dma_semaphore, #tpu.memory_space<semaphore_mem>>)
    %dma_start3A_131 = arith.constant 0 : i32
    %dma_start3A_132 = tpu.memref_slice %arg5[%select_n3A_86, %select_n3A_113, %sub3A_89, %dma_start3A_131] : memref<25x8x8x128xi32, #tpu.memory_space<hbm>> -> memref<1x1x1x128xi32, #tpu.memory_space<hbm>>
    %dma_start3A_133 = tpu.memref_squeeze %dma_start3A_132 : memref<1x1x1x128xi32, #tpu.memory_space<hbm>> -> memref<128xi32, #tpu.memory_space<hbm>>
    %dma_start3A_134 = arith.constant 0 : i32
    %dma_start3A_135 = tpu.memref_slice %arg5[%select_n3A_86, %select_n3A_113, %sub3A_89, %dma_start3A_134] : memref<25x8x8x128xi32, #tpu.memory_space<hbm>> -> memref<1x1x1x128xi32, #tpu.memory_space<hbm>>
    %dma_start3A_136 = tpu.memref_squeeze %dma_start3A_135 : memref<1x1x1x128xi32, #tpu.memory_space<hbm>> -> memref<128xi32, #tpu.memory_space<hbm>>
    tpu.enqueue_dma source(%dma_start3A_136 : memref<128xi32, #tpu.memory_space<hbm>>) target(%arg25 : memref<128xi32, #tpu.memory_space<vmem>>) target_semaphore(%arg62 : memref<!tpu.dma_semaphore, #tpu.memory_space<semaphore_mem>>)
    %dma_start3A_137 = arith.constant 0 : i32
    %dma_start3A_138 = tpu.memref_slice %arg6[%select_n3A_86, %select_n3A_113, %sub3A_89, %dma_start3A_137] : memref<25x8x8x128xi32, #tpu.memory_space<hbm>> -> memref<1x1x1x128xi32, #tpu.memory_space<hbm>>
    %dma_start3A_139 = tpu.memref_squeeze %dma_start3A_138 : memref<1x1x1x128xi32, #tpu.memory_space<hbm>> -> memref<128xi32, #tpu.memory_space<hbm>>
    %dma_start3A_140 = arith.constant 0 : i32
    %dma_start3A_141 = tpu.memref_slice %arg6[%select_n3A_86, %select_n3A_113, %sub3A_89, %dma_start3A_140] : memref<25x8x8x128xi32, #tpu.memory_space<hbm>> -> memref<1x1x1x128xi32, #tpu.memory_space<hbm>>
    %dma_start3A_142 = tpu.memref_squeeze %dma_start3A_141 : memref<1x1x1x128xi32, #tpu.memory_space<hbm>> -> memref<128xi32, #tpu.memory_space<hbm>>
    tpu.enqueue_dma source(%dma_start3A_142 : memref<128xi32, #tpu.memory_space<hbm>>) target(%arg26 : memref<128xi32, #tpu.memory_space<vmem>>) target_semaphore(%arg62 : memref<!tpu.dma_semaphore, #tpu.memory_space<semaphore_mem>>)
    %dma_start3A_143 = arith.constant 0 : i32
    %dma_start3A_144 = tpu.memref_slice %arg7[%select_n3A_86, %select_n3A_113, %sub3A_89, %dma_start3A_143] : memref<25x8x8x128xi32, #tpu.memory_space<hbm>> -> memref<1x1x1x128xi32, #tpu.memory_space<hbm>>
    %dma_start3A_145 = tpu.memref_squeeze %dma_start3A_144 : memref<1x1x1x128xi32, #tpu.memory_space<hbm>> -> memref<128xi32, #tpu.memory_space<hbm>>
    %dma_start3A_146 = arith.constant 0 : i32
    %dma_start3A_147 = tpu.memref_slice %arg7[%select_n3A_86, %select_n3A_113, %sub3A_89, %dma_start3A_146] : memref<25x8x8x128xi32, #tpu.memory_space<hbm>> -> memref<1x1x1x128xi32, #tpu.memory_space<hbm>>
    %dma_start3A_148 = tpu.memref_squeeze %dma_start3A_147 : memref<1x1x1x128xi32, #tpu.memory_space<hbm>> -> memref<128xi32, #tpu.memory_space<hbm>>
    tpu.enqueue_dma source(%dma_start3A_148 : memref<128xi32, #tpu.memory_space<hbm>>) target(%arg27 : memref<128xi32, #tpu.memory_space<vmem>>) target_semaphore(%arg62 : memref<!tpu.dma_semaphore, #tpu.memory_space<semaphore_mem>>)
    %dma_start3A_149 = arith.constant 0 : i32
    %dma_start3A_150 = tpu.memref_slice %arg8[%select_n3A_86, %select_n3A_113, %sub3A_89, %dma_start3A_149] : memref<25x8x8x128xi32, #tpu.memory_space<hbm>> -> memref<1x1x1x128xi32, #tpu.memory_space<hbm>>
    %dma_start3A_151 = tpu.memref_squeeze %dma_start3A_150 : memref<1x1x1x128xi32, #tpu.memory_space<hbm>> -> memref<128xi32, #tpu.memory_space<hbm>>
    %dma_start3A_152 = arith.constant 0 : i32
    %dma_start3A_153 = tpu.memref_slice %arg8[%select_n3A_86, %select_n3A_113, %sub3A_89, %dma_start3A_152] : memref<25x8x8x128xi32, #tpu.memory_space<hbm>> -> memref<1x1x1x128xi32, #tpu.memory_space<hbm>>
    %dma_start3A_154 = tpu.memref_squeeze %dma_start3A_153 : memref<1x1x1x128xi32, #tpu.memory_space<hbm>> -> memref<128xi32, #tpu.memory_space<hbm>>
    tpu.enqueue_dma source(%dma_start3A_154 : memref<128xi32, #tpu.memory_space<hbm>>) target(%arg28 : memref<128xi32, #tpu.memory_space<vmem>>) target_semaphore(%arg62 : memref<!tpu.dma_semaphore, #tpu.memory_space<semaphore_mem>>)
    %dma_start3A_155 = arith.constant 0 : i32
    %dma_start3A_156 = tpu.memref_slice %arg9[%select_n3A_86, %select_n3A_113, %sub3A_89, %dma_start3A_155] : memref<25x8x8x128xi32, #tpu.memory_space<hbm>> -> memref<1x1x1x128xi32, #tpu.memory_space<hbm>>
    %dma_start3A_157 = tpu.memref_squeeze %dma_start3A_156 : memref<1x1x1x128xi32, #tpu.memory_space<hbm>> -> memref<128xi32, #tpu.memory_space<hbm>>
    %dma_start3A_158 = arith.constant 0 : i32
    %dma_start3A_159 = tpu.memref_slice %arg9[%select_n3A_86, %select_n3A_113, %sub3A_89, %dma_start3A_158] : memref<25x8x8x128xi32, #tpu.memory_space<hbm>> -> memref<1x1x1x128xi32, #tpu.memory_space<hbm>>
    %dma_start3A_160 = tpu.memref_squeeze %dma_start3A_159 : memref<1x1x1x128xi32, #tpu.memory_space<hbm>> -> memref<128xi32, #tpu.memory_space<hbm>>
    tpu.enqueue_dma source(%dma_start3A_160 : memref<128xi32, #tpu.memory_space<hbm>>) target(%arg29 : memref<128xi32, #tpu.memory_space<vmem>>) target_semaphore(%arg62 : memref<!tpu.dma_semaphore, #tpu.memory_space<semaphore_mem>>)
    %dma_start3A_161 = arith.constant 0 : i32
    %dma_start3A_162 = tpu.memref_slice %arg10[%dma_start3A_161, %add3A_43] : memref<5x204800xf32, #tpu.memory_space<hbm>> -> memref<5x128xf32, #tpu.memory_space<hbm>>
    %dma_start3A_163 = arith.constant 0 : i32
    %dma_start3A_164 = tpu.memref_slice %arg10[%dma_start3A_163, %add3A_43] : memref<5x204800xf32, #tpu.memory_space<hbm>> -> memref<5x128xf32, #tpu.memory_space<hbm>>
    tpu.enqueue_dma source(%dma_start3A_164 : memref<5x128xf32, #tpu.memory_space<hbm>>) target(%arg54 : memref<5x128xf32, #tpu.memory_space<vmem>>) target_semaphore(%arg62 : memref<!tpu.dma_semaphore, #tpu.memory_space<semaphore_mem>>)
    %mul3A_165 = arith.constant 6400 : i32
    %mul3A_166 = arith.muli %add3A, %mul3A_165 : i32
    %add3A_167 = arith.constant 128 : i32
    %add3A_168 = arith.addi %mul3A_166, %add3A_167 : i32
    %jit3A_169 = arith.constant 1024 : i32
    %div3A_170 = arith.divsi %add3A_168, %jit3A_169 : i32
    %sign3A_171 = arith.constant 0 : i32
    %sign3A_172 = arith.cmpi sgt, %add3A_168, %sign3A_171 : i32
    %sign3A_173 = arith.extui %sign3A_172 : i1 to i32
    %sign3A_174 = arith.constant 0 : i32
    %sign3A_175 = arith.cmpi slt, %add3A_168, %sign3A_174 : i32
    %sign3A_176 = arith.extui %sign3A_175 : i1 to i32
    %sign3A_177 = arith.subi %sign3A_173, %sign3A_176 : i32
    %sign3A_178 = arith.constant 0 : i32
    %sign3A_179 = arith.cmpi sgt, %jit3A_169, %sign3A_178 : i32
    %sign3A_180 = arith.extui %sign3A_179 : i1 to i32
    %sign3A_181 = arith.constant 0 : i32
    %sign3A_182 = arith.cmpi slt, %jit3A_169, %sign3A_181 : i32
    %sign3A_183 = arith.extui %sign3A_182 : i1 to i32
    %sign3A_184 = arith.subi %sign3A_180, %sign3A_183 : i32
    %ne3A_185 = arith.cmpi ne, %sign3A_177, %sign3A_184 : i32
    %rem3A_186 = arith.remsi %add3A_168, %jit3A_169 : i32
    %ne3A_187 = arith.constant 0 : i32
    %ne3A_188 = arith.cmpi ne, %rem3A_186, %ne3A_187 : i32
    %and3A_189 = arith.andi %ne3A_185, %ne3A_188 : i1
    %sub3A_190 = arith.constant 1 : i32
    %sub3A_191 = arith.subi %div3A_170, %sub3A_190 : i32
    %select_n3A_192 = arith.select %and3A_189, %sub3A_191, %div3A_170 : i32
    %mul3A_193 = arith.constant 1024 : i32
    %mul3A_194 = arith.muli %select_n3A_192, %mul3A_193 : i32
    %sub3A_195 = arith.subi %add3A_168, %mul3A_194 : i32
    %jit3A_196 = arith.constant 8 : i32
    %div3A_197 = arith.divsi %select_n3A_192, %jit3A_196 : i32
    %sign3A_198 = arith.constant 0 : i32
    %sign3A_199 = arith.cmpi sgt, %select_n3A_192, %sign3A_198 : i32
    %sign3A_200 = arith.extui %sign3A_199 : i1 to i32
    %sign3A_201 = arith.constant 0 : i32
    %sign3A_202 = arith.cmpi slt, %select_n3A_192, %sign3A_201 : i32
    %sign3A_203 = arith.extui %sign3A_202 : i1 to i32
    %sign3A_204 = arith.subi %sign3A_200, %sign3A_203 : i32
    %sign3A_205 = arith.constant 0 : i32
    %sign3A_206 = arith.cmpi sgt, %jit3A_196, %sign3A_205 : i32
    %sign3A_207 = arith.extui %sign3A_206 : i1 to i32
    %sign3A_208 = arith.constant 0 : i32
    %sign3A_209 = arith.cmpi slt, %jit3A_196, %sign3A_208 : i32
    %sign3A_210 = arith.extui %sign3A_209 : i1 to i32
    %sign3A_211 = arith.subi %sign3A_207, %sign3A_210 : i32
    %ne3A_212 = arith.cmpi ne, %sign3A_204, %sign3A_211 : i32
    %rem3A_213 = arith.remsi %select_n3A_192, %jit3A_196 : i32
    %ne3A_214 = arith.constant 0 : i32
    %ne3A_215 = arith.cmpi ne, %rem3A_213, %ne3A_214 : i32
    %and3A_216 = arith.andi %ne3A_212, %ne3A_215 : i1
    %sub3A_217 = arith.constant 1 : i32
    %sub3A_218 = arith.subi %div3A_197, %sub3A_217 : i32
    %select_n3A_219 = arith.select %and3A_216, %sub3A_218, %div3A_197 : i32
    %mul3A_220 = arith.constant 8 : i32
    %mul3A_221 = arith.muli %select_n3A_219, %mul3A_220 : i32
    %sub3A_222 = arith.subi %select_n3A_192, %mul3A_221 : i32
    %jit3A_223 = arith.constant 128 : i32
    %div3A_224 = arith.divsi %sub3A_195, %jit3A_223 : i32
    %sign3A_225 = arith.constant 0 : i32
    %sign3A_226 = arith.cmpi sgt, %sub3A_195, %sign3A_225 : i32
    %sign3A_227 = arith.extui %sign3A_226 : i1 to i32
    %sign3A_228 = arith.constant 0 : i32
    %sign3A_229 = arith.cmpi slt, %sub3A_195, %sign3A_228 : i32
    %sign3A_230 = arith.extui %sign3A_229 : i1 to i32
    %sign3A_231 = arith.subi %sign3A_227, %sign3A_230 : i32
    %sign3A_232 = arith.constant 0 : i32
    %sign3A_233 = arith.cmpi sgt, %jit3A_223, %sign3A_232 : i32
    %sign3A_234 = arith.extui %sign3A_233 : i1 to i32
    %sign3A_235 = arith.constant 0 : i32
    %sign3A_236 = arith.cmpi slt, %jit3A_223, %sign3A_235 : i32
    %sign3A_237 = arith.extui %sign3A_236 : i1 to i32
    %sign3A_238 = arith.subi %sign3A_234, %sign3A_237 : i32
    %ne3A_239 = arith.cmpi ne, %sign3A_231, %sign3A_238 : i32
    %rem3A_240 = arith.remsi %sub3A_195, %jit3A_223 : i32
    %ne3A_241 = arith.constant 0 : i32
    %ne3A_242 = arith.cmpi ne, %rem3A_240, %ne3A_241 : i32
    %and3A_243 = arith.andi %ne3A_239, %ne3A_242 : i1
    %sub3A_244 = arith.constant 1 : i32
    %sub3A_245 = arith.subi %div3A_224, %sub3A_244 : i32
    %select_n3A_246 = arith.select %and3A_243, %sub3A_245, %div3A_224 : i32
    %dma_start3A_247 = arith.constant 0 : i32
    %dma_start3A_248 = tpu.memref_slice %arg2[%select_n3A_219, %select_n3A_246, %sub3A_222, %dma_start3A_247] : memref<25x8x8x128xi32, #tpu.memory_space<hbm>> -> memref<1x1x1x128xi32, #tpu.memory_space<hbm>>
    %dma_start3A_249 = tpu.memref_squeeze %dma_start3A_248 : memref<1x1x1x128xi32, #tpu.memory_space<hbm>> -> memref<128xi32, #tpu.memory_space<hbm>>
    %dma_start3A_250 = arith.constant 0 : i32
    %dma_start3A_251 = tpu.memref_slice %arg2[%select_n3A_219, %select_n3A_246, %sub3A_222, %dma_start3A_250] : memref<25x8x8x128xi32, #tpu.memory_space<hbm>> -> memref<1x1x1x128xi32, #tpu.memory_space<hbm>>
    %dma_start3A_252 = tpu.memref_squeeze %dma_start3A_251 : memref<1x1x1x128xi32, #tpu.memory_space<hbm>> -> memref<128xi32, #tpu.memory_space<hbm>>
    tpu.enqueue_dma source(%dma_start3A_252 : memref<128xi32, #tpu.memory_space<hbm>>) target(%arg30 : memref<128xi32, #tpu.memory_space<vmem>>) target_semaphore(%arg63 : memref<!tpu.dma_semaphore, #tpu.memory_space<semaphore_mem>>)
    %dma_start3A_253 = arith.constant 0 : i32
    %dma_start3A_254 = tpu.memref_slice %arg3[%select_n3A_219, %select_n3A_246, %sub3A_222, %dma_start3A_253] : memref<25x8x8x128xi32, #tpu.memory_space<hbm>> -> memref<1x1x1x128xi32, #tpu.memory_space<hbm>>
    %dma_start3A_255 = tpu.memref_squeeze %dma_start3A_254 : memref<1x1x1x128xi32, #tpu.memory_space<hbm>> -> memref<128xi32, #tpu.memory_space<hbm>>
    %dma_start3A_256 = arith.constant 0 : i32
    %dma_start3A_257 = tpu.memref_slice %arg3[%select_n3A_219, %select_n3A_246, %sub3A_222, %dma_start3A_256] : memref<25x8x8x128xi32, #tpu.memory_space<hbm>> -> memref<1x1x1x128xi32, #tpu.memory_space<hbm>>
    %dma_start3A_258 = tpu.memref_squeeze %dma_start3A_257 : memref<1x1x1x128xi32, #tpu.memory_space<hbm>> -> memref<128xi32, #tpu.memory_space<hbm>>
    tpu.enqueue_dma source(%dma_start3A_258 : memref<128xi32, #tpu.memory_space<hbm>>) target(%arg31 : memref<128xi32, #tpu.memory_space<vmem>>) target_semaphore(%arg63 : memref<!tpu.dma_semaphore, #tpu.memory_space<semaphore_mem>>)
    %dma_start3A_259 = arith.constant 0 : i32
    %dma_start3A_260 = tpu.memref_slice %arg4[%select_n3A_219, %select_n3A_246, %sub3A_222, %dma_start3A_259] : memref<25x8x8x128xi32, #tpu.memory_space<hbm>> -> memref<1x1x1x128xi32, #tpu.memory_space<hbm>>
    %dma_start3A_261 = tpu.memref_squeeze %dma_start3A_260 : memref<1x1x1x128xi32, #tpu.memory_space<hbm>> -> memref<128xi32, #tpu.memory_space<hbm>>
    %dma_start3A_262 = arith.constant 0 : i32
    %dma_start3A_263 = tpu.memref_slice %arg4[%select_n3A_219, %select_n3A_246, %sub3A_222, %dma_start3A_262] : memref<25x8x8x128xi32, #tpu.memory_space<hbm>> -> memref<1x1x1x128xi32, #tpu.memory_space<hbm>>
    %dma_start3A_264 = tpu.memref_squeeze %dma_start3A_263 : memref<1x1x1x128xi32, #tpu.memory_space<hbm>> -> memref<128xi32, #tpu.memory_space<hbm>>
    tpu.enqueue_dma source(%dma_start3A_264 : memref<128xi32, #tpu.memory_space<hbm>>) target(%arg32 : memref<128xi32, #tpu.memory_space<vmem>>) target_semaphore(%arg63 : memref<!tpu.dma_semaphore, #tpu.memory_space<semaphore_mem>>)
    %dma_start3A_265 = arith.constant 0 : i32
    %dma_start3A_266 = tpu.memref_slice %arg5[%select_n3A_219, %select_n3A_246, %sub3A_222, %dma_start3A_265] : memref<25x8x8x128xi32, #tpu.memory_space<hbm>> -> memref<1x1x1x128xi32, #tpu.memory_space<hbm>>
    %dma_start3A_267 = tpu.memref_squeeze %dma_start3A_266 : memref<1x1x1x128xi32, #tpu.memory_space<hbm>> -> memref<128xi32, #tpu.memory_space<hbm>>
    %dma_start3A_268 = arith.constant 0 : i32
    %dma_start3A_269 = tpu.memref_slice %arg5[%select_n3A_219, %select_n3A_246, %sub3A_222, %dma_start3A_268] : memref<25x8x8x128xi32, #tpu.memory_space<hbm>> -> memref<1x1x1x128xi32, #tpu.memory_space<hbm>>
    %dma_start3A_270 = tpu.memref_squeeze %dma_start3A_269 : memref<1x1x1x128xi32, #tpu.memory_space<hbm>> -> memref<128xi32, #tpu.memory_space<hbm>>
    tpu.enqueue_dma source(%dma_start3A_270 : memref<128xi32, #tpu.memory_space<hbm>>) target(%arg33 : memref<128xi32, #tpu.memory_space<vmem>>) target_semaphore(%arg63 : memref<!tpu.dma_semaphore, #tpu.memory_space<semaphore_mem>>)
    %dma_start3A_271 = arith.constant 0 : i32
    %dma_start3A_272 = tpu.memref_slice %arg6[%select_n3A_219, %select_n3A_246, %sub3A_222, %dma_start3A_271] : memref<25x8x8x128xi32, #tpu.memory_space<hbm>> -> memref<1x1x1x128xi32, #tpu.memory_space<hbm>>
    %dma_start3A_273 = tpu.memref_squeeze %dma_start3A_272 : memref<1x1x1x128xi32, #tpu.memory_space<hbm>> -> memref<128xi32, #tpu.memory_space<hbm>>
    %dma_start3A_274 = arith.constant 0 : i32
    %dma_start3A_275 = tpu.memref_slice %arg6[%select_n3A_219, %select_n3A_246, %sub3A_222, %dma_start3A_274] : memref<25x8x8x128xi32, #tpu.memory_space<hbm>> -> memref<1x1x1x128xi32, #tpu.memory_space<hbm>>
    %dma_start3A_276 = tpu.memref_squeeze %dma_start3A_275 : memref<1x1x1x128xi32, #tpu.memory_space<hbm>> -> memref<128xi32, #tpu.memory_space<hbm>>
    tpu.enqueue_dma source(%dma_start3A_276 : memref<128xi32, #tpu.memory_space<hbm>>) target(%arg34 : memref<128xi32, #tpu.memory_space<vmem>>) target_semaphore(%arg63 : memref<!tpu.dma_semaphore, #tpu.memory_space<semaphore_mem>>)
    %dma_start3A_277 = arith.constant 0 : i32
    %dma_start3A_278 = tpu.memref_slice %arg7[%select_n3A_219, %select_n3A_246, %sub3A_222, %dma_start3A_277] : memref<25x8x8x128xi32, #tpu.memory_space<hbm>> -> memref<1x1x1x128xi32, #tpu.memory_space<hbm>>
    %dma_start3A_279 = tpu.memref_squeeze %dma_start3A_278 : memref<1x1x1x128xi32, #tpu.memory_space<hbm>> -> memref<128xi32, #tpu.memory_space<hbm>>
    %dma_start3A_280 = arith.constant 0 : i32
    %dma_start3A_281 = tpu.memref_slice %arg7[%select_n3A_219, %select_n3A_246, %sub3A_222, %dma_start3A_280] : memref<25x8x8x128xi32, #tpu.memory_space<hbm>> -> memref<1x1x1x128xi32, #tpu.memory_space<hbm>>
    %dma_start3A_282 = tpu.memref_squeeze %dma_start3A_281 : memref<1x1x1x128xi32, #tpu.memory_space<hbm>> -> memref<128xi32, #tpu.memory_space<hbm>>
    tpu.enqueue_dma source(%dma_start3A_282 : memref<128xi32, #tpu.memory_space<hbm>>) target(%arg35 : memref<128xi32, #tpu.memory_space<vmem>>) target_semaphore(%arg63 : memref<!tpu.dma_semaphore, #tpu.memory_space<semaphore_mem>>)
    %dma_start3A_283 = arith.constant 0 : i32
    %dma_start3A_284 = tpu.memref_slice %arg8[%select_n3A_219, %select_n3A_246, %sub3A_222, %dma_start3A_283] : memref<25x8x8x128xi32, #tpu.memory_space<hbm>> -> memref<1x1x1x128xi32, #tpu.memory_space<hbm>>
    %dma_start3A_285 = tpu.memref_squeeze %dma_start3A_284 : memref<1x1x1x128xi32, #tpu.memory_space<hbm>> -> memref<128xi32, #tpu.memory_space<hbm>>
    %dma_start3A_286 = arith.constant 0 : i32
    %dma_start3A_287 = tpu.memref_slice %arg8[%select_n3A_219, %select_n3A_246, %sub3A_222, %dma_start3A_286] : memref<25x8x8x128xi32, #tpu.memory_space<hbm>> -> memref<1x1x1x128xi32, #tpu.memory_space<hbm>>
    %dma_start3A_288 = tpu.memref_squeeze %dma_start3A_287 : memref<1x1x1x128xi32, #tpu.memory_space<hbm>> -> memref<128xi32, #tpu.memory_space<hbm>>
    tpu.enqueue_dma source(%dma_start3A_288 : memref<128xi32, #tpu.memory_space<hbm>>) target(%arg36 : memref<128xi32, #tpu.memory_space<vmem>>) target_semaphore(%arg63 : memref<!tpu.dma_semaphore, #tpu.memory_space<semaphore_mem>>)
    %dma_start3A_289 = arith.constant 0 : i32
    %dma_start3A_290 = tpu.memref_slice %arg9[%select_n3A_219, %select_n3A_246, %sub3A_222, %dma_start3A_289] : memref<25x8x8x128xi32, #tpu.memory_space<hbm>> -> memref<1x1x1x128xi32, #tpu.memory_space<hbm>>
    %dma_start3A_291 = tpu.memref_squeeze %dma_start3A_290 : memref<1x1x1x128xi32, #tpu.memory_space<hbm>> -> memref<128xi32, #tpu.memory_space<hbm>>
    %dma_start3A_292 = arith.constant 0 : i32
    %dma_start3A_293 = tpu.memref_slice %arg9[%select_n3A_219, %select_n3A_246, %sub3A_222, %dma_start3A_292] : memref<25x8x8x128xi32, #tpu.memory_space<hbm>> -> memref<1x1x1x128xi32, #tpu.memory_space<hbm>>
    %dma_start3A_294 = tpu.memref_squeeze %dma_start3A_293 : memref<1x1x1x128xi32, #tpu.memory_space<hbm>> -> memref<128xi32, #tpu.memory_space<hbm>>
    tpu.enqueue_dma source(%dma_start3A_294 : memref<128xi32, #tpu.memory_space<hbm>>) target(%arg37 : memref<128xi32, #tpu.memory_space<vmem>>) target_semaphore(%arg63 : memref<!tpu.dma_semaphore, #tpu.memory_space<semaphore_mem>>)
    %dma_start3A_295 = arith.constant 0 : i32
    %dma_start3A_296 = tpu.memref_slice %arg10[%dma_start3A_295, %add3A_168] : memref<5x204800xf32, #tpu.memory_space<hbm>> -> memref<5x128xf32, #tpu.memory_space<hbm>>
    %dma_start3A_297 = arith.constant 0 : i32
    %dma_start3A_298 = tpu.memref_slice %arg10[%dma_start3A_297, %add3A_168] : memref<5x204800xf32, #tpu.memory_space<hbm>> -> memref<5x128xf32, #tpu.memory_space<hbm>>
    tpu.enqueue_dma source(%dma_start3A_298 : memref<5x128xf32, #tpu.memory_space<hbm>>) target(%arg55 : memref<5x128xf32, #tpu.memory_space<vmem>>) target_semaphore(%arg63 : memref<!tpu.dma_semaphore, #tpu.memory_space<semaphore_mem>>)
    %scan3A = arith.constant 0 : i32
    %scan3A_299 = arith.constant 0 : i32
    %scan3A_300 = arith.constant 25 : i32
    %scan3A_301 = arith.addi %scan3A_299, %scan3A_300 : i32
    %scan3A_302 = arith.constant 1 : i32
    scf.for %scan3A_473 = %scan3A_299 to %scan3A_301 step %scan3A_302  : i32 {
      %mul3A_474 = arith.constant 2 : i32
      %mul3A_475 = arith.muli %mul3A_474, %scan3A_473 : i32
      %mul3A_476 = arith.constant 6400 : i32
      %mul3A_477 = arith.muli %add3A, %mul3A_476 : i32
      %mul3A_478 = arith.constant 128 : i32
      %mul3A_479 = arith.muli %mul3A_475, %mul3A_478 : i32
      %add3A_480 = arith.addi %mul3A_477, %mul3A_479 : i32
      %jit3A_481 = arith.constant 1024 : i32
      %div3A_482 = arith.divsi %add3A_480, %jit3A_481 : i32
      %sign3A_483 = arith.constant 0 : i32
      %sign3A_484 = arith.cmpi sgt, %add3A_480, %sign3A_483 : i32
      %sign3A_485 = arith.extui %sign3A_484 : i1 to i32
      %sign3A_486 = arith.constant 0 : i32
      %sign3A_487 = arith.cmpi slt, %add3A_480, %sign3A_486 : i32
      %sign3A_488 = arith.extui %sign3A_487 : i1 to i32
      %sign3A_489 = arith.subi %sign3A_485, %sign3A_488 : i32
      %sign3A_490 = arith.constant 0 : i32
      %sign3A_491 = arith.cmpi sgt, %jit3A_481, %sign3A_490 : i32
      %sign3A_492 = arith.extui %sign3A_491 : i1 to i32
      %sign3A_493 = arith.constant 0 : i32
      %sign3A_494 = arith.cmpi slt, %jit3A_481, %sign3A_493 : i32
      %sign3A_495 = arith.extui %sign3A_494 : i1 to i32
      %sign3A_496 = arith.subi %sign3A_492, %sign3A_495 : i32
      %ne3A_497 = arith.cmpi ne, %sign3A_489, %sign3A_496 : i32
      %rem3A_498 = arith.remsi %add3A_480, %jit3A_481 : i32
      %ne3A_499 = arith.constant 0 : i32
      %ne3A_500 = arith.cmpi ne, %rem3A_498, %ne3A_499 : i32
      %and3A_501 = arith.andi %ne3A_497, %ne3A_500 : i1
      %sub3A_502 = arith.constant 1 : i32
      %sub3A_503 = arith.subi %div3A_482, %sub3A_502 : i32
      %select_n3A_504 = arith.select %and3A_501, %sub3A_503, %div3A_482 : i32
      %mul3A_505 = arith.constant 1024 : i32
      %mul3A_506 = arith.muli %select_n3A_504, %mul3A_505 : i32
      %sub3A_507 = arith.subi %add3A_480, %mul3A_506 : i32
      %jit3A_508 = arith.constant 8 : i32
      %div3A_509 = arith.divsi %select_n3A_504, %jit3A_508 : i32
      %sign3A_510 = arith.constant 0 : i32
      %sign3A_511 = arith.cmpi sgt, %select_n3A_504, %sign3A_510 : i32
      %sign3A_512 = arith.extui %sign3A_511 : i1 to i32
      %sign3A_513 = arith.constant 0 : i32
      %sign3A_514 = arith.cmpi slt, %select_n3A_504, %sign3A_513 : i32
      %sign3A_515 = arith.extui %sign3A_514 : i1 to i32
      %sign3A_516 = arith.subi %sign3A_512, %sign3A_515 : i32
      %sign3A_517 = arith.constant 0 : i32
      %sign3A_518 = arith.cmpi sgt, %jit3A_508, %sign3A_517 : i32
      %sign3A_519 = arith.extui %sign3A_518 : i1 to i32
      %sign3A_520 = arith.constant 0 : i32
      %sign3A_521 = arith.cmpi slt, %jit3A_508, %sign3A_520 : i32
      %sign3A_522 = arith.extui %sign3A_521 : i1 to i32
      %sign3A_523 = arith.subi %sign3A_519, %sign3A_522 : i32
      %ne3A_524 = arith.cmpi ne, %sign3A_516, %sign3A_523 : i32
      %rem3A_525 = arith.remsi %select_n3A_504, %jit3A_508 : i32
      %ne3A_526 = arith.constant 0 : i32
      %ne3A_527 = arith.cmpi ne, %rem3A_525, %ne3A_526 : i32
      %and3A_528 = arith.andi %ne3A_524, %ne3A_527 : i1
      %sub3A_529 = arith.constant 1 : i32
      %sub3A_530 = arith.subi %div3A_509, %sub3A_529 : i32
      %select_n3A_531 = arith.select %and3A_528, %sub3A_530, %div3A_509 : i32
      %mul3A_532 = arith.constant 8 : i32
      %mul3A_533 = arith.muli %select_n3A_531, %mul3A_532 : i32
      %sub3A_534 = arith.subi %select_n3A_504, %mul3A_533 : i32
      %jit3A_535 = arith.constant 128 : i32
      %div3A_536 = arith.divsi %sub3A_507, %jit3A_535 : i32
      %sign3A_537 = arith.constant 0 : i32
      %sign3A_538 = arith.cmpi sgt, %sub3A_507, %sign3A_537 : i32
      %sign3A_539 = arith.extui %sign3A_538 : i1 to i32
      %sign3A_540 = arith.constant 0 : i32
      %sign3A_541 = arith.cmpi slt, %sub3A_507, %sign3A_540 : i32
      %sign3A_542 = arith.extui %sign3A_541 : i1 to i32
      %sign3A_543 = arith.subi %sign3A_539, %sign3A_542 : i32
      %sign3A_544 = arith.constant 0 : i32
      %sign3A_545 = arith.cmpi sgt, %jit3A_535, %sign3A_544 : i32
      %sign3A_546 = arith.extui %sign3A_545 : i1 to i32
      %sign3A_547 = arith.constant 0 : i32
      %sign3A_548 = arith.cmpi slt, %jit3A_535, %sign3A_547 : i32
      %sign3A_549 = arith.extui %sign3A_548 : i1 to i32
      %sign3A_550 = arith.subi %sign3A_546, %sign3A_549 : i32
      %ne3A_551 = arith.cmpi ne, %sign3A_543, %sign3A_550 : i32
      %rem3A_552 = arith.remsi %sub3A_507, %jit3A_535 : i32
      %ne3A_553 = arith.constant 0 : i32
      %ne3A_554 = arith.cmpi ne, %rem3A_552, %ne3A_553 : i32
      %and3A_555 = arith.andi %ne3A_551, %ne3A_554 : i1
      %sub3A_556 = arith.constant 1 : i32
      %sub3A_557 = arith.subi %div3A_536, %sub3A_556 : i32
      %select_n3A_558 = arith.select %and3A_555, %sub3A_557, %div3A_536 : i32
      %dma_wait3A_559 = arith.constant 0 : i32
      %dma_wait3A_560 = tpu.memref_slice %arg2[%select_n3A_531, %select_n3A_558, %sub3A_534, %dma_wait3A_559] : memref<25x8x8x128xi32, #tpu.memory_space<hbm>> -> memref<1x1x1x128xi32, #tpu.memory_space<hbm>>
      %dma_wait3A_561 = tpu.memref_squeeze %dma_wait3A_560 : memref<1x1x1x128xi32, #tpu.memory_space<hbm>> -> memref<128xi32, #tpu.memory_space<hbm>>
      %dma_wait3A_562 = arith.constant 0 : i32
      %dma_wait3A_563 = tpu.memref_slice %arg2[%select_n3A_531, %select_n3A_558, %sub3A_534, %dma_wait3A_562] : memref<25x8x8x128xi32, #tpu.memory_space<hbm>> -> memref<1x1x1x128xi32, #tpu.memory_space<hbm>>
      %dma_wait3A_564 = tpu.memref_squeeze %dma_wait3A_563 : memref<1x1x1x128xi32, #tpu.memory_space<hbm>> -> memref<128xi32, #tpu.memory_space<hbm>>
      tpu.wait_dma2 semaphore(%arg62 : memref<!tpu.dma_semaphore, #tpu.memory_space<semaphore_mem>>) src(%dma_wait3A_564 : memref<128xi32, #tpu.memory_space<hbm>>) dst(%arg22 : memref<128xi32, #tpu.memory_space<vmem>>)
      %dma_wait3A_565 = arith.constant 0 : i32
      %dma_wait3A_566 = tpu.memref_slice %arg3[%select_n3A_531, %select_n3A_558, %sub3A_534, %dma_wait3A_565] : memref<25x8x8x128xi32, #tpu.memory_space<hbm>> -> memref<1x1x1x128xi32, #tpu.memory_space<hbm>>
      %dma_wait3A_567 = tpu.memref_squeeze %dma_wait3A_566 : memref<1x1x1x128xi32, #tpu.memory_space<hbm>> -> memref<128xi32, #tpu.memory_space<hbm>>
      %dma_wait3A_568 = arith.constant 0 : i32
      %dma_wait3A_569 = tpu.memref_slice %arg3[%select_n3A_531, %select_n3A_558, %sub3A_534, %dma_wait3A_568] : memref<25x8x8x128xi32, #tpu.memory_space<hbm>> -> memref<1x1x1x128xi32, #tpu.memory_space<hbm>>
      %dma_wait3A_570 = tpu.memref_squeeze %dma_wait3A_569 : memref<1x1x1x128xi32, #tpu.memory_space<hbm>> -> memref<128xi32, #tpu.memory_space<hbm>>
      tpu.wait_dma2 semaphore(%arg62 : memref<!tpu.dma_semaphore, #tpu.memory_space<semaphore_mem>>) src(%dma_wait3A_570 : memref<128xi32, #tpu.memory_space<hbm>>) dst(%arg23 : memref<128xi32, #tpu.memory_space<vmem>>)
      %dma_wait3A_571 = arith.constant 0 : i32
      %dma_wait3A_572 = tpu.memref_slice %arg4[%select_n3A_531, %select_n3A_558, %sub3A_534, %dma_wait3A_571] : memref<25x8x8x128xi32, #tpu.memory_space<hbm>> -> memref<1x1x1x128xi32, #tpu.memory_space<hbm>>
      %dma_wait3A_573 = tpu.memref_squeeze %dma_wait3A_572 : memref<1x1x1x128xi32, #tpu.memory_space<hbm>> -> memref<128xi32, #tpu.memory_space<hbm>>
      %dma_wait3A_574 = arith.constant 0 : i32
      %dma_wait3A_575 = tpu.memref_slice %arg4[%select_n3A_531, %select_n3A_558, %sub3A_534, %dma_wait3A_574] : memref<25x8x8x128xi32, #tpu.memory_space<hbm>> -> memref<1x1x1x128xi32, #tpu.memory_space<hbm>>
      %dma_wait3A_576 = tpu.memref_squeeze %dma_wait3A_575 : memref<1x1x1x128xi32, #tpu.memory_space<hbm>> -> memref<128xi32, #tpu.memory_space<hbm>>
      tpu.wait_dma2 semaphore(%arg62 : memref<!tpu.dma_semaphore, #tpu.memory_space<semaphore_mem>>) src(%dma_wait3A_576 : memref<128xi32, #tpu.memory_space<hbm>>) dst(%arg24 : memref<128xi32, #tpu.memory_space<vmem>>)
      %dma_wait3A_577 = arith.constant 0 : i32
      %dma_wait3A_578 = tpu.memref_slice %arg5[%select_n3A_531, %select_n3A_558, %sub3A_534, %dma_wait3A_577] : memref<25x8x8x128xi32, #tpu.memory_space<hbm>> -> memref<1x1x1x128xi32, #tpu.memory_space<hbm>>
      %dma_wait3A_579 = tpu.memref_squeeze %dma_wait3A_578 : memref<1x1x1x128xi32, #tpu.memory_space<hbm>> -> memref<128xi32, #tpu.memory_space<hbm>>
      %dma_wait3A_580 = arith.constant 0 : i32
      %dma_wait3A_581 = tpu.memref_slice %arg5[%select_n3A_531, %select_n3A_558, %sub3A_534, %dma_wait3A_580] : memref<25x8x8x128xi32, #tpu.memory_space<hbm>> -> memref<1x1x1x128xi32, #tpu.memory_space<hbm>>
      %dma_wait3A_582 = tpu.memref_squeeze %dma_wait3A_581 : memref<1x1x1x128xi32, #tpu.memory_space<hbm>> -> memref<128xi32, #tpu.memory_space<hbm>>
      tpu.wait_dma2 semaphore(%arg62 : memref<!tpu.dma_semaphore, #tpu.memory_space<semaphore_mem>>) src(%dma_wait3A_582 : memref<128xi32, #tpu.memory_space<hbm>>) dst(%arg25 : memref<128xi32, #tpu.memory_space<vmem>>)
      %dma_wait3A_583 = arith.constant 0 : i32
      %dma_wait3A_584 = tpu.memref_slice %arg6[%select_n3A_531, %select_n3A_558, %sub3A_534, %dma_wait3A_583] : memref<25x8x8x128xi32, #tpu.memory_space<hbm>> -> memref<1x1x1x128xi32, #tpu.memory_space<hbm>>
      %dma_wait3A_585 = tpu.memref_squeeze %dma_wait3A_584 : memref<1x1x1x128xi32, #tpu.memory_space<hbm>> -> memref<128xi32, #tpu.memory_space<hbm>>
      %dma_wait3A_586 = arith.constant 0 : i32
      %dma_wait3A_587 = tpu.memref_slice %arg6[%select_n3A_531, %select_n3A_558, %sub3A_534, %dma_wait3A_586] : memref<25x8x8x128xi32, #tpu.memory_space<hbm>> -> memref<1x1x1x128xi32, #tpu.memory_space<hbm>>
      %dma_wait3A_588 = tpu.memref_squeeze %dma_wait3A_587 : memref<1x1x1x128xi32, #tpu.memory_space<hbm>> -> memref<128xi32, #tpu.memory_space<hbm>>
      tpu.wait_dma2 semaphore(%arg62 : memref<!tpu.dma_semaphore, #tpu.memory_space<semaphore_mem>>) src(%dma_wait3A_588 : memref<128xi32, #tpu.memory_space<hbm>>) dst(%arg26 : memref<128xi32, #tpu.memory_space<vmem>>)
      %dma_wait3A_589 = arith.constant 0 : i32
      %dma_wait3A_590 = tpu.memref_slice %arg7[%select_n3A_531, %select_n3A_558, %sub3A_534, %dma_wait3A_589] : memref<25x8x8x128xi32, #tpu.memory_space<hbm>> -> memref<1x1x1x128xi32, #tpu.memory_space<hbm>>
      %dma_wait3A_591 = tpu.memref_squeeze %dma_wait3A_590 : memref<1x1x1x128xi32, #tpu.memory_space<hbm>> -> memref<128xi32, #tpu.memory_space<hbm>>
      %dma_wait3A_592 = arith.constant 0 : i32
      %dma_wait3A_593 = tpu.memref_slice %arg7[%select_n3A_531, %select_n3A_558, %sub3A_534, %dma_wait3A_592] : memref<25x8x8x128xi32, #tpu.memory_space<hbm>> -> memref<1x1x1x128xi32, #tpu.memory_space<hbm>>
      %dma_wait3A_594 = tpu.memref_squeeze %dma_wait3A_593 : memref<1x1x1x128xi32, #tpu.memory_space<hbm>> -> memref<128xi32, #tpu.memory_space<hbm>>
      tpu.wait_dma2 semaphore(%arg62 : memref<!tpu.dma_semaphore, #tpu.memory_space<semaphore_mem>>) src(%dma_wait3A_594 : memref<128xi32, #tpu.memory_space<hbm>>) dst(%arg27 : memref<128xi32, #tpu.memory_space<vmem>>)
      %dma_wait3A_595 = arith.constant 0 : i32
      %dma_wait3A_596 = tpu.memref_slice %arg8[%select_n3A_531, %select_n3A_558, %sub3A_534, %dma_wait3A_595] : memref<25x8x8x128xi32, #tpu.memory_space<hbm>> -> memref<1x1x1x128xi32, #tpu.memory_space<hbm>>
      %dma_wait3A_597 = tpu.memref_squeeze %dma_wait3A_596 : memref<1x1x1x128xi32, #tpu.memory_space<hbm>> -> memref<128xi32, #tpu.memory_space<hbm>>
      %dma_wait3A_598 = arith.constant 0 : i32
      %dma_wait3A_599 = tpu.memref_slice %arg8[%select_n3A_531, %select_n3A_558, %sub3A_534, %dma_wait3A_598] : memref<25x8x8x128xi32, #tpu.memory_space<hbm>> -> memref<1x1x1x128xi32, #tpu.memory_space<hbm>>
      %dma_wait3A_600 = tpu.memref_squeeze %dma_wait3A_599 : memref<1x1x1x128xi32, #tpu.memory_space<hbm>> -> memref<128xi32, #tpu.memory_space<hbm>>
      tpu.wait_dma2 semaphore(%arg62 : memref<!tpu.dma_semaphore, #tpu.memory_space<semaphore_mem>>) src(%dma_wait3A_600 : memref<128xi32, #tpu.memory_space<hbm>>) dst(%arg28 : memref<128xi32, #tpu.memory_space<vmem>>)
      %dma_wait3A_601 = arith.constant 0 : i32
      %dma_wait3A_602 = tpu.memref_slice %arg9[%select_n3A_531, %select_n3A_558, %sub3A_534, %dma_wait3A_601] : memref<25x8x8x128xi32, #tpu.memory_space<hbm>> -> memref<1x1x1x128xi32, #tpu.memory_space<hbm>>
      %dma_wait3A_603 = tpu.memref_squeeze %dma_wait3A_602 : memref<1x1x1x128xi32, #tpu.memory_space<hbm>> -> memref<128xi32, #tpu.memory_space<hbm>>
      %dma_wait3A_604 = arith.constant 0 : i32
      %dma_wait3A_605 = tpu.memref_slice %arg9[%select_n3A_531, %select_n3A_558, %sub3A_534, %dma_wait3A_604] : memref<25x8x8x128xi32, #tpu.memory_space<hbm>> -> memref<1x1x1x128xi32, #tpu.memory_space<hbm>>
      %dma_wait3A_606 = tpu.memref_squeeze %dma_wait3A_605 : memref<1x1x1x128xi32, #tpu.memory_space<hbm>> -> memref<128xi32, #tpu.memory_space<hbm>>
      tpu.wait_dma2 semaphore(%arg62 : memref<!tpu.dma_semaphore, #tpu.memory_space<semaphore_mem>>) src(%dma_wait3A_606 : memref<128xi32, #tpu.memory_space<hbm>>) dst(%arg29 : memref<128xi32, #tpu.memory_space<vmem>>)
      %dma_wait3A_607 = arith.constant 0 : i32
      %dma_wait3A_608 = tpu.memref_slice %arg10[%dma_wait3A_607, %add3A_480] : memref<5x204800xf32, #tpu.memory_space<hbm>> -> memref<5x128xf32, #tpu.memory_space<hbm>>
      %dma_wait3A_609 = arith.constant 0 : i32
      %dma_wait3A_610 = tpu.memref_slice %arg10[%dma_wait3A_609, %add3A_480] : memref<5x204800xf32, #tpu.memory_space<hbm>> -> memref<5x128xf32, #tpu.memory_space<hbm>>
      tpu.wait_dma2 semaphore(%arg62 : memref<!tpu.dma_semaphore, #tpu.memory_space<semaphore_mem>>) src(%dma_wait3A_610 : memref<5x128xf32, #tpu.memory_space<hbm>>) dst(%arg54 : memref<5x128xf32, #tpu.memory_space<vmem>>)
      %ge3A = arith.constant 2 : i32
      %ge3A_611 = arith.cmpi sge, %mul3A_475, %ge3A : i32
      %convert_element_type3A = arith.extui %ge3A_611 : i1 to i32
      %cond3A = arith.constant 0 : i32
      %cond3A_612 = arith.cmpi ne, %convert_element_type3A, %cond3A : i32
      scf.if %cond3A_612 {
        %mul3A_1625 = arith.constant 6400 : i32
        %mul3A_1626 = arith.muli %add3A, %mul3A_1625 : i32
        %mul3A_1627 = arith.constant 128 : i32
        %mul3A_1628 = arith.muli %mul3A_475, %mul3A_1627 : i32
        %add3A_1629 = arith.addi %mul3A_1626, %mul3A_1628 : i32
        %jit3A_1630 = arith.constant 1024 : i32
        %div3A_1631 = arith.divsi %add3A_1629, %jit3A_1630 : i32
        %sign3A_1632 = arith.constant 0 : i32
        %sign3A_1633 = arith.cmpi sgt, %add3A_1629, %sign3A_1632 : i32
        %sign3A_1634 = arith.extui %sign3A_1633 : i1 to i32
        %sign3A_1635 = arith.constant 0 : i32
        %sign3A_1636 = arith.cmpi slt, %add3A_1629, %sign3A_1635 : i32
        %sign3A_1637 = arith.extui %sign3A_1636 : i1 to i32
        %sign3A_1638 = arith.subi %sign3A_1634, %sign3A_1637 : i32
        %sign3A_1639 = arith.constant 0 : i32
        %sign3A_1640 = arith.cmpi sgt, %jit3A_1630, %sign3A_1639 : i32
        %sign3A_1641 = arith.extui %sign3A_1640 : i1 to i32
        %sign3A_1642 = arith.constant 0 : i32
        %sign3A_1643 = arith.cmpi slt, %jit3A_1630, %sign3A_1642 : i32
        %sign3A_1644 = arith.extui %sign3A_1643 : i1 to i32
        %sign3A_1645 = arith.subi %sign3A_1641, %sign3A_1644 : i32
        %ne3A_1646 = arith.cmpi ne, %sign3A_1638, %sign3A_1645 : i32
        %rem3A_1647 = arith.remsi %add3A_1629, %jit3A_1630 : i32
        %ne3A_1648 = arith.constant 0 : i32
        %ne3A_1649 = arith.cmpi ne, %rem3A_1647, %ne3A_1648 : i32
        %and3A_1650 = arith.andi %ne3A_1646, %ne3A_1649 : i1
        %sub3A_1651 = arith.constant 1 : i32
        %sub3A_1652 = arith.subi %div3A_1631, %sub3A_1651 : i32
        %select_n3A_1653 = arith.select %and3A_1650, %sub3A_1652, %div3A_1631 : i32
        %mul3A_1654 = arith.constant 1024 : i32
        %mul3A_1655 = arith.muli %select_n3A_1653, %mul3A_1654 : i32
        %sub3A_1656 = arith.subi %add3A_1629, %mul3A_1655 : i32
        %dma_wait3A_1657 = arith.constant 0 : i32
        %dma_wait3A_1658 = tpu.memref_slice %arg21[%select_n3A_1653, %sub3A_1656, %dma_wait3A_1657] : memref<200x1024x416xf32, #tpu.memory_space<hbm>> -> memref<1x128x32xf32, #tpu.memory_space<hbm>>
        %dma_wait3A_1659 = tpu.memref_squeeze %dma_wait3A_1658 : memref<1x128x32xf32, #tpu.memory_space<hbm>> -> memref<128x32xf32, #tpu.memory_space<hbm>>
        %dma_wait3A_1660 = arith.constant 0 : i32
        %dma_wait3A_1661 = tpu.memref_slice %arg21[%select_n3A_1653, %sub3A_1656, %dma_wait3A_1660] : memref<200x1024x416xf32, #tpu.memory_space<hbm>> -> memref<1x128x32xf32, #tpu.memory_space<hbm>>
        %dma_wait3A_1662 = tpu.memref_squeeze %dma_wait3A_1661 : memref<1x128x32xf32, #tpu.memory_space<hbm>> -> memref<128x32xf32, #tpu.memory_space<hbm>>
        tpu.wait_dma2 semaphore(%arg66 : memref<!tpu.dma_semaphore, #tpu.memory_space<semaphore_mem>>) src(%arg38 : memref<128x32xf32, #tpu.memory_space<vmem>>) dst(%dma_wait3A_1662 : memref<128x32xf32, #tpu.memory_space<hbm>>)
        %dma_wait3A_1663 = arith.constant 32 : i32
        %dma_wait3A_1664 = tpu.memref_slice %arg21[%select_n3A_1653, %sub3A_1656, %dma_wait3A_1663] : memref<200x1024x416xf32, #tpu.memory_space<hbm>> -> memref<1x128x32xf32, #tpu.memory_space<hbm>>
        %dma_wait3A_1665 = tpu.memref_squeeze %dma_wait3A_1664 : memref<1x128x32xf32, #tpu.memory_space<hbm>> -> memref<128x32xf32, #tpu.memory_space<hbm>>
        %dma_wait3A_1666 = arith.constant 32 : i32
        %dma_wait3A_1667 = tpu.memref_slice %arg21[%select_n3A_1653, %sub3A_1656, %dma_wait3A_1666] : memref<200x1024x416xf32, #tpu.memory_space<hbm>> -> memref<1x128x32xf32, #tpu.memory_space<hbm>>
        %dma_wait3A_1668 = tpu.memref_squeeze %dma_wait3A_1667 : memref<1x128x32xf32, #tpu.memory_space<hbm>> -> memref<128x32xf32, #tpu.memory_space<hbm>>
        tpu.wait_dma2 semaphore(%arg66 : memref<!tpu.dma_semaphore, #tpu.memory_space<semaphore_mem>>) src(%arg39 : memref<128x32xf32, #tpu.memory_space<vmem>>) dst(%dma_wait3A_1668 : memref<128x32xf32, #tpu.memory_space<hbm>>)
        %dma_wait3A_1669 = arith.constant 64 : i32
        %dma_wait3A_1670 = tpu.memref_slice %arg21[%select_n3A_1653, %sub3A_1656, %dma_wait3A_1669] : memref<200x1024x416xf32, #tpu.memory_space<hbm>> -> memref<1x128x32xf32, #tpu.memory_space<hbm>>
        %dma_wait3A_1671 = tpu.memref_squeeze %dma_wait3A_1670 : memref<1x128x32xf32, #tpu.memory_space<hbm>> -> memref<128x32xf32, #tpu.memory_space<hbm>>
        %dma_wait3A_1672 = arith.constant 64 : i32
        %dma_wait3A_1673 = tpu.memref_slice %arg21[%select_n3A_1653, %sub3A_1656, %dma_wait3A_1672] : memref<200x1024x416xf32, #tpu.memory_space<hbm>> -> memref<1x128x32xf32, #tpu.memory_space<hbm>>
        %dma_wait3A_1674 = tpu.memref_squeeze %dma_wait3A_1673 : memref<1x128x32xf32, #tpu.memory_space<hbm>> -> memref<128x32xf32, #tpu.memory_space<hbm>>
        tpu.wait_dma2 semaphore(%arg66 : memref<!tpu.dma_semaphore, #tpu.memory_space<semaphore_mem>>) src(%arg40 : memref<128x32xf32, #tpu.memory_space<vmem>>) dst(%dma_wait3A_1674 : memref<128x32xf32, #tpu.memory_space<hbm>>)
        %dma_wait3A_1675 = arith.constant 96 : i32
        %dma_wait3A_1676 = tpu.memref_slice %arg21[%select_n3A_1653, %sub3A_1656, %dma_wait3A_1675] : memref<200x1024x416xf32, #tpu.memory_space<hbm>> -> memref<1x128x32xf32, #tpu.memory_space<hbm>>
        %dma_wait3A_1677 = tpu.memref_squeeze %dma_wait3A_1676 : memref<1x128x32xf32, #tpu.memory_space<hbm>> -> memref<128x32xf32, #tpu.memory_space<hbm>>
        %dma_wait3A_1678 = arith.constant 96 : i32
        %dma_wait3A_1679 = tpu.memref_slice %arg21[%select_n3A_1653, %sub3A_1656, %dma_wait3A_1678] : memref<200x1024x416xf32, #tpu.memory_space<hbm>> -> memref<1x128x32xf32, #tpu.memory_space<hbm>>
        %dma_wait3A_1680 = tpu.memref_squeeze %dma_wait3A_1679 : memref<1x128x32xf32, #tpu.memory_space<hbm>> -> memref<128x32xf32, #tpu.memory_space<hbm>>
        tpu.wait_dma2 semaphore(%arg66 : memref<!tpu.dma_semaphore, #tpu.memory_space<semaphore_mem>>) src(%arg41 : memref<128x32xf32, #tpu.memory_space<vmem>>) dst(%dma_wait3A_1680 : memref<128x32xf32, #tpu.memory_space<hbm>>)
        %dma_wait3A_1681 = arith.constant 128 : i32
        %dma_wait3A_1682 = tpu.memref_slice %arg21[%select_n3A_1653, %sub3A_1656, %dma_wait3A_1681] : memref<200x1024x416xf32, #tpu.memory_space<hbm>> -> memref<1x128x32xf32, #tpu.memory_space<hbm>>
        %dma_wait3A_1683 = tpu.memref_squeeze %dma_wait3A_1682 : memref<1x128x32xf32, #tpu.memory_space<hbm>> -> memref<128x32xf32, #tpu.memory_space<hbm>>
        %dma_wait3A_1684 = arith.constant 128 : i32
        %dma_wait3A_1685 = tpu.memref_slice %arg21[%select_n3A_1653, %sub3A_1656, %dma_wait3A_1684] : memref<200x1024x416xf32, #tpu.memory_space<hbm>> -> memref<1x128x32xf32, #tpu.memory_space<hbm>>
        %dma_wait3A_1686 = tpu.memref_squeeze %dma_wait3A_1685 : memref<1x128x32xf32, #tpu.memory_space<hbm>> -> memref<128x32xf32, #tpu.memory_space<hbm>>
        tpu.wait_dma2 semaphore(%arg66 : memref<!tpu.dma_semaphore, #tpu.memory_space<semaphore_mem>>) src(%arg42 : memref<128x32xf32, #tpu.memory_space<vmem>>) dst(%dma_wait3A_1686 : memref<128x32xf32, #tpu.memory_space<hbm>>)
        %dma_wait3A_1687 = arith.constant 160 : i32
        %dma_wait3A_1688 = tpu.memref_slice %arg21[%select_n3A_1653, %sub3A_1656, %dma_wait3A_1687] : memref<200x1024x416xf32, #tpu.memory_space<hbm>> -> memref<1x128x32xf32, #tpu.memory_space<hbm>>
        %dma_wait3A_1689 = tpu.memref_squeeze %dma_wait3A_1688 : memref<1x128x32xf32, #tpu.memory_space<hbm>> -> memref<128x32xf32, #tpu.memory_space<hbm>>
        %dma_wait3A_1690 = arith.constant 160 : i32
        %dma_wait3A_1691 = tpu.memref_slice %arg21[%select_n3A_1653, %sub3A_1656, %dma_wait3A_1690] : memref<200x1024x416xf32, #tpu.memory_space<hbm>> -> memref<1x128x32xf32, #tpu.memory_space<hbm>>
        %dma_wait3A_1692 = tpu.memref_squeeze %dma_wait3A_1691 : memref<1x128x32xf32, #tpu.memory_space<hbm>> -> memref<128x32xf32, #tpu.memory_space<hbm>>
        tpu.wait_dma2 semaphore(%arg66 : memref<!tpu.dma_semaphore, #tpu.memory_space<semaphore_mem>>) src(%arg43 : memref<128x32xf32, #tpu.memory_space<vmem>>) dst(%dma_wait3A_1692 : memref<128x32xf32, #tpu.memory_space<hbm>>)
        %dma_wait3A_1693 = arith.constant 192 : i32
        %dma_wait3A_1694 = tpu.memref_slice %arg21[%select_n3A_1653, %sub3A_1656, %dma_wait3A_1693] : memref<200x1024x416xf32, #tpu.memory_space<hbm>> -> memref<1x128x32xf32, #tpu.memory_space<hbm>>
        %dma_wait3A_1695 = tpu.memref_squeeze %dma_wait3A_1694 : memref<1x128x32xf32, #tpu.memory_space<hbm>> -> memref<128x32xf32, #tpu.memory_space<hbm>>
        %dma_wait3A_1696 = arith.constant 192 : i32
        %dma_wait3A_1697 = tpu.memref_slice %arg21[%select_n3A_1653, %sub3A_1656, %dma_wait3A_1696] : memref<200x1024x416xf32, #tpu.memory_space<hbm>> -> memref<1x128x32xf32, #tpu.memory_space<hbm>>
        %dma_wait3A_1698 = tpu.memref_squeeze %dma_wait3A_1697 : memref<1x128x32xf32, #tpu.memory_space<hbm>> -> memref<128x32xf32, #tpu.memory_space<hbm>>
        tpu.wait_dma2 semaphore(%arg66 : memref<!tpu.dma_semaphore, #tpu.memory_space<semaphore_mem>>) src(%arg44 : memref<128x32xf32, #tpu.memory_space<vmem>>) dst(%dma_wait3A_1698 : memref<128x32xf32, #tpu.memory_space<hbm>>)
        %dma_wait3A_1699 = arith.constant 224 : i32
        %dma_wait3A_1700 = tpu.memref_slice %arg21[%select_n3A_1653, %sub3A_1656, %dma_wait3A_1699] : memref<200x1024x416xf32, #tpu.memory_space<hbm>> -> memref<1x128x32xf32, #tpu.memory_space<hbm>>
        %dma_wait3A_1701 = tpu.memref_squeeze %dma_wait3A_1700 : memref<1x128x32xf32, #tpu.memory_space<hbm>> -> memref<128x32xf32, #tpu.memory_space<hbm>>
        %dma_wait3A_1702 = arith.constant 224 : i32
        %dma_wait3A_1703 = tpu.memref_slice %arg21[%select_n3A_1653, %sub3A_1656, %dma_wait3A_1702] : memref<200x1024x416xf32, #tpu.memory_space<hbm>> -> memref<1x128x32xf32, #tpu.memory_space<hbm>>
        %dma_wait3A_1704 = tpu.memref_squeeze %dma_wait3A_1703 : memref<1x128x32xf32, #tpu.memory_space<hbm>> -> memref<128x32xf32, #tpu.memory_space<hbm>>
        tpu.wait_dma2 semaphore(%arg66 : memref<!tpu.dma_semaphore, #tpu.memory_space<semaphore_mem>>) src(%arg45 : memref<128x32xf32, #tpu.memory_space<vmem>>) dst(%dma_wait3A_1704 : memref<128x32xf32, #tpu.memory_space<hbm>>)
        %dma_wait3A_1705 = arith.constant 256 : i32
        %dma_wait3A_1706 = tpu.memref_slice %arg21[%select_n3A_1653, %sub3A_1656, %dma_wait3A_1705] : memref<200x1024x416xf32, #tpu.memory_space<hbm>> -> memref<1x128x160xf32, #tpu.memory_space<hbm>>
        %dma_wait3A_1707 = tpu.memref_squeeze %dma_wait3A_1706 : memref<1x128x160xf32, #tpu.memory_space<hbm>> -> memref<128x160xf32, #tpu.memory_space<hbm>>
        %dma_wait3A_1708 = arith.constant 256 : i32
        %dma_wait3A_1709 = tpu.memref_slice %arg21[%select_n3A_1653, %sub3A_1656, %dma_wait3A_1708] : memref<200x1024x416xf32, #tpu.memory_space<hbm>> -> memref<1x128x160xf32, #tpu.memory_space<hbm>>
        %dma_wait3A_1710 = tpu.memref_squeeze %dma_wait3A_1709 : memref<1x128x160xf32, #tpu.memory_space<hbm>> -> memref<128x160xf32, #tpu.memory_space<hbm>>
        tpu.wait_dma2 semaphore(%arg66 : memref<!tpu.dma_semaphore, #tpu.memory_space<semaphore_mem>>) src(%arg58 : memref<128x160xf32, #tpu.memory_space<vmem>>) dst(%dma_wait3A_1710 : memref<128x160xf32, #tpu.memory_space<hbm>>)
      } else {
      }
      %dma_start3A_613 = arith.constant 0 : i32
      %dma_start3A_614 = arith.constant 0 : i32
      %dma_start3A_615 = tpu.memref_slice %arg13[%dma_start3A_613, %dma_start3A_614] : memref<100000x32xf32, #tpu.memory_space<hbm>> -> memref<100000x32xf32, #tpu.memory_space<hbm>>
      tpu.enqueue_indirect_dma source(%dma_start3A_615 : memref<100000x32xf32, #tpu.memory_space<hbm>>) target(%arg38 : memref<128x32xf32, #tpu.memory_space<vmem>>) offsets(%arg22 : memref<128xi32, #tpu.memory_space<vmem>>) semaphore(%arg64 : memref<!tpu.dma_semaphore, #tpu.memory_space<semaphore_mem>>)
      %dma_start3A_616 = arith.constant 0 : i32
      %dma_start3A_617 = arith.constant 0 : i32
      %dma_start3A_618 = tpu.memref_slice %arg14[%dma_start3A_616, %dma_start3A_617] : memref<100000x32xf32, #tpu.memory_space<hbm>> -> memref<100000x32xf32, #tpu.memory_space<hbm>>
      tpu.enqueue_indirect_dma source(%dma_start3A_618 : memref<100000x32xf32, #tpu.memory_space<hbm>>) target(%arg39 : memref<128x32xf32, #tpu.memory_space<vmem>>) offsets(%arg23 : memref<128xi32, #tpu.memory_space<vmem>>) semaphore(%arg64 : memref<!tpu.dma_semaphore, #tpu.memory_space<semaphore_mem>>)
      %dma_start3A_619 = arith.constant 0 : i32
      %dma_start3A_620 = arith.constant 0 : i32
      %dma_start3A_621 = tpu.memref_slice %arg15[%dma_start3A_619, %dma_start3A_620] : memref<100000x32xf32, #tpu.memory_space<hbm>> -> memref<100000x32xf32, #tpu.memory_space<hbm>>
      tpu.enqueue_indirect_dma source(%dma_start3A_621 : memref<100000x32xf32, #tpu.memory_space<hbm>>) target(%arg40 : memref<128x32xf32, #tpu.memory_space<vmem>>) offsets(%arg24 : memref<128xi32, #tpu.memory_space<vmem>>) semaphore(%arg64 : memref<!tpu.dma_semaphore, #tpu.memory_space<semaphore_mem>>)
      %dma_start3A_622 = arith.constant 0 : i32
      %dma_start3A_623 = arith.constant 0 : i32
      %dma_start3A_624 = tpu.memref_slice %arg16[%dma_start3A_622, %dma_start3A_623] : memref<100000x32xf32, #tpu.memory_space<hbm>> -> memref<100000x32xf32, #tpu.memory_space<hbm>>
      tpu.enqueue_indirect_dma source(%dma_start3A_624 : memref<100000x32xf32, #tpu.memory_space<hbm>>) target(%arg41 : memref<128x32xf32, #tpu.memory_space<vmem>>) offsets(%arg25 : memref<128xi32, #tpu.memory_space<vmem>>) semaphore(%arg64 : memref<!tpu.dma_semaphore, #tpu.memory_space<semaphore_mem>>)
      %dma_start3A_625 = arith.constant 0 : i32
      %dma_start3A_626 = arith.constant 0 : i32
      %dma_start3A_627 = tpu.memref_slice %arg17[%dma_start3A_625, %dma_start3A_626] : memref<100000x32xf32, #tpu.memory_space<hbm>> -> memref<100000x32xf32, #tpu.memory_space<hbm>>
      tpu.enqueue_indirect_dma source(%dma_start3A_627 : memref<100000x32xf32, #tpu.memory_space<hbm>>) target(%arg42 : memref<128x32xf32, #tpu.memory_space<vmem>>) offsets(%arg26 : memref<128xi32, #tpu.memory_space<vmem>>) semaphore(%arg64 : memref<!tpu.dma_semaphore, #tpu.memory_space<semaphore_mem>>)
      %dma_start3A_628 = arith.constant 0 : i32
      %dma_start3A_629 = arith.constant 0 : i32
      %dma_start3A_630 = tpu.memref_slice %arg18[%dma_start3A_628, %dma_start3A_629] : memref<100000x32xf32, #tpu.memory_space<hbm>> -> memref<100000x32xf32, #tpu.memory_space<hbm>>
      tpu.enqueue_indirect_dma source(%dma_start3A_630 : memref<100000x32xf32, #tpu.memory_space<hbm>>) target(%arg43 : memref<128x32xf32, #tpu.memory_space<vmem>>) offsets(%arg27 : memref<128xi32, #tpu.memory_space<vmem>>) semaphore(%arg64 : memref<!tpu.dma_semaphore, #tpu.memory_space<semaphore_mem>>)
      %dma_start3A_631 = arith.constant 0 : i32
      %dma_start3A_632 = arith.constant 0 : i32
      %dma_start3A_633 = tpu.memref_slice %arg19[%dma_start3A_631, %dma_start3A_632] : memref<100000x32xf32, #tpu.memory_space<hbm>> -> memref<100000x32xf32, #tpu.memory_space<hbm>>
      tpu.enqueue_indirect_dma source(%dma_start3A_633 : memref<100000x32xf32, #tpu.memory_space<hbm>>) target(%arg44 : memref<128x32xf32, #tpu.memory_space<vmem>>) offsets(%arg28 : memref<128xi32, #tpu.memory_space<vmem>>) semaphore(%arg64 : memref<!tpu.dma_semaphore, #tpu.memory_space<semaphore_mem>>)
      %dma_start3A_634 = arith.constant 0 : i32
      %dma_start3A_635 = arith.constant 0 : i32
      %dma_start3A_636 = tpu.memref_slice %arg20[%dma_start3A_634, %dma_start3A_635] : memref<100000x32xf32, #tpu.memory_space<hbm>> -> memref<100000x32xf32, #tpu.memory_space<hbm>>
      tpu.enqueue_indirect_dma source(%dma_start3A_636 : memref<100000x32xf32, #tpu.memory_space<hbm>>) target(%arg45 : memref<128x32xf32, #tpu.memory_space<vmem>>) offsets(%arg29 : memref<128xi32, #tpu.memory_space<vmem>>) semaphore(%arg64 : memref<!tpu.dma_semaphore, #tpu.memory_space<semaphore_mem>>)
      %broadcast_in_dim3A = arith.constant 0 : i32
      %broadcast_in_dim3A_637 = vector.broadcast %broadcast_in_dim3A : i32 to vector<16xi32>
      %get3A_638 = arith.constant 0 : i32
      %get3A_639 = arith.index_cast %get3A_638 : i32 to index
      %get3A_640 = arith.constant 0 : index
      %get3A_641 = tpu.vector_load %arg54[%get3A_639, %get3A_640] {strides = array<i32>} : memref<5x128xf32, #tpu.memory_space<vmem>>, vector<16xf32>,
      %add3A_642 = arith.constant 0 : i32
      %add3A_643 = vector.broadcast %add3A_642 : i32 to vector<16xi32>
      %add3A_644 = arith.addi %add3A_643, %iota3A : vector<16xi32>
      tpu.vector_store_idx %arg56[%add3A_644, %broadcast_in_dim3A_637], %get3A_641 : memref<128x16xf32, #tpu.memory_space<vmem>>[vector<16xi32>, vector<16xi32>], vector<16xf32>,
      %get3A_645 = arith.constant 0 : i32
      %get3A_646 = arith.index_cast %get3A_645 : i32 to index
      %get3A_647 = arith.constant 16 : index
      %get3A_648 = tpu.vector_load %arg54[%get3A_646, %get3A_647] {strides = array<i32>} : memref<5x128xf32, #tpu.memory_space<vmem>>, vector<16xf32>,
      %add3A_649 = arith.constant 16 : i32
      %add3A_650 = vector.broadcast %add3A_649 : i32 to vector<16xi32>
      %add3A_651 = arith.addi %add3A_650, %iota3A : vector<16xi32>
      tpu.vector_store_idx %arg56[%add3A_651, %broadcast_in_dim3A_637], %get3A_648 : memref<128x16xf32, #tpu.memory_space<vmem>>[vector<16xi32>, vector<16xi32>], vector<16xf32>,
      %get3A_652 = arith.constant 0 : i32
      %get3A_653 = arith.index_cast %get3A_652 : i32 to index
      %get3A_654 = arith.constant 32 : index
      %get3A_655 = tpu.vector_load %arg54[%get3A_653, %get3A_654] {strides = array<i32>} : memref<5x128xf32, #tpu.memory_space<vmem>>, vector<16xf32>,
      %add3A_656 = arith.constant 32 : i32
      %add3A_657 = vector.broadcast %add3A_656 : i32 to vector<16xi32>
      %add3A_658 = arith.addi %add3A_657, %iota3A : vector<16xi32>
      tpu.vector_store_idx %arg56[%add3A_658, %broadcast_in_dim3A_637], %get3A_655 : memref<128x16xf32, #tpu.memory_space<vmem>>[vector<16xi32>, vector<16xi32>], vector<16xf32>,
      %get3A_659 = arith.constant 0 : i32
      %get3A_660 = arith.index_cast %get3A_659 : i32 to index
      %get3A_661 = arith.constant 48 : index
      %get3A_662 = tpu.vector_load %arg54[%get3A_660, %get3A_661] {strides = array<i32>} : memref<5x128xf32, #tpu.memory_space<vmem>>, vector<16xf32>,
      %add3A_663 = arith.constant 48 : i32
      %add3A_664 = vector.broadcast %add3A_663 : i32 to vector<16xi32>
      %add3A_665 = arith.addi %add3A_664, %iota3A : vector<16xi32>
      tpu.vector_store_idx %arg56[%add3A_665, %broadcast_in_dim3A_637], %get3A_662 : memref<128x16xf32, #tpu.memory_space<vmem>>[vector<16xi32>, vector<16xi32>], vector<16xf32>,
      %get3A_666 = arith.constant 0 : i32
      %get3A_667 = arith.index_cast %get3A_666 : i32 to index
      %get3A_668 = arith.constant 64 : index
      %get3A_669 = tpu.vector_load %arg54[%get3A_667, %get3A_668] {strides = array<i32>} : memref<5x128xf32, #tpu.memory_space<vmem>>, vector<16xf32>,
      %add3A_670 = arith.constant 64 : i32
      %add3A_671 = vector.broadcast %add3A_670 : i32 to vector<16xi32>
      %add3A_672 = arith.addi %add3A_671, %iota3A : vector<16xi32>
      tpu.vector_store_idx %arg56[%add3A_672, %broadcast_in_dim3A_637], %get3A_669 : memref<128x16xf32, #tpu.memory_space<vmem>>[vector<16xi32>, vector<16xi32>], vector<16xf32>,
      %get3A_673 = arith.constant 0 : i32
      %get3A_674 = arith.index_cast %get3A_673 : i32 to index
      %get3A_675 = arith.constant 80 : index
      %get3A_676 = tpu.vector_load %arg54[%get3A_674, %get3A_675] {strides = array<i32>} : memref<5x128xf32, #tpu.memory_space<vmem>>, vector<16xf32>,
      %add3A_677 = arith.constant 80 : i32
      %add3A_678 = vector.broadcast %add3A_677 : i32 to vector<16xi32>
      %add3A_679 = arith.addi %add3A_678, %iota3A : vector<16xi32>
      tpu.vector_store_idx %arg56[%add3A_679, %broadcast_in_dim3A_637], %get3A_676 : memref<128x16xf32, #tpu.memory_space<vmem>>[vector<16xi32>, vector<16xi32>], vector<16xf32>,
      %get3A_680 = arith.constant 0 : i32
      %get3A_681 = arith.index_cast %get3A_680 : i32 to index
      %get3A_682 = arith.constant 96 : index
      %get3A_683 = tpu.vector_load %arg54[%get3A_681, %get3A_682] {strides = array<i32>} : memref<5x128xf32, #tpu.memory_space<vmem>>, vector<16xf32>,
      %add3A_684 = arith.constant 96 : i32
      %add3A_685 = vector.broadcast %add3A_684 : i32 to vector<16xi32>
      %add3A_686 = arith.addi %add3A_685, %iota3A : vector<16xi32>
      tpu.vector_store_idx %arg56[%add3A_686, %broadcast_in_dim3A_637], %get3A_683 : memref<128x16xf32, #tpu.memory_space<vmem>>[vector<16xi32>, vector<16xi32>], vector<16xf32>,
      %get3A_687 = arith.constant 0 : i32
      %get3A_688 = arith.index_cast %get3A_687 : i32 to index
      %get3A_689 = arith.constant 112 : index
      %get3A_690 = tpu.vector_load %arg54[%get3A_688, %get3A_689] {strides = array<i32>} : memref<5x128xf32, #tpu.memory_space<vmem>>, vector<16xf32>,
      %add3A_691 = arith.constant 112 : i32
      %add3A_692 = vector.broadcast %add3A_691 : i32 to vector<16xi32>
      %add3A_693 = arith.addi %add3A_692, %iota3A : vector<16xi32>
      tpu.vector_store_idx %arg56[%add3A_693, %broadcast_in_dim3A_637], %get3A_690 : memref<128x16xf32, #tpu.memory_space<vmem>>[vector<16xi32>, vector<16xi32>], vector<16xf32>,
      %broadcast_in_dim3A_694 = arith.constant 1 : i32
      %broadcast_in_dim3A_695 = vector.broadcast %broadcast_in_dim3A_694 : i32 to vector<16xi32>
      %get3A_696 = arith.constant 1 : i32
      %get3A_697 = arith.index_cast %get3A_696 : i32 to index
      %get3A_698 = arith.constant 0 : index
      %get3A_699 = tpu.vector_load %arg54[%get3A_697, %get3A_698] {strides = array<i32>} : memref<5x128xf32, #tpu.memory_space<vmem>>, vector<16xf32>,
      %add3A_700 = arith.constant 0 : i32
      %add3A_701 = vector.broadcast %add3A_700 : i32 to vector<16xi32>
      %add3A_702 = arith.addi %add3A_701, %iota3A : vector<16xi32>
      tpu.vector_store_idx %arg56[%add3A_702, %broadcast_in_dim3A_695], %get3A_699 : memref<128x16xf32, #tpu.memory_space<vmem>>[vector<16xi32>, vector<16xi32>], vector<16xf32>,
      %get3A_703 = arith.constant 1 : i32
      %get3A_704 = arith.index_cast %get3A_703 : i32 to index
      %get3A_705 = arith.constant 16 : index
      %get3A_706 = tpu.vector_load %arg54[%get3A_704, %get3A_705] {strides = array<i32>} : memref<5x128xf32, #tpu.memory_space<vmem>>, vector<16xf32>,
      %add3A_707 = arith.constant 16 : i32
      %add3A_708 = vector.broadcast %add3A_707 : i32 to vector<16xi32>
      %add3A_709 = arith.addi %add3A_708, %iota3A : vector<16xi32>
      tpu.vector_store_idx %arg56[%add3A_709, %broadcast_in_dim3A_695], %get3A_706 : memref<128x16xf32, #tpu.memory_space<vmem>>[vector<16xi32>, vector<16xi32>], vector<16xf32>,
      %get3A_710 = arith.constant 1 : i32
      %get3A_711 = arith.index_cast %get3A_710 : i32 to index
      %get3A_712 = arith.constant 32 : index
      %get3A_713 = tpu.vector_load %arg54[%get3A_711, %get3A_712] {strides = array<i32>} : memref<5x128xf32, #tpu.memory_space<vmem>>, vector<16xf32>,
      %add3A_714 = arith.constant 32 : i32
      %add3A_715 = vector.broadcast %add3A_714 : i32 to vector<16xi32>
      %add3A_716 = arith.addi %add3A_715, %iota3A : vector<16xi32>
      tpu.vector_store_idx %arg56[%add3A_716, %broadcast_in_dim3A_695], %get3A_713 : memref<128x16xf32, #tpu.memory_space<vmem>>[vector<16xi32>, vector<16xi32>], vector<16xf32>,
      %get3A_717 = arith.constant 1 : i32
      %get3A_718 = arith.index_cast %get3A_717 : i32 to index
      %get3A_719 = arith.constant 48 : index
      %get3A_720 = tpu.vector_load %arg54[%get3A_718, %get3A_719] {strides = array<i32>} : memref<5x128xf32, #tpu.memory_space<vmem>>, vector<16xf32>,
      %add3A_721 = arith.constant 48 : i32
      %add3A_722 = vector.broadcast %add3A_721 : i32 to vector<16xi32>
      %add3A_723 = arith.addi %add3A_722, %iota3A : vector<16xi32>
      tpu.vector_store_idx %arg56[%add3A_723, %broadcast_in_dim3A_695], %get3A_720 : memref<128x16xf32, #tpu.memory_space<vmem>>[vector<16xi32>, vector<16xi32>], vector<16xf32>,
      %get3A_724 = arith.constant 1 : i32
      %get3A_725 = arith.index_cast %get3A_724 : i32 to index
      %get3A_726 = arith.constant 64 : index
      %get3A_727 = tpu.vector_load %arg54[%get3A_725, %get3A_726] {strides = array<i32>} : memref<5x128xf32, #tpu.memory_space<vmem>>, vector<16xf32>,
      %add3A_728 = arith.constant 64 : i32
      %add3A_729 = vector.broadcast %add3A_728 : i32 to vector<16xi32>
      %add3A_730 = arith.addi %add3A_729, %iota3A : vector<16xi32>
      tpu.vector_store_idx %arg56[%add3A_730, %broadcast_in_dim3A_695], %get3A_727 : memref<128x16xf32, #tpu.memory_space<vmem>>[vector<16xi32>, vector<16xi32>], vector<16xf32>,
      %get3A_731 = arith.constant 1 : i32
      %get3A_732 = arith.index_cast %get3A_731 : i32 to index
      %get3A_733 = arith.constant 80 : index
      %get3A_734 = tpu.vector_load %arg54[%get3A_732, %get3A_733] {strides = array<i32>} : memref<5x128xf32, #tpu.memory_space<vmem>>, vector<16xf32>,
      %add3A_735 = arith.constant 80 : i32
      %add3A_736 = vector.broadcast %add3A_735 : i32 to vector<16xi32>
      %add3A_737 = arith.addi %add3A_736, %iota3A : vector<16xi32>
      tpu.vector_store_idx %arg56[%add3A_737, %broadcast_in_dim3A_695], %get3A_734 : memref<128x16xf32, #tpu.memory_space<vmem>>[vector<16xi32>, vector<16xi32>], vector<16xf32>,
      %get3A_738 = arith.constant 1 : i32
      %get3A_739 = arith.index_cast %get3A_738 : i32 to index
      %get3A_740 = arith.constant 96 : index
      %get3A_741 = tpu.vector_load %arg54[%get3A_739, %get3A_740] {strides = array<i32>} : memref<5x128xf32, #tpu.memory_space<vmem>>, vector<16xf32>,
      %add3A_742 = arith.constant 96 : i32
      %add3A_743 = vector.broadcast %add3A_742 : i32 to vector<16xi32>
      %add3A_744 = arith.addi %add3A_743, %iota3A : vector<16xi32>
      tpu.vector_store_idx %arg56[%add3A_744, %broadcast_in_dim3A_695], %get3A_741 : memref<128x16xf32, #tpu.memory_space<vmem>>[vector<16xi32>, vector<16xi32>], vector<16xf32>,
      %get3A_745 = arith.constant 1 : i32
      %get3A_746 = arith.index_cast %get3A_745 : i32 to index
      %get3A_747 = arith.constant 112 : index
      %get3A_748 = tpu.vector_load %arg54[%get3A_746, %get3A_747] {strides = array<i32>} : memref<5x128xf32, #tpu.memory_space<vmem>>, vector<16xf32>,
      %add3A_749 = arith.constant 112 : i32
      %add3A_750 = vector.broadcast %add3A_749 : i32 to vector<16xi32>
      %add3A_751 = arith.addi %add3A_750, %iota3A : vector<16xi32>
      tpu.vector_store_idx %arg56[%add3A_751, %broadcast_in_dim3A_695], %get3A_748 : memref<128x16xf32, #tpu.memory_space<vmem>>[vector<16xi32>, vector<16xi32>], vector<16xf32>,
      %broadcast_in_dim3A_752 = arith.constant 2 : i32
      %broadcast_in_dim3A_753 = vector.broadcast %broadcast_in_dim3A_752 : i32 to vector<16xi32>
      %get3A_754 = arith.constant 2 : i32
      %get3A_755 = arith.index_cast %get3A_754 : i32 to index
      %get3A_756 = arith.constant 0 : index
      %get3A_757 = tpu.vector_load %arg54[%get3A_755, %get3A_756] {strides = array<i32>} : memref<5x128xf32, #tpu.memory_space<vmem>>, vector<16xf32>,
      %add3A_758 = arith.constant 0 : i32
      %add3A_759 = vector.broadcast %add3A_758 : i32 to vector<16xi32>
      %add3A_760 = arith.addi %add3A_759, %iota3A : vector<16xi32>
      tpu.vector_store_idx %arg56[%add3A_760, %broadcast_in_dim3A_753], %get3A_757 : memref<128x16xf32, #tpu.memory_space<vmem>>[vector<16xi32>, vector<16xi32>], vector<16xf32>,
      %get3A_761 = arith.constant 2 : i32
      %get3A_762 = arith.index_cast %get3A_761 : i32 to index
      %get3A_763 = arith.constant 16 : index
      %get3A_764 = tpu.vector_load %arg54[%get3A_762, %get3A_763] {strides = array<i32>} : memref<5x128xf32, #tpu.memory_space<vmem>>, vector<16xf32>,
      %add3A_765 = arith.constant 16 : i32
      %add3A_766 = vector.broadcast %add3A_765 : i32 to vector<16xi32>
      %add3A_767 = arith.addi %add3A_766, %iota3A : vector<16xi32>
      tpu.vector_store_idx %arg56[%add3A_767, %broadcast_in_dim3A_753], %get3A_764 : memref<128x16xf32, #tpu.memory_space<vmem>>[vector<16xi32>, vector<16xi32>], vector<16xf32>,
      %get3A_768 = arith.constant 2 : i32
      %get3A_769 = arith.index_cast %get3A_768 : i32 to index
      %get3A_770 = arith.constant 32 : index
      %get3A_771 = tpu.vector_load %arg54[%get3A_769, %get3A_770] {strides = array<i32>} : memref<5x128xf32, #tpu.memory_space<vmem>>, vector<16xf32>,
      %add3A_772 = arith.constant 32 : i32
      %add3A_773 = vector.broadcast %add3A_772 : i32 to vector<16xi32>
      %add3A_774 = arith.addi %add3A_773, %iota3A : vector<16xi32>
      tpu.vector_store_idx %arg56[%add3A_774, %broadcast_in_dim3A_753], %get3A_771 : memref<128x16xf32, #tpu.memory_space<vmem>>[vector<16xi32>, vector<16xi32>], vector<16xf32>,
      %get3A_775 = arith.constant 2 : i32
      %get3A_776 = arith.index_cast %get3A_775 : i32 to index
      %get3A_777 = arith.constant 48 : index
      %get3A_778 = tpu.vector_load %arg54[%get3A_776, %get3A_777] {strides = array<i32>} : memref<5x128xf32, #tpu.memory_space<vmem>>, vector<16xf32>,
      %add3A_779 = arith.constant 48 : i32
      %add3A_780 = vector.broadcast %add3A_779 : i32 to vector<16xi32>
      %add3A_781 = arith.addi %add3A_780, %iota3A : vector<16xi32>
      tpu.vector_store_idx %arg56[%add3A_781, %broadcast_in_dim3A_753], %get3A_778 : memref<128x16xf32, #tpu.memory_space<vmem>>[vector<16xi32>, vector<16xi32>], vector<16xf32>,
      %get3A_782 = arith.constant 2 : i32
      %get3A_783 = arith.index_cast %get3A_782 : i32 to index
      %get3A_784 = arith.constant 64 : index
      %get3A_785 = tpu.vector_load %arg54[%get3A_783, %get3A_784] {strides = array<i32>} : memref<5x128xf32, #tpu.memory_space<vmem>>, vector<16xf32>,
      %add3A_786 = arith.constant 64 : i32
      %add3A_787 = vector.broadcast %add3A_786 : i32 to vector<16xi32>
      %add3A_788 = arith.addi %add3A_787, %iota3A : vector<16xi32>
      tpu.vector_store_idx %arg56[%add3A_788, %broadcast_in_dim3A_753], %get3A_785 : memref<128x16xf32, #tpu.memory_space<vmem>>[vector<16xi32>, vector<16xi32>], vector<16xf32>,
      %get3A_789 = arith.constant 2 : i32
      %get3A_790 = arith.index_cast %get3A_789 : i32 to index
      %get3A_791 = arith.constant 80 : index
      %get3A_792 = tpu.vector_load %arg54[%get3A_790, %get3A_791] {strides = array<i32>} : memref<5x128xf32, #tpu.memory_space<vmem>>, vector<16xf32>,
      %add3A_793 = arith.constant 80 : i32
      %add3A_794 = vector.broadcast %add3A_793 : i32 to vector<16xi32>
      %add3A_795 = arith.addi %add3A_794, %iota3A : vector<16xi32>
      tpu.vector_store_idx %arg56[%add3A_795, %broadcast_in_dim3A_753], %get3A_792 : memref<128x16xf32, #tpu.memory_space<vmem>>[vector<16xi32>, vector<16xi32>], vector<16xf32>,
      %get3A_796 = arith.constant 2 : i32
      %get3A_797 = arith.index_cast %get3A_796 : i32 to index
      %get3A_798 = arith.constant 96 : index
      %get3A_799 = tpu.vector_load %arg54[%get3A_797, %get3A_798] {strides = array<i32>} : memref<5x128xf32, #tpu.memory_space<vmem>>, vector<16xf32>,
      %add3A_800 = arith.constant 96 : i32
      %add3A_801 = vector.broadcast %add3A_800 : i32 to vector<16xi32>
      %add3A_802 = arith.addi %add3A_801, %iota3A : vector<16xi32>
      tpu.vector_store_idx %arg56[%add3A_802, %broadcast_in_dim3A_753], %get3A_799 : memref<128x16xf32, #tpu.memory_space<vmem>>[vector<16xi32>, vector<16xi32>], vector<16xf32>,
      %get3A_803 = arith.constant 2 : i32
      %get3A_804 = arith.index_cast %get3A_803 : i32 to index
      %get3A_805 = arith.constant 112 : index
      %get3A_806 = tpu.vector_load %arg54[%get3A_804, %get3A_805] {strides = array<i32>} : memref<5x128xf32, #tpu.memory_space<vmem>>, vector<16xf32>,
      %add3A_807 = arith.constant 112 : i32
      %add3A_808 = vector.broadcast %add3A_807 : i32 to vector<16xi32>
      %add3A_809 = arith.addi %add3A_808, %iota3A : vector<16xi32>
      tpu.vector_store_idx %arg56[%add3A_809, %broadcast_in_dim3A_753], %get3A_806 : memref<128x16xf32, #tpu.memory_space<vmem>>[vector<16xi32>, vector<16xi32>], vector<16xf32>,
      %broadcast_in_dim3A_810 = arith.constant 3 : i32
      %broadcast_in_dim3A_811 = vector.broadcast %broadcast_in_dim3A_810 : i32 to vector<16xi32>
      %get3A_812 = arith.constant 3 : i32
      %get3A_813 = arith.index_cast %get3A_812 : i32 to index
      %get3A_814 = arith.constant 0 : index
      %get3A_815 = tpu.vector_load %arg54[%get3A_813, %get3A_814] {strides = array<i32>} : memref<5x128xf32, #tpu.memory_space<vmem>>, vector<16xf32>,
      %add3A_816 = arith.constant 0 : i32
      %add3A_817 = vector.broadcast %add3A_816 : i32 to vector<16xi32>
      %add3A_818 = arith.addi %add3A_817, %iota3A : vector<16xi32>
      tpu.vector_store_idx %arg56[%add3A_818, %broadcast_in_dim3A_811], %get3A_815 : memref<128x16xf32, #tpu.memory_space<vmem>>[vector<16xi32>, vector<16xi32>], vector<16xf32>,
      %get3A_819 = arith.constant 3 : i32
      %get3A_820 = arith.index_cast %get3A_819 : i32 to index
      %get3A_821 = arith.constant 16 : index
      %get3A_822 = tpu.vector_load %arg54[%get3A_820, %get3A_821] {strides = array<i32>} : memref<5x128xf32, #tpu.memory_space<vmem>>, vector<16xf32>,
      %add3A_823 = arith.constant 16 : i32
      %add3A_824 = vector.broadcast %add3A_823 : i32 to vector<16xi32>
      %add3A_825 = arith.addi %add3A_824, %iota3A : vector<16xi32>
      tpu.vector_store_idx %arg56[%add3A_825, %broadcast_in_dim3A_811], %get3A_822 : memref<128x16xf32, #tpu.memory_space<vmem>>[vector<16xi32>, vector<16xi32>], vector<16xf32>,
      %get3A_826 = arith.constant 3 : i32
      %get3A_827 = arith.index_cast %get3A_826 : i32 to index
      %get3A_828 = arith.constant 32 : index
      %get3A_829 = tpu.vector_load %arg54[%get3A_827, %get3A_828] {strides = array<i32>} : memref<5x128xf32, #tpu.memory_space<vmem>>, vector<16xf32>,
      %add3A_830 = arith.constant 32 : i32
      %add3A_831 = vector.broadcast %add3A_830 : i32 to vector<16xi32>
      %add3A_832 = arith.addi %add3A_831, %iota3A : vector<16xi32>
      tpu.vector_store_idx %arg56[%add3A_832, %broadcast_in_dim3A_811], %get3A_829 : memref<128x16xf32, #tpu.memory_space<vmem>>[vector<16xi32>, vector<16xi32>], vector<16xf32>,
      %get3A_833 = arith.constant 3 : i32
      %get3A_834 = arith.index_cast %get3A_833 : i32 to index
      %get3A_835 = arith.constant 48 : index
      %get3A_836 = tpu.vector_load %arg54[%get3A_834, %get3A_835] {strides = array<i32>} : memref<5x128xf32, #tpu.memory_space<vmem>>, vector<16xf32>,
      %add3A_837 = arith.constant 48 : i32
      %add3A_838 = vector.broadcast %add3A_837 : i32 to vector<16xi32>
      %add3A_839 = arith.addi %add3A_838, %iota3A : vector<16xi32>
      tpu.vector_store_idx %arg56[%add3A_839, %broadcast_in_dim3A_811], %get3A_836 : memref<128x16xf32, #tpu.memory_space<vmem>>[vector<16xi32>, vector<16xi32>], vector<16xf32>,
      %get3A_840 = arith.constant 3 : i32
      %get3A_841 = arith.index_cast %get3A_840 : i32 to index
      %get3A_842 = arith.constant 64 : index
      %get3A_843 = tpu.vector_load %arg54[%get3A_841, %get3A_842] {strides = array<i32>} : memref<5x128xf32, #tpu.memory_space<vmem>>, vector<16xf32>,
      %add3A_844 = arith.constant 64 : i32
      %add3A_845 = vector.broadcast %add3A_844 : i32 to vector<16xi32>
      %add3A_846 = arith.addi %add3A_845, %iota3A : vector<16xi32>
      tpu.vector_store_idx %arg56[%add3A_846, %broadcast_in_dim3A_811], %get3A_843 : memref<128x16xf32, #tpu.memory_space<vmem>>[vector<16xi32>, vector<16xi32>], vector<16xf32>,
      %get3A_847 = arith.constant 3 : i32
      %get3A_848 = arith.index_cast %get3A_847 : i32 to index
      %get3A_849 = arith.constant 80 : index
      %get3A_850 = tpu.vector_load %arg54[%get3A_848, %get3A_849] {strides = array<i32>} : memref<5x128xf32, #tpu.memory_space<vmem>>, vector<16xf32>,
      %add3A_851 = arith.constant 80 : i32
      %add3A_852 = vector.broadcast %add3A_851 : i32 to vector<16xi32>
      %add3A_853 = arith.addi %add3A_852, %iota3A : vector<16xi32>
      tpu.vector_store_idx %arg56[%add3A_853, %broadcast_in_dim3A_811], %get3A_850 : memref<128x16xf32, #tpu.memory_space<vmem>>[vector<16xi32>, vector<16xi32>], vector<16xf32>,
      %get3A_854 = arith.constant 3 : i32
      %get3A_855 = arith.index_cast %get3A_854 : i32 to index
      %get3A_856 = arith.constant 96 : index
      %get3A_857 = tpu.vector_load %arg54[%get3A_855, %get3A_856] {strides = array<i32>} : memref<5x128xf32, #tpu.memory_space<vmem>>, vector<16xf32>,
      %add3A_858 = arith.constant 96 : i32
      %add3A_859 = vector.broadcast %add3A_858 : i32 to vector<16xi32>
      %add3A_860 = arith.addi %add3A_859, %iota3A : vector<16xi32>
      tpu.vector_store_idx %arg56[%add3A_860, %broadcast_in_dim3A_811], %get3A_857 : memref<128x16xf32, #tpu.memory_space<vmem>>[vector<16xi32>, vector<16xi32>], vector<16xf32>,
      %get3A_861 = arith.constant 3 : i32
      %get3A_862 = arith.index_cast %get3A_861 : i32 to index
      %get3A_863 = arith.constant 112 : index
      %get3A_864 = tpu.vector_load %arg54[%get3A_862, %get3A_863] {strides = array<i32>} : memref<5x128xf32, #tpu.memory_space<vmem>>, vector<16xf32>,
      %add3A_865 = arith.constant 112 : i32
      %add3A_866 = vector.broadcast %add3A_865 : i32 to vector<16xi32>
      %add3A_867 = arith.addi %add3A_866, %iota3A : vector<16xi32>
      tpu.vector_store_idx %arg56[%add3A_867, %broadcast_in_dim3A_811], %get3A_864 : memref<128x16xf32, #tpu.memory_space<vmem>>[vector<16xi32>, vector<16xi32>], vector<16xf32>,
      %broadcast_in_dim3A_868 = arith.constant 4 : i32
      %broadcast_in_dim3A_869 = vector.broadcast %broadcast_in_dim3A_868 : i32 to vector<16xi32>
      %get3A_870 = arith.constant 4 : i32
      %get3A_871 = arith.index_cast %get3A_870 : i32 to index
      %get3A_872 = arith.constant 0 : index
      %get3A_873 = tpu.vector_load %arg54[%get3A_871, %get3A_872] {strides = array<i32>} : memref<5x128xf32, #tpu.memory_space<vmem>>, vector<16xf32>,
      %add3A_874 = arith.constant 0 : i32
      %add3A_875 = vector.broadcast %add3A_874 : i32 to vector<16xi32>
      %add3A_876 = arith.addi %add3A_875, %iota3A : vector<16xi32>
      tpu.vector_store_idx %arg56[%add3A_876, %broadcast_in_dim3A_869], %get3A_873 : memref<128x16xf32, #tpu.memory_space<vmem>>[vector<16xi32>, vector<16xi32>], vector<16xf32>,
      %get3A_877 = arith.constant 4 : i32
      %get3A_878 = arith.index_cast %get3A_877 : i32 to index
      %get3A_879 = arith.constant 16 : index
      %get3A_880 = tpu.vector_load %arg54[%get3A_878, %get3A_879] {strides = array<i32>} : memref<5x128xf32, #tpu.memory_space<vmem>>, vector<16xf32>,
      %add3A_881 = arith.constant 16 : i32
      %add3A_882 = vector.broadcast %add3A_881 : i32 to vector<16xi32>
      %add3A_883 = arith.addi %add3A_882, %iota3A : vector<16xi32>
      tpu.vector_store_idx %arg56[%add3A_883, %broadcast_in_dim3A_869], %get3A_880 : memref<128x16xf32, #tpu.memory_space<vmem>>[vector<16xi32>, vector<16xi32>], vector<16xf32>,
      %get3A_884 = arith.constant 4 : i32
      %get3A_885 = arith.index_cast %get3A_884 : i32 to index
      %get3A_886 = arith.constant 32 : index
      %get3A_887 = tpu.vector_load %arg54[%get3A_885, %get3A_886] {strides = array<i32>} : memref<5x128xf32, #tpu.memory_space<vmem>>, vector<16xf32>,
      %add3A_888 = arith.constant 32 : i32
      %add3A_889 = vector.broadcast %add3A_888 : i32 to vector<16xi32>
      %add3A_890 = arith.addi %add3A_889, %iota3A : vector<16xi32>
      tpu.vector_store_idx %arg56[%add3A_890, %broadcast_in_dim3A_869], %get3A_887 : memref<128x16xf32, #tpu.memory_space<vmem>>[vector<16xi32>, vector<16xi32>], vector<16xf32>,
      %get3A_891 = arith.constant 4 : i32
      %get3A_892 = arith.index_cast %get3A_891 : i32 to index
      %get3A_893 = arith.constant 48 : index
      %get3A_894 = tpu.vector_load %arg54[%get3A_892, %get3A_893] {strides = array<i32>} : memref<5x128xf32, #tpu.memory_space<vmem>>, vector<16xf32>,
      %add3A_895 = arith.constant 48 : i32
      %add3A_896 = vector.broadcast %add3A_895 : i32 to vector<16xi32>
      %add3A_897 = arith.addi %add3A_896, %iota3A : vector<16xi32>
      tpu.vector_store_idx %arg56[%add3A_897, %broadcast_in_dim3A_869], %get3A_894 : memref<128x16xf32, #tpu.memory_space<vmem>>[vector<16xi32>, vector<16xi32>], vector<16xf32>,
      %get3A_898 = arith.constant 4 : i32
      %get3A_899 = arith.index_cast %get3A_898 : i32 to index
      %get3A_900 = arith.constant 64 : index
      %get3A_901 = tpu.vector_load %arg54[%get3A_899, %get3A_900] {strides = array<i32>} : memref<5x128xf32, #tpu.memory_space<vmem>>, vector<16xf32>,
      %add3A_902 = arith.constant 64 : i32
      %add3A_903 = vector.broadcast %add3A_902 : i32 to vector<16xi32>
      %add3A_904 = arith.addi %add3A_903, %iota3A : vector<16xi32>
      tpu.vector_store_idx %arg56[%add3A_904, %broadcast_in_dim3A_869], %get3A_901 : memref<128x16xf32, #tpu.memory_space<vmem>>[vector<16xi32>, vector<16xi32>], vector<16xf32>,
      %get3A_905 = arith.constant 4 : i32
      %get3A_906 = arith.index_cast %get3A_905 : i32 to index
      %get3A_907 = arith.constant 80 : index
      %get3A_908 = tpu.vector_load %arg54[%get3A_906, %get3A_907] {strides = array<i32>} : memref<5x128xf32, #tpu.memory_space<vmem>>, vector<16xf32>,
      %add3A_909 = arith.constant 80 : i32
      %add3A_910 = vector.broadcast %add3A_909 : i32 to vector<16xi32>
      %add3A_911 = arith.addi %add3A_910, %iota3A : vector<16xi32>
      tpu.vector_store_idx %arg56[%add3A_911, %broadcast_in_dim3A_869], %get3A_908 : memref<128x16xf32, #tpu.memory_space<vmem>>[vector<16xi32>, vector<16xi32>], vector<16xf32>,
      %get3A_912 = arith.constant 4 : i32
      %get3A_913 = arith.index_cast %get3A_912 : i32 to index
      %get3A_914 = arith.constant 96 : index
      %get3A_915 = tpu.vector_load %arg54[%get3A_913, %get3A_914] {strides = array<i32>} : memref<5x128xf32, #tpu.memory_space<vmem>>, vector<16xf32>,
      %add3A_916 = arith.constant 96 : i32
      %add3A_917 = vector.broadcast %add3A_916 : i32 to vector<16xi32>
      %add3A_918 = arith.addi %add3A_917, %iota3A : vector<16xi32>
      tpu.vector_store_idx %arg56[%add3A_918, %broadcast_in_dim3A_869], %get3A_915 : memref<128x16xf32, #tpu.memory_space<vmem>>[vector<16xi32>, vector<16xi32>], vector<16xf32>,
      %get3A_919 = arith.constant 4 : i32
      %get3A_920 = arith.index_cast %get3A_919 : i32 to index
      %get3A_921 = arith.constant 112 : index
      %get3A_922 = tpu.vector_load %arg54[%get3A_920, %get3A_921] {strides = array<i32>} : memref<5x128xf32, #tpu.memory_space<vmem>>, vector<16xf32>,
      %add3A_923 = arith.constant 112 : i32
      %add3A_924 = vector.broadcast %add3A_923 : i32 to vector<16xi32>
      %add3A_925 = arith.addi %add3A_924, %iota3A : vector<16xi32>
      tpu.vector_store_idx %arg56[%add3A_925, %broadcast_in_dim3A_869], %get3A_922 : memref<128x16xf32, #tpu.memory_space<vmem>>[vector<16xi32>, vector<16xi32>], vector<16xf32>,
      %scan3A_926 = arith.constant 0 : i32
      %scan3A_927 = arith.constant 0 : i32
      %scan3A_928 = arith.constant 128 : i32
      %scan3A_929 = arith.addi %scan3A_927, %scan3A_928 : i32
      %scan3A_930 = arith.constant 1 : i32
      scf.for %scan3A_1625 = %scan3A_927 to %scan3A_929 step %scan3A_930  : i32 {
        %get3A_1626 = arith.index_cast %scan3A_1625 : i32 to index
        %get3A_1627 = arith.constant 0 : index
        %get3A_1628 = tpu.vector_load %arg56[%get3A_1626, %get3A_1627] {strides = array<i32>} : memref<128x16xf32, #tpu.memory_space<vmem>>, vector<16xf32>,
        %slice3A = vector.extract_strided_slice %get3A_1628 {offsets = [0], sizes = [1], strides = [1]} : vector<16xf32> to vector<1xf32>
        %squeeze3A = vector.extract %slice3A[0] : f32 from vector<1xf32>
        %broadcast_in_dim3A_1629 = vector.broadcast %squeeze3A : f32 to vector<16xf32>
        %mul3A_1630 = arith.mulf %broadcast_in_dim3A_1629, %get3A_1 : vector<16xf32>
        %add3A_1631 = arith.addf %mul3A_1630, %get3A_21 : vector<16xf32>
        %swap3A = arith.index_cast %scan3A_1625 : i32 to index
        %swap3A_1632 = arith.constant 0 : index
        %swap3A_1633 = tpu.vector_load %arg58[%swap3A, %swap3A_1632] {strides = array<i32>} : memref<128x160xf32, #tpu.memory_space<vmem>>, vector<16xf32>,
        tpu.vector_store %arg58[%swap3A, %swap3A_1632], %add3A_1631 {strides = array<i32>} : memref<128x160xf32, #tpu.memory_space<vmem>>, vector<16xf32>,
        %mul3A_1634 = arith.mulf %broadcast_in_dim3A_1629, %get3A_3 : vector<16xf32>
        %add3A_1635 = arith.addf %mul3A_1634, %get3A_23 : vector<16xf32>
        %swap3A_1636 = arith.index_cast %scan3A_1625 : i32 to index
        %swap3A_1637 = arith.constant 16 : index
        %swap3A_1638 = tpu.vector_load %arg58[%swap3A_1636, %swap3A_1637] {strides = array<i32>} : memref<128x160xf32, #tpu.memory_space<vmem>>, vector<16xf32>,
        tpu.vector_store %arg58[%swap3A_1636, %swap3A_1637], %add3A_1635 {strides = array<i32>} : memref<128x160xf32, #tpu.memory_space<vmem>>, vector<16xf32>,
        %slice3A_1639 = vector.extract_strided_slice %get3A_1628 {offsets = [1], sizes = [1], strides = [1]} : vector<16xf32> to vector<1xf32>
        %squeeze3A_1640 = vector.extract %slice3A_1639[0] : f32 from vector<1xf32>
        %broadcast_in_dim3A_1641 = vector.broadcast %squeeze3A_1640 : f32 to vector<16xf32>
        %mul3A_1642 = arith.mulf %broadcast_in_dim3A_1641, %get3A_5 : vector<16xf32>
        %add3A_1643 = arith.addf %mul3A_1642, %get3A_25 : vector<16xf32>
        %swap3A_1644 = arith.index_cast %scan3A_1625 : i32 to index
        %swap3A_1645 = arith.constant 32 : index
        %swap3A_1646 = tpu.vector_load %arg58[%swap3A_1644, %swap3A_1645] {strides = array<i32>} : memref<128x160xf32, #tpu.memory_space<vmem>>, vector<16xf32>,
        tpu.vector_store %arg58[%swap3A_1644, %swap3A_1645], %add3A_1643 {strides = array<i32>} : memref<128x160xf32, #tpu.memory_space<vmem>>, vector<16xf32>,
        %mul3A_1647 = arith.mulf %broadcast_in_dim3A_1641, %get3A_7 : vector<16xf32>
        %add3A_1648 = arith.addf %mul3A_1647, %get3A_27 : vector<16xf32>
        %swap3A_1649 = arith.index_cast %scan3A_1625 : i32 to index
        %swap3A_1650 = arith.constant 48 : index
        %swap3A_1651 = tpu.vector_load %arg58[%swap3A_1649, %swap3A_1650] {strides = array<i32>} : memref<128x160xf32, #tpu.memory_space<vmem>>, vector<16xf32>,
        tpu.vector_store %arg58[%swap3A_1649, %swap3A_1650], %add3A_1648 {strides = array<i32>} : memref<128x160xf32, #tpu.memory_space<vmem>>, vector<16xf32>,
        %slice3A_1652 = vector.extract_strided_slice %get3A_1628 {offsets = [2], sizes = [1], strides = [1]} : vector<16xf32> to vector<1xf32>
        %squeeze3A_1653 = vector.extract %slice3A_1652[0] : f32 from vector<1xf32>
        %broadcast_in_dim3A_1654 = vector.broadcast %squeeze3A_1653 : f32 to vector<16xf32>
        %mul3A_1655 = arith.mulf %broadcast_in_dim3A_1654, %get3A_9 : vector<16xf32>
        %add3A_1656 = arith.addf %mul3A_1655, %get3A_29 : vector<16xf32>
        %swap3A_1657 = arith.index_cast %scan3A_1625 : i32 to index
        %swap3A_1658 = arith.constant 64 : index
        %swap3A_1659 = tpu.vector_load %arg58[%swap3A_1657, %swap3A_1658] {strides = array<i32>} : memref<128x160xf32, #tpu.memory_space<vmem>>, vector<16xf32>,
        tpu.vector_store %arg58[%swap3A_1657, %swap3A_1658], %add3A_1656 {strides = array<i32>} : memref<128x160xf32, #tpu.memory_space<vmem>>, vector<16xf32>,
        %mul3A_1660 = arith.mulf %broadcast_in_dim3A_1654, %get3A_11 : vector<16xf32>
        %add3A_1661 = arith.addf %mul3A_1660, %get3A_31 : vector<16xf32>
        %swap3A_1662 = arith.index_cast %scan3A_1625 : i32 to index
        %swap3A_1663 = arith.constant 80 : index
        %swap3A_1664 = tpu.vector_load %arg58[%swap3A_1662, %swap3A_1663] {strides = array<i32>} : memref<128x160xf32, #tpu.memory_space<vmem>>, vector<16xf32>,
        tpu.vector_store %arg58[%swap3A_1662, %swap3A_1663], %add3A_1661 {strides = array<i32>} : memref<128x160xf32, #tpu.memory_space<vmem>>, vector<16xf32>,
        %slice3A_1665 = vector.extract_strided_slice %get3A_1628 {offsets = [3], sizes = [1], strides = [1]} : vector<16xf32> to vector<1xf32>
        %squeeze3A_1666 = vector.extract %slice3A_1665[0] : f32 from vector<1xf32>
        %broadcast_in_dim3A_1667 = vector.broadcast %squeeze3A_1666 : f32 to vector<16xf32>
        %mul3A_1668 = arith.mulf %broadcast_in_dim3A_1667, %get3A_13 : vector<16xf32>
        %add3A_1669 = arith.addf %mul3A_1668, %get3A_33 : vector<16xf32>
        %swap3A_1670 = arith.index_cast %scan3A_1625 : i32 to index
        %swap3A_1671 = arith.constant 96 : index
        %swap3A_1672 = tpu.vector_load %arg58[%swap3A_1670, %swap3A_1671] {strides = array<i32>} : memref<128x160xf32, #tpu.memory_space<vmem>>, vector<16xf32>,
        tpu.vector_store %arg58[%swap3A_1670, %swap3A_1671], %add3A_1669 {strides = array<i32>} : memref<128x160xf32, #tpu.memory_space<vmem>>, vector<16xf32>,
        %mul3A_1673 = arith.mulf %broadcast_in_dim3A_1667, %get3A_15 : vector<16xf32>
        %add3A_1674 = arith.addf %mul3A_1673, %get3A_35 : vector<16xf32>
        %swap3A_1675 = arith.index_cast %scan3A_1625 : i32 to index
        %swap3A_1676 = arith.constant 112 : index
        %swap3A_1677 = tpu.vector_load %arg58[%swap3A_1675, %swap3A_1676] {strides = array<i32>} : memref<128x160xf32, #tpu.memory_space<vmem>>, vector<16xf32>,
        tpu.vector_store %arg58[%swap3A_1675, %swap3A_1676], %add3A_1674 {strides = array<i32>} : memref<128x160xf32, #tpu.memory_space<vmem>>, vector<16xf32>,
        %slice3A_1678 = vector.extract_strided_slice %get3A_1628 {offsets = [4], sizes = [1], strides = [1]} : vector<16xf32> to vector<1xf32>
        %squeeze3A_1679 = vector.extract %slice3A_1678[0] : f32 from vector<1xf32>
        %broadcast_in_dim3A_1680 = vector.broadcast %squeeze3A_1679 : f32 to vector<16xf32>
        %mul3A_1681 = arith.mulf %broadcast_in_dim3A_1680, %get3A_17 : vector<16xf32>
        %add3A_1682 = arith.addf %mul3A_1681, %get3A_37 : vector<16xf32>
        %swap3A_1683 = arith.index_cast %scan3A_1625 : i32 to index
        %swap3A_1684 = arith.constant 128 : index
        %swap3A_1685 = tpu.vector_load %arg58[%swap3A_1683, %swap3A_1684] {strides = array<i32>} : memref<128x160xf32, #tpu.memory_space<vmem>>, vector<16xf32>,
        tpu.vector_store %arg58[%swap3A_1683, %swap3A_1684], %add3A_1682 {strides = array<i32>} : memref<128x160xf32, #tpu.memory_space<vmem>>, vector<16xf32>,
        %mul3A_1686 = arith.mulf %broadcast_in_dim3A_1680, %get3A_19 : vector<16xf32>
        %add3A_1687 = arith.addf %mul3A_1686, %get3A_39 : vector<16xf32>
        %swap3A_1688 = arith.index_cast %scan3A_1625 : i32 to index
        %swap3A_1689 = arith.constant 144 : index
        %swap3A_1690 = tpu.vector_load %arg58[%swap3A_1688, %swap3A_1689] {strides = array<i32>} : memref<128x160xf32, #tpu.memory_space<vmem>>, vector<16xf32>,
        tpu.vector_store %arg58[%swap3A_1688, %swap3A_1689], %add3A_1687 {strides = array<i32>} : memref<128x160xf32, #tpu.memory_space<vmem>>, vector<16xf32>,
      }
      %scan3A_931 = arith.constant 128 : i32
      %dma_wait3A_932 = arith.constant 0 : i32
      %dma_wait3A_933 = arith.constant 0 : i32
      %dma_wait3A_934 = tpu.memref_slice %arg13[%dma_wait3A_932, %dma_wait3A_933] : memref<100000x32xf32, #tpu.memory_space<hbm>> -> memref<100000x32xf32, #tpu.memory_space<hbm>>
      tpu.wait_indirect_dma semaphore(%arg64 : memref<!tpu.dma_semaphore, #tpu.memory_space<semaphore_mem>>) src(%dma_wait3A_934 : memref<100000x32xf32, #tpu.memory_space<hbm>>) dst(%arg38 : memref<128x32xf32, #tpu.memory_space<vmem>>)
      %dma_wait3A_935 = arith.constant 0 : i32
      %dma_wait3A_936 = arith.constant 0 : i32
      %dma_wait3A_937 = tpu.memref_slice %arg14[%dma_wait3A_935, %dma_wait3A_936] : memref<100000x32xf32, #tpu.memory_space<hbm>> -> memref<100000x32xf32, #tpu.memory_space<hbm>>
      tpu.wait_indirect_dma semaphore(%arg64 : memref<!tpu.dma_semaphore, #tpu.memory_space<semaphore_mem>>) src(%dma_wait3A_937 : memref<100000x32xf32, #tpu.memory_space<hbm>>) dst(%arg39 : memref<128x32xf32, #tpu.memory_space<vmem>>)
      %dma_wait3A_938 = arith.constant 0 : i32
      %dma_wait3A_939 = arith.constant 0 : i32
      %dma_wait3A_940 = tpu.memref_slice %arg15[%dma_wait3A_938, %dma_wait3A_939] : memref<100000x32xf32, #tpu.memory_space<hbm>> -> memref<100000x32xf32, #tpu.memory_space<hbm>>
      tpu.wait_indirect_dma semaphore(%arg64 : memref<!tpu.dma_semaphore, #tpu.memory_space<semaphore_mem>>) src(%dma_wait3A_940 : memref<100000x32xf32, #tpu.memory_space<hbm>>) dst(%arg40 : memref<128x32xf32, #tpu.memory_space<vmem>>)
      %dma_wait3A_941 = arith.constant 0 : i32
      %dma_wait3A_942 = arith.constant 0 : i32
      %dma_wait3A_943 = tpu.memref_slice %arg16[%dma_wait3A_941, %dma_wait3A_942] : memref<100000x32xf32, #tpu.memory_space<hbm>> -> memref<100000x32xf32, #tpu.memory_space<hbm>>
      tpu.wait_indirect_dma semaphore(%arg64 : memref<!tpu.dma_semaphore, #tpu.memory_space<semaphore_mem>>) src(%dma_wait3A_943 : memref<100000x32xf32, #tpu.memory_space<hbm>>) dst(%arg41 : memref<128x32xf32, #tpu.memory_space<vmem>>)
      %dma_wait3A_944 = arith.constant 0 : i32
      %dma_wait3A_945 = arith.constant 0 : i32
      %dma_wait3A_946 = tpu.memref_slice %arg17[%dma_wait3A_944, %dma_wait3A_945] : memref<100000x32xf32, #tpu.memory_space<hbm>> -> memref<100000x32xf32, #tpu.memory_space<hbm>>
      tpu.wait_indirect_dma semaphore(%arg64 : memref<!tpu.dma_semaphore, #tpu.memory_space<semaphore_mem>>) src(%dma_wait3A_946 : memref<100000x32xf32, #tpu.memory_space<hbm>>) dst(%arg42 : memref<128x32xf32, #tpu.memory_space<vmem>>)
      %dma_wait3A_947 = arith.constant 0 : i32
      %dma_wait3A_948 = arith.constant 0 : i32
      %dma_wait3A_949 = tpu.memref_slice %arg18[%dma_wait3A_947, %dma_wait3A_948] : memref<100000x32xf32, #tpu.memory_space<hbm>> -> memref<100000x32xf32, #tpu.memory_space<hbm>>
      tpu.wait_indirect_dma semaphore(%arg64 : memref<!tpu.dma_semaphore, #tpu.memory_space<semaphore_mem>>) src(%dma_wait3A_949 : memref<100000x32xf32, #tpu.memory_space<hbm>>) dst(%arg43 : memref<128x32xf32, #tpu.memory_space<vmem>>)
      %dma_wait3A_950 = arith.constant 0 : i32
      %dma_wait3A_951 = arith.constant 0 : i32
      %dma_wait3A_952 = tpu.memref_slice %arg19[%dma_wait3A_950, %dma_wait3A_951] : memref<100000x32xf32, #tpu.memory_space<hbm>> -> memref<100000x32xf32, #tpu.memory_space<hbm>>
      tpu.wait_indirect_dma semaphore(%arg64 : memref<!tpu.dma_semaphore, #tpu.memory_space<semaphore_mem>>) src(%dma_wait3A_952 : memref<100000x32xf32, #tpu.memory_space<hbm>>) dst(%arg44 : memref<128x32xf32, #tpu.memory_space<vmem>>)
      %dma_wait3A_953 = arith.constant 0 : i32
      %dma_wait3A_954 = arith.constant 0 : i32
      %dma_wait3A_955 = tpu.memref_slice %arg20[%dma_wait3A_953, %dma_wait3A_954] : memref<100000x32xf32, #tpu.memory_space<hbm>> -> memref<100000x32xf32, #tpu.memory_space<hbm>>
      tpu.wait_indirect_dma semaphore(%arg64 : memref<!tpu.dma_semaphore, #tpu.memory_space<semaphore_mem>>) src(%dma_wait3A_955 : memref<100000x32xf32, #tpu.memory_space<hbm>>) dst(%arg45 : memref<128x32xf32, #tpu.memory_space<vmem>>)
      %mul3A_956 = arith.constant 6400 : i32
      %mul3A_957 = arith.muli %add3A, %mul3A_956 : i32
      %mul3A_958 = arith.constant 128 : i32
      %mul3A_959 = arith.muli %mul3A_475, %mul3A_958 : i32
      %add3A_960 = arith.addi %mul3A_957, %mul3A_959 : i32
      %jit3A_961 = arith.constant 1024 : i32
      %div3A_962 = arith.divsi %add3A_960, %jit3A_961 : i32
      %sign3A_963 = arith.constant 0 : i32
      %sign3A_964 = arith.cmpi sgt, %add3A_960, %sign3A_963 : i32
      %sign3A_965 = arith.extui %sign3A_964 : i1 to i32
      %sign3A_966 = arith.constant 0 : i32
      %sign3A_967 = arith.cmpi slt, %add3A_960, %sign3A_966 : i32
      %sign3A_968 = arith.extui %sign3A_967 : i1 to i32
      %sign3A_969 = arith.subi %sign3A_965, %sign3A_968 : i32
      %sign3A_970 = arith.constant 0 : i32
      %sign3A_971 = arith.cmpi sgt, %jit3A_961, %sign3A_970 : i32
      %sign3A_972 = arith.extui %sign3A_971 : i1 to i32
      %sign3A_973 = arith.constant 0 : i32
      %sign3A_974 = arith.cmpi slt, %jit3A_961, %sign3A_973 : i32
      %sign3A_975 = arith.extui %sign3A_974 : i1 to i32
      %sign3A_976 = arith.subi %sign3A_972, %sign3A_975 : i32
      %ne3A_977 = arith.cmpi ne, %sign3A_969, %sign3A_976 : i32
      %rem3A_978 = arith.remsi %add3A_960, %jit3A_961 : i32
      %ne3A_979 = arith.constant 0 : i32
      %ne3A_980 = arith.cmpi ne, %rem3A_978, %ne3A_979 : i32
      %and3A_981 = arith.andi %ne3A_977, %ne3A_980 : i1
      %sub3A_982 = arith.constant 1 : i32
      %sub3A_983 = arith.subi %div3A_962, %sub3A_982 : i32
      %select_n3A_984 = arith.select %and3A_981, %sub3A_983, %div3A_962 : i32
      %mul3A_985 = arith.constant 1024 : i32
      %mul3A_986 = arith.muli %select_n3A_984, %mul3A_985 : i32
      %sub3A_987 = arith.subi %add3A_960, %mul3A_986 : i32
      %dma_start3A_988 = arith.constant 0 : i32
      %dma_start3A_989 = tpu.memref_slice %arg21[%select_n3A_984, %sub3A_987, %dma_start3A_988] : memref<200x1024x416xf32, #tpu.memory_space<hbm>> -> memref<1x128x32xf32, #tpu.memory_space<hbm>>
      %dma_start3A_990 = tpu.memref_squeeze %dma_start3A_989 : memref<1x128x32xf32, #tpu.memory_space<hbm>> -> memref<128x32xf32, #tpu.memory_space<hbm>>
      %dma_start3A_991 = arith.constant 0 : i32
      %dma_start3A_992 = tpu.memref_slice %arg21[%select_n3A_984, %sub3A_987, %dma_start3A_991] : memref<200x1024x416xf32, #tpu.memory_space<hbm>> -> memref<1x128x32xf32, #tpu.memory_space<hbm>>
      %dma_start3A_993 = tpu.memref_squeeze %dma_start3A_992 : memref<1x128x32xf32, #tpu.memory_space<hbm>> -> memref<128x32xf32, #tpu.memory_space<hbm>>
      tpu.enqueue_dma source(%arg38 : memref<128x32xf32, #tpu.memory_space<vmem>>) target(%dma_start3A_993 : memref<128x32xf32, #tpu.memory_space<hbm>>) target_semaphore(%arg66 : memref<!tpu.dma_semaphore, #tpu.memory_space<semaphore_mem>>)
      %dma_start3A_994 = arith.constant 32 : i32
      %dma_start3A_995 = tpu.memref_slice %arg21[%select_n3A_984, %sub3A_987, %dma_start3A_994] : memref<200x1024x416xf32, #tpu.memory_space<hbm>> -> memref<1x128x32xf32, #tpu.memory_space<hbm>>
      %dma_start3A_996 = tpu.memref_squeeze %dma_start3A_995 : memref<1x128x32xf32, #tpu.memory_space<hbm>> -> memref<128x32xf32, #tpu.memory_space<hbm>>
      %dma_start3A_997 = arith.constant 32 : i32
      %dma_start3A_998 = tpu.memref_slice %arg21[%select_n3A_984, %sub3A_987, %dma_start3A_997] : memref<200x1024x416xf32, #tpu.memory_space<hbm>> -> memref<1x128x32xf32, #tpu.memory_space<hbm>>
      %dma_start3A_999 = tpu.memref_squeeze %dma_start3A_998 : memref<1x128x32xf32, #tpu.memory_space<hbm>> -> memref<128x32xf32, #tpu.memory_space<hbm>>
      tpu.enqueue_dma source(%arg39 : memref<128x32xf32, #tpu.memory_space<vmem>>) target(%dma_start3A_999 : memref<128x32xf32, #tpu.memory_space<hbm>>) target_semaphore(%arg66 : memref<!tpu.dma_semaphore, #tpu.memory_space<semaphore_mem>>)
      %dma_start3A_1000 = arith.constant 64 : i32
      %dma_start3A_1001 = tpu.memref_slice %arg21[%select_n3A_984, %sub3A_987, %dma_start3A_1000] : memref<200x1024x416xf32, #tpu.memory_space<hbm>> -> memref<1x128x32xf32, #tpu.memory_space<hbm>>
      %dma_start3A_1002 = tpu.memref_squeeze %dma_start3A_1001 : memref<1x128x32xf32, #tpu.memory_space<hbm>> -> memref<128x32xf32, #tpu.memory_space<hbm>>
      %dma_start3A_1003 = arith.constant 64 : i32
      %dma_start3A_1004 = tpu.memref_slice %arg21[%select_n3A_984, %sub3A_987, %dma_start3A_1003] : memref<200x1024x416xf32, #tpu.memory_space<hbm>> -> memref<1x128x32xf32, #tpu.memory_space<hbm>>
      %dma_start3A_1005 = tpu.memref_squeeze %dma_start3A_1004 : memref<1x128x32xf32, #tpu.memory_space<hbm>> -> memref<128x32xf32, #tpu.memory_space<hbm>>
      tpu.enqueue_dma source(%arg40 : memref<128x32xf32, #tpu.memory_space<vmem>>) target(%dma_start3A_1005 : memref<128x32xf32, #tpu.memory_space<hbm>>) target_semaphore(%arg66 : memref<!tpu.dma_semaphore, #tpu.memory_space<semaphore_mem>>)
      %dma_start3A_1006 = arith.constant 96 : i32
      %dma_start3A_1007 = tpu.memref_slice %arg21[%select_n3A_984, %sub3A_987, %dma_start3A_1006] : memref<200x1024x416xf32, #tpu.memory_space<hbm>> -> memref<1x128x32xf32, #tpu.memory_space<hbm>>
      %dma_start3A_1008 = tpu.memref_squeeze %dma_start3A_1007 : memref<1x128x32xf32, #tpu.memory_space<hbm>> -> memref<128x32xf32, #tpu.memory_space<hbm>>
      %dma_start3A_1009 = arith.constant 96 : i32
      %dma_start3A_1010 = tpu.memref_slice %arg21[%select_n3A_984, %sub3A_987, %dma_start3A_1009] : memref<200x1024x416xf32, #tpu.memory_space<hbm>> -> memref<1x128x32xf32, #tpu.memory_space<hbm>>
      %dma_start3A_1011 = tpu.memref_squeeze %dma_start3A_1010 : memref<1x128x32xf32, #tpu.memory_space<hbm>> -> memref<128x32xf32, #tpu.memory_space<hbm>>
      tpu.enqueue_dma source(%arg41 : memref<128x32xf32, #tpu.memory_space<vmem>>) target(%dma_start3A_1011 : memref<128x32xf32, #tpu.memory_space<hbm>>) target_semaphore(%arg66 : memref<!tpu.dma_semaphore, #tpu.memory_space<semaphore_mem>>)
      %dma_start3A_1012 = arith.constant 128 : i32
      %dma_start3A_1013 = tpu.memref_slice %arg21[%select_n3A_984, %sub3A_987, %dma_start3A_1012] : memref<200x1024x416xf32, #tpu.memory_space<hbm>> -> memref<1x128x32xf32, #tpu.memory_space<hbm>>
      %dma_start3A_1014 = tpu.memref_squeeze %dma_start3A_1013 : memref<1x128x32xf32, #tpu.memory_space<hbm>> -> memref<128x32xf32, #tpu.memory_space<hbm>>
      %dma_start3A_1015 = arith.constant 128 : i32
      %dma_start3A_1016 = tpu.memref_slice %arg21[%select_n3A_984, %sub3A_987, %dma_start3A_1015] : memref<200x1024x416xf32, #tpu.memory_space<hbm>> -> memref<1x128x32xf32, #tpu.memory_space<hbm>>
      %dma_start3A_1017 = tpu.memref_squeeze %dma_start3A_1016 : memref<1x128x32xf32, #tpu.memory_space<hbm>> -> memref<128x32xf32, #tpu.memory_space<hbm>>
      tpu.enqueue_dma source(%arg42 : memref<128x32xf32, #tpu.memory_space<vmem>>) target(%dma_start3A_1017 : memref<128x32xf32, #tpu.memory_space<hbm>>) target_semaphore(%arg66 : memref<!tpu.dma_semaphore, #tpu.memory_space<semaphore_mem>>)
      %dma_start3A_1018 = arith.constant 160 : i32
      %dma_start3A_1019 = tpu.memref_slice %arg21[%select_n3A_984, %sub3A_987, %dma_start3A_1018] : memref<200x1024x416xf32, #tpu.memory_space<hbm>> -> memref<1x128x32xf32, #tpu.memory_space<hbm>>
      %dma_start3A_1020 = tpu.memref_squeeze %dma_start3A_1019 : memref<1x128x32xf32, #tpu.memory_space<hbm>> -> memref<128x32xf32, #tpu.memory_space<hbm>>
      %dma_start3A_1021 = arith.constant 160 : i32
      %dma_start3A_1022 = tpu.memref_slice %arg21[%select_n3A_984, %sub3A_987, %dma_start3A_1021] : memref<200x1024x416xf32, #tpu.memory_space<hbm>> -> memref<1x128x32xf32, #tpu.memory_space<hbm>>
      %dma_start3A_1023 = tpu.memref_squeeze %dma_start3A_1022 : memref<1x128x32xf32, #tpu.memory_space<hbm>> -> memref<128x32xf32, #tpu.memory_space<hbm>>
      tpu.enqueue_dma source(%arg43 : memref<128x32xf32, #tpu.memory_space<vmem>>) target(%dma_start3A_1023 : memref<128x32xf32, #tpu.memory_space<hbm>>) target_semaphore(%arg66 : memref<!tpu.dma_semaphore, #tpu.memory_space<semaphore_mem>>)
      %dma_start3A_1024 = arith.constant 192 : i32
      %dma_start3A_1025 = tpu.memref_slice %arg21[%select_n3A_984, %sub3A_987, %dma_start3A_1024] : memref<200x1024x416xf32, #tpu.memory_space<hbm>> -> memref<1x128x32xf32, #tpu.memory_space<hbm>>
      %dma_start3A_1026 = tpu.memref_squeeze %dma_start3A_1025 : memref<1x128x32xf32, #tpu.memory_space<hbm>> -> memref<128x32xf32, #tpu.memory_space<hbm>>
      %dma_start3A_1027 = arith.constant 192 : i32
      %dma_start3A_1028 = tpu.memref_slice %arg21[%select_n3A_984, %sub3A_987, %dma_start3A_1027] : memref<200x1024x416xf32, #tpu.memory_space<hbm>> -> memref<1x128x32xf32, #tpu.memory_space<hbm>>
      %dma_start3A_1029 = tpu.memref_squeeze %dma_start3A_1028 : memref<1x128x32xf32, #tpu.memory_space<hbm>> -> memref<128x32xf32, #tpu.memory_space<hbm>>
      tpu.enqueue_dma source(%arg44 : memref<128x32xf32, #tpu.memory_space<vmem>>) target(%dma_start3A_1029 : memref<128x32xf32, #tpu.memory_space<hbm>>) target_semaphore(%arg66 : memref<!tpu.dma_semaphore, #tpu.memory_space<semaphore_mem>>)
      %dma_start3A_1030 = arith.constant 224 : i32
      %dma_start3A_1031 = tpu.memref_slice %arg21[%select_n3A_984, %sub3A_987, %dma_start3A_1030] : memref<200x1024x416xf32, #tpu.memory_space<hbm>> -> memref<1x128x32xf32, #tpu.memory_space<hbm>>
      %dma_start3A_1032 = tpu.memref_squeeze %dma_start3A_1031 : memref<1x128x32xf32, #tpu.memory_space<hbm>> -> memref<128x32xf32, #tpu.memory_space<hbm>>
      %dma_start3A_1033 = arith.constant 224 : i32
      %dma_start3A_1034 = tpu.memref_slice %arg21[%select_n3A_984, %sub3A_987, %dma_start3A_1033] : memref<200x1024x416xf32, #tpu.memory_space<hbm>> -> memref<1x128x32xf32, #tpu.memory_space<hbm>>
      %dma_start3A_1035 = tpu.memref_squeeze %dma_start3A_1034 : memref<1x128x32xf32, #tpu.memory_space<hbm>> -> memref<128x32xf32, #tpu.memory_space<hbm>>
      tpu.enqueue_dma source(%arg45 : memref<128x32xf32, #tpu.memory_space<vmem>>) target(%dma_start3A_1035 : memref<128x32xf32, #tpu.memory_space<hbm>>) target_semaphore(%arg66 : memref<!tpu.dma_semaphore, #tpu.memory_space<semaphore_mem>>)
      %dma_start3A_1036 = arith.constant 256 : i32
      %dma_start3A_1037 = tpu.memref_slice %arg21[%select_n3A_984, %sub3A_987, %dma_start3A_1036] : memref<200x1024x416xf32, #tpu.memory_space<hbm>> -> memref<1x128x160xf32, #tpu.memory_space<hbm>>
      %dma_start3A_1038 = tpu.memref_squeeze %dma_start3A_1037 : memref<1x128x160xf32, #tpu.memory_space<hbm>> -> memref<128x160xf32, #tpu.memory_space<hbm>>
      %dma_start3A_1039 = arith.constant 256 : i32
      %dma_start3A_1040 = tpu.memref_slice %arg21[%select_n3A_984, %sub3A_987, %dma_start3A_1039] : memref<200x1024x416xf32, #tpu.memory_space<hbm>> -> memref<1x128x160xf32, #tpu.memory_space<hbm>>
      %dma_start3A_1041 = tpu.memref_squeeze %dma_start3A_1040 : memref<1x128x160xf32, #tpu.memory_space<hbm>> -> memref<128x160xf32, #tpu.memory_space<hbm>>
      tpu.enqueue_dma source(%arg58 : memref<128x160xf32, #tpu.memory_space<vmem>>) target(%dma_start3A_1041 : memref<128x160xf32, #tpu.memory_space<hbm>>) target_semaphore(%arg66 : memref<!tpu.dma_semaphore, #tpu.memory_space<semaphore_mem>>)
      %lt3A = arith.constant 24 : i32
      %lt3A_1042 = arith.cmpi slt, %scan3A_473, %lt3A : i32
      %convert_element_type3A_1043 = arith.extui %lt3A_1042 : i1 to i32
      %cond3A_1044 = arith.constant 0 : i32
      %cond3A_1045 = arith.cmpi ne, %convert_element_type3A_1043, %cond3A_1044 : i32
      scf.if %cond3A_1045 {
        %mul3A_1625 = arith.constant 2 : i32
        %mul3A_1626 = arith.muli %mul3A_1625, %scan3A_473 : i32
        %add3A_1627 = arith.constant 2 : i32
        %add3A_1628 = arith.addi %mul3A_1626, %add3A_1627 : i32
        %mul3A_1629 = arith.constant 6400 : i32
        %mul3A_1630 = arith.muli %add3A, %mul3A_1629 : i32
        %mul3A_1631 = arith.constant 128 : i32
        %mul3A_1632 = arith.muli %add3A_1628, %mul3A_1631 : i32
        %add3A_1633 = arith.addi %mul3A_1630, %mul3A_1632 : i32
        %jit3A_1634 = arith.constant 1024 : i32
        %div3A_1635 = arith.divsi %add3A_1633, %jit3A_1634 : i32
        %sign3A_1636 = arith.constant 0 : i32
        %sign3A_1637 = arith.cmpi sgt, %add3A_1633, %sign3A_1636 : i32
        %sign3A_1638 = arith.extui %sign3A_1637 : i1 to i32
        %sign3A_1639 = arith.constant 0 : i32
        %sign3A_1640 = arith.cmpi slt, %add3A_1633, %sign3A_1639 : i32
        %sign3A_1641 = arith.extui %sign3A_1640 : i1 to i32
        %sign3A_1642 = arith.subi %sign3A_1638, %sign3A_1641 : i32
        %sign3A_1643 = arith.constant 0 : i32
        %sign3A_1644 = arith.cmpi sgt, %jit3A_1634, %sign3A_1643 : i32
        %sign3A_1645 = arith.extui %sign3A_1644 : i1 to i32
        %sign3A_1646 = arith.constant 0 : i32
        %sign3A_1647 = arith.cmpi slt, %jit3A_1634, %sign3A_1646 : i32
        %sign3A_1648 = arith.extui %sign3A_1647 : i1 to i32
        %sign3A_1649 = arith.subi %sign3A_1645, %sign3A_1648 : i32
        %ne3A_1650 = arith.cmpi ne, %sign3A_1642, %sign3A_1649 : i32
        %rem3A_1651 = arith.remsi %add3A_1633, %jit3A_1634 : i32
        %ne3A_1652 = arith.constant 0 : i32
        %ne3A_1653 = arith.cmpi ne, %rem3A_1651, %ne3A_1652 : i32
        %and3A_1654 = arith.andi %ne3A_1650, %ne3A_1653 : i1
        %sub3A_1655 = arith.constant 1 : i32
        %sub3A_1656 = arith.subi %div3A_1635, %sub3A_1655 : i32
        %select_n3A_1657 = arith.select %and3A_1654, %sub3A_1656, %div3A_1635 : i32
        %mul3A_1658 = arith.constant 1024 : i32
        %mul3A_1659 = arith.muli %select_n3A_1657, %mul3A_1658 : i32
        %sub3A_1660 = arith.subi %add3A_1633, %mul3A_1659 : i32
        %jit3A_1661 = arith.constant 8 : i32
        %div3A_1662 = arith.divsi %select_n3A_1657, %jit3A_1661 : i32
        %sign3A_1663 = arith.constant 0 : i32
        %sign3A_1664 = arith.cmpi sgt, %select_n3A_1657, %sign3A_1663 : i32
        %sign3A_1665 = arith.extui %sign3A_1664 : i1 to i32
        %sign3A_1666 = arith.constant 0 : i32
        %sign3A_1667 = arith.cmpi slt, %select_n3A_1657, %sign3A_1666 : i32
        %sign3A_1668 = arith.extui %sign3A_1667 : i1 to i32
        %sign3A_1669 = arith.subi %sign3A_1665, %sign3A_1668 : i32
        %sign3A_1670 = arith.constant 0 : i32
        %sign3A_1671 = arith.cmpi sgt, %jit3A_1661, %sign3A_1670 : i32
        %sign3A_1672 = arith.extui %sign3A_1671 : i1 to i32
        %sign3A_1673 = arith.constant 0 : i32
        %sign3A_1674 = arith.cmpi slt, %jit3A_1661, %sign3A_1673 : i32
        %sign3A_1675 = arith.extui %sign3A_1674 : i1 to i32
        %sign3A_1676 = arith.subi %sign3A_1672, %sign3A_1675 : i32
        %ne3A_1677 = arith.cmpi ne, %sign3A_1669, %sign3A_1676 : i32
        %rem3A_1678 = arith.remsi %select_n3A_1657, %jit3A_1661 : i32
        %ne3A_1679 = arith.constant 0 : i32
        %ne3A_1680 = arith.cmpi ne, %rem3A_1678, %ne3A_1679 : i32
        %and3A_1681 = arith.andi %ne3A_1677, %ne3A_1680 : i1
        %sub3A_1682 = arith.constant 1 : i32
        %sub3A_1683 = arith.subi %div3A_1662, %sub3A_1682 : i32
        %select_n3A_1684 = arith.select %and3A_1681, %sub3A_1683, %div3A_1662 : i32
        %mul3A_1685 = arith.constant 8 : i32
        %mul3A_1686 = arith.muli %select_n3A_1684, %mul3A_1685 : i32
        %sub3A_1687 = arith.subi %select_n3A_1657, %mul3A_1686 : i32
        %jit3A_1688 = arith.constant 128 : i32
        %div3A_1689 = arith.divsi %sub3A_1660, %jit3A_1688 : i32
        %sign3A_1690 = arith.constant 0 : i32
        %sign3A_1691 = arith.cmpi sgt, %sub3A_1660, %sign3A_1690 : i32
        %sign3A_1692 = arith.extui %sign3A_1691 : i1 to i32
        %sign3A_1693 = arith.constant 0 : i32
        %sign3A_1694 = arith.cmpi slt, %sub3A_1660, %sign3A_1693 : i32
        %sign3A_1695 = arith.extui %sign3A_1694 : i1 to i32
        %sign3A_1696 = arith.subi %sign3A_1692, %sign3A_1695 : i32
        %sign3A_1697 = arith.constant 0 : i32
        %sign3A_1698 = arith.cmpi sgt, %jit3A_1688, %sign3A_1697 : i32
        %sign3A_1699 = arith.extui %sign3A_1698 : i1 to i32
        %sign3A_1700 = arith.constant 0 : i32
        %sign3A_1701 = arith.cmpi slt, %jit3A_1688, %sign3A_1700 : i32
        %sign3A_1702 = arith.extui %sign3A_1701 : i1 to i32
        %sign3A_1703 = arith.subi %sign3A_1699, %sign3A_1702 : i32
        %ne3A_1704 = arith.cmpi ne, %sign3A_1696, %sign3A_1703 : i32
        %rem3A_1705 = arith.remsi %sub3A_1660, %jit3A_1688 : i32
        %ne3A_1706 = arith.constant 0 : i32
        %ne3A_1707 = arith.cmpi ne, %rem3A_1705, %ne3A_1706 : i32
        %and3A_1708 = arith.andi %ne3A_1704, %ne3A_1707 : i1
        %sub3A_1709 = arith.constant 1 : i32
        %sub3A_1710 = arith.subi %div3A_1689, %sub3A_1709 : i32
        %select_n3A_1711 = arith.select %and3A_1708, %sub3A_1710, %div3A_1689 : i32
        %dma_start3A_1712 = arith.constant 0 : i32
        %dma_start3A_1713 = tpu.memref_slice %arg2[%select_n3A_1684, %select_n3A_1711, %sub3A_1687, %dma_start3A_1712] : memref<25x8x8x128xi32, #tpu.memory_space<hbm>> -> memref<1x1x1x128xi32, #tpu.memory_space<hbm>>
        %dma_start3A_1714 = tpu.memref_squeeze %dma_start3A_1713 : memref<1x1x1x128xi32, #tpu.memory_space<hbm>> -> memref<128xi32, #tpu.memory_space<hbm>>
        %dma_start3A_1715 = arith.constant 0 : i32
        %dma_start3A_1716 = tpu.memref_slice %arg2[%select_n3A_1684, %select_n3A_1711, %sub3A_1687, %dma_start3A_1715] : memref<25x8x8x128xi32, #tpu.memory_space<hbm>> -> memref<1x1x1x128xi32, #tpu.memory_space<hbm>>
        %dma_start3A_1717 = tpu.memref_squeeze %dma_start3A_1716 : memref<1x1x1x128xi32, #tpu.memory_space<hbm>> -> memref<128xi32, #tpu.memory_space<hbm>>
        tpu.enqueue_dma source(%dma_start3A_1717 : memref<128xi32, #tpu.memory_space<hbm>>) target(%arg22 : memref<128xi32, #tpu.memory_space<vmem>>) target_semaphore(%arg62 : memref<!tpu.dma_semaphore, #tpu.memory_space<semaphore_mem>>)
        %dma_start3A_1718 = arith.constant 0 : i32
        %dma_start3A_1719 = tpu.memref_slice %arg3[%select_n3A_1684, %select_n3A_1711, %sub3A_1687, %dma_start3A_1718] : memref<25x8x8x128xi32, #tpu.memory_space<hbm>> -> memref<1x1x1x128xi32, #tpu.memory_space<hbm>>
        %dma_start3A_1720 = tpu.memref_squeeze %dma_start3A_1719 : memref<1x1x1x128xi32, #tpu.memory_space<hbm>> -> memref<128xi32, #tpu.memory_space<hbm>>
        %dma_start3A_1721 = arith.constant 0 : i32
        %dma_start3A_1722 = tpu.memref_slice %arg3[%select_n3A_1684, %select_n3A_1711, %sub3A_1687, %dma_start3A_1721] : memref<25x8x8x128xi32, #tpu.memory_space<hbm>> -> memref<1x1x1x128xi32, #tpu.memory_space<hbm>>
        %dma_start3A_1723 = tpu.memref_squeeze %dma_start3A_1722 : memref<1x1x1x128xi32, #tpu.memory_space<hbm>> -> memref<128xi32, #tpu.memory_space<hbm>>
        tpu.enqueue_dma source(%dma_start3A_1723 : memref<128xi32, #tpu.memory_space<hbm>>) target(%arg23 : memref<128xi32, #tpu.memory_space<vmem>>) target_semaphore(%arg62 : memref<!tpu.dma_semaphore, #tpu.memory_space<semaphore_mem>>)
        %dma_start3A_1724 = arith.constant 0 : i32
        %dma_start3A_1725 = tpu.memref_slice %arg4[%select_n3A_1684, %select_n3A_1711, %sub3A_1687, %dma_start3A_1724] : memref<25x8x8x128xi32, #tpu.memory_space<hbm>> -> memref<1x1x1x128xi32, #tpu.memory_space<hbm>>
        %dma_start3A_1726 = tpu.memref_squeeze %dma_start3A_1725 : memref<1x1x1x128xi32, #tpu.memory_space<hbm>> -> memref<128xi32, #tpu.memory_space<hbm>>
        %dma_start3A_1727 = arith.constant 0 : i32
        %dma_start3A_1728 = tpu.memref_slice %arg4[%select_n3A_1684, %select_n3A_1711, %sub3A_1687, %dma_start3A_1727] : memref<25x8x8x128xi32, #tpu.memory_space<hbm>> -> memref<1x1x1x128xi32, #tpu.memory_space<hbm>>
        %dma_start3A_1729 = tpu.memref_squeeze %dma_start3A_1728 : memref<1x1x1x128xi32, #tpu.memory_space<hbm>> -> memref<128xi32, #tpu.memory_space<hbm>>
        tpu.enqueue_dma source(%dma_start3A_1729 : memref<128xi32, #tpu.memory_space<hbm>>) target(%arg24 : memref<128xi32, #tpu.memory_space<vmem>>) target_semaphore(%arg62 : memref<!tpu.dma_semaphore, #tpu.memory_space<semaphore_mem>>)
        %dma_start3A_1730 = arith.constant 0 : i32
        %dma_start3A_1731 = tpu.memref_slice %arg5[%select_n3A_1684, %select_n3A_1711, %sub3A_1687, %dma_start3A_1730] : memref<25x8x8x128xi32, #tpu.memory_space<hbm>> -> memref<1x1x1x128xi32, #tpu.memory_space<hbm>>
        %dma_start3A_1732 = tpu.memref_squeeze %dma_start3A_1731 : memref<1x1x1x128xi32, #tpu.memory_space<hbm>> -> memref<128xi32, #tpu.memory_space<hbm>>
        %dma_start3A_1733 = arith.constant 0 : i32
        %dma_start3A_1734 = tpu.memref_slice %arg5[%select_n3A_1684, %select_n3A_1711, %sub3A_1687, %dma_start3A_1733] : memref<25x8x8x128xi32, #tpu.memory_space<hbm>> -> memref<1x1x1x128xi32, #tpu.memory_space<hbm>>
        %dma_start3A_1735 = tpu.memref_squeeze %dma_start3A_1734 : memref<1x1x1x128xi32, #tpu.memory_space<hbm>> -> memref<128xi32, #tpu.memory_space<hbm>>
        tpu.enqueue_dma source(%dma_start3A_1735 : memref<128xi32, #tpu.memory_space<hbm>>) target(%arg25 : memref<128xi32, #tpu.memory_space<vmem>>) target_semaphore(%arg62 : memref<!tpu.dma_semaphore, #tpu.memory_space<semaphore_mem>>)
        %dma_start3A_1736 = arith.constant 0 : i32
        %dma_start3A_1737 = tpu.memref_slice %arg6[%select_n3A_1684, %select_n3A_1711, %sub3A_1687, %dma_start3A_1736] : memref<25x8x8x128xi32, #tpu.memory_space<hbm>> -> memref<1x1x1x128xi32, #tpu.memory_space<hbm>>
        %dma_start3A_1738 = tpu.memref_squeeze %dma_start3A_1737 : memref<1x1x1x128xi32, #tpu.memory_space<hbm>> -> memref<128xi32, #tpu.memory_space<hbm>>
        %dma_start3A_1739 = arith.constant 0 : i32
        %dma_start3A_1740 = tpu.memref_slice %arg6[%select_n3A_1684, %select_n3A_1711, %sub3A_1687, %dma_start3A_1739] : memref<25x8x8x128xi32, #tpu.memory_space<hbm>> -> memref<1x1x1x128xi32, #tpu.memory_space<hbm>>
        %dma_start3A_1741 = tpu.memref_squeeze %dma_start3A_1740 : memref<1x1x1x128xi32, #tpu.memory_space<hbm>> -> memref<128xi32, #tpu.memory_space<hbm>>
        tpu.enqueue_dma source(%dma_start3A_1741 : memref<128xi32, #tpu.memory_space<hbm>>) target(%arg26 : memref<128xi32, #tpu.memory_space<vmem>>) target_semaphore(%arg62 : memref<!tpu.dma_semaphore, #tpu.memory_space<semaphore_mem>>)
        %dma_start3A_1742 = arith.constant 0 : i32
        %dma_start3A_1743 = tpu.memref_slice %arg7[%select_n3A_1684, %select_n3A_1711, %sub3A_1687, %dma_start3A_1742] : memref<25x8x8x128xi32, #tpu.memory_space<hbm>> -> memref<1x1x1x128xi32, #tpu.memory_space<hbm>>
        %dma_start3A_1744 = tpu.memref_squeeze %dma_start3A_1743 : memref<1x1x1x128xi32, #tpu.memory_space<hbm>> -> memref<128xi32, #tpu.memory_space<hbm>>
        %dma_start3A_1745 = arith.constant 0 : i32
        %dma_start3A_1746 = tpu.memref_slice %arg7[%select_n3A_1684, %select_n3A_1711, %sub3A_1687, %dma_start3A_1745] : memref<25x8x8x128xi32, #tpu.memory_space<hbm>> -> memref<1x1x1x128xi32, #tpu.memory_space<hbm>>
        %dma_start3A_1747 = tpu.memref_squeeze %dma_start3A_1746 : memref<1x1x1x128xi32, #tpu.memory_space<hbm>> -> memref<128xi32, #tpu.memory_space<hbm>>
        tpu.enqueue_dma source(%dma_start3A_1747 : memref<128xi32, #tpu.memory_space<hbm>>) target(%arg27 : memref<128xi32, #tpu.memory_space<vmem>>) target_semaphore(%arg62 : memref<!tpu.dma_semaphore, #tpu.memory_space<semaphore_mem>>)
        %dma_start3A_1748 = arith.constant 0 : i32
        %dma_start3A_1749 = tpu.memref_slice %arg8[%select_n3A_1684, %select_n3A_1711, %sub3A_1687, %dma_start3A_1748] : memref<25x8x8x128xi32, #tpu.memory_space<hbm>> -> memref<1x1x1x128xi32, #tpu.memory_space<hbm>>
        %dma_start3A_1750 = tpu.memref_squeeze %dma_start3A_1749 : memref<1x1x1x128xi32, #tpu.memory_space<hbm>> -> memref<128xi32, #tpu.memory_space<hbm>>
        %dma_start3A_1751 = arith.constant 0 : i32
        %dma_start3A_1752 = tpu.memref_slice %arg8[%select_n3A_1684, %select_n3A_1711, %sub3A_1687, %dma_start3A_1751] : memref<25x8x8x128xi32, #tpu.memory_space<hbm>> -> memref<1x1x1x128xi32, #tpu.memory_space<hbm>>
        %dma_start3A_1753 = tpu.memref_squeeze %dma_start3A_1752 : memref<1x1x1x128xi32, #tpu.memory_space<hbm>> -> memref<128xi32, #tpu.memory_space<hbm>>
        tpu.enqueue_dma source(%dma_start3A_1753 : memref<128xi32, #tpu.memory_space<hbm>>) target(%arg28 : memref<128xi32, #tpu.memory_space<vmem>>) target_semaphore(%arg62 : memref<!tpu.dma_semaphore, #tpu.memory_space<semaphore_mem>>)
        %dma_start3A_1754 = arith.constant 0 : i32
        %dma_start3A_1755 = tpu.memref_slice %arg9[%select_n3A_1684, %select_n3A_1711, %sub3A_1687, %dma_start3A_1754] : memref<25x8x8x128xi32, #tpu.memory_space<hbm>> -> memref<1x1x1x128xi32, #tpu.memory_space<hbm>>
        %dma_start3A_1756 = tpu.memref_squeeze %dma_start3A_1755 : memref<1x1x1x128xi32, #tpu.memory_space<hbm>> -> memref<128xi32, #tpu.memory_space<hbm>>
        %dma_start3A_1757 = arith.constant 0 : i32
        %dma_start3A_1758 = tpu.memref_slice %arg9[%select_n3A_1684, %select_n3A_1711, %sub3A_1687, %dma_start3A_1757] : memref<25x8x8x128xi32, #tpu.memory_space<hbm>> -> memref<1x1x1x128xi32, #tpu.memory_space<hbm>>
        %dma_start3A_1759 = tpu.memref_squeeze %dma_start3A_1758 : memref<1x1x1x128xi32, #tpu.memory_space<hbm>> -> memref<128xi32, #tpu.memory_space<hbm>>
        tpu.enqueue_dma source(%dma_start3A_1759 : memref<128xi32, #tpu.memory_space<hbm>>) target(%arg29 : memref<128xi32, #tpu.memory_space<vmem>>) target_semaphore(%arg62 : memref<!tpu.dma_semaphore, #tpu.memory_space<semaphore_mem>>)
        %dma_start3A_1760 = arith.constant 0 : i32
        %dma_start3A_1761 = tpu.memref_slice %arg10[%dma_start3A_1760, %add3A_1633] : memref<5x204800xf32, #tpu.memory_space<hbm>> -> memref<5x128xf32, #tpu.memory_space<hbm>>
        %dma_start3A_1762 = arith.constant 0 : i32
        %dma_start3A_1763 = tpu.memref_slice %arg10[%dma_start3A_1762, %add3A_1633] : memref<5x204800xf32, #tpu.memory_space<hbm>> -> memref<5x128xf32, #tpu.memory_space<hbm>>
        tpu.enqueue_dma source(%dma_start3A_1763 : memref<5x128xf32, #tpu.memory_space<hbm>>) target(%arg54 : memref<5x128xf32, #tpu.memory_space<vmem>>) target_semaphore(%arg62 : memref<!tpu.dma_semaphore, #tpu.memory_space<semaphore_mem>>)
      } else {
      }
      %mul3A_1046 = arith.constant 2 : i32
      %mul3A_1047 = arith.muli %mul3A_1046, %scan3A_473 : i32
      %add3A_1048 = arith.constant 1 : i32
      %add3A_1049 = arith.addi %mul3A_1047, %add3A_1048 : i32
      %mul3A_1050 = arith.constant 6400 : i32
      %mul3A_1051 = arith.muli %add3A, %mul3A_1050 : i32
      %mul3A_1052 = arith.constant 128 : i32
      %mul3A_1053 = arith.muli %add3A_1049, %mul3A_1052 : i32
      %add3A_1054 = arith.addi %mul3A_1051, %mul3A_1053 : i32
      %jit3A_1055 = arith.constant 1024 : i32
      %div3A_1056 = arith.divsi %add3A_1054, %jit3A_1055 : i32
      %sign3A_1057 = arith.constant 0 : i32
      %sign3A_1058 = arith.cmpi sgt, %add3A_1054, %sign3A_1057 : i32
      %sign3A_1059 = arith.extui %sign3A_1058 : i1 to i32
      %sign3A_1060 = arith.constant 0 : i32
      %sign3A_1061 = arith.cmpi slt, %add3A_1054, %sign3A_1060 : i32
      %sign3A_1062 = arith.extui %sign3A_1061 : i1 to i32
      %sign3A_1063 = arith.subi %sign3A_1059, %sign3A_1062 : i32
      %sign3A_1064 = arith.constant 0 : i32
      %sign3A_1065 = arith.cmpi sgt, %jit3A_1055, %sign3A_1064 : i32
      %sign3A_1066 = arith.extui %sign3A_1065 : i1 to i32
      %sign3A_1067 = arith.constant 0 : i32
      %sign3A_1068 = arith.cmpi slt, %jit3A_1055, %sign3A_1067 : i32
      %sign3A_1069 = arith.extui %sign3A_1068 : i1 to i32
      %sign3A_1070 = arith.subi %sign3A_1066, %sign3A_1069 : i32
      %ne3A_1071 = arith.cmpi ne, %sign3A_1063, %sign3A_1070 : i32
      %rem3A_1072 = arith.remsi %add3A_1054, %jit3A_1055 : i32
      %ne3A_1073 = arith.constant 0 : i32
      %ne3A_1074 = arith.cmpi ne, %rem3A_1072, %ne3A_1073 : i32
      %and3A_1075 = arith.andi %ne3A_1071, %ne3A_1074 : i1
      %sub3A_1076 = arith.constant 1 : i32
      %sub3A_1077 = arith.subi %div3A_1056, %sub3A_1076 : i32
      %select_n3A_1078 = arith.select %and3A_1075, %sub3A_1077, %div3A_1056 : i32
      %mul3A_1079 = arith.constant 1024 : i32
      %mul3A_1080 = arith.muli %select_n3A_1078, %mul3A_1079 : i32
      %sub3A_1081 = arith.subi %add3A_1054, %mul3A_1080 : i32
      %jit3A_1082 = arith.constant 8 : i32
      %div3A_1083 = arith.divsi %select_n3A_1078, %jit3A_1082 : i32
      %sign3A_1084 = arith.constant 0 : i32
      %sign3A_1085 = arith.cmpi sgt, %select_n3A_1078, %sign3A_1084 : i32
      %sign3A_1086 = arith.extui %sign3A_1085 : i1 to i32
      %sign3A_1087 = arith.constant 0 : i32
      %sign3A_1088 = arith.cmpi slt, %select_n3A_1078, %sign3A_1087 : i32
      %sign3A_1089 = arith.extui %sign3A_1088 : i1 to i32
      %sign3A_1090 = arith.subi %sign3A_1086, %sign3A_1089 : i32
      %sign3A_1091 = arith.constant 0 : i32
      %sign3A_1092 = arith.cmpi sgt, %jit3A_1082, %sign3A_1091 : i32
      %sign3A_1093 = arith.extui %sign3A_1092 : i1 to i32
      %sign3A_1094 = arith.constant 0 : i32
      %sign3A_1095 = arith.cmpi slt, %jit3A_1082, %sign3A_1094 : i32
      %sign3A_1096 = arith.extui %sign3A_1095 : i1 to i32
      %sign3A_1097 = arith.subi %sign3A_1093, %sign3A_1096 : i32
      %ne3A_1098 = arith.cmpi ne, %sign3A_1090, %sign3A_1097 : i32
      %rem3A_1099 = arith.remsi %select_n3A_1078, %jit3A_1082 : i32
      %ne3A_1100 = arith.constant 0 : i32
      %ne3A_1101 = arith.cmpi ne, %rem3A_1099, %ne3A_1100 : i32
      %and3A_1102 = arith.andi %ne3A_1098, %ne3A_1101 : i1
      %sub3A_1103 = arith.constant 1 : i32
      %sub3A_1104 = arith.subi %div3A_1083, %sub3A_1103 : i32
      %select_n3A_1105 = arith.select %and3A_1102, %sub3A_1104, %div3A_1083 : i32
      %mul3A_1106 = arith.constant 8 : i32
      %mul3A_1107 = arith.muli %select_n3A_1105, %mul3A_1106 : i32
      %sub3A_1108 = arith.subi %select_n3A_1078, %mul3A_1107 : i32
      %jit3A_1109 = arith.constant 128 : i32
      %div3A_1110 = arith.divsi %sub3A_1081, %jit3A_1109 : i32
      %sign3A_1111 = arith.constant 0 : i32
      %sign3A_1112 = arith.cmpi sgt, %sub3A_1081, %sign3A_1111 : i32
      %sign3A_1113 = arith.extui %sign3A_1112 : i1 to i32
      %sign3A_1114 = arith.constant 0 : i32
      %sign3A_1115 = arith.cmpi slt, %sub3A_1081, %sign3A_1114 : i32
      %sign3A_1116 = arith.extui %sign3A_1115 : i1 to i32
      %sign3A_1117 = arith.subi %sign3A_1113, %sign3A_1116 : i32
      %sign3A_1118 = arith.constant 0 : i32
      %sign3A_1119 = arith.cmpi sgt, %jit3A_1109, %sign3A_1118 : i32
      %sign3A_1120 = arith.extui %sign3A_1119 : i1 to i32
      %sign3A_1121 = arith.constant 0 : i32
      %sign3A_1122 = arith.cmpi slt, %jit3A_1109, %sign3A_1121 : i32
      %sign3A_1123 = arith.extui %sign3A_1122 : i1 to i32
      %sign3A_1124 = arith.subi %sign3A_1120, %sign3A_1123 : i32
      %ne3A_1125 = arith.cmpi ne, %sign3A_1117, %sign3A_1124 : i32
      %rem3A_1126 = arith.remsi %sub3A_1081, %jit3A_1109 : i32
      %ne3A_1127 = arith.constant 0 : i32
      %ne3A_1128 = arith.cmpi ne, %rem3A_1126, %ne3A_1127 : i32
      %and3A_1129 = arith.andi %ne3A_1125, %ne3A_1128 : i1
      %sub3A_1130 = arith.constant 1 : i32
      %sub3A_1131 = arith.subi %div3A_1110, %sub3A_1130 : i32
      %select_n3A_1132 = arith.select %and3A_1129, %sub3A_1131, %div3A_1110 : i32
      %dma_wait3A_1133 = arith.constant 0 : i32
      %dma_wait3A_1134 = tpu.memref_slice %arg2[%select_n3A_1105, %select_n3A_1132, %sub3A_1108, %dma_wait3A_1133] : memref<25x8x8x128xi32, #tpu.memory_space<hbm>> -> memref<1x1x1x128xi32, #tpu.memory_space<hbm>>
      %dma_wait3A_1135 = tpu.memref_squeeze %dma_wait3A_1134 : memref<1x1x1x128xi32, #tpu.memory_space<hbm>> -> memref<128xi32, #tpu.memory_space<hbm>>
      %dma_wait3A_1136 = arith.constant 0 : i32
      %dma_wait3A_1137 = tpu.memref_slice %arg2[%select_n3A_1105, %select_n3A_1132, %sub3A_1108, %dma_wait3A_1136] : memref<25x8x8x128xi32, #tpu.memory_space<hbm>> -> memref<1x1x1x128xi32, #tpu.memory_space<hbm>>
      %dma_wait3A_1138 = tpu.memref_squeeze %dma_wait3A_1137 : memref<1x1x1x128xi32, #tpu.memory_space<hbm>> -> memref<128xi32, #tpu.memory_space<hbm>>
      tpu.wait_dma2 semaphore(%arg63 : memref<!tpu.dma_semaphore, #tpu.memory_space<semaphore_mem>>) src(%dma_wait3A_1138 : memref<128xi32, #tpu.memory_space<hbm>>) dst(%arg30 : memref<128xi32, #tpu.memory_space<vmem>>)
      %dma_wait3A_1139 = arith.constant 0 : i32
      %dma_wait3A_1140 = tpu.memref_slice %arg3[%select_n3A_1105, %select_n3A_1132, %sub3A_1108, %dma_wait3A_1139] : memref<25x8x8x128xi32, #tpu.memory_space<hbm>> -> memref<1x1x1x128xi32, #tpu.memory_space<hbm>>
      %dma_wait3A_1141 = tpu.memref_squeeze %dma_wait3A_1140 : memref<1x1x1x128xi32, #tpu.memory_space<hbm>> -> memref<128xi32, #tpu.memory_space<hbm>>
      %dma_wait3A_1142 = arith.constant 0 : i32
      %dma_wait3A_1143 = tpu.memref_slice %arg3[%select_n3A_1105, %select_n3A_1132, %sub3A_1108, %dma_wait3A_1142] : memref<25x8x8x128xi32, #tpu.memory_space<hbm>> -> memref<1x1x1x128xi32, #tpu.memory_space<hbm>>
      %dma_wait3A_1144 = tpu.memref_squeeze %dma_wait3A_1143 : memref<1x1x1x128xi32, #tpu.memory_space<hbm>> -> memref<128xi32, #tpu.memory_space<hbm>>
      tpu.wait_dma2 semaphore(%arg63 : memref<!tpu.dma_semaphore, #tpu.memory_space<semaphore_mem>>) src(%dma_wait3A_1144 : memref<128xi32, #tpu.memory_space<hbm>>) dst(%arg31 : memref<128xi32, #tpu.memory_space<vmem>>)
      %dma_wait3A_1145 = arith.constant 0 : i32
      %dma_wait3A_1146 = tpu.memref_slice %arg4[%select_n3A_1105, %select_n3A_1132, %sub3A_1108, %dma_wait3A_1145] : memref<25x8x8x128xi32, #tpu.memory_space<hbm>> -> memref<1x1x1x128xi32, #tpu.memory_space<hbm>>
      %dma_wait3A_1147 = tpu.memref_squeeze %dma_wait3A_1146 : memref<1x1x1x128xi32, #tpu.memory_space<hbm>> -> memref<128xi32, #tpu.memory_space<hbm>>
      %dma_wait3A_1148 = arith.constant 0 : i32
      %dma_wait3A_1149 = tpu.memref_slice %arg4[%select_n3A_1105, %select_n3A_1132, %sub3A_1108, %dma_wait3A_1148] : memref<25x8x8x128xi32, #tpu.memory_space<hbm>> -> memref<1x1x1x128xi32, #tpu.memory_space<hbm>>
      %dma_wait3A_1150 = tpu.memref_squeeze %dma_wait3A_1149 : memref<1x1x1x128xi32, #tpu.memory_space<hbm>> -> memref<128xi32, #tpu.memory_space<hbm>>
      tpu.wait_dma2 semaphore(%arg63 : memref<!tpu.dma_semaphore, #tpu.memory_space<semaphore_mem>>) src(%dma_wait3A_1150 : memref<128xi32, #tpu.memory_space<hbm>>) dst(%arg32 : memref<128xi32, #tpu.memory_space<vmem>>)
      %dma_wait3A_1151 = arith.constant 0 : i32
      %dma_wait3A_1152 = tpu.memref_slice %arg5[%select_n3A_1105, %select_n3A_1132, %sub3A_1108, %dma_wait3A_1151] : memref<25x8x8x128xi32, #tpu.memory_space<hbm>> -> memref<1x1x1x128xi32, #tpu.memory_space<hbm>>
      %dma_wait3A_1153 = tpu.memref_squeeze %dma_wait3A_1152 : memref<1x1x1x128xi32, #tpu.memory_space<hbm>> -> memref<128xi32, #tpu.memory_space<hbm>>
      %dma_wait3A_1154 = arith.constant 0 : i32
      %dma_wait3A_1155 = tpu.memref_slice %arg5[%select_n3A_1105, %select_n3A_1132, %sub3A_1108, %dma_wait3A_1154] : memref<25x8x8x128xi32, #tpu.memory_space<hbm>> -> memref<1x1x1x128xi32, #tpu.memory_space<hbm>>
      %dma_wait3A_1156 = tpu.memref_squeeze %dma_wait3A_1155 : memref<1x1x1x128xi32, #tpu.memory_space<hbm>> -> memref<128xi32, #tpu.memory_space<hbm>>
      tpu.wait_dma2 semaphore(%arg63 : memref<!tpu.dma_semaphore, #tpu.memory_space<semaphore_mem>>) src(%dma_wait3A_1156 : memref<128xi32, #tpu.memory_space<hbm>>) dst(%arg33 : memref<128xi32, #tpu.memory_space<vmem>>)
      %dma_wait3A_1157 = arith.constant 0 : i32
      %dma_wait3A_1158 = tpu.memref_slice %arg6[%select_n3A_1105, %select_n3A_1132, %sub3A_1108, %dma_wait3A_1157] : memref<25x8x8x128xi32, #tpu.memory_space<hbm>> -> memref<1x1x1x128xi32, #tpu.memory_space<hbm>>
      %dma_wait3A_1159 = tpu.memref_squeeze %dma_wait3A_1158 : memref<1x1x1x128xi32, #tpu.memory_space<hbm>> -> memref<128xi32, #tpu.memory_space<hbm>>
      %dma_wait3A_1160 = arith.constant 0 : i32
      %dma_wait3A_1161 = tpu.memref_slice %arg6[%select_n3A_1105, %select_n3A_1132, %sub3A_1108, %dma_wait3A_1160] : memref<25x8x8x128xi32, #tpu.memory_space<hbm>> -> memref<1x1x1x128xi32, #tpu.memory_space<hbm>>
      %dma_wait3A_1162 = tpu.memref_squeeze %dma_wait3A_1161 : memref<1x1x1x128xi32, #tpu.memory_space<hbm>> -> memref<128xi32, #tpu.memory_space<hbm>>
      tpu.wait_dma2 semaphore(%arg63 : memref<!tpu.dma_semaphore, #tpu.memory_space<semaphore_mem>>) src(%dma_wait3A_1162 : memref<128xi32, #tpu.memory_space<hbm>>) dst(%arg34 : memref<128xi32, #tpu.memory_space<vmem>>)
      %dma_wait3A_1163 = arith.constant 0 : i32
      %dma_wait3A_1164 = tpu.memref_slice %arg7[%select_n3A_1105, %select_n3A_1132, %sub3A_1108, %dma_wait3A_1163] : memref<25x8x8x128xi32, #tpu.memory_space<hbm>> -> memref<1x1x1x128xi32, #tpu.memory_space<hbm>>
      %dma_wait3A_1165 = tpu.memref_squeeze %dma_wait3A_1164 : memref<1x1x1x128xi32, #tpu.memory_space<hbm>> -> memref<128xi32, #tpu.memory_space<hbm>>
      %dma_wait3A_1166 = arith.constant 0 : i32
      %dma_wait3A_1167 = tpu.memref_slice %arg7[%select_n3A_1105, %select_n3A_1132, %sub3A_1108, %dma_wait3A_1166] : memref<25x8x8x128xi32, #tpu.memory_space<hbm>> -> memref<1x1x1x128xi32, #tpu.memory_space<hbm>>
      %dma_wait3A_1168 = tpu.memref_squeeze %dma_wait3A_1167 : memref<1x1x1x128xi32, #tpu.memory_space<hbm>> -> memref<128xi32, #tpu.memory_space<hbm>>
      tpu.wait_dma2 semaphore(%arg63 : memref<!tpu.dma_semaphore, #tpu.memory_space<semaphore_mem>>) src(%dma_wait3A_1168 : memref<128xi32, #tpu.memory_space<hbm>>) dst(%arg35 : memref<128xi32, #tpu.memory_space<vmem>>)
      %dma_wait3A_1169 = arith.constant 0 : i32
      %dma_wait3A_1170 = tpu.memref_slice %arg8[%select_n3A_1105, %select_n3A_1132, %sub3A_1108, %dma_wait3A_1169] : memref<25x8x8x128xi32, #tpu.memory_space<hbm>> -> memref<1x1x1x128xi32, #tpu.memory_space<hbm>>
      %dma_wait3A_1171 = tpu.memref_squeeze %dma_wait3A_1170 : memref<1x1x1x128xi32, #tpu.memory_space<hbm>> -> memref<128xi32, #tpu.memory_space<hbm>>
      %dma_wait3A_1172 = arith.constant 0 : i32
      %dma_wait3A_1173 = tpu.memref_slice %arg8[%select_n3A_1105, %select_n3A_1132, %sub3A_1108, %dma_wait3A_1172] : memref<25x8x8x128xi32, #tpu.memory_space<hbm>> -> memref<1x1x1x128xi32, #tpu.memory_space<hbm>>
      %dma_wait3A_1174 = tpu.memref_squeeze %dma_wait3A_1173 : memref<1x1x1x128xi32, #tpu.memory_space<hbm>> -> memref<128xi32, #tpu.memory_space<hbm>>
      tpu.wait_dma2 semaphore(%arg63 : memref<!tpu.dma_semaphore, #tpu.memory_space<semaphore_mem>>) src(%dma_wait3A_1174 : memref<128xi32, #tpu.memory_space<hbm>>) dst(%arg36 : memref<128xi32, #tpu.memory_space<vmem>>)
      %dma_wait3A_1175 = arith.constant 0 : i32
      %dma_wait3A_1176 = tpu.memref_slice %arg9[%select_n3A_1105, %select_n3A_1132, %sub3A_1108, %dma_wait3A_1175] : memref<25x8x8x128xi32, #tpu.memory_space<hbm>> -> memref<1x1x1x128xi32, #tpu.memory_space<hbm>>
      %dma_wait3A_1177 = tpu.memref_squeeze %dma_wait3A_1176 : memref<1x1x1x128xi32, #tpu.memory_space<hbm>> -> memref<128xi32, #tpu.memory_space<hbm>>
      %dma_wait3A_1178 = arith.constant 0 : i32
      %dma_wait3A_1179 = tpu.memref_slice %arg9[%select_n3A_1105, %select_n3A_1132, %sub3A_1108, %dma_wait3A_1178] : memref<25x8x8x128xi32, #tpu.memory_space<hbm>> -> memref<1x1x1x128xi32, #tpu.memory_space<hbm>>
      %dma_wait3A_1180 = tpu.memref_squeeze %dma_wait3A_1179 : memref<1x1x1x128xi32, #tpu.memory_space<hbm>> -> memref<128xi32, #tpu.memory_space<hbm>>
      tpu.wait_dma2 semaphore(%arg63 : memref<!tpu.dma_semaphore, #tpu.memory_space<semaphore_mem>>) src(%dma_wait3A_1180 : memref<128xi32, #tpu.memory_space<hbm>>) dst(%arg37 : memref<128xi32, #tpu.memory_space<vmem>>)
      %dma_wait3A_1181 = arith.constant 0 : i32
      %dma_wait3A_1182 = tpu.memref_slice %arg10[%dma_wait3A_1181, %add3A_1054] : memref<5x204800xf32, #tpu.memory_space<hbm>> -> memref<5x128xf32, #tpu.memory_space<hbm>>
      %dma_wait3A_1183 = arith.constant 0 : i32
      %dma_wait3A_1184 = tpu.memref_slice %arg10[%dma_wait3A_1183, %add3A_1054] : memref<5x204800xf32, #tpu.memory_space<hbm>> -> memref<5x128xf32, #tpu.memory_space<hbm>>
      tpu.wait_dma2 semaphore(%arg63 : memref<!tpu.dma_semaphore, #tpu.memory_space<semaphore_mem>>) src(%dma_wait3A_1184 : memref<5x128xf32, #tpu.memory_space<hbm>>) dst(%arg55 : memref<5x128xf32, #tpu.memory_space<vmem>>)
      %ge3A_1185 = arith.constant 2 : i32
      %ge3A_1186 = arith.cmpi sge, %add3A_1049, %ge3A_1185 : i32
      %convert_element_type3A_1187 = arith.extui %ge3A_1186 : i1 to i32
      %cond3A_1188 = arith.constant 0 : i32
      %cond3A_1189 = arith.cmpi ne, %convert_element_type3A_1187, %cond3A_1188 : i32
      scf.if %cond3A_1189 {
        %mul3A_1625 = arith.constant 6400 : i32
        %mul3A_1626 = arith.muli %add3A, %mul3A_1625 : i32
        %mul3A_1627 = arith.constant 128 : i32
        %mul3A_1628 = arith.muli %add3A_1049, %mul3A_1627 : i32
        %add3A_1629 = arith.addi %mul3A_1626, %mul3A_1628 : i32
        %jit3A_1630 = arith.constant 1024 : i32
        %div3A_1631 = arith.divsi %add3A_1629, %jit3A_1630 : i32
        %sign3A_1632 = arith.constant 0 : i32
        %sign3A_1633 = arith.cmpi sgt, %add3A_1629, %sign3A_1632 : i32
        %sign3A_1634 = arith.extui %sign3A_1633 : i1 to i32
        %sign3A_1635 = arith.constant 0 : i32
        %sign3A_1636 = arith.cmpi slt, %add3A_1629, %sign3A_1635 : i32
        %sign3A_1637 = arith.extui %sign3A_1636 : i1 to i32
        %sign3A_1638 = arith.subi %sign3A_1634, %sign3A_1637 : i32
        %sign3A_1639 = arith.constant 0 : i32
        %sign3A_1640 = arith.cmpi sgt, %jit3A_1630, %sign3A_1639 : i32
        %sign3A_1641 = arith.extui %sign3A_1640 : i1 to i32
        %sign3A_1642 = arith.constant 0 : i32
        %sign3A_1643 = arith.cmpi slt, %jit3A_1630, %sign3A_1642 : i32
        %sign3A_1644 = arith.extui %sign3A_1643 : i1 to i32
        %sign3A_1645 = arith.subi %sign3A_1641, %sign3A_1644 : i32
        %ne3A_1646 = arith.cmpi ne, %sign3A_1638, %sign3A_1645 : i32
        %rem3A_1647 = arith.remsi %add3A_1629, %jit3A_1630 : i32
        %ne3A_1648 = arith.constant 0 : i32
        %ne3A_1649 = arith.cmpi ne, %rem3A_1647, %ne3A_1648 : i32
        %and3A_1650 = arith.andi %ne3A_1646, %ne3A_1649 : i1
        %sub3A_1651 = arith.constant 1 : i32
        %sub3A_1652 = arith.subi %div3A_1631, %sub3A_1651 : i32
        %select_n3A_1653 = arith.select %and3A_1650, %sub3A_1652, %div3A_1631 : i32
        %mul3A_1654 = arith.constant 1024 : i32
        %mul3A_1655 = arith.muli %select_n3A_1653, %mul3A_1654 : i32
        %sub3A_1656 = arith.subi %add3A_1629, %mul3A_1655 : i32
        %dma_wait3A_1657 = arith.constant 0 : i32
        %dma_wait3A_1658 = tpu.memref_slice %arg21[%select_n3A_1653, %sub3A_1656, %dma_wait3A_1657] : memref<200x1024x416xf32, #tpu.memory_space<hbm>> -> memref<1x128x32xf32, #tpu.memory_space<hbm>>
        %dma_wait3A_1659 = tpu.memref_squeeze %dma_wait3A_1658 : memref<1x128x32xf32, #tpu.memory_space<hbm>> -> memref<128x32xf32, #tpu.memory_space<hbm>>
        %dma_wait3A_1660 = arith.constant 0 : i32
        %dma_wait3A_1661 = tpu.memref_slice %arg21[%select_n3A_1653, %sub3A_1656, %dma_wait3A_1660] : memref<200x1024x416xf32, #tpu.memory_space<hbm>> -> memref<1x128x32xf32, #tpu.memory_space<hbm>>
        %dma_wait3A_1662 = tpu.memref_squeeze %dma_wait3A_1661 : memref<1x128x32xf32, #tpu.memory_space<hbm>> -> memref<128x32xf32, #tpu.memory_space<hbm>>
        tpu.wait_dma2 semaphore(%arg67 : memref<!tpu.dma_semaphore, #tpu.memory_space<semaphore_mem>>) src(%arg46 : memref<128x32xf32, #tpu.memory_space<vmem>>) dst(%dma_wait3A_1662 : memref<128x32xf32, #tpu.memory_space<hbm>>)
        %dma_wait3A_1663 = arith.constant 32 : i32
        %dma_wait3A_1664 = tpu.memref_slice %arg21[%select_n3A_1653, %sub3A_1656, %dma_wait3A_1663] : memref<200x1024x416xf32, #tpu.memory_space<hbm>> -> memref<1x128x32xf32, #tpu.memory_space<hbm>>
        %dma_wait3A_1665 = tpu.memref_squeeze %dma_wait3A_1664 : memref<1x128x32xf32, #tpu.memory_space<hbm>> -> memref<128x32xf32, #tpu.memory_space<hbm>>
        %dma_wait3A_1666 = arith.constant 32 : i32
        %dma_wait3A_1667 = tpu.memref_slice %arg21[%select_n3A_1653, %sub3A_1656, %dma_wait3A_1666] : memref<200x1024x416xf32, #tpu.memory_space<hbm>> -> memref<1x128x32xf32, #tpu.memory_space<hbm>>
        %dma_wait3A_1668 = tpu.memref_squeeze %dma_wait3A_1667 : memref<1x128x32xf32, #tpu.memory_space<hbm>> -> memref<128x32xf32, #tpu.memory_space<hbm>>
        tpu.wait_dma2 semaphore(%arg67 : memref<!tpu.dma_semaphore, #tpu.memory_space<semaphore_mem>>) src(%arg47 : memref<128x32xf32, #tpu.memory_space<vmem>>) dst(%dma_wait3A_1668 : memref<128x32xf32, #tpu.memory_space<hbm>>)
        %dma_wait3A_1669 = arith.constant 64 : i32
        %dma_wait3A_1670 = tpu.memref_slice %arg21[%select_n3A_1653, %sub3A_1656, %dma_wait3A_1669] : memref<200x1024x416xf32, #tpu.memory_space<hbm>> -> memref<1x128x32xf32, #tpu.memory_space<hbm>>
        %dma_wait3A_1671 = tpu.memref_squeeze %dma_wait3A_1670 : memref<1x128x32xf32, #tpu.memory_space<hbm>> -> memref<128x32xf32, #tpu.memory_space<hbm>>
        %dma_wait3A_1672 = arith.constant 64 : i32
        %dma_wait3A_1673 = tpu.memref_slice %arg21[%select_n3A_1653, %sub3A_1656, %dma_wait3A_1672] : memref<200x1024x416xf32, #tpu.memory_space<hbm>> -> memref<1x128x32xf32, #tpu.memory_space<hbm>>
        %dma_wait3A_1674 = tpu.memref_squeeze %dma_wait3A_1673 : memref<1x128x32xf32, #tpu.memory_space<hbm>> -> memref<128x32xf32, #tpu.memory_space<hbm>>
        tpu.wait_dma2 semaphore(%arg67 : memref<!tpu.dma_semaphore, #tpu.memory_space<semaphore_mem>>) src(%arg48 : memref<128x32xf32, #tpu.memory_space<vmem>>) dst(%dma_wait3A_1674 : memref<128x32xf32, #tpu.memory_space<hbm>>)
        %dma_wait3A_1675 = arith.constant 96 : i32
        %dma_wait3A_1676 = tpu.memref_slice %arg21[%select_n3A_1653, %sub3A_1656, %dma_wait3A_1675] : memref<200x1024x416xf32, #tpu.memory_space<hbm>> -> memref<1x128x32xf32, #tpu.memory_space<hbm>>
        %dma_wait3A_1677 = tpu.memref_squeeze %dma_wait3A_1676 : memref<1x128x32xf32, #tpu.memory_space<hbm>> -> memref<128x32xf32, #tpu.memory_space<hbm>>
        %dma_wait3A_1678 = arith.constant 96 : i32
        %dma_wait3A_1679 = tpu.memref_slice %arg21[%select_n3A_1653, %sub3A_1656, %dma_wait3A_1678] : memref<200x1024x416xf32, #tpu.memory_space<hbm>> -> memref<1x128x32xf32, #tpu.memory_space<hbm>>
        %dma_wait3A_1680 = tpu.memref_squeeze %dma_wait3A_1679 : memref<1x128x32xf32, #tpu.memory_space<hbm>> -> memref<128x32xf32, #tpu.memory_space<hbm>>
        tpu.wait_dma2 semaphore(%arg67 : memref<!tpu.dma_semaphore, #tpu.memory_space<semaphore_mem>>) src(%arg49 : memref<128x32xf32, #tpu.memory_space<vmem>>) dst(%dma_wait3A_1680 : memref<128x32xf32, #tpu.memory_space<hbm>>)
        %dma_wait3A_1681 = arith.constant 128 : i32
        %dma_wait3A_1682 = tpu.memref_slice %arg21[%select_n3A_1653, %sub3A_1656, %dma_wait3A_1681] : memref<200x1024x416xf32, #tpu.memory_space<hbm>> -> memref<1x128x32xf32, #tpu.memory_space<hbm>>
        %dma_wait3A_1683 = tpu.memref_squeeze %dma_wait3A_1682 : memref<1x128x32xf32, #tpu.memory_space<hbm>> -> memref<128x32xf32, #tpu.memory_space<hbm>>
        %dma_wait3A_1684 = arith.constant 128 : i32
        %dma_wait3A_1685 = tpu.memref_slice %arg21[%select_n3A_1653, %sub3A_1656, %dma_wait3A_1684] : memref<200x1024x416xf32, #tpu.memory_space<hbm>> -> memref<1x128x32xf32, #tpu.memory_space<hbm>>
        %dma_wait3A_1686 = tpu.memref_squeeze %dma_wait3A_1685 : memref<1x128x32xf32, #tpu.memory_space<hbm>> -> memref<128x32xf32, #tpu.memory_space<hbm>>
        tpu.wait_dma2 semaphore(%arg67 : memref<!tpu.dma_semaphore, #tpu.memory_space<semaphore_mem>>) src(%arg50 : memref<128x32xf32, #tpu.memory_space<vmem>>) dst(%dma_wait3A_1686 : memref<128x32xf32, #tpu.memory_space<hbm>>)
        %dma_wait3A_1687 = arith.constant 160 : i32
        %dma_wait3A_1688 = tpu.memref_slice %arg21[%select_n3A_1653, %sub3A_1656, %dma_wait3A_1687] : memref<200x1024x416xf32, #tpu.memory_space<hbm>> -> memref<1x128x32xf32, #tpu.memory_space<hbm>>
        %dma_wait3A_1689 = tpu.memref_squeeze %dma_wait3A_1688 : memref<1x128x32xf32, #tpu.memory_space<hbm>> -> memref<128x32xf32, #tpu.memory_space<hbm>>
        %dma_wait3A_1690 = arith.constant 160 : i32
        %dma_wait3A_1691 = tpu.memref_slice %arg21[%select_n3A_1653, %sub3A_1656, %dma_wait3A_1690] : memref<200x1024x416xf32, #tpu.memory_space<hbm>> -> memref<1x128x32xf32, #tpu.memory_space<hbm>>
        %dma_wait3A_1692 = tpu.memref_squeeze %dma_wait3A_1691 : memref<1x128x32xf32, #tpu.memory_space<hbm>> -> memref<128x32xf32, #tpu.memory_space<hbm>>
        tpu.wait_dma2 semaphore(%arg67 : memref<!tpu.dma_semaphore, #tpu.memory_space<semaphore_mem>>) src(%arg51 : memref<128x32xf32, #tpu.memory_space<vmem>>) dst(%dma_wait3A_1692 : memref<128x32xf32, #tpu.memory_space<hbm>>)
        %dma_wait3A_1693 = arith.constant 192 : i32
        %dma_wait3A_1694 = tpu.memref_slice %arg21[%select_n3A_1653, %sub3A_1656, %dma_wait3A_1693] : memref<200x1024x416xf32, #tpu.memory_space<hbm>> -> memref<1x128x32xf32, #tpu.memory_space<hbm>>
        %dma_wait3A_1695 = tpu.memref_squeeze %dma_wait3A_1694 : memref<1x128x32xf32, #tpu.memory_space<hbm>> -> memref<128x32xf32, #tpu.memory_space<hbm>>
        %dma_wait3A_1696 = arith.constant 192 : i32
        %dma_wait3A_1697 = tpu.memref_slice %arg21[%select_n3A_1653, %sub3A_1656, %dma_wait3A_1696] : memref<200x1024x416xf32, #tpu.memory_space<hbm>> -> memref<1x128x32xf32, #tpu.memory_space<hbm>>
        %dma_wait3A_1698 = tpu.memref_squeeze %dma_wait3A_1697 : memref<1x128x32xf32, #tpu.memory_space<hbm>> -> memref<128x32xf32, #tpu.memory_space<hbm>>
        tpu.wait_dma2 semaphore(%arg67 : memref<!tpu.dma_semaphore, #tpu.memory_space<semaphore_mem>>) src(%arg52 : memref<128x32xf32, #tpu.memory_space<vmem>>) dst(%dma_wait3A_1698 : memref<128x32xf32, #tpu.memory_space<hbm>>)
        %dma_wait3A_1699 = arith.constant 224 : i32
        %dma_wait3A_1700 = tpu.memref_slice %arg21[%select_n3A_1653, %sub3A_1656, %dma_wait3A_1699] : memref<200x1024x416xf32, #tpu.memory_space<hbm>> -> memref<1x128x32xf32, #tpu.memory_space<hbm>>
        %dma_wait3A_1701 = tpu.memref_squeeze %dma_wait3A_1700 : memref<1x128x32xf32, #tpu.memory_space<hbm>> -> memref<128x32xf32, #tpu.memory_space<hbm>>
        %dma_wait3A_1702 = arith.constant 224 : i32
        %dma_wait3A_1703 = tpu.memref_slice %arg21[%select_n3A_1653, %sub3A_1656, %dma_wait3A_1702] : memref<200x1024x416xf32, #tpu.memory_space<hbm>> -> memref<1x128x32xf32, #tpu.memory_space<hbm>>
        %dma_wait3A_1704 = tpu.memref_squeeze %dma_wait3A_1703 : memref<1x128x32xf32, #tpu.memory_space<hbm>> -> memref<128x32xf32, #tpu.memory_space<hbm>>
        tpu.wait_dma2 semaphore(%arg67 : memref<!tpu.dma_semaphore, #tpu.memory_space<semaphore_mem>>) src(%arg53 : memref<128x32xf32, #tpu.memory_space<vmem>>) dst(%dma_wait3A_1704 : memref<128x32xf32, #tpu.memory_space<hbm>>)
        %dma_wait3A_1705 = arith.constant 256 : i32
        %dma_wait3A_1706 = tpu.memref_slice %arg21[%select_n3A_1653, %sub3A_1656, %dma_wait3A_1705] : memref<200x1024x416xf32, #tpu.memory_space<hbm>> -> memref<1x128x160xf32, #tpu.memory_space<hbm>>
        %dma_wait3A_1707 = tpu.memref_squeeze %dma_wait3A_1706 : memref<1x128x160xf32, #tpu.memory_space<hbm>> -> memref<128x160xf32, #tpu.memory_space<hbm>>
        %dma_wait3A_1708 = arith.constant 256 : i32
        %dma_wait3A_1709 = tpu.memref_slice %arg21[%select_n3A_1653, %sub3A_1656, %dma_wait3A_1708] : memref<200x1024x416xf32, #tpu.memory_space<hbm>> -> memref<1x128x160xf32, #tpu.memory_space<hbm>>
        %dma_wait3A_1710 = tpu.memref_squeeze %dma_wait3A_1709 : memref<1x128x160xf32, #tpu.memory_space<hbm>> -> memref<128x160xf32, #tpu.memory_space<hbm>>
        tpu.wait_dma2 semaphore(%arg67 : memref<!tpu.dma_semaphore, #tpu.memory_space<semaphore_mem>>) src(%arg59 : memref<128x160xf32, #tpu.memory_space<vmem>>) dst(%dma_wait3A_1710 : memref<128x160xf32, #tpu.memory_space<hbm>>)
      } else {
      }
      %dma_start3A_1190 = arith.constant 0 : i32
      %dma_start3A_1191 = arith.constant 0 : i32
      %dma_start3A_1192 = tpu.memref_slice %arg13[%dma_start3A_1190, %dma_start3A_1191] : memref<100000x32xf32, #tpu.memory_space<hbm>> -> memref<100000x32xf32, #tpu.memory_space<hbm>>
      tpu.enqueue_indirect_dma source(%dma_start3A_1192 : memref<100000x32xf32, #tpu.memory_space<hbm>>) target(%arg46 : memref<128x32xf32, #tpu.memory_space<vmem>>) offsets(%arg30 : memref<128xi32, #tpu.memory_space<vmem>>) semaphore(%arg65 : memref<!tpu.dma_semaphore, #tpu.memory_space<semaphore_mem>>)
      %dma_start3A_1193 = arith.constant 0 : i32
      %dma_start3A_1194 = arith.constant 0 : i32
      %dma_start3A_1195 = tpu.memref_slice %arg14[%dma_start3A_1193, %dma_start3A_1194] : memref<100000x32xf32, #tpu.memory_space<hbm>> -> memref<100000x32xf32, #tpu.memory_space<hbm>>
      tpu.enqueue_indirect_dma source(%dma_start3A_1195 : memref<100000x32xf32, #tpu.memory_space<hbm>>) target(%arg47 : memref<128x32xf32, #tpu.memory_space<vmem>>) offsets(%arg31 : memref<128xi32, #tpu.memory_space<vmem>>) semaphore(%arg65 : memref<!tpu.dma_semaphore, #tpu.memory_space<semaphore_mem>>)
      %dma_start3A_1196 = arith.constant 0 : i32
      %dma_start3A_1197 = arith.constant 0 : i32
      %dma_start3A_1198 = tpu.memref_slice %arg15[%dma_start3A_1196, %dma_start3A_1197] : memref<100000x32xf32, #tpu.memory_space<hbm>> -> memref<100000x32xf32, #tpu.memory_space<hbm>>
      tpu.enqueue_indirect_dma source(%dma_start3A_1198 : memref<100000x32xf32, #tpu.memory_space<hbm>>) target(%arg48 : memref<128x32xf32, #tpu.memory_space<vmem>>) offsets(%arg32 : memref<128xi32, #tpu.memory_space<vmem>>) semaphore(%arg65 : memref<!tpu.dma_semaphore, #tpu.memory_space<semaphore_mem>>)
      %dma_start3A_1199 = arith.constant 0 : i32
      %dma_start3A_1200 = arith.constant 0 : i32
      %dma_start3A_1201 = tpu.memref_slice %arg16[%dma_start3A_1199, %dma_start3A_1200] : memref<100000x32xf32, #tpu.memory_space<hbm>> -> memref<100000x32xf32, #tpu.memory_space<hbm>>
      tpu.enqueue_indirect_dma source(%dma_start3A_1201 : memref<100000x32xf32, #tpu.memory_space<hbm>>) target(%arg49 : memref<128x32xf32, #tpu.memory_space<vmem>>) offsets(%arg33 : memref<128xi32, #tpu.memory_space<vmem>>) semaphore(%arg65 : memref<!tpu.dma_semaphore, #tpu.memory_space<semaphore_mem>>)
      %dma_start3A_1202 = arith.constant 0 : i32
      %dma_start3A_1203 = arith.constant 0 : i32
      %dma_start3A_1204 = tpu.memref_slice %arg17[%dma_start3A_1202, %dma_start3A_1203] : memref<100000x32xf32, #tpu.memory_space<hbm>> -> memref<100000x32xf32, #tpu.memory_space<hbm>>
      tpu.enqueue_indirect_dma source(%dma_start3A_1204 : memref<100000x32xf32, #tpu.memory_space<hbm>>) target(%arg50 : memref<128x32xf32, #tpu.memory_space<vmem>>) offsets(%arg34 : memref<128xi32, #tpu.memory_space<vmem>>) semaphore(%arg65 : memref<!tpu.dma_semaphore, #tpu.memory_space<semaphore_mem>>)
      %dma_start3A_1205 = arith.constant 0 : i32
      %dma_start3A_1206 = arith.constant 0 : i32
      %dma_start3A_1207 = tpu.memref_slice %arg18[%dma_start3A_1205, %dma_start3A_1206] : memref<100000x32xf32, #tpu.memory_space<hbm>> -> memref<100000x32xf32, #tpu.memory_space<hbm>>
      tpu.enqueue_indirect_dma source(%dma_start3A_1207 : memref<100000x32xf32, #tpu.memory_space<hbm>>) target(%arg51 : memref<128x32xf32, #tpu.memory_space<vmem>>) offsets(%arg35 : memref<128xi32, #tpu.memory_space<vmem>>) semaphore(%arg65 : memref<!tpu.dma_semaphore, #tpu.memory_space<semaphore_mem>>)
      %dma_start3A_1208 = arith.constant 0 : i32
      %dma_start3A_1209 = arith.constant 0 : i32
      %dma_start3A_1210 = tpu.memref_slice %arg19[%dma_start3A_1208, %dma_start3A_1209] : memref<100000x32xf32, #tpu.memory_space<hbm>> -> memref<100000x32xf32, #tpu.memory_space<hbm>>
      tpu.enqueue_indirect_dma source(%dma_start3A_1210 : memref<100000x32xf32, #tpu.memory_space<hbm>>) target(%arg52 : memref<128x32xf32, #tpu.memory_space<vmem>>) offsets(%arg36 : memref<128xi32, #tpu.memory_space<vmem>>) semaphore(%arg65 : memref<!tpu.dma_semaphore, #tpu.memory_space<semaphore_mem>>)
      %dma_start3A_1211 = arith.constant 0 : i32
      %dma_start3A_1212 = arith.constant 0 : i32
      %dma_start3A_1213 = tpu.memref_slice %arg20[%dma_start3A_1211, %dma_start3A_1212] : memref<100000x32xf32, #tpu.memory_space<hbm>> -> memref<100000x32xf32, #tpu.memory_space<hbm>>
      tpu.enqueue_indirect_dma source(%dma_start3A_1213 : memref<100000x32xf32, #tpu.memory_space<hbm>>) target(%arg53 : memref<128x32xf32, #tpu.memory_space<vmem>>) offsets(%arg37 : memref<128xi32, #tpu.memory_space<vmem>>) semaphore(%arg65 : memref<!tpu.dma_semaphore, #tpu.memory_space<semaphore_mem>>)
      %broadcast_in_dim3A_1214 = arith.constant 0 : i32
      %broadcast_in_dim3A_1215 = vector.broadcast %broadcast_in_dim3A_1214 : i32 to vector<16xi32>
      %get3A_1216 = arith.constant 0 : i32
      %get3A_1217 = arith.index_cast %get3A_1216 : i32 to index
      %get3A_1218 = arith.constant 0 : index
      %get3A_1219 = tpu.vector_load %arg55[%get3A_1217, %get3A_1218] {strides = array<i32>} : memref<5x128xf32, #tpu.memory_space<vmem>>, vector<16xf32>,
      %add3A_1220 = arith.constant 0 : i32
      %add3A_1221 = vector.broadcast %add3A_1220 : i32 to vector<16xi32>
      %add3A_1222 = arith.addi %add3A_1221, %iota3A : vector<16xi32>
      tpu.vector_store_idx %arg57[%add3A_1222, %broadcast_in_dim3A_1215], %get3A_1219 : memref<128x16xf32, #tpu.memory_space<vmem>>[vector<16xi32>, vector<16xi32>], vector<16xf32>,
      %get3A_1223 = arith.constant 0 : i32
      %get3A_1224 = arith.index_cast %get3A_1223 : i32 to index
      %get3A_1225 = arith.constant 16 : index
      %get3A_1226 = tpu.vector_load %arg55[%get3A_1224, %get3A_1225] {strides = array<i32>} : memref<5x128xf32, #tpu.memory_space<vmem>>, vector<16xf32>,
      %add3A_1227 = arith.constant 16 : i32
      %add3A_1228 = vector.broadcast %add3A_1227 : i32 to vector<16xi32>
      %add3A_1229 = arith.addi %add3A_1228, %iota3A : vector<16xi32>
      tpu.vector_store_idx %arg57[%add3A_1229, %broadcast_in_dim3A_1215], %get3A_1226 : memref<128x16xf32, #tpu.memory_space<vmem>>[vector<16xi32>, vector<16xi32>], vector<16xf32>,
      %get3A_1230 = arith.constant 0 : i32
      %get3A_1231 = arith.index_cast %get3A_1230 : i32 to index
      %get3A_1232 = arith.constant 32 : index
      %get3A_1233 = tpu.vector_load %arg55[%get3A_1231, %get3A_1232] {strides = array<i32>} : memref<5x128xf32, #tpu.memory_space<vmem>>, vector<16xf32>,
      %add3A_1234 = arith.constant 32 : i32
      %add3A_1235 = vector.broadcast %add3A_1234 : i32 to vector<16xi32>
      %add3A_1236 = arith.addi %add3A_1235, %iota3A : vector<16xi32>
      tpu.vector_store_idx %arg57[%add3A_1236, %broadcast_in_dim3A_1215], %get3A_1233 : memref<128x16xf32, #tpu.memory_space<vmem>>[vector<16xi32>, vector<16xi32>], vector<16xf32>,
      %get3A_1237 = arith.constant 0 : i32
      %get3A_1238 = arith.index_cast %get3A_1237 : i32 to index
      %get3A_1239 = arith.constant 48 : index
      %get3A_1240 = tpu.vector_load %arg55[%get3A_1238, %get3A_1239] {strides = array<i32>} : memref<5x128xf32, #tpu.memory_space<vmem>>, vector<16xf32>,
      %add3A_1241 = arith.constant 48 : i32
      %add3A_1242 = vector.broadcast %add3A_1241 : i32 to vector<16xi32>
      %add3A_1243 = arith.addi %add3A_1242, %iota3A : vector<16xi32>
      tpu.vector_store_idx %arg57[%add3A_1243, %broadcast_in_dim3A_1215], %get3A_1240 : memref<128x16xf32, #tpu.memory_space<vmem>>[vector<16xi32>, vector<16xi32>], vector<16xf32>,
      %get3A_1244 = arith.constant 0 : i32
      %get3A_1245 = arith.index_cast %get3A_1244 : i32 to index
      %get3A_1246 = arith.constant 64 : index
      %get3A_1247 = tpu.vector_load %arg55[%get3A_1245, %get3A_1246] {strides = array<i32>} : memref<5x128xf32, #tpu.memory_space<vmem>>, vector<16xf32>,
      %add3A_1248 = arith.constant 64 : i32
      %add3A_1249 = vector.broadcast %add3A_1248 : i32 to vector<16xi32>
      %add3A_1250 = arith.addi %add3A_1249, %iota3A : vector<16xi32>
      tpu.vector_store_idx %arg57[%add3A_1250, %broadcast_in_dim3A_1215], %get3A_1247 : memref<128x16xf32, #tpu.memory_space<vmem>>[vector<16xi32>, vector<16xi32>], vector<16xf32>,
      %get3A_1251 = arith.constant 0 : i32
      %get3A_1252 = arith.index_cast %get3A_1251 : i32 to index
      %get3A_1253 = arith.constant 80 : index
      %get3A_1254 = tpu.vector_load %arg55[%get3A_1252, %get3A_1253] {strides = array<i32>} : memref<5x128xf32, #tpu.memory_space<vmem>>, vector<16xf32>,
      %add3A_1255 = arith.constant 80 : i32
      %add3A_1256 = vector.broadcast %add3A_1255 : i32 to vector<16xi32>
      %add3A_1257 = arith.addi %add3A_1256, %iota3A : vector<16xi32>
      tpu.vector_store_idx %arg57[%add3A_1257, %broadcast_in_dim3A_1215], %get3A_1254 : memref<128x16xf32, #tpu.memory_space<vmem>>[vector<16xi32>, vector<16xi32>], vector<16xf32>,
      %get3A_1258 = arith.constant 0 : i32
      %get3A_1259 = arith.index_cast %get3A_1258 : i32 to index
      %get3A_1260 = arith.constant 96 : index
      %get3A_1261 = tpu.vector_load %arg55[%get3A_1259, %get3A_1260] {strides = array<i32>} : memref<5x128xf32, #tpu.memory_space<vmem>>, vector<16xf32>,
      %add3A_1262 = arith.constant 96 : i32
      %add3A_1263 = vector.broadcast %add3A_1262 : i32 to vector<16xi32>
      %add3A_1264 = arith.addi %add3A_1263, %iota3A : vector<16xi32>
      tpu.vector_store_idx %arg57[%add3A_1264, %broadcast_in_dim3A_1215], %get3A_1261 : memref<128x16xf32, #tpu.memory_space<vmem>>[vector<16xi32>, vector<16xi32>], vector<16xf32>,
      %get3A_1265 = arith.constant 0 : i32
      %get3A_1266 = arith.index_cast %get3A_1265 : i32 to index
      %get3A_1267 = arith.constant 112 : index
      %get3A_1268 = tpu.vector_load %arg55[%get3A_1266, %get3A_1267] {strides = array<i32>} : memref<5x128xf32, #tpu.memory_space<vmem>>, vector<16xf32>,
      %add3A_1269 = arith.constant 112 : i32
      %add3A_1270 = vector.broadcast %add3A_1269 : i32 to vector<16xi32>
      %add3A_1271 = arith.addi %add3A_1270, %iota3A : vector<16xi32>
      tpu.vector_store_idx %arg57[%add3A_1271, %broadcast_in_dim3A_1215], %get3A_1268 : memref<128x16xf32, #tpu.memory_space<vmem>>[vector<16xi32>, vector<16xi32>], vector<16xf32>,
      %broadcast_in_dim3A_1272 = arith.constant 1 : i32
      %broadcast_in_dim3A_1273 = vector.broadcast %broadcast_in_dim3A_1272 : i32 to vector<16xi32>
      %get3A_1274 = arith.constant 1 : i32
      %get3A_1275 = arith.index_cast %get3A_1274 : i32 to index
      %get3A_1276 = arith.constant 0 : index
      %get3A_1277 = tpu.vector_load %arg55[%get3A_1275, %get3A_1276] {strides = array<i32>} : memref<5x128xf32, #tpu.memory_space<vmem>>, vector<16xf32>,
      %add3A_1278 = arith.constant 0 : i32
      %add3A_1279 = vector.broadcast %add3A_1278 : i32 to vector<16xi32>
      %add3A_1280 = arith.addi %add3A_1279, %iota3A : vector<16xi32>
      tpu.vector_store_idx %arg57[%add3A_1280, %broadcast_in_dim3A_1273], %get3A_1277 : memref<128x16xf32, #tpu.memory_space<vmem>>[vector<16xi32>, vector<16xi32>], vector<16xf32>,
      %get3A_1281 = arith.constant 1 : i32
      %get3A_1282 = arith.index_cast %get3A_1281 : i32 to index
      %get3A_1283 = arith.constant 16 : index
      %get3A_1284 = tpu.vector_load %arg55[%get3A_1282, %get3A_1283] {strides = array<i32>} : memref<5x128xf32, #tpu.memory_space<vmem>>, vector<16xf32>,
      %add3A_1285 = arith.constant 16 : i32
      %add3A_1286 = vector.broadcast %add3A_1285 : i32 to vector<16xi32>
      %add3A_1287 = arith.addi %add3A_1286, %iota3A : vector<16xi32>
      tpu.vector_store_idx %arg57[%add3A_1287, %broadcast_in_dim3A_1273], %get3A_1284 : memref<128x16xf32, #tpu.memory_space<vmem>>[vector<16xi32>, vector<16xi32>], vector<16xf32>,
      %get3A_1288 = arith.constant 1 : i32
      %get3A_1289 = arith.index_cast %get3A_1288 : i32 to index
      %get3A_1290 = arith.constant 32 : index
      %get3A_1291 = tpu.vector_load %arg55[%get3A_1289, %get3A_1290] {strides = array<i32>} : memref<5x128xf32, #tpu.memory_space<vmem>>, vector<16xf32>,
      %add3A_1292 = arith.constant 32 : i32
      %add3A_1293 = vector.broadcast %add3A_1292 : i32 to vector<16xi32>
      %add3A_1294 = arith.addi %add3A_1293, %iota3A : vector<16xi32>
      tpu.vector_store_idx %arg57[%add3A_1294, %broadcast_in_dim3A_1273], %get3A_1291 : memref<128x16xf32, #tpu.memory_space<vmem>>[vector<16xi32>, vector<16xi32>], vector<16xf32>,
      %get3A_1295 = arith.constant 1 : i32
      %get3A_1296 = arith.index_cast %get3A_1295 : i32 to index
      %get3A_1297 = arith.constant 48 : index
      %get3A_1298 = tpu.vector_load %arg55[%get3A_1296, %get3A_1297] {strides = array<i32>} : memref<5x128xf32, #tpu.memory_space<vmem>>, vector<16xf32>,
      %add3A_1299 = arith.constant 48 : i32
      %add3A_1300 = vector.broadcast %add3A_1299 : i32 to vector<16xi32>
      %add3A_1301 = arith.addi %add3A_1300, %iota3A : vector<16xi32>
      tpu.vector_store_idx %arg57[%add3A_1301, %broadcast_in_dim3A_1273], %get3A_1298 : memref<128x16xf32, #tpu.memory_space<vmem>>[vector<16xi32>, vector<16xi32>], vector<16xf32>,
      %get3A_1302 = arith.constant 1 : i32
      %get3A_1303 = arith.index_cast %get3A_1302 : i32 to index
      %get3A_1304 = arith.constant 64 : index
      %get3A_1305 = tpu.vector_load %arg55[%get3A_1303, %get3A_1304] {strides = array<i32>} : memref<5x128xf32, #tpu.memory_space<vmem>>, vector<16xf32>,
      %add3A_1306 = arith.constant 64 : i32
      %add3A_1307 = vector.broadcast %add3A_1306 : i32 to vector<16xi32>
      %add3A_1308 = arith.addi %add3A_1307, %iota3A : vector<16xi32>
      tpu.vector_store_idx %arg57[%add3A_1308, %broadcast_in_dim3A_1273], %get3A_1305 : memref<128x16xf32, #tpu.memory_space<vmem>>[vector<16xi32>, vector<16xi32>], vector<16xf32>,
      %get3A_1309 = arith.constant 1 : i32
      %get3A_1310 = arith.index_cast %get3A_1309 : i32 to index
      %get3A_1311 = arith.constant 80 : index
      %get3A_1312 = tpu.vector_load %arg55[%get3A_1310, %get3A_1311] {strides = array<i32>} : memref<5x128xf32, #tpu.memory_space<vmem>>, vector<16xf32>,
      %add3A_1313 = arith.constant 80 : i32
      %add3A_1314 = vector.broadcast %add3A_1313 : i32 to vector<16xi32>
      %add3A_1315 = arith.addi %add3A_1314, %iota3A : vector<16xi32>
      tpu.vector_store_idx %arg57[%add3A_1315, %broadcast_in_dim3A_1273], %get3A_1312 : memref<128x16xf32, #tpu.memory_space<vmem>>[vector<16xi32>, vector<16xi32>], vector<16xf32>,
      %get3A_1316 = arith.constant 1 : i32
      %get3A_1317 = arith.index_cast %get3A_1316 : i32 to index
      %get3A_1318 = arith.constant 96 : index
      %get3A_1319 = tpu.vector_load %arg55[%get3A_1317, %get3A_1318] {strides = array<i32>} : memref<5x128xf32, #tpu.memory_space<vmem>>, vector<16xf32>,
      %add3A_1320 = arith.constant 96 : i32
      %add3A_1321 = vector.broadcast %add3A_1320 : i32 to vector<16xi32>
      %add3A_1322 = arith.addi %add3A_1321, %iota3A : vector<16xi32>
      tpu.vector_store_idx %arg57[%add3A_1322, %broadcast_in_dim3A_1273], %get3A_1319 : memref<128x16xf32, #tpu.memory_space<vmem>>[vector<16xi32>, vector<16xi32>], vector<16xf32>,
      %get3A_1323 = arith.constant 1 : i32
      %get3A_1324 = arith.index_cast %get3A_1323 : i32 to index
      %get3A_1325 = arith.constant 112 : index
      %get3A_1326 = tpu.vector_load %arg55[%get3A_1324, %get3A_1325] {strides = array<i32>} : memref<5x128xf32, #tpu.memory_space<vmem>>, vector<16xf32>,
      %add3A_1327 = arith.constant 112 : i32
      %add3A_1328 = vector.broadcast %add3A_1327 : i32 to vector<16xi32>
      %add3A_1329 = arith.addi %add3A_1328, %iota3A : vector<16xi32>
      tpu.vector_store_idx %arg57[%add3A_1329, %broadcast_in_dim3A_1273], %get3A_1326 : memref<128x16xf32, #tpu.memory_space<vmem>>[vector<16xi32>, vector<16xi32>], vector<16xf32>,
      %broadcast_in_dim3A_1330 = arith.constant 2 : i32
      %broadcast_in_dim3A_1331 = vector.broadcast %broadcast_in_dim3A_1330 : i32 to vector<16xi32>
      %get3A_1332 = arith.constant 2 : i32
      %get3A_1333 = arith.index_cast %get3A_1332 : i32 to index
      %get3A_1334 = arith.constant 0 : index
      %get3A_1335 = tpu.vector_load %arg55[%get3A_1333, %get3A_1334] {strides = array<i32>} : memref<5x128xf32, #tpu.memory_space<vmem>>, vector<16xf32>,
      %add3A_1336 = arith.constant 0 : i32
      %add3A_1337 = vector.broadcast %add3A_1336 : i32 to vector<16xi32>
      %add3A_1338 = arith.addi %add3A_1337, %iota3A : vector<16xi32>
      tpu.vector_store_idx %arg57[%add3A_1338, %broadcast_in_dim3A_1331], %get3A_1335 : memref<128x16xf32, #tpu.memory_space<vmem>>[vector<16xi32>, vector<16xi32>], vector<16xf32>,
      %get3A_1339 = arith.constant 2 : i32
      %get3A_1340 = arith.index_cast %get3A_1339 : i32 to index
      %get3A_1341 = arith.constant 16 : index
      %get3A_1342 = tpu.vector_load %arg55[%get3A_1340, %get3A_1341] {strides = array<i32>} : memref<5x128xf32, #tpu.memory_space<vmem>>, vector<16xf32>,
      %add3A_1343 = arith.constant 16 : i32
      %add3A_1344 = vector.broadcast %add3A_1343 : i32 to vector<16xi32>
      %add3A_1345 = arith.addi %add3A_1344, %iota3A : vector<16xi32>
      tpu.vector_store_idx %arg57[%add3A_1345, %broadcast_in_dim3A_1331], %get3A_1342 : memref<128x16xf32, #tpu.memory_space<vmem>>[vector<16xi32>, vector<16xi32>], vector<16xf32>,
      %get3A_1346 = arith.constant 2 : i32
      %get3A_1347 = arith.index_cast %get3A_1346 : i32 to index
      %get3A_1348 = arith.constant 32 : index
      %get3A_1349 = tpu.vector_load %arg55[%get3A_1347, %get3A_1348] {strides = array<i32>} : memref<5x128xf32, #tpu.memory_space<vmem>>, vector<16xf32>,
      %add3A_1350 = arith.constant 32 : i32
      %add3A_1351 = vector.broadcast %add3A_1350 : i32 to vector<16xi32>
      %add3A_1352 = arith.addi %add3A_1351, %iota3A : vector<16xi32>
      tpu.vector_store_idx %arg57[%add3A_1352, %broadcast_in_dim3A_1331], %get3A_1349 : memref<128x16xf32, #tpu.memory_space<vmem>>[vector<16xi32>, vector<16xi32>], vector<16xf32>,
      %get3A_1353 = arith.constant 2 : i32
      %get3A_1354 = arith.index_cast %get3A_1353 : i32 to index
      %get3A_1355 = arith.constant 48 : index
      %get3A_1356 = tpu.vector_load %arg55[%get3A_1354, %get3A_1355] {strides = array<i32>} : memref<5x128xf32, #tpu.memory_space<vmem>>, vector<16xf32>,
      %add3A_1357 = arith.constant 48 : i32
      %add3A_1358 = vector.broadcast %add3A_1357 : i32 to vector<16xi32>
      %add3A_1359 = arith.addi %add3A_1358, %iota3A : vector<16xi32>
      tpu.vector_store_idx %arg57[%add3A_1359, %broadcast_in_dim3A_1331], %get3A_1356 : memref<128x16xf32, #tpu.memory_space<vmem>>[vector<16xi32>, vector<16xi32>], vector<16xf32>,
      %get3A_1360 = arith.constant 2 : i32
      %get3A_1361 = arith.index_cast %get3A_1360 : i32 to index
      %get3A_1362 = arith.constant 64 : index
      %get3A_1363 = tpu.vector_load %arg55[%get3A_1361, %get3A_1362] {strides = array<i32>} : memref<5x128xf32, #tpu.memory_space<vmem>>, vector<16xf32>,
      %add3A_1364 = arith.constant 64 : i32
      %add3A_1365 = vector.broadcast %add3A_1364 : i32 to vector<16xi32>
      %add3A_1366 = arith.addi %add3A_1365, %iota3A : vector<16xi32>
      tpu.vector_store_idx %arg57[%add3A_1366, %broadcast_in_dim3A_1331], %get3A_1363 : memref<128x16xf32, #tpu.memory_space<vmem>>[vector<16xi32>, vector<16xi32>], vector<16xf32>,
      %get3A_1367 = arith.constant 2 : i32
      %get3A_1368 = arith.index_cast %get3A_1367 : i32 to index
      %get3A_1369 = arith.constant 80 : index
      %get3A_1370 = tpu.vector_load %arg55[%get3A_1368, %get3A_1369] {strides = array<i32>} : memref<5x128xf32, #tpu.memory_space<vmem>>, vector<16xf32>,
      %add3A_1371 = arith.constant 80 : i32
      %add3A_1372 = vector.broadcast %add3A_1371 : i32 to vector<16xi32>
      %add3A_1373 = arith.addi %add3A_1372, %iota3A : vector<16xi32>
      tpu.vector_store_idx %arg57[%add3A_1373, %broadcast_in_dim3A_1331], %get3A_1370 : memref<128x16xf32, #tpu.memory_space<vmem>>[vector<16xi32>, vector<16xi32>], vector<16xf32>,
      %get3A_1374 = arith.constant 2 : i32
      %get3A_1375 = arith.index_cast %get3A_1374 : i32 to index
      %get3A_1376 = arith.constant 96 : index
      %get3A_1377 = tpu.vector_load %arg55[%get3A_1375, %get3A_1376] {strides = array<i32>} : memref<5x128xf32, #tpu.memory_space<vmem>>, vector<16xf32>,
      %add3A_1378 = arith.constant 96 : i32
      %add3A_1379 = vector.broadcast %add3A_1378 : i32 to vector<16xi32>
      %add3A_1380 = arith.addi %add3A_1379, %iota3A : vector<16xi32>
      tpu.vector_store_idx %arg57[%add3A_1380, %broadcast_in_dim3A_1331], %get3A_1377 : memref<128x16xf32, #tpu.memory_space<vmem>>[vector<16xi32>, vector<16xi32>], vector<16xf32>,
      %get3A_1381 = arith.constant 2 : i32
      %get3A_1382 = arith.index_cast %get3A_1381 : i32 to index
      %get3A_1383 = arith.constant 112 : index
      %get3A_1384 = tpu.vector_load %arg55[%get3A_1382, %get3A_1383] {strides = array<i32>} : memref<5x128xf32, #tpu.memory_space<vmem>>, vector<16xf32>,
      %add3A_1385 = arith.constant 112 : i32
      %add3A_1386 = vector.broadcast %add3A_1385 : i32 to vector<16xi32>
      %add3A_1387 = arith.addi %add3A_1386, %iota3A : vector<16xi32>
      tpu.vector_store_idx %arg57[%add3A_1387, %broadcast_in_dim3A_1331], %get3A_1384 : memref<128x16xf32, #tpu.memory_space<vmem>>[vector<16xi32>, vector<16xi32>], vector<16xf32>,
      %broadcast_in_dim3A_1388 = arith.constant 3 : i32
      %broadcast_in_dim3A_1389 = vector.broadcast %broadcast_in_dim3A_1388 : i32 to vector<16xi32>
      %get3A_1390 = arith.constant 3 : i32
      %get3A_1391 = arith.index_cast %get3A_1390 : i32 to index
      %get3A_1392 = arith.constant 0 : index
      %get3A_1393 = tpu.vector_load %arg55[%get3A_1391, %get3A_1392] {strides = array<i32>} : memref<5x128xf32, #tpu.memory_space<vmem>>, vector<16xf32>,
      %add3A_1394 = arith.constant 0 : i32
      %add3A_1395 = vector.broadcast %add3A_1394 : i32 to vector<16xi32>
      %add3A_1396 = arith.addi %add3A_1395, %iota3A : vector<16xi32>
      tpu.vector_store_idx %arg57[%add3A_1396, %broadcast_in_dim3A_1389], %get3A_1393 : memref<128x16xf32, #tpu.memory_space<vmem>>[vector<16xi32>, vector<16xi32>], vector<16xf32>,
      %get3A_1397 = arith.constant 3 : i32
      %get3A_1398 = arith.index_cast %get3A_1397 : i32 to index
      %get3A_1399 = arith.constant 16 : index
      %get3A_1400 = tpu.vector_load %arg55[%get3A_1398, %get3A_1399] {strides = array<i32>} : memref<5x128xf32, #tpu.memory_space<vmem>>, vector<16xf32>,
      %add3A_1401 = arith.constant 16 : i32
      %add3A_1402 = vector.broadcast %add3A_1401 : i32 to vector<16xi32>
      %add3A_1403 = arith.addi %add3A_1402, %iota3A : vector<16xi32>
      tpu.vector_store_idx %arg57[%add3A_1403, %broadcast_in_dim3A_1389], %get3A_1400 : memref<128x16xf32, #tpu.memory_space<vmem>>[vector<16xi32>, vector<16xi32>], vector<16xf32>,
      %get3A_1404 = arith.constant 3 : i32
      %get3A_1405 = arith.index_cast %get3A_1404 : i32 to index
      %get3A_1406 = arith.constant 32 : index
      %get3A_1407 = tpu.vector_load %arg55[%get3A_1405, %get3A_1406] {strides = array<i32>} : memref<5x128xf32, #tpu.memory_space<vmem>>, vector<16xf32>,
      %add3A_1408 = arith.constant 32 : i32
      %add3A_1409 = vector.broadcast %add3A_1408 : i32 to vector<16xi32>
      %add3A_1410 = arith.addi %add3A_1409, %iota3A : vector<16xi32>
      tpu.vector_store_idx %arg57[%add3A_1410, %broadcast_in_dim3A_1389], %get3A_1407 : memref<128x16xf32, #tpu.memory_space<vmem>>[vector<16xi32>, vector<16xi32>], vector<16xf32>,
      %get3A_1411 = arith.constant 3 : i32
      %get3A_1412 = arith.index_cast %get3A_1411 : i32 to index
      %get3A_1413 = arith.constant 48 : index
      %get3A_1414 = tpu.vector_load %arg55[%get3A_1412, %get3A_1413] {strides = array<i32>} : memref<5x128xf32, #tpu.memory_space<vmem>>, vector<16xf32>,
      %add3A_1415 = arith.constant 48 : i32
      %add3A_1416 = vector.broadcast %add3A_1415 : i32 to vector<16xi32>
      %add3A_1417 = arith.addi %add3A_1416, %iota3A : vector<16xi32>
      tpu.vector_store_idx %arg57[%add3A_1417, %broadcast_in_dim3A_1389], %get3A_1414 : memref<128x16xf32, #tpu.memory_space<vmem>>[vector<16xi32>, vector<16xi32>], vector<16xf32>,
      %get3A_1418 = arith.constant 3 : i32
      %get3A_1419 = arith.index_cast %get3A_1418 : i32 to index
      %get3A_1420 = arith.constant 64 : index
      %get3A_1421 = tpu.vector_load %arg55[%get3A_1419, %get3A_1420] {strides = array<i32>} : memref<5x128xf32, #tpu.memory_space<vmem>>, vector<16xf32>,
      %add3A_1422 = arith.constant 64 : i32
      %add3A_1423 = vector.broadcast %add3A_1422 : i32 to vector<16xi32>
      %add3A_1424 = arith.addi %add3A_1423, %iota3A : vector<16xi32>
      tpu.vector_store_idx %arg57[%add3A_1424, %broadcast_in_dim3A_1389], %get3A_1421 : memref<128x16xf32, #tpu.memory_space<vmem>>[vector<16xi32>, vector<16xi32>], vector<16xf32>,
      %get3A_1425 = arith.constant 3 : i32
      %get3A_1426 = arith.index_cast %get3A_1425 : i32 to index
      %get3A_1427 = arith.constant 80 : index
      %get3A_1428 = tpu.vector_load %arg55[%get3A_1426, %get3A_1427] {strides = array<i32>} : memref<5x128xf32, #tpu.memory_space<vmem>>, vector<16xf32>,
      %add3A_1429 = arith.constant 80 : i32
      %add3A_1430 = vector.broadcast %add3A_1429 : i32 to vector<16xi32>
      %add3A_1431 = arith.addi %add3A_1430, %iota3A : vector<16xi32>
      tpu.vector_store_idx %arg57[%add3A_1431, %broadcast_in_dim3A_1389], %get3A_1428 : memref<128x16xf32, #tpu.memory_space<vmem>>[vector<16xi32>, vector<16xi32>], vector<16xf32>,
      %get3A_1432 = arith.constant 3 : i32
      %get3A_1433 = arith.index_cast %get3A_1432 : i32 to index
      %get3A_1434 = arith.constant 96 : index
      %get3A_1435 = tpu.vector_load %arg55[%get3A_1433, %get3A_1434] {strides = array<i32>} : memref<5x128xf32, #tpu.memory_space<vmem>>, vector<16xf32>,
      %add3A_1436 = arith.constant 96 : i32
      %add3A_1437 = vector.broadcast %add3A_1436 : i32 to vector<16xi32>
      %add3A_1438 = arith.addi %add3A_1437, %iota3A : vector<16xi32>
      tpu.vector_store_idx %arg57[%add3A_1438, %broadcast_in_dim3A_1389], %get3A_1435 : memref<128x16xf32, #tpu.memory_space<vmem>>[vector<16xi32>, vector<16xi32>], vector<16xf32>,
      %get3A_1439 = arith.constant 3 : i32
      %get3A_1440 = arith.index_cast %get3A_1439 : i32 to index
      %get3A_1441 = arith.constant 112 : index
      %get3A_1442 = tpu.vector_load %arg55[%get3A_1440, %get3A_1441] {strides = array<i32>} : memref<5x128xf32, #tpu.memory_space<vmem>>, vector<16xf32>,
      %add3A_1443 = arith.constant 112 : i32
      %add3A_1444 = vector.broadcast %add3A_1443 : i32 to vector<16xi32>
      %add3A_1445 = arith.addi %add3A_1444, %iota3A : vector<16xi32>
      tpu.vector_store_idx %arg57[%add3A_1445, %broadcast_in_dim3A_1389], %get3A_1442 : memref<128x16xf32, #tpu.memory_space<vmem>>[vector<16xi32>, vector<16xi32>], vector<16xf32>,
      %broadcast_in_dim3A_1446 = arith.constant 4 : i32
      %broadcast_in_dim3A_1447 = vector.broadcast %broadcast_in_dim3A_1446 : i32 to vector<16xi32>
      %get3A_1448 = arith.constant 4 : i32
      %get3A_1449 = arith.index_cast %get3A_1448 : i32 to index
      %get3A_1450 = arith.constant 0 : index
      %get3A_1451 = tpu.vector_load %arg55[%get3A_1449, %get3A_1450] {strides = array<i32>} : memref<5x128xf32, #tpu.memory_space<vmem>>, vector<16xf32>,
      %add3A_1452 = arith.constant 0 : i32
      %add3A_1453 = vector.broadcast %add3A_1452 : i32 to vector<16xi32>
      %add3A_1454 = arith.addi %add3A_1453, %iota3A : vector<16xi32>
      tpu.vector_store_idx %arg57[%add3A_1454, %broadcast_in_dim3A_1447], %get3A_1451 : memref<128x16xf32, #tpu.memory_space<vmem>>[vector<16xi32>, vector<16xi32>], vector<16xf32>,
      %get3A_1455 = arith.constant 4 : i32
      %get3A_1456 = arith.index_cast %get3A_1455 : i32 to index
      %get3A_1457 = arith.constant 16 : index
      %get3A_1458 = tpu.vector_load %arg55[%get3A_1456, %get3A_1457] {strides = array<i32>} : memref<5x128xf32, #tpu.memory_space<vmem>>, vector<16xf32>,
      %add3A_1459 = arith.constant 16 : i32
      %add3A_1460 = vector.broadcast %add3A_1459 : i32 to vector<16xi32>
      %add3A_1461 = arith.addi %add3A_1460, %iota3A : vector<16xi32>
      tpu.vector_store_idx %arg57[%add3A_1461, %broadcast_in_dim3A_1447], %get3A_1458 : memref<128x16xf32, #tpu.memory_space<vmem>>[vector<16xi32>, vector<16xi32>], vector<16xf32>,
      %get3A_1462 = arith.constant 4 : i32
      %get3A_1463 = arith.index_cast %get3A_1462 : i32 to index
      %get3A_1464 = arith.constant 32 : index
      %get3A_1465 = tpu.vector_load %arg55[%get3A_1463, %get3A_1464] {strides = array<i32>} : memref<5x128xf32, #tpu.memory_space<vmem>>, vector<16xf32>,
      %add3A_1466 = arith.constant 32 : i32
      %add3A_1467 = vector.broadcast %add3A_1466 : i32 to vector<16xi32>
      %add3A_1468 = arith.addi %add3A_1467, %iota3A : vector<16xi32>
      tpu.vector_store_idx %arg57[%add3A_1468, %broadcast_in_dim3A_1447], %get3A_1465 : memref<128x16xf32, #tpu.memory_space<vmem>>[vector<16xi32>, vector<16xi32>], vector<16xf32>,
      %get3A_1469 = arith.constant 4 : i32
      %get3A_1470 = arith.index_cast %get3A_1469 : i32 to index
      %get3A_1471 = arith.constant 48 : index
      %get3A_1472 = tpu.vector_load %arg55[%get3A_1470, %get3A_1471] {strides = array<i32>} : memref<5x128xf32, #tpu.memory_space<vmem>>, vector<16xf32>,
      %add3A_1473 = arith.constant 48 : i32
      %add3A_1474 = vector.broadcast %add3A_1473 : i32 to vector<16xi32>
      %add3A_1475 = arith.addi %add3A_1474, %iota3A : vector<16xi32>
      tpu.vector_store_idx %arg57[%add3A_1475, %broadcast_in_dim3A_1447], %get3A_1472 : memref<128x16xf32, #tpu.memory_space<vmem>>[vector<16xi32>, vector<16xi32>], vector<16xf32>,
      %get3A_1476 = arith.constant 4 : i32
      %get3A_1477 = arith.index_cast %get3A_1476 : i32 to index
      %get3A_1478 = arith.constant 64 : index
      %get3A_1479 = tpu.vector_load %arg55[%get3A_1477, %get3A_1478] {strides = array<i32>} : memref<5x128xf32, #tpu.memory_space<vmem>>, vector<16xf32>,
      %add3A_1480 = arith.constant 64 : i32
      %add3A_1481 = vector.broadcast %add3A_1480 : i32 to vector<16xi32>
      %add3A_1482 = arith.addi %add3A_1481, %iota3A : vector<16xi32>
      tpu.vector_store_idx %arg57[%add3A_1482, %broadcast_in_dim3A_1447], %get3A_1479 : memref<128x16xf32, #tpu.memory_space<vmem>>[vector<16xi32>, vector<16xi32>], vector<16xf32>,
      %get3A_1483 = arith.constant 4 : i32
      %get3A_1484 = arith.index_cast %get3A_1483 : i32 to index
      %get3A_1485 = arith.constant 80 : index
      %get3A_1486 = tpu.vector_load %arg55[%get3A_1484, %get3A_1485] {strides = array<i32>} : memref<5x128xf32, #tpu.memory_space<vmem>>, vector<16xf32>,
      %add3A_1487 = arith.constant 80 : i32
      %add3A_1488 = vector.broadcast %add3A_1487 : i32 to vector<16xi32>
      %add3A_1489 = arith.addi %add3A_1488, %iota3A : vector<16xi32>
      tpu.vector_store_idx %arg57[%add3A_1489, %broadcast_in_dim3A_1447], %get3A_1486 : memref<128x16xf32, #tpu.memory_space<vmem>>[vector<16xi32>, vector<16xi32>], vector<16xf32>,
      %get3A_1490 = arith.constant 4 : i32
      %get3A_1491 = arith.index_cast %get3A_1490 : i32 to index
      %get3A_1492 = arith.constant 96 : index
      %get3A_1493 = tpu.vector_load %arg55[%get3A_1491, %get3A_1492] {strides = array<i32>} : memref<5x128xf32, #tpu.memory_space<vmem>>, vector<16xf32>,
      %add3A_1494 = arith.constant 96 : i32
      %add3A_1495 = vector.broadcast %add3A_1494 : i32 to vector<16xi32>
      %add3A_1496 = arith.addi %add3A_1495, %iota3A : vector<16xi32>
      tpu.vector_store_idx %arg57[%add3A_1496, %broadcast_in_dim3A_1447], %get3A_1493 : memref<128x16xf32, #tpu.memory_space<vmem>>[vector<16xi32>, vector<16xi32>], vector<16xf32>,
      %get3A_1497 = arith.constant 4 : i32
      %get3A_1498 = arith.index_cast %get3A_1497 : i32 to index
      %get3A_1499 = arith.constant 112 : index
      %get3A_1500 = tpu.vector_load %arg55[%get3A_1498, %get3A_1499] {strides = array<i32>} : memref<5x128xf32, #tpu.memory_space<vmem>>, vector<16xf32>,
      %add3A_1501 = arith.constant 112 : i32
      %add3A_1502 = vector.broadcast %add3A_1501 : i32 to vector<16xi32>
      %add3A_1503 = arith.addi %add3A_1502, %iota3A : vector<16xi32>
      tpu.vector_store_idx %arg57[%add3A_1503, %broadcast_in_dim3A_1447], %get3A_1500 : memref<128x16xf32, #tpu.memory_space<vmem>>[vector<16xi32>, vector<16xi32>], vector<16xf32>,
      %scan3A_1504 = arith.constant 0 : i32
      %scan3A_1505 = arith.constant 0 : i32
      %scan3A_1506 = arith.constant 128 : i32
      %scan3A_1507 = arith.addi %scan3A_1505, %scan3A_1506 : i32
      %scan3A_1508 = arith.constant 1 : i32
      scf.for %scan3A_1625 = %scan3A_1505 to %scan3A_1507 step %scan3A_1508  : i32 {
        %get3A_1626 = arith.index_cast %scan3A_1625 : i32 to index
        %get3A_1627 = arith.constant 0 : index
        %get3A_1628 = tpu.vector_load %arg57[%get3A_1626, %get3A_1627] {strides = array<i32>} : memref<128x16xf32, #tpu.memory_space<vmem>>, vector<16xf32>,
        %slice3A = vector.extract_strided_slice %get3A_1628 {offsets = [0], sizes = [1], strides = [1]} : vector<16xf32> to vector<1xf32>
        %squeeze3A = vector.extract %slice3A[0] : f32 from vector<1xf32>
        %broadcast_in_dim3A_1629 = vector.broadcast %squeeze3A : f32 to vector<16xf32>
        %mul3A_1630 = arith.mulf %broadcast_in_dim3A_1629, %get3A_1 : vector<16xf32>
        %add3A_1631 = arith.addf %mul3A_1630, %get3A_21 : vector<16xf32>
        %swap3A = arith.index_cast %scan3A_1625 : i32 to index
        %swap3A_1632 = arith.constant 0 : index
        %swap3A_1633 = tpu.vector_load %arg59[%swap3A, %swap3A_1632] {strides = array<i32>} : memref<128x160xf32, #tpu.memory_space<vmem>>, vector<16xf32>,
        tpu.vector_store %arg59[%swap3A, %swap3A_1632], %add3A_1631 {strides = array<i32>} : memref<128x160xf32, #tpu.memory_space<vmem>>, vector<16xf32>,
        %mul3A_1634 = arith.mulf %broadcast_in_dim3A_1629, %get3A_3 : vector<16xf32>
        %add3A_1635 = arith.addf %mul3A_1634, %get3A_23 : vector<16xf32>
        %swap3A_1636 = arith.index_cast %scan3A_1625 : i32 to index
        %swap3A_1637 = arith.constant 16 : index
        %swap3A_1638 = tpu.vector_load %arg59[%swap3A_1636, %swap3A_1637] {strides = array<i32>} : memref<128x160xf32, #tpu.memory_space<vmem>>, vector<16xf32>,
        tpu.vector_store %arg59[%swap3A_1636, %swap3A_1637], %add3A_1635 {strides = array<i32>} : memref<128x160xf32, #tpu.memory_space<vmem>>, vector<16xf32>,
        %slice3A_1639 = vector.extract_strided_slice %get3A_1628 {offsets = [1], sizes = [1], strides = [1]} : vector<16xf32> to vector<1xf32>
        %squeeze3A_1640 = vector.extract %slice3A_1639[0] : f32 from vector<1xf32>
        %broadcast_in_dim3A_1641 = vector.broadcast %squeeze3A_1640 : f32 to vector<16xf32>
        %mul3A_1642 = arith.mulf %broadcast_in_dim3A_1641, %get3A_5 : vector<16xf32>
        %add3A_1643 = arith.addf %mul3A_1642, %get3A_25 : vector<16xf32>
        %swap3A_1644 = arith.index_cast %scan3A_1625 : i32 to index
        %swap3A_1645 = arith.constant 32 : index
        %swap3A_1646 = tpu.vector_load %arg59[%swap3A_1644, %swap3A_1645] {strides = array<i32>} : memref<128x160xf32, #tpu.memory_space<vmem>>, vector<16xf32>,
        tpu.vector_store %arg59[%swap3A_1644, %swap3A_1645], %add3A_1643 {strides = array<i32>} : memref<128x160xf32, #tpu.memory_space<vmem>>, vector<16xf32>,
        %mul3A_1647 = arith.mulf %broadcast_in_dim3A_1641, %get3A_7 : vector<16xf32>
        %add3A_1648 = arith.addf %mul3A_1647, %get3A_27 : vector<16xf32>
        %swap3A_1649 = arith.index_cast %scan3A_1625 : i32 to index
        %swap3A_1650 = arith.constant 48 : index
        %swap3A_1651 = tpu.vector_load %arg59[%swap3A_1649, %swap3A_1650] {strides = array<i32>} : memref<128x160xf32, #tpu.memory_space<vmem>>, vector<16xf32>,
        tpu.vector_store %arg59[%swap3A_1649, %swap3A_1650], %add3A_1648 {strides = array<i32>} : memref<128x160xf32, #tpu.memory_space<vmem>>, vector<16xf32>,
        %slice3A_1652 = vector.extract_strided_slice %get3A_1628 {offsets = [2], sizes = [1], strides = [1]} : vector<16xf32> to vector<1xf32>
        %squeeze3A_1653 = vector.extract %slice3A_1652[0] : f32 from vector<1xf32>
        %broadcast_in_dim3A_1654 = vector.broadcast %squeeze3A_1653 : f32 to vector<16xf32>
        %mul3A_1655 = arith.mulf %broadcast_in_dim3A_1654, %get3A_9 : vector<16xf32>
        %add3A_1656 = arith.addf %mul3A_1655, %get3A_29 : vector<16xf32>
        %swap3A_1657 = arith.index_cast %scan3A_1625 : i32 to index
        %swap3A_1658 = arith.constant 64 : index
        %swap3A_1659 = tpu.vector_load %arg59[%swap3A_1657, %swap3A_1658] {strides = array<i32>} : memref<128x160xf32, #tpu.memory_space<vmem>>, vector<16xf32>,
        tpu.vector_store %arg59[%swap3A_1657, %swap3A_1658], %add3A_1656 {strides = array<i32>} : memref<128x160xf32, #tpu.memory_space<vmem>>, vector<16xf32>,
        %mul3A_1660 = arith.mulf %broadcast_in_dim3A_1654, %get3A_11 : vector<16xf32>
        %add3A_1661 = arith.addf %mul3A_1660, %get3A_31 : vector<16xf32>
        %swap3A_1662 = arith.index_cast %scan3A_1625 : i32 to index
        %swap3A_1663 = arith.constant 80 : index
        %swap3A_1664 = tpu.vector_load %arg59[%swap3A_1662, %swap3A_1663] {strides = array<i32>} : memref<128x160xf32, #tpu.memory_space<vmem>>, vector<16xf32>,
        tpu.vector_store %arg59[%swap3A_1662, %swap3A_1663], %add3A_1661 {strides = array<i32>} : memref<128x160xf32, #tpu.memory_space<vmem>>, vector<16xf32>,
        %slice3A_1665 = vector.extract_strided_slice %get3A_1628 {offsets = [3], sizes = [1], strides = [1]} : vector<16xf32> to vector<1xf32>
        %squeeze3A_1666 = vector.extract %slice3A_1665[0] : f32 from vector<1xf32>
        %broadcast_in_dim3A_1667 = vector.broadcast %squeeze3A_1666 : f32 to vector<16xf32>
        %mul3A_1668 = arith.mulf %broadcast_in_dim3A_1667, %get3A_13 : vector<16xf32>
        %add3A_1669 = arith.addf %mul3A_1668, %get3A_33 : vector<16xf32>
        %swap3A_1670 = arith.index_cast %scan3A_1625 : i32 to index
        %swap3A_1671 = arith.constant 96 : index
        %swap3A_1672 = tpu.vector_load %arg59[%swap3A_1670, %swap3A_1671] {strides = array<i32>} : memref<128x160xf32, #tpu.memory_space<vmem>>, vector<16xf32>,
        tpu.vector_store %arg59[%swap3A_1670, %swap3A_1671], %add3A_1669 {strides = array<i32>} : memref<128x160xf32, #tpu.memory_space<vmem>>, vector<16xf32>,
        %mul3A_1673 = arith.mulf %broadcast_in_dim3A_1667, %get3A_15 : vector<16xf32>
        %add3A_1674 = arith.addf %mul3A_1673, %get3A_35 : vector<16xf32>
        %swap3A_1675 = arith.index_cast %scan3A_1625 : i32 to index
        %swap3A_1676 = arith.constant 112 : index
        %swap3A_1677 = tpu.vector_load %arg59[%swap3A_1675, %swap3A_1676] {strides = array<i32>} : memref<128x160xf32, #tpu.memory_space<vmem>>, vector<16xf32>,
        tpu.vector_store %arg59[%swap3A_1675, %swap3A_1676], %add3A_1674 {strides = array<i32>} : memref<128x160xf32, #tpu.memory_space<vmem>>, vector<16xf32>,
        %slice3A_1678 = vector.extract_strided_slice %get3A_1628 {offsets = [4], sizes = [1], strides = [1]} : vector<16xf32> to vector<1xf32>
        %squeeze3A_1679 = vector.extract %slice3A_1678[0] : f32 from vector<1xf32>
        %broadcast_in_dim3A_1680 = vector.broadcast %squeeze3A_1679 : f32 to vector<16xf32>
        %mul3A_1681 = arith.mulf %broadcast_in_dim3A_1680, %get3A_17 : vector<16xf32>
        %add3A_1682 = arith.addf %mul3A_1681, %get3A_37 : vector<16xf32>
        %swap3A_1683 = arith.index_cast %scan3A_1625 : i32 to index
        %swap3A_1684 = arith.constant 128 : index
        %swap3A_1685 = tpu.vector_load %arg59[%swap3A_1683, %swap3A_1684] {strides = array<i32>} : memref<128x160xf32, #tpu.memory_space<vmem>>, vector<16xf32>,
        tpu.vector_store %arg59[%swap3A_1683, %swap3A_1684], %add3A_1682 {strides = array<i32>} : memref<128x160xf32, #tpu.memory_space<vmem>>, vector<16xf32>,
        %mul3A_1686 = arith.mulf %broadcast_in_dim3A_1680, %get3A_19 : vector<16xf32>
        %add3A_1687 = arith.addf %mul3A_1686, %get3A_39 : vector<16xf32>
        %swap3A_1688 = arith.index_cast %scan3A_1625 : i32 to index
        %swap3A_1689 = arith.constant 144 : index
        %swap3A_1690 = tpu.vector_load %arg59[%swap3A_1688, %swap3A_1689] {strides = array<i32>} : memref<128x160xf32, #tpu.memory_space<vmem>>, vector<16xf32>,
        tpu.vector_store %arg59[%swap3A_1688, %swap3A_1689], %add3A_1687 {strides = array<i32>} : memref<128x160xf32, #tpu.memory_space<vmem>>, vector<16xf32>,
      }
      %scan3A_1509 = arith.constant 128 : i32
      %dma_wait3A_1510 = arith.constant 0 : i32
      %dma_wait3A_1511 = arith.constant 0 : i32
      %dma_wait3A_1512 = tpu.memref_slice %arg13[%dma_wait3A_1510, %dma_wait3A_1511] : memref<100000x32xf32, #tpu.memory_space<hbm>> -> memref<100000x32xf32, #tpu.memory_space<hbm>>
      tpu.wait_indirect_dma semaphore(%arg65 : memref<!tpu.dma_semaphore, #tpu.memory_space<semaphore_mem>>) src(%dma_wait3A_1512 : memref<100000x32xf32, #tpu.memory_space<hbm>>) dst(%arg46 : memref<128x32xf32, #tpu.memory_space<vmem>>)
      %dma_wait3A_1513 = arith.constant 0 : i32
      %dma_wait3A_1514 = arith.constant 0 : i32
      %dma_wait3A_1515 = tpu.memref_slice %arg14[%dma_wait3A_1513, %dma_wait3A_1514] : memref<100000x32xf32, #tpu.memory_space<hbm>> -> memref<100000x32xf32, #tpu.memory_space<hbm>>
      tpu.wait_indirect_dma semaphore(%arg65 : memref<!tpu.dma_semaphore, #tpu.memory_space<semaphore_mem>>) src(%dma_wait3A_1515 : memref<100000x32xf32, #tpu.memory_space<hbm>>) dst(%arg47 : memref<128x32xf32, #tpu.memory_space<vmem>>)
      %dma_wait3A_1516 = arith.constant 0 : i32
      %dma_wait3A_1517 = arith.constant 0 : i32
      %dma_wait3A_1518 = tpu.memref_slice %arg15[%dma_wait3A_1516, %dma_wait3A_1517] : memref<100000x32xf32, #tpu.memory_space<hbm>> -> memref<100000x32xf32, #tpu.memory_space<hbm>>
      tpu.wait_indirect_dma semaphore(%arg65 : memref<!tpu.dma_semaphore, #tpu.memory_space<semaphore_mem>>) src(%dma_wait3A_1518 : memref<100000x32xf32, #tpu.memory_space<hbm>>) dst(%arg48 : memref<128x32xf32, #tpu.memory_space<vmem>>)
      %dma_wait3A_1519 = arith.constant 0 : i32
      %dma_wait3A_1520 = arith.constant 0 : i32
      %dma_wait3A_1521 = tpu.memref_slice %arg16[%dma_wait3A_1519, %dma_wait3A_1520] : memref<100000x32xf32, #tpu.memory_space<hbm>> -> memref<100000x32xf32, #tpu.memory_space<hbm>>
      tpu.wait_indirect_dma semaphore(%arg65 : memref<!tpu.dma_semaphore, #tpu.memory_space<semaphore_mem>>) src(%dma_wait3A_1521 : memref<100000x32xf32, #tpu.memory_space<hbm>>) dst(%arg49 : memref<128x32xf32, #tpu.memory_space<vmem>>)
      %dma_wait3A_1522 = arith.constant 0 : i32
      %dma_wait3A_1523 = arith.constant 0 : i32
      %dma_wait3A_1524 = tpu.memref_slice %arg17[%dma_wait3A_1522, %dma_wait3A_1523] : memref<100000x32xf32, #tpu.memory_space<hbm>> -> memref<100000x32xf32, #tpu.memory_space<hbm>>
      tpu.wait_indirect_dma semaphore(%arg65 : memref<!tpu.dma_semaphore, #tpu.memory_space<semaphore_mem>>) src(%dma_wait3A_1524 : memref<100000x32xf32, #tpu.memory_space<hbm>>) dst(%arg50 : memref<128x32xf32, #tpu.memory_space<vmem>>)
      %dma_wait3A_1525 = arith.constant 0 : i32
      %dma_wait3A_1526 = arith.constant 0 : i32
      %dma_wait3A_1527 = tpu.memref_slice %arg18[%dma_wait3A_1525, %dma_wait3A_1526] : memref<100000x32xf32, #tpu.memory_space<hbm>> -> memref<100000x32xf32, #tpu.memory_space<hbm>>
      tpu.wait_indirect_dma semaphore(%arg65 : memref<!tpu.dma_semaphore, #tpu.memory_space<semaphore_mem>>) src(%dma_wait3A_1527 : memref<100000x32xf32, #tpu.memory_space<hbm>>) dst(%arg51 : memref<128x32xf32, #tpu.memory_space<vmem>>)
      %dma_wait3A_1528 = arith.constant 0 : i32
      %dma_wait3A_1529 = arith.constant 0 : i32
      %dma_wait3A_1530 = tpu.memref_slice %arg19[%dma_wait3A_1528, %dma_wait3A_1529] : memref<100000x32xf32, #tpu.memory_space<hbm>> -> memref<100000x32xf32, #tpu.memory_space<hbm>>
      tpu.wait_indirect_dma semaphore(%arg65 : memref<!tpu.dma_semaphore, #tpu.memory_space<semaphore_mem>>) src(%dma_wait3A_1530 : memref<100000x32xf32, #tpu.memory_space<hbm>>) dst(%arg52 : memref<128x32xf32, #tpu.memory_space<vmem>>)
      %dma_wait3A_1531 = arith.constant 0 : i32
      %dma_wait3A_1532 = arith.constant 0 : i32
      %dma_wait3A_1533 = tpu.memref_slice %arg20[%dma_wait3A_1531, %dma_wait3A_1532] : memref<100000x32xf32, #tpu.memory_space<hbm>> -> memref<100000x32xf32, #tpu.memory_space<hbm>>
      tpu.wait_indirect_dma semaphore(%arg65 : memref<!tpu.dma_semaphore, #tpu.memory_space<semaphore_mem>>) src(%dma_wait3A_1533 : memref<100000x32xf32, #tpu.memory_space<hbm>>) dst(%arg53 : memref<128x32xf32, #tpu.memory_space<vmem>>)
      %mul3A_1534 = arith.constant 6400 : i32
      %mul3A_1535 = arith.muli %add3A, %mul3A_1534 : i32
      %mul3A_1536 = arith.constant 128 : i32
      %mul3A_1537 = arith.muli %add3A_1049, %mul3A_1536 : i32
      %add3A_1538 = arith.addi %mul3A_1535, %mul3A_1537 : i32
      %jit3A_1539 = arith.constant 1024 : i32
      %div3A_1540 = arith.divsi %add3A_1538, %jit3A_1539 : i32
      %sign3A_1541 = arith.constant 0 : i32
      %sign3A_1542 = arith.cmpi sgt, %add3A_1538, %sign3A_1541 : i32
      %sign3A_1543 = arith.extui %sign3A_1542 : i1 to i32
      %sign3A_1544 = arith.constant 0 : i32
      %sign3A_1545 = arith.cmpi slt, %add3A_1538, %sign3A_1544 : i32
      %sign3A_1546 = arith.extui %sign3A_1545 : i1 to i32
      %sign3A_1547 = arith.subi %sign3A_1543, %sign3A_1546 : i32
      %sign3A_1548 = arith.constant 0 : i32
      %sign3A_1549 = arith.cmpi sgt, %jit3A_1539, %sign3A_1548 : i32
      %sign3A_1550 = arith.extui %sign3A_1549 : i1 to i32
      %sign3A_1551 = arith.constant 0 : i32
      %sign3A_1552 = arith.cmpi slt, %jit3A_1539, %sign3A_1551 : i32
      %sign3A_1553 = arith.extui %sign3A_1552 : i1 to i32
      %sign3A_1554 = arith.subi %sign3A_1550, %sign3A_1553 : i32
      %ne3A_1555 = arith.cmpi ne, %sign3A_1547, %sign3A_1554 : i32
      %rem3A_1556 = arith.remsi %add3A_1538, %jit3A_1539 : i32
      %ne3A_1557 = arith.constant 0 : i32
      %ne3A_1558 = arith.cmpi ne, %rem3A_1556, %ne3A_1557 : i32
      %and3A_1559 = arith.andi %ne3A_1555, %ne3A_1558 : i1
      %sub3A_1560 = arith.constant 1 : i32
      %sub3A_1561 = arith.subi %div3A_1540, %sub3A_1560 : i32
      %select_n3A_1562 = arith.select %and3A_1559, %sub3A_1561, %div3A_1540 : i32
      %mul3A_1563 = arith.constant 1024 : i32
      %mul3A_1564 = arith.muli %select_n3A_1562, %mul3A_1563 : i32
      %sub3A_1565 = arith.subi %add3A_1538, %mul3A_1564 : i32
      %dma_start3A_1566 = arith.constant 0 : i32
      %dma_start3A_1567 = tpu.memref_slice %arg21[%select_n3A_1562, %sub3A_1565, %dma_start3A_1566] : memref<200x1024x416xf32, #tpu.memory_space<hbm>> -> memref<1x128x32xf32, #tpu.memory_space<hbm>>
      %dma_start3A_1568 = tpu.memref_squeeze %dma_start3A_1567 : memref<1x128x32xf32, #tpu.memory_space<hbm>> -> memref<128x32xf32, #tpu.memory_space<hbm>>
      %dma_start3A_1569 = arith.constant 0 : i32
      %dma_start3A_1570 = tpu.memref_slice %arg21[%select_n3A_1562, %sub3A_1565, %dma_start3A_1569] : memref<200x1024x416xf32, #tpu.memory_space<hbm>> -> memref<1x128x32xf32, #tpu.memory_space<hbm>>
      %dma_start3A_1571 = tpu.memref_squeeze %dma_start3A_1570 : memref<1x128x32xf32, #tpu.memory_space<hbm>> -> memref<128x32xf32, #tpu.memory_space<hbm>>
      tpu.enqueue_dma source(%arg46 : memref<128x32xf32, #tpu.memory_space<vmem>>) target(%dma_start3A_1571 : memref<128x32xf32, #tpu.memory_space<hbm>>) target_semaphore(%arg67 : memref<!tpu.dma_semaphore, #tpu.memory_space<semaphore_mem>>)
      %dma_start3A_1572 = arith.constant 32 : i32
      %dma_start3A_1573 = tpu.memref_slice %arg21[%select_n3A_1562, %sub3A_1565, %dma_start3A_1572] : memref<200x1024x416xf32, #tpu.memory_space<hbm>> -> memref<1x128x32xf32, #tpu.memory_space<hbm>>
      %dma_start3A_1574 = tpu.memref_squeeze %dma_start3A_1573 : memref<1x128x32xf32, #tpu.memory_space<hbm>> -> memref<128x32xf32, #tpu.memory_space<hbm>>
      %dma_start3A_1575 = arith.constant 32 : i32
      %dma_start3A_1576 = tpu.memref_slice %arg21[%select_n3A_1562, %sub3A_1565, %dma_start3A_1575] : memref<200x1024x416xf32, #tpu.memory_space<hbm>> -> memref<1x128x32xf32, #tpu.memory_space<hbm>>
      %dma_start3A_1577 = tpu.memref_squeeze %dma_start3A_1576 : memref<1x128x32xf32, #tpu.memory_space<hbm>> -> memref<128x32xf32, #tpu.memory_space<hbm>>
      tpu.enqueue_dma source(%arg47 : memref<128x32xf32, #tpu.memory_space<vmem>>) target(%dma_start3A_1577 : memref<128x32xf32, #tpu.memory_space<hbm>>) target_semaphore(%arg67 : memref<!tpu.dma_semaphore, #tpu.memory_space<semaphore_mem>>)
      %dma_start3A_1578 = arith.constant 64 : i32
      %dma_start3A_1579 = tpu.memref_slice %arg21[%select_n3A_1562, %sub3A_1565, %dma_start3A_1578] : memref<200x1024x416xf32, #tpu.memory_space<hbm>> -> memref<1x128x32xf32, #tpu.memory_space<hbm>>
      %dma_start3A_1580 = tpu.memref_squeeze %dma_start3A_1579 : memref<1x128x32xf32, #tpu.memory_space<hbm>> -> memref<128x32xf32, #tpu.memory_space<hbm>>
      %dma_start3A_1581 = arith.constant 64 : i32
      %dma_start3A_1582 = tpu.memref_slice %arg21[%select_n3A_1562, %sub3A_1565, %dma_start3A_1581] : memref<200x1024x416xf32, #tpu.memory_space<hbm>> -> memref<1x128x32xf32, #tpu.memory_space<hbm>>
      %dma_start3A_1583 = tpu.memref_squeeze %dma_start3A_1582 : memref<1x128x32xf32, #tpu.memory_space<hbm>> -> memref<128x32xf32, #tpu.memory_space<hbm>>
      tpu.enqueue_dma source(%arg48 : memref<128x32xf32, #tpu.memory_space<vmem>>) target(%dma_start3A_1583 : memref<128x32xf32, #tpu.memory_space<hbm>>) target_semaphore(%arg67 : memref<!tpu.dma_semaphore, #tpu.memory_space<semaphore_mem>>)
      %dma_start3A_1584 = arith.constant 96 : i32
      %dma_start3A_1585 = tpu.memref_slice %arg21[%select_n3A_1562, %sub3A_1565, %dma_start3A_1584] : memref<200x1024x416xf32, #tpu.memory_space<hbm>> -> memref<1x128x32xf32, #tpu.memory_space<hbm>>
      %dma_start3A_1586 = tpu.memref_squeeze %dma_start3A_1585 : memref<1x128x32xf32, #tpu.memory_space<hbm>> -> memref<128x32xf32, #tpu.memory_space<hbm>>
      %dma_start3A_1587 = arith.constant 96 : i32
      %dma_start3A_1588 = tpu.memref_slice %arg21[%select_n3A_1562, %sub3A_1565, %dma_start3A_1587] : memref<200x1024x416xf32, #tpu.memory_space<hbm>> -> memref<1x128x32xf32, #tpu.memory_space<hbm>>
      %dma_start3A_1589 = tpu.memref_squeeze %dma_start3A_1588 : memref<1x128x32xf32, #tpu.memory_space<hbm>> -> memref<128x32xf32, #tpu.memory_space<hbm>>
      tpu.enqueue_dma source(%arg49 : memref<128x32xf32, #tpu.memory_space<vmem>>) target(%dma_start3A_1589 : memref<128x32xf32, #tpu.memory_space<hbm>>) target_semaphore(%arg67 : memref<!tpu.dma_semaphore, #tpu.memory_space<semaphore_mem>>)
      %dma_start3A_1590 = arith.constant 128 : i32
      %dma_start3A_1591 = tpu.memref_slice %arg21[%select_n3A_1562, %sub3A_1565, %dma_start3A_1590] : memref<200x1024x416xf32, #tpu.memory_space<hbm>> -> memref<1x128x32xf32, #tpu.memory_space<hbm>>
      %dma_start3A_1592 = tpu.memref_squeeze %dma_start3A_1591 : memref<1x128x32xf32, #tpu.memory_space<hbm>> -> memref<128x32xf32, #tpu.memory_space<hbm>>
      %dma_start3A_1593 = arith.constant 128 : i32
      %dma_start3A_1594 = tpu.memref_slice %arg21[%select_n3A_1562, %sub3A_1565, %dma_start3A_1593] : memref<200x1024x416xf32, #tpu.memory_space<hbm>> -> memref<1x128x32xf32, #tpu.memory_space<hbm>>
      %dma_start3A_1595 = tpu.memref_squeeze %dma_start3A_1594 : memref<1x128x32xf32, #tpu.memory_space<hbm>> -> memref<128x32xf32, #tpu.memory_space<hbm>>
      tpu.enqueue_dma source(%arg50 : memref<128x32xf32, #tpu.memory_space<vmem>>) target(%dma_start3A_1595 : memref<128x32xf32, #tpu.memory_space<hbm>>) target_semaphore(%arg67 : memref<!tpu.dma_semaphore, #tpu.memory_space<semaphore_mem>>)
      %dma_start3A_1596 = arith.constant 160 : i32
      %dma_start3A_1597 = tpu.memref_slice %arg21[%select_n3A_1562, %sub3A_1565, %dma_start3A_1596] : memref<200x1024x416xf32, #tpu.memory_space<hbm>> -> memref<1x128x32xf32, #tpu.memory_space<hbm>>
      %dma_start3A_1598 = tpu.memref_squeeze %dma_start3A_1597 : memref<1x128x32xf32, #tpu.memory_space<hbm>> -> memref<128x32xf32, #tpu.memory_space<hbm>>
      %dma_start3A_1599 = arith.constant 160 : i32
      %dma_start3A_1600 = tpu.memref_slice %arg21[%select_n3A_1562, %sub3A_1565, %dma_start3A_1599] : memref<200x1024x416xf32, #tpu.memory_space<hbm>> -> memref<1x128x32xf32, #tpu.memory_space<hbm>>
      %dma_start3A_1601 = tpu.memref_squeeze %dma_start3A_1600 : memref<1x128x32xf32, #tpu.memory_space<hbm>> -> memref<128x32xf32, #tpu.memory_space<hbm>>
      tpu.enqueue_dma source(%arg51 : memref<128x32xf32, #tpu.memory_space<vmem>>) target(%dma_start3A_1601 : memref<128x32xf32, #tpu.memory_space<hbm>>) target_semaphore(%arg67 : memref<!tpu.dma_semaphore, #tpu.memory_space<semaphore_mem>>)
      %dma_start3A_1602 = arith.constant 192 : i32
      %dma_start3A_1603 = tpu.memref_slice %arg21[%select_n3A_1562, %sub3A_1565, %dma_start3A_1602] : memref<200x1024x416xf32, #tpu.memory_space<hbm>> -> memref<1x128x32xf32, #tpu.memory_space<hbm>>
      %dma_start3A_1604 = tpu.memref_squeeze %dma_start3A_1603 : memref<1x128x32xf32, #tpu.memory_space<hbm>> -> memref<128x32xf32, #tpu.memory_space<hbm>>
      %dma_start3A_1605 = arith.constant 192 : i32
      %dma_start3A_1606 = tpu.memref_slice %arg21[%select_n3A_1562, %sub3A_1565, %dma_start3A_1605] : memref<200x1024x416xf32, #tpu.memory_space<hbm>> -> memref<1x128x32xf32, #tpu.memory_space<hbm>>
      %dma_start3A_1607 = tpu.memref_squeeze %dma_start3A_1606 : memref<1x128x32xf32, #tpu.memory_space<hbm>> -> memref<128x32xf32, #tpu.memory_space<hbm>>
      tpu.enqueue_dma source(%arg52 : memref<128x32xf32, #tpu.memory_space<vmem>>) target(%dma_start3A_1607 : memref<128x32xf32, #tpu.memory_space<hbm>>) target_semaphore(%arg67 : memref<!tpu.dma_semaphore, #tpu.memory_space<semaphore_mem>>)
      %dma_start3A_1608 = arith.constant 224 : i32
      %dma_start3A_1609 = tpu.memref_slice %arg21[%select_n3A_1562, %sub3A_1565, %dma_start3A_1608] : memref<200x1024x416xf32, #tpu.memory_space<hbm>> -> memref<1x128x32xf32, #tpu.memory_space<hbm>>
      %dma_start3A_1610 = tpu.memref_squeeze %dma_start3A_1609 : memref<1x128x32xf32, #tpu.memory_space<hbm>> -> memref<128x32xf32, #tpu.memory_space<hbm>>
      %dma_start3A_1611 = arith.constant 224 : i32
      %dma_start3A_1612 = tpu.memref_slice %arg21[%select_n3A_1562, %sub3A_1565, %dma_start3A_1611] : memref<200x1024x416xf32, #tpu.memory_space<hbm>> -> memref<1x128x32xf32, #tpu.memory_space<hbm>>
      %dma_start3A_1613 = tpu.memref_squeeze %dma_start3A_1612 : memref<1x128x32xf32, #tpu.memory_space<hbm>> -> memref<128x32xf32, #tpu.memory_space<hbm>>
      tpu.enqueue_dma source(%arg53 : memref<128x32xf32, #tpu.memory_space<vmem>>) target(%dma_start3A_1613 : memref<128x32xf32, #tpu.memory_space<hbm>>) target_semaphore(%arg67 : memref<!tpu.dma_semaphore, #tpu.memory_space<semaphore_mem>>)
      %dma_start3A_1614 = arith.constant 256 : i32
      %dma_start3A_1615 = tpu.memref_slice %arg21[%select_n3A_1562, %sub3A_1565, %dma_start3A_1614] : memref<200x1024x416xf32, #tpu.memory_space<hbm>> -> memref<1x128x160xf32, #tpu.memory_space<hbm>>
      %dma_start3A_1616 = tpu.memref_squeeze %dma_start3A_1615 : memref<1x128x160xf32, #tpu.memory_space<hbm>> -> memref<128x160xf32, #tpu.memory_space<hbm>>
      %dma_start3A_1617 = arith.constant 256 : i32
      %dma_start3A_1618 = tpu.memref_slice %arg21[%select_n3A_1562, %sub3A_1565, %dma_start3A_1617] : memref<200x1024x416xf32, #tpu.memory_space<hbm>> -> memref<1x128x160xf32, #tpu.memory_space<hbm>>
      %dma_start3A_1619 = tpu.memref_squeeze %dma_start3A_1618 : memref<1x128x160xf32, #tpu.memory_space<hbm>> -> memref<128x160xf32, #tpu.memory_space<hbm>>
      tpu.enqueue_dma source(%arg59 : memref<128x160xf32, #tpu.memory_space<vmem>>) target(%dma_start3A_1619 : memref<128x160xf32, #tpu.memory_space<hbm>>) target_semaphore(%arg67 : memref<!tpu.dma_semaphore, #tpu.memory_space<semaphore_mem>>)
      %lt3A_1620 = arith.constant 24 : i32
      %lt3A_1621 = arith.cmpi slt, %scan3A_473, %lt3A_1620 : i32
      %convert_element_type3A_1622 = arith.extui %lt3A_1621 : i1 to i32
      %cond3A_1623 = arith.constant 0 : i32
      %cond3A_1624 = arith.cmpi ne, %convert_element_type3A_1622, %cond3A_1623 : i32
      scf.if %cond3A_1624 {
        %mul3A_1625 = arith.constant 2 : i32
        %mul3A_1626 = arith.muli %mul3A_1625, %scan3A_473 : i32
        %add3A_1627 = arith.constant 3 : i32
        %add3A_1628 = arith.addi %mul3A_1626, %add3A_1627 : i32
        %mul3A_1629 = arith.constant 6400 : i32
        %mul3A_1630 = arith.muli %add3A, %mul3A_1629 : i32
        %mul3A_1631 = arith.constant 128 : i32
        %mul3A_1632 = arith.muli %add3A_1628, %mul3A_1631 : i32
        %add3A_1633 = arith.addi %mul3A_1630, %mul3A_1632 : i32
        %jit3A_1634 = arith.constant 1024 : i32
        %div3A_1635 = arith.divsi %add3A_1633, %jit3A_1634 : i32
        %sign3A_1636 = arith.constant 0 : i32
        %sign3A_1637 = arith.cmpi sgt, %add3A_1633, %sign3A_1636 : i32
        %sign3A_1638 = arith.extui %sign3A_1637 : i1 to i32
        %sign3A_1639 = arith.constant 0 : i32
        %sign3A_1640 = arith.cmpi slt, %add3A_1633, %sign3A_1639 : i32
        %sign3A_1641 = arith.extui %sign3A_1640 : i1 to i32
        %sign3A_1642 = arith.subi %sign3A_1638, %sign3A_1641 : i32
        %sign3A_1643 = arith.constant 0 : i32
        %sign3A_1644 = arith.cmpi sgt, %jit3A_1634, %sign3A_1643 : i32
        %sign3A_1645 = arith.extui %sign3A_1644 : i1 to i32
        %sign3A_1646 = arith.constant 0 : i32
        %sign3A_1647 = arith.cmpi slt, %jit3A_1634, %sign3A_1646 : i32
        %sign3A_1648 = arith.extui %sign3A_1647 : i1 to i32
        %sign3A_1649 = arith.subi %sign3A_1645, %sign3A_1648 : i32
        %ne3A_1650 = arith.cmpi ne, %sign3A_1642, %sign3A_1649 : i32
        %rem3A_1651 = arith.remsi %add3A_1633, %jit3A_1634 : i32
        %ne3A_1652 = arith.constant 0 : i32
        %ne3A_1653 = arith.cmpi ne, %rem3A_1651, %ne3A_1652 : i32
        %and3A_1654 = arith.andi %ne3A_1650, %ne3A_1653 : i1
        %sub3A_1655 = arith.constant 1 : i32
        %sub3A_1656 = arith.subi %div3A_1635, %sub3A_1655 : i32
        %select_n3A_1657 = arith.select %and3A_1654, %sub3A_1656, %div3A_1635 : i32
        %mul3A_1658 = arith.constant 1024 : i32
        %mul3A_1659 = arith.muli %select_n3A_1657, %mul3A_1658 : i32
        %sub3A_1660 = arith.subi %add3A_1633, %mul3A_1659 : i32
        %jit3A_1661 = arith.constant 8 : i32
        %div3A_1662 = arith.divsi %select_n3A_1657, %jit3A_1661 : i32
        %sign3A_1663 = arith.constant 0 : i32
        %sign3A_1664 = arith.cmpi sgt, %select_n3A_1657, %sign3A_1663 : i32
        %sign3A_1665 = arith.extui %sign3A_1664 : i1 to i32
        %sign3A_1666 = arith.constant 0 : i32
        %sign3A_1667 = arith.cmpi slt, %select_n3A_1657, %sign3A_1666 : i32
        %sign3A_1668 = arith.extui %sign3A_1667 : i1 to i32
        %sign3A_1669 = arith.subi %sign3A_1665, %sign3A_1668 : i32
        %sign3A_1670 = arith.constant 0 : i32
        %sign3A_1671 = arith.cmpi sgt, %jit3A_1661, %sign3A_1670 : i32
        %sign3A_1672 = arith.extui %sign3A_1671 : i1 to i32
        %sign3A_1673 = arith.constant 0 : i32
        %sign3A_1674 = arith.cmpi slt, %jit3A_1661, %sign3A_1673 : i32
        %sign3A_1675 = arith.extui %sign3A_1674 : i1 to i32
        %sign3A_1676 = arith.subi %sign3A_1672, %sign3A_1675 : i32
        %ne3A_1677 = arith.cmpi ne, %sign3A_1669, %sign3A_1676 : i32
        %rem3A_1678 = arith.remsi %select_n3A_1657, %jit3A_1661 : i32
        %ne3A_1679 = arith.constant 0 : i32
        %ne3A_1680 = arith.cmpi ne, %rem3A_1678, %ne3A_1679 : i32
        %and3A_1681 = arith.andi %ne3A_1677, %ne3A_1680 : i1
        %sub3A_1682 = arith.constant 1 : i32
        %sub3A_1683 = arith.subi %div3A_1662, %sub3A_1682 : i32
        %select_n3A_1684 = arith.select %and3A_1681, %sub3A_1683, %div3A_1662 : i32
        %mul3A_1685 = arith.constant 8 : i32
        %mul3A_1686 = arith.muli %select_n3A_1684, %mul3A_1685 : i32
        %sub3A_1687 = arith.subi %select_n3A_1657, %mul3A_1686 : i32
        %jit3A_1688 = arith.constant 128 : i32
        %div3A_1689 = arith.divsi %sub3A_1660, %jit3A_1688 : i32
        %sign3A_1690 = arith.constant 0 : i32
        %sign3A_1691 = arith.cmpi sgt, %sub3A_1660, %sign3A_1690 : i32
        %sign3A_1692 = arith.extui %sign3A_1691 : i1 to i32
        %sign3A_1693 = arith.constant 0 : i32
        %sign3A_1694 = arith.cmpi slt, %sub3A_1660, %sign3A_1693 : i32
        %sign3A_1695 = arith.extui %sign3A_1694 : i1 to i32
        %sign3A_1696 = arith.subi %sign3A_1692, %sign3A_1695 : i32
        %sign3A_1697 = arith.constant 0 : i32
        %sign3A_1698 = arith.cmpi sgt, %jit3A_1688, %sign3A_1697 : i32
        %sign3A_1699 = arith.extui %sign3A_1698 : i1 to i32
        %sign3A_1700 = arith.constant 0 : i32
        %sign3A_1701 = arith.cmpi slt, %jit3A_1688, %sign3A_1700 : i32
        %sign3A_1702 = arith.extui %sign3A_1701 : i1 to i32
        %sign3A_1703 = arith.subi %sign3A_1699, %sign3A_1702 : i32
        %ne3A_1704 = arith.cmpi ne, %sign3A_1696, %sign3A_1703 : i32
        %rem3A_1705 = arith.remsi %sub3A_1660, %jit3A_1688 : i32
        %ne3A_1706 = arith.constant 0 : i32
        %ne3A_1707 = arith.cmpi ne, %rem3A_1705, %ne3A_1706 : i32
        %and3A_1708 = arith.andi %ne3A_1704, %ne3A_1707 : i1
        %sub3A_1709 = arith.constant 1 : i32
        %sub3A_1710 = arith.subi %div3A_1689, %sub3A_1709 : i32
        %select_n3A_1711 = arith.select %and3A_1708, %sub3A_1710, %div3A_1689 : i32
        %dma_start3A_1712 = arith.constant 0 : i32
        %dma_start3A_1713 = tpu.memref_slice %arg2[%select_n3A_1684, %select_n3A_1711, %sub3A_1687, %dma_start3A_1712] : memref<25x8x8x128xi32, #tpu.memory_space<hbm>> -> memref<1x1x1x128xi32, #tpu.memory_space<hbm>>
        %dma_start3A_1714 = tpu.memref_squeeze %dma_start3A_1713 : memref<1x1x1x128xi32, #tpu.memory_space<hbm>> -> memref<128xi32, #tpu.memory_space<hbm>>
        %dma_start3A_1715 = arith.constant 0 : i32
        %dma_start3A_1716 = tpu.memref_slice %arg2[%select_n3A_1684, %select_n3A_1711, %sub3A_1687, %dma_start3A_1715] : memref<25x8x8x128xi32, #tpu.memory_space<hbm>> -> memref<1x1x1x128xi32, #tpu.memory_space<hbm>>
        %dma_start3A_1717 = tpu.memref_squeeze %dma_start3A_1716 : memref<1x1x1x128xi32, #tpu.memory_space<hbm>> -> memref<128xi32, #tpu.memory_space<hbm>>
        tpu.enqueue_dma source(%dma_start3A_1717 : memref<128xi32, #tpu.memory_space<hbm>>) target(%arg30 : memref<128xi32, #tpu.memory_space<vmem>>) target_semaphore(%arg63 : memref<!tpu.dma_semaphore, #tpu.memory_space<semaphore_mem>>)
        %dma_start3A_1718 = arith.constant 0 : i32
        %dma_start3A_1719 = tpu.memref_slice %arg3[%select_n3A_1684, %select_n3A_1711, %sub3A_1687, %dma_start3A_1718] : memref<25x8x8x128xi32, #tpu.memory_space<hbm>> -> memref<1x1x1x128xi32, #tpu.memory_space<hbm>>
        %dma_start3A_1720 = tpu.memref_squeeze %dma_start3A_1719 : memref<1x1x1x128xi32, #tpu.memory_space<hbm>> -> memref<128xi32, #tpu.memory_space<hbm>>
        %dma_start3A_1721 = arith.constant 0 : i32
        %dma_start3A_1722 = tpu.memref_slice %arg3[%select_n3A_1684, %select_n3A_1711, %sub3A_1687, %dma_start3A_1721] : memref<25x8x8x128xi32, #tpu.memory_space<hbm>> -> memref<1x1x1x128xi32, #tpu.memory_space<hbm>>
        %dma_start3A_1723 = tpu.memref_squeeze %dma_start3A_1722 : memref<1x1x1x128xi32, #tpu.memory_space<hbm>> -> memref<128xi32, #tpu.memory_space<hbm>>
        tpu.enqueue_dma source(%dma_start3A_1723 : memref<128xi32, #tpu.memory_space<hbm>>) target(%arg31 : memref<128xi32, #tpu.memory_space<vmem>>) target_semaphore(%arg63 : memref<!tpu.dma_semaphore, #tpu.memory_space<semaphore_mem>>)
        %dma_start3A_1724 = arith.constant 0 : i32
        %dma_start3A_1725 = tpu.memref_slice %arg4[%select_n3A_1684, %select_n3A_1711, %sub3A_1687, %dma_start3A_1724] : memref<25x8x8x128xi32, #tpu.memory_space<hbm>> -> memref<1x1x1x128xi32, #tpu.memory_space<hbm>>
        %dma_start3A_1726 = tpu.memref_squeeze %dma_start3A_1725 : memref<1x1x1x128xi32, #tpu.memory_space<hbm>> -> memref<128xi32, #tpu.memory_space<hbm>>
        %dma_start3A_1727 = arith.constant 0 : i32
        %dma_start3A_1728 = tpu.memref_slice %arg4[%select_n3A_1684, %select_n3A_1711, %sub3A_1687, %dma_start3A_1727] : memref<25x8x8x128xi32, #tpu.memory_space<hbm>> -> memref<1x1x1x128xi32, #tpu.memory_space<hbm>>
        %dma_start3A_1729 = tpu.memref_squeeze %dma_start3A_1728 : memref<1x1x1x128xi32, #tpu.memory_space<hbm>> -> memref<128xi32, #tpu.memory_space<hbm>>
        tpu.enqueue_dma source(%dma_start3A_1729 : memref<128xi32, #tpu.memory_space<hbm>>) target(%arg32 : memref<128xi32, #tpu.memory_space<vmem>>) target_semaphore(%arg63 : memref<!tpu.dma_semaphore, #tpu.memory_space<semaphore_mem>>)
        %dma_start3A_1730 = arith.constant 0 : i32
        %dma_start3A_1731 = tpu.memref_slice %arg5[%select_n3A_1684, %select_n3A_1711, %sub3A_1687, %dma_start3A_1730] : memref<25x8x8x128xi32, #tpu.memory_space<hbm>> -> memref<1x1x1x128xi32, #tpu.memory_space<hbm>>
        %dma_start3A_1732 = tpu.memref_squeeze %dma_start3A_1731 : memref<1x1x1x128xi32, #tpu.memory_space<hbm>> -> memref<128xi32, #tpu.memory_space<hbm>>
        %dma_start3A_1733 = arith.constant 0 : i32
        %dma_start3A_1734 = tpu.memref_slice %arg5[%select_n3A_1684, %select_n3A_1711, %sub3A_1687, %dma_start3A_1733] : memref<25x8x8x128xi32, #tpu.memory_space<hbm>> -> memref<1x1x1x128xi32, #tpu.memory_space<hbm>>
        %dma_start3A_1735 = tpu.memref_squeeze %dma_start3A_1734 : memref<1x1x1x128xi32, #tpu.memory_space<hbm>> -> memref<128xi32, #tpu.memory_space<hbm>>
        tpu.enqueue_dma source(%dma_start3A_1735 : memref<128xi32, #tpu.memory_space<hbm>>) target(%arg33 : memref<128xi32, #tpu.memory_space<vmem>>) target_semaphore(%arg63 : memref<!tpu.dma_semaphore, #tpu.memory_space<semaphore_mem>>)
        %dma_start3A_1736 = arith.constant 0 : i32
        %dma_start3A_1737 = tpu.memref_slice %arg6[%select_n3A_1684, %select_n3A_1711, %sub3A_1687, %dma_start3A_1736] : memref<25x8x8x128xi32, #tpu.memory_space<hbm>> -> memref<1x1x1x128xi32, #tpu.memory_space<hbm>>
        %dma_start3A_1738 = tpu.memref_squeeze %dma_start3A_1737 : memref<1x1x1x128xi32, #tpu.memory_space<hbm>> -> memref<128xi32, #tpu.memory_space<hbm>>
        %dma_start3A_1739 = arith.constant 0 : i32
        %dma_start3A_1740 = tpu.memref_slice %arg6[%select_n3A_1684, %select_n3A_1711, %sub3A_1687, %dma_start3A_1739] : memref<25x8x8x128xi32, #tpu.memory_space<hbm>> -> memref<1x1x1x128xi32, #tpu.memory_space<hbm>>
        %dma_start3A_1741 = tpu.memref_squeeze %dma_start3A_1740 : memref<1x1x1x128xi32, #tpu.memory_space<hbm>> -> memref<128xi32, #tpu.memory_space<hbm>>
        tpu.enqueue_dma source(%dma_start3A_1741 : memref<128xi32, #tpu.memory_space<hbm>>) target(%arg34 : memref<128xi32, #tpu.memory_space<vmem>>) target_semaphore(%arg63 : memref<!tpu.dma_semaphore, #tpu.memory_space<semaphore_mem>>)
        %dma_start3A_1742 = arith.constant 0 : i32
        %dma_start3A_1743 = tpu.memref_slice %arg7[%select_n3A_1684, %select_n3A_1711, %sub3A_1687, %dma_start3A_1742] : memref<25x8x8x128xi32, #tpu.memory_space<hbm>> -> memref<1x1x1x128xi32, #tpu.memory_space<hbm>>
        %dma_start3A_1744 = tpu.memref_squeeze %dma_start3A_1743 : memref<1x1x1x128xi32, #tpu.memory_space<hbm>> -> memref<128xi32, #tpu.memory_space<hbm>>
        %dma_start3A_1745 = arith.constant 0 : i32
        %dma_start3A_1746 = tpu.memref_slice %arg7[%select_n3A_1684, %select_n3A_1711, %sub3A_1687, %dma_start3A_1745] : memref<25x8x8x128xi32, #tpu.memory_space<hbm>> -> memref<1x1x1x128xi32, #tpu.memory_space<hbm>>
        %dma_start3A_1747 = tpu.memref_squeeze %dma_start3A_1746 : memref<1x1x1x128xi32, #tpu.memory_space<hbm>> -> memref<128xi32, #tpu.memory_space<hbm>>
        tpu.enqueue_dma source(%dma_start3A_1747 : memref<128xi32, #tpu.memory_space<hbm>>) target(%arg35 : memref<128xi32, #tpu.memory_space<vmem>>) target_semaphore(%arg63 : memref<!tpu.dma_semaphore, #tpu.memory_space<semaphore_mem>>)
        %dma_start3A_1748 = arith.constant 0 : i32
        %dma_start3A_1749 = tpu.memref_slice %arg8[%select_n3A_1684, %select_n3A_1711, %sub3A_1687, %dma_start3A_1748] : memref<25x8x8x128xi32, #tpu.memory_space<hbm>> -> memref<1x1x1x128xi32, #tpu.memory_space<hbm>>
        %dma_start3A_1750 = tpu.memref_squeeze %dma_start3A_1749 : memref<1x1x1x128xi32, #tpu.memory_space<hbm>> -> memref<128xi32, #tpu.memory_space<hbm>>
        %dma_start3A_1751 = arith.constant 0 : i32
        %dma_start3A_1752 = tpu.memref_slice %arg8[%select_n3A_1684, %select_n3A_1711, %sub3A_1687, %dma_start3A_1751] : memref<25x8x8x128xi32, #tpu.memory_space<hbm>> -> memref<1x1x1x128xi32, #tpu.memory_space<hbm>>
        %dma_start3A_1753 = tpu.memref_squeeze %dma_start3A_1752 : memref<1x1x1x128xi32, #tpu.memory_space<hbm>> -> memref<128xi32, #tpu.memory_space<hbm>>
        tpu.enqueue_dma source(%dma_start3A_1753 : memref<128xi32, #tpu.memory_space<hbm>>) target(%arg36 : memref<128xi32, #tpu.memory_space<vmem>>) target_semaphore(%arg63 : memref<!tpu.dma_semaphore, #tpu.memory_space<semaphore_mem>>)
        %dma_start3A_1754 = arith.constant 0 : i32
        %dma_start3A_1755 = tpu.memref_slice %arg9[%select_n3A_1684, %select_n3A_1711, %sub3A_1687, %dma_start3A_1754] : memref<25x8x8x128xi32, #tpu.memory_space<hbm>> -> memref<1x1x1x128xi32, #tpu.memory_space<hbm>>
        %dma_start3A_1756 = tpu.memref_squeeze %dma_start3A_1755 : memref<1x1x1x128xi32, #tpu.memory_space<hbm>> -> memref<128xi32, #tpu.memory_space<hbm>>
        %dma_start3A_1757 = arith.constant 0 : i32
        %dma_start3A_1758 = tpu.memref_slice %arg9[%select_n3A_1684, %select_n3A_1711, %sub3A_1687, %dma_start3A_1757] : memref<25x8x8x128xi32, #tpu.memory_space<hbm>> -> memref<1x1x1x128xi32, #tpu.memory_space<hbm>>
        %dma_start3A_1759 = tpu.memref_squeeze %dma_start3A_1758 : memref<1x1x1x128xi32, #tpu.memory_space<hbm>> -> memref<128xi32, #tpu.memory_space<hbm>>
        tpu.enqueue_dma source(%dma_start3A_1759 : memref<128xi32, #tpu.memory_space<hbm>>) target(%arg37 : memref<128xi32, #tpu.memory_space<vmem>>) target_semaphore(%arg63 : memref<!tpu.dma_semaphore, #tpu.memory_space<semaphore_mem>>)
        %dma_start3A_1760 = arith.constant 0 : i32
        %dma_start3A_1761 = tpu.memref_slice %arg10[%dma_start3A_1760, %add3A_1633] : memref<5x204800xf32, #tpu.memory_space<hbm>> -> memref<5x128xf32, #tpu.memory_space<hbm>>
        %dma_start3A_1762 = arith.constant 0 : i32
        %dma_start3A_1763 = tpu.memref_slice %arg10[%dma_start3A_1762, %add3A_1633] : memref<5x204800xf32, #tpu.memory_space<hbm>> -> memref<5x128xf32, #tpu.memory_space<hbm>>
        tpu.enqueue_dma source(%dma_start3A_1763 : memref<5x128xf32, #tpu.memory_space<hbm>>) target(%arg55 : memref<5x128xf32, #tpu.memory_space<vmem>>) target_semaphore(%arg63 : memref<!tpu.dma_semaphore, #tpu.memory_space<semaphore_mem>>)
      } else {
      }
    }
    %scan3A_303 = arith.constant 25 : i32
    %mul3A_304 = arith.constant 6400 : i32
    %mul3A_305 = arith.muli %add3A, %mul3A_304 : i32
    %add3A_306 = arith.constant 6144 : i32
    %add3A_307 = arith.addi %mul3A_305, %add3A_306 : i32
    %jit3A_308 = arith.constant 1024 : i32
    %div3A_309 = arith.divsi %add3A_307, %jit3A_308 : i32
    %sign3A_310 = arith.constant 0 : i32
    %sign3A_311 = arith.cmpi sgt, %add3A_307, %sign3A_310 : i32
    %sign3A_312 = arith.extui %sign3A_311 : i1 to i32
    %sign3A_313 = arith.constant 0 : i32
    %sign3A_314 = arith.cmpi slt, %add3A_307, %sign3A_313 : i32
    %sign3A_315 = arith.extui %sign3A_314 : i1 to i32
    %sign3A_316 = arith.subi %sign3A_312, %sign3A_315 : i32
    %sign3A_317 = arith.constant 0 : i32
    %sign3A_318 = arith.cmpi sgt, %jit3A_308, %sign3A_317 : i32
    %sign3A_319 = arith.extui %sign3A_318 : i1 to i32
    %sign3A_320 = arith.constant 0 : i32
    %sign3A_321 = arith.cmpi slt, %jit3A_308, %sign3A_320 : i32
    %sign3A_322 = arith.extui %sign3A_321 : i1 to i32
    %sign3A_323 = arith.subi %sign3A_319, %sign3A_322 : i32
    %ne3A_324 = arith.cmpi ne, %sign3A_316, %sign3A_323 : i32
    %rem3A_325 = arith.remsi %add3A_307, %jit3A_308 : i32
    %ne3A_326 = arith.constant 0 : i32
    %ne3A_327 = arith.cmpi ne, %rem3A_325, %ne3A_326 : i32
    %and3A_328 = arith.andi %ne3A_324, %ne3A_327 : i1
    %sub3A_329 = arith.constant 1 : i32
    %sub3A_330 = arith.subi %div3A_309, %sub3A_329 : i32
    %select_n3A_331 = arith.select %and3A_328, %sub3A_330, %div3A_309 : i32
    %mul3A_332 = arith.constant 1024 : i32
    %mul3A_333 = arith.muli %select_n3A_331, %mul3A_332 : i32
    %sub3A_334 = arith.subi %add3A_307, %mul3A_333 : i32
    %dma_wait3A = arith.constant 0 : i32
    %dma_wait3A_335 = tpu.memref_slice %arg21[%select_n3A_331, %sub3A_334, %dma_wait3A] : memref<200x1024x416xf32, #tpu.memory_space<hbm>> -> memref<1x128x32xf32, #tpu.memory_space<hbm>>
    %dma_wait3A_336 = tpu.memref_squeeze %dma_wait3A_335 : memref<1x128x32xf32, #tpu.memory_space<hbm>> -> memref<128x32xf32, #tpu.memory_space<hbm>>
    %dma_wait3A_337 = arith.constant 0 : i32
    %dma_wait3A_338 = tpu.memref_slice %arg21[%select_n3A_331, %sub3A_334, %dma_wait3A_337] : memref<200x1024x416xf32, #tpu.memory_space<hbm>> -> memref<1x128x32xf32, #tpu.memory_space<hbm>>
    %dma_wait3A_339 = tpu.memref_squeeze %dma_wait3A_338 : memref<1x128x32xf32, #tpu.memory_space<hbm>> -> memref<128x32xf32, #tpu.memory_space<hbm>>
    tpu.wait_dma2 semaphore(%arg66 : memref<!tpu.dma_semaphore, #tpu.memory_space<semaphore_mem>>) src(%arg38 : memref<128x32xf32, #tpu.memory_space<vmem>>) dst(%dma_wait3A_339 : memref<128x32xf32, #tpu.memory_space<hbm>>)
    %dma_wait3A_340 = arith.constant 32 : i32
    %dma_wait3A_341 = tpu.memref_slice %arg21[%select_n3A_331, %sub3A_334, %dma_wait3A_340] : memref<200x1024x416xf32, #tpu.memory_space<hbm>> -> memref<1x128x32xf32, #tpu.memory_space<hbm>>
    %dma_wait3A_342 = tpu.memref_squeeze %dma_wait3A_341 : memref<1x128x32xf32, #tpu.memory_space<hbm>> -> memref<128x32xf32, #tpu.memory_space<hbm>>
    %dma_wait3A_343 = arith.constant 32 : i32
    %dma_wait3A_344 = tpu.memref_slice %arg21[%select_n3A_331, %sub3A_334, %dma_wait3A_343] : memref<200x1024x416xf32, #tpu.memory_space<hbm>> -> memref<1x128x32xf32, #tpu.memory_space<hbm>>
    %dma_wait3A_345 = tpu.memref_squeeze %dma_wait3A_344 : memref<1x128x32xf32, #tpu.memory_space<hbm>> -> memref<128x32xf32, #tpu.memory_space<hbm>>
    tpu.wait_dma2 semaphore(%arg66 : memref<!tpu.dma_semaphore, #tpu.memory_space<semaphore_mem>>) src(%arg39 : memref<128x32xf32, #tpu.memory_space<vmem>>) dst(%dma_wait3A_345 : memref<128x32xf32, #tpu.memory_space<hbm>>)
    %dma_wait3A_346 = arith.constant 64 : i32
    %dma_wait3A_347 = tpu.memref_slice %arg21[%select_n3A_331, %sub3A_334, %dma_wait3A_346] : memref<200x1024x416xf32, #tpu.memory_space<hbm>> -> memref<1x128x32xf32, #tpu.memory_space<hbm>>
    %dma_wait3A_348 = tpu.memref_squeeze %dma_wait3A_347 : memref<1x128x32xf32, #tpu.memory_space<hbm>> -> memref<128x32xf32, #tpu.memory_space<hbm>>
    %dma_wait3A_349 = arith.constant 64 : i32
    %dma_wait3A_350 = tpu.memref_slice %arg21[%select_n3A_331, %sub3A_334, %dma_wait3A_349] : memref<200x1024x416xf32, #tpu.memory_space<hbm>> -> memref<1x128x32xf32, #tpu.memory_space<hbm>>
    %dma_wait3A_351 = tpu.memref_squeeze %dma_wait3A_350 : memref<1x128x32xf32, #tpu.memory_space<hbm>> -> memref<128x32xf32, #tpu.memory_space<hbm>>
    tpu.wait_dma2 semaphore(%arg66 : memref<!tpu.dma_semaphore, #tpu.memory_space<semaphore_mem>>) src(%arg40 : memref<128x32xf32, #tpu.memory_space<vmem>>) dst(%dma_wait3A_351 : memref<128x32xf32, #tpu.memory_space<hbm>>)
    %dma_wait3A_352 = arith.constant 96 : i32
    %dma_wait3A_353 = tpu.memref_slice %arg21[%select_n3A_331, %sub3A_334, %dma_wait3A_352] : memref<200x1024x416xf32, #tpu.memory_space<hbm>> -> memref<1x128x32xf32, #tpu.memory_space<hbm>>
    %dma_wait3A_354 = tpu.memref_squeeze %dma_wait3A_353 : memref<1x128x32xf32, #tpu.memory_space<hbm>> -> memref<128x32xf32, #tpu.memory_space<hbm>>
    %dma_wait3A_355 = arith.constant 96 : i32
    %dma_wait3A_356 = tpu.memref_slice %arg21[%select_n3A_331, %sub3A_334, %dma_wait3A_355] : memref<200x1024x416xf32, #tpu.memory_space<hbm>> -> memref<1x128x32xf32, #tpu.memory_space<hbm>>
    %dma_wait3A_357 = tpu.memref_squeeze %dma_wait3A_356 : memref<1x128x32xf32, #tpu.memory_space<hbm>> -> memref<128x32xf32, #tpu.memory_space<hbm>>
    tpu.wait_dma2 semaphore(%arg66 : memref<!tpu.dma_semaphore, #tpu.memory_space<semaphore_mem>>) src(%arg41 : memref<128x32xf32, #tpu.memory_space<vmem>>) dst(%dma_wait3A_357 : memref<128x32xf32, #tpu.memory_space<hbm>>)
    %dma_wait3A_358 = arith.constant 128 : i32
    %dma_wait3A_359 = tpu.memref_slice %arg21[%select_n3A_331, %sub3A_334, %dma_wait3A_358] : memref<200x1024x416xf32, #tpu.memory_space<hbm>> -> memref<1x128x32xf32, #tpu.memory_space<hbm>>
    %dma_wait3A_360 = tpu.memref_squeeze %dma_wait3A_359 : memref<1x128x32xf32, #tpu.memory_space<hbm>> -> memref<128x32xf32, #tpu.memory_space<hbm>>
    %dma_wait3A_361 = arith.constant 128 : i32
    %dma_wait3A_362 = tpu.memref_slice %arg21[%select_n3A_331, %sub3A_334, %dma_wait3A_361] : memref<200x1024x416xf32, #tpu.memory_space<hbm>> -> memref<1x128x32xf32, #tpu.memory_space<hbm>>
    %dma_wait3A_363 = tpu.memref_squeeze %dma_wait3A_362 : memref<1x128x32xf32, #tpu.memory_space<hbm>> -> memref<128x32xf32, #tpu.memory_space<hbm>>
    tpu.wait_dma2 semaphore(%arg66 : memref<!tpu.dma_semaphore, #tpu.memory_space<semaphore_mem>>) src(%arg42 : memref<128x32xf32, #tpu.memory_space<vmem>>) dst(%dma_wait3A_363 : memref<128x32xf32, #tpu.memory_space<hbm>>)
    %dma_wait3A_364 = arith.constant 160 : i32
    %dma_wait3A_365 = tpu.memref_slice %arg21[%select_n3A_331, %sub3A_334, %dma_wait3A_364] : memref<200x1024x416xf32, #tpu.memory_space<hbm>> -> memref<1x128x32xf32, #tpu.memory_space<hbm>>
    %dma_wait3A_366 = tpu.memref_squeeze %dma_wait3A_365 : memref<1x128x32xf32, #tpu.memory_space<hbm>> -> memref<128x32xf32, #tpu.memory_space<hbm>>
    %dma_wait3A_367 = arith.constant 160 : i32
    %dma_wait3A_368 = tpu.memref_slice %arg21[%select_n3A_331, %sub3A_334, %dma_wait3A_367] : memref<200x1024x416xf32, #tpu.memory_space<hbm>> -> memref<1x128x32xf32, #tpu.memory_space<hbm>>
    %dma_wait3A_369 = tpu.memref_squeeze %dma_wait3A_368 : memref<1x128x32xf32, #tpu.memory_space<hbm>> -> memref<128x32xf32, #tpu.memory_space<hbm>>
    tpu.wait_dma2 semaphore(%arg66 : memref<!tpu.dma_semaphore, #tpu.memory_space<semaphore_mem>>) src(%arg43 : memref<128x32xf32, #tpu.memory_space<vmem>>) dst(%dma_wait3A_369 : memref<128x32xf32, #tpu.memory_space<hbm>>)
    %dma_wait3A_370 = arith.constant 192 : i32
    %dma_wait3A_371 = tpu.memref_slice %arg21[%select_n3A_331, %sub3A_334, %dma_wait3A_370] : memref<200x1024x416xf32, #tpu.memory_space<hbm>> -> memref<1x128x32xf32, #tpu.memory_space<hbm>>
    %dma_wait3A_372 = tpu.memref_squeeze %dma_wait3A_371 : memref<1x128x32xf32, #tpu.memory_space<hbm>> -> memref<128x32xf32, #tpu.memory_space<hbm>>
    %dma_wait3A_373 = arith.constant 192 : i32
    %dma_wait3A_374 = tpu.memref_slice %arg21[%select_n3A_331, %sub3A_334, %dma_wait3A_373] : memref<200x1024x416xf32, #tpu.memory_space<hbm>> -> memref<1x128x32xf32, #tpu.memory_space<hbm>>
    %dma_wait3A_375 = tpu.memref_squeeze %dma_wait3A_374 : memref<1x128x32xf32, #tpu.memory_space<hbm>> -> memref<128x32xf32, #tpu.memory_space<hbm>>
    tpu.wait_dma2 semaphore(%arg66 : memref<!tpu.dma_semaphore, #tpu.memory_space<semaphore_mem>>) src(%arg44 : memref<128x32xf32, #tpu.memory_space<vmem>>) dst(%dma_wait3A_375 : memref<128x32xf32, #tpu.memory_space<hbm>>)
    %dma_wait3A_376 = arith.constant 224 : i32
    %dma_wait3A_377 = tpu.memref_slice %arg21[%select_n3A_331, %sub3A_334, %dma_wait3A_376] : memref<200x1024x416xf32, #tpu.memory_space<hbm>> -> memref<1x128x32xf32, #tpu.memory_space<hbm>>
    %dma_wait3A_378 = tpu.memref_squeeze %dma_wait3A_377 : memref<1x128x32xf32, #tpu.memory_space<hbm>> -> memref<128x32xf32, #tpu.memory_space<hbm>>
    %dma_wait3A_379 = arith.constant 224 : i32
    %dma_wait3A_380 = tpu.memref_slice %arg21[%select_n3A_331, %sub3A_334, %dma_wait3A_379] : memref<200x1024x416xf32, #tpu.memory_space<hbm>> -> memref<1x128x32xf32, #tpu.memory_space<hbm>>
    %dma_wait3A_381 = tpu.memref_squeeze %dma_wait3A_380 : memref<1x128x32xf32, #tpu.memory_space<hbm>> -> memref<128x32xf32, #tpu.memory_space<hbm>>
    tpu.wait_dma2 semaphore(%arg66 : memref<!tpu.dma_semaphore, #tpu.memory_space<semaphore_mem>>) src(%arg45 : memref<128x32xf32, #tpu.memory_space<vmem>>) dst(%dma_wait3A_381 : memref<128x32xf32, #tpu.memory_space<hbm>>)
    %dma_wait3A_382 = arith.constant 256 : i32
    %dma_wait3A_383 = tpu.memref_slice %arg21[%select_n3A_331, %sub3A_334, %dma_wait3A_382] : memref<200x1024x416xf32, #tpu.memory_space<hbm>> -> memref<1x128x160xf32, #tpu.memory_space<hbm>>
    %dma_wait3A_384 = tpu.memref_squeeze %dma_wait3A_383 : memref<1x128x160xf32, #tpu.memory_space<hbm>> -> memref<128x160xf32, #tpu.memory_space<hbm>>
    %dma_wait3A_385 = arith.constant 256 : i32
    %dma_wait3A_386 = tpu.memref_slice %arg21[%select_n3A_331, %sub3A_334, %dma_wait3A_385] : memref<200x1024x416xf32, #tpu.memory_space<hbm>> -> memref<1x128x160xf32, #tpu.memory_space<hbm>>
    %dma_wait3A_387 = tpu.memref_squeeze %dma_wait3A_386 : memref<1x128x160xf32, #tpu.memory_space<hbm>> -> memref<128x160xf32, #tpu.memory_space<hbm>>
    tpu.wait_dma2 semaphore(%arg66 : memref<!tpu.dma_semaphore, #tpu.memory_space<semaphore_mem>>) src(%arg58 : memref<128x160xf32, #tpu.memory_space<vmem>>) dst(%dma_wait3A_387 : memref<128x160xf32, #tpu.memory_space<hbm>>)
    %mul3A_388 = arith.constant 6400 : i32
    %mul3A_389 = arith.muli %add3A, %mul3A_388 : i32
    %add3A_390 = arith.constant 6272 : i32
    %add3A_391 = arith.addi %mul3A_389, %add3A_390 : i32
    %jit3A_392 = arith.constant 1024 : i32
    %div3A_393 = arith.divsi %add3A_391, %jit3A_392 : i32
    %sign3A_394 = arith.constant 0 : i32
    %sign3A_395 = arith.cmpi sgt, %add3A_391, %sign3A_394 : i32
    %sign3A_396 = arith.extui %sign3A_395 : i1 to i32
    %sign3A_397 = arith.constant 0 : i32
    %sign3A_398 = arith.cmpi slt, %add3A_391, %sign3A_397 : i32
    %sign3A_399 = arith.extui %sign3A_398 : i1 to i32
    %sign3A_400 = arith.subi %sign3A_396, %sign3A_399 : i32
    %sign3A_401 = arith.constant 0 : i32
    %sign3A_402 = arith.cmpi sgt, %jit3A_392, %sign3A_401 : i32
    %sign3A_403 = arith.extui %sign3A_402 : i1 to i32
    %sign3A_404 = arith.constant 0 : i32
    %sign3A_405 = arith.cmpi slt, %jit3A_392, %sign3A_404 : i32
    %sign3A_406 = arith.extui %sign3A_405 : i1 to i32
    %sign3A_407 = arith.subi %sign3A_403, %sign3A_406 : i32
    %ne3A_408 = arith.cmpi ne, %sign3A_400, %sign3A_407 : i32
    %rem3A_409 = arith.remsi %add3A_391, %jit3A_392 : i32
    %ne3A_410 = arith.constant 0 : i32
    %ne3A_411 = arith.cmpi ne, %rem3A_409, %ne3A_410 : i32
    %and3A_412 = arith.andi %ne3A_408, %ne3A_411 : i1
    %sub3A_413 = arith.constant 1 : i32
    %sub3A_414 = arith.subi %div3A_393, %sub3A_413 : i32
    %select_n3A_415 = arith.select %and3A_412, %sub3A_414, %div3A_393 : i32
    %mul3A_416 = arith.constant 1024 : i32
    %mul3A_417 = arith.muli %select_n3A_415, %mul3A_416 : i32
    %sub3A_418 = arith.subi %add3A_391, %mul3A_417 : i32
    %dma_wait3A_419 = arith.constant 0 : i32
    %dma_wait3A_420 = tpu.memref_slice %arg21[%select_n3A_415, %sub3A_418, %dma_wait3A_419] : memref<200x1024x416xf32, #tpu.memory_space<hbm>> -> memref<1x128x32xf32, #tpu.memory_space<hbm>>
    %dma_wait3A_421 = tpu.memref_squeeze %dma_wait3A_420 : memref<1x128x32xf32, #tpu.memory_space<hbm>> -> memref<128x32xf32, #tpu.memory_space<hbm>>
    %dma_wait3A_422 = arith.constant 0 : i32
    %dma_wait3A_423 = tpu.memref_slice %arg21[%select_n3A_415, %sub3A_418, %dma_wait3A_422] : memref<200x1024x416xf32, #tpu.memory_space<hbm>> -> memref<1x128x32xf32, #tpu.memory_space<hbm>>
    %dma_wait3A_424 = tpu.memref_squeeze %dma_wait3A_423 : memref<1x128x32xf32, #tpu.memory_space<hbm>> -> memref<128x32xf32, #tpu.memory_space<hbm>>
    tpu.wait_dma2 semaphore(%arg67 : memref<!tpu.dma_semaphore, #tpu.memory_space<semaphore_mem>>) src(%arg46 : memref<128x32xf32, #tpu.memory_space<vmem>>) dst(%dma_wait3A_424 : memref<128x32xf32, #tpu.memory_space<hbm>>)
    %dma_wait3A_425 = arith.constant 32 : i32
    %dma_wait3A_426 = tpu.memref_slice %arg21[%select_n3A_415, %sub3A_418, %dma_wait3A_425] : memref<200x1024x416xf32, #tpu.memory_space<hbm>> -> memref<1x128x32xf32, #tpu.memory_space<hbm>>
    %dma_wait3A_427 = tpu.memref_squeeze %dma_wait3A_426 : memref<1x128x32xf32, #tpu.memory_space<hbm>> -> memref<128x32xf32, #tpu.memory_space<hbm>>
    %dma_wait3A_428 = arith.constant 32 : i32
    %dma_wait3A_429 = tpu.memref_slice %arg21[%select_n3A_415, %sub3A_418, %dma_wait3A_428] : memref<200x1024x416xf32, #tpu.memory_space<hbm>> -> memref<1x128x32xf32, #tpu.memory_space<hbm>>
    %dma_wait3A_430 = tpu.memref_squeeze %dma_wait3A_429 : memref<1x128x32xf32, #tpu.memory_space<hbm>> -> memref<128x32xf32, #tpu.memory_space<hbm>>
    tpu.wait_dma2 semaphore(%arg67 : memref<!tpu.dma_semaphore, #tpu.memory_space<semaphore_mem>>) src(%arg47 : memref<128x32xf32, #tpu.memory_space<vmem>>) dst(%dma_wait3A_430 : memref<128x32xf32, #tpu.memory_space<hbm>>)
    %dma_wait3A_431 = arith.constant 64 : i32
    %dma_wait3A_432 = tpu.memref_slice %arg21[%select_n3A_415, %sub3A_418, %dma_wait3A_431] : memref<200x1024x416xf32, #tpu.memory_space<hbm>> -> memref<1x128x32xf32, #tpu.memory_space<hbm>>
    %dma_wait3A_433 = tpu.memref_squeeze %dma_wait3A_432 : memref<1x128x32xf32, #tpu.memory_space<hbm>> -> memref<128x32xf32, #tpu.memory_space<hbm>>
    %dma_wait3A_434 = arith.constant 64 : i32
    %dma_wait3A_435 = tpu.memref_slice %arg21[%select_n3A_415, %sub3A_418, %dma_wait3A_434] : memref<200x1024x416xf32, #tpu.memory_space<hbm>> -> memref<1x128x32xf32, #tpu.memory_space<hbm>>
    %dma_wait3A_436 = tpu.memref_squeeze %dma_wait3A_435 : memref<1x128x32xf32, #tpu.memory_space<hbm>> -> memref<128x32xf32, #tpu.memory_space<hbm>>
    tpu.wait_dma2 semaphore(%arg67 : memref<!tpu.dma_semaphore, #tpu.memory_space<semaphore_mem>>) src(%arg48 : memref<128x32xf32, #tpu.memory_space<vmem>>) dst(%dma_wait3A_436 : memref<128x32xf32, #tpu.memory_space<hbm>>)
    %dma_wait3A_437 = arith.constant 96 : i32
    %dma_wait3A_438 = tpu.memref_slice %arg21[%select_n3A_415, %sub3A_418, %dma_wait3A_437] : memref<200x1024x416xf32, #tpu.memory_space<hbm>> -> memref<1x128x32xf32, #tpu.memory_space<hbm>>
    %dma_wait3A_439 = tpu.memref_squeeze %dma_wait3A_438 : memref<1x128x32xf32, #tpu.memory_space<hbm>> -> memref<128x32xf32, #tpu.memory_space<hbm>>
    %dma_wait3A_440 = arith.constant 96 : i32
    %dma_wait3A_441 = tpu.memref_slice %arg21[%select_n3A_415, %sub3A_418, %dma_wait3A_440] : memref<200x1024x416xf32, #tpu.memory_space<hbm>> -> memref<1x128x32xf32, #tpu.memory_space<hbm>>
    %dma_wait3A_442 = tpu.memref_squeeze %dma_wait3A_441 : memref<1x128x32xf32, #tpu.memory_space<hbm>> -> memref<128x32xf32, #tpu.memory_space<hbm>>
    tpu.wait_dma2 semaphore(%arg67 : memref<!tpu.dma_semaphore, #tpu.memory_space<semaphore_mem>>) src(%arg49 : memref<128x32xf32, #tpu.memory_space<vmem>>) dst(%dma_wait3A_442 : memref<128x32xf32, #tpu.memory_space<hbm>>)
    %dma_wait3A_443 = arith.constant 128 : i32
    %dma_wait3A_444 = tpu.memref_slice %arg21[%select_n3A_415, %sub3A_418, %dma_wait3A_443] : memref<200x1024x416xf32, #tpu.memory_space<hbm>> -> memref<1x128x32xf32, #tpu.memory_space<hbm>>
    %dma_wait3A_445 = tpu.memref_squeeze %dma_wait3A_444 : memref<1x128x32xf32, #tpu.memory_space<hbm>> -> memref<128x32xf32, #tpu.memory_space<hbm>>
    %dma_wait3A_446 = arith.constant 128 : i32
    %dma_wait3A_447 = tpu.memref_slice %arg21[%select_n3A_415, %sub3A_418, %dma_wait3A_446] : memref<200x1024x416xf32, #tpu.memory_space<hbm>> -> memref<1x128x32xf32, #tpu.memory_space<hbm>>
    %dma_wait3A_448 = tpu.memref_squeeze %dma_wait3A_447 : memref<1x128x32xf32, #tpu.memory_space<hbm>> -> memref<128x32xf32, #tpu.memory_space<hbm>>
    tpu.wait_dma2 semaphore(%arg67 : memref<!tpu.dma_semaphore, #tpu.memory_space<semaphore_mem>>) src(%arg50 : memref<128x32xf32, #tpu.memory_space<vmem>>) dst(%dma_wait3A_448 : memref<128x32xf32, #tpu.memory_space<hbm>>)
    %dma_wait3A_449 = arith.constant 160 : i32
    %dma_wait3A_450 = tpu.memref_slice %arg21[%select_n3A_415, %sub3A_418, %dma_wait3A_449] : memref<200x1024x416xf32, #tpu.memory_space<hbm>> -> memref<1x128x32xf32, #tpu.memory_space<hbm>>
    %dma_wait3A_451 = tpu.memref_squeeze %dma_wait3A_450 : memref<1x128x32xf32, #tpu.memory_space<hbm>> -> memref<128x32xf32, #tpu.memory_space<hbm>>
    %dma_wait3A_452 = arith.constant 160 : i32
    %dma_wait3A_453 = tpu.memref_slice %arg21[%select_n3A_415, %sub3A_418, %dma_wait3A_452] : memref<200x1024x416xf32, #tpu.memory_space<hbm>> -> memref<1x128x32xf32, #tpu.memory_space<hbm>>
    %dma_wait3A_454 = tpu.memref_squeeze %dma_wait3A_453 : memref<1x128x32xf32, #tpu.memory_space<hbm>> -> memref<128x32xf32, #tpu.memory_space<hbm>>
    tpu.wait_dma2 semaphore(%arg67 : memref<!tpu.dma_semaphore, #tpu.memory_space<semaphore_mem>>) src(%arg51 : memref<128x32xf32, #tpu.memory_space<vmem>>) dst(%dma_wait3A_454 : memref<128x32xf32, #tpu.memory_space<hbm>>)
    %dma_wait3A_455 = arith.constant 192 : i32
    %dma_wait3A_456 = tpu.memref_slice %arg21[%select_n3A_415, %sub3A_418, %dma_wait3A_455] : memref<200x1024x416xf32, #tpu.memory_space<hbm>> -> memref<1x128x32xf32, #tpu.memory_space<hbm>>
    %dma_wait3A_457 = tpu.memref_squeeze %dma_wait3A_456 : memref<1x128x32xf32, #tpu.memory_space<hbm>> -> memref<128x32xf32, #tpu.memory_space<hbm>>
    %dma_wait3A_458 = arith.constant 192 : i32
    %dma_wait3A_459 = tpu.memref_slice %arg21[%select_n3A_415, %sub3A_418, %dma_wait3A_458] : memref<200x1024x416xf32, #tpu.memory_space<hbm>> -> memref<1x128x32xf32, #tpu.memory_space<hbm>>
    %dma_wait3A_460 = tpu.memref_squeeze %dma_wait3A_459 : memref<1x128x32xf32, #tpu.memory_space<hbm>> -> memref<128x32xf32, #tpu.memory_space<hbm>>
    tpu.wait_dma2 semaphore(%arg67 : memref<!tpu.dma_semaphore, #tpu.memory_space<semaphore_mem>>) src(%arg52 : memref<128x32xf32, #tpu.memory_space<vmem>>) dst(%dma_wait3A_460 : memref<128x32xf32, #tpu.memory_space<hbm>>)
    %dma_wait3A_461 = arith.constant 224 : i32
    %dma_wait3A_462 = tpu.memref_slice %arg21[%select_n3A_415, %sub3A_418, %dma_wait3A_461] : memref<200x1024x416xf32, #tpu.memory_space<hbm>> -> memref<1x128x32xf32, #tpu.memory_space<hbm>>
    %dma_wait3A_463 = tpu.memref_squeeze %dma_wait3A_462 : memref<1x128x32xf32, #tpu.memory_space<hbm>> -> memref<128x32xf32, #tpu.memory_space<hbm>>
    %dma_wait3A_464 = arith.constant 224 : i32
    %dma_wait3A_465 = tpu.memref_slice %arg21[%select_n3A_415, %sub3A_418, %dma_wait3A_464] : memref<200x1024x416xf32, #tpu.memory_space<hbm>> -> memref<1x128x32xf32, #tpu.memory_space<hbm>>
    %dma_wait3A_466 = tpu.memref_squeeze %dma_wait3A_465 : memref<1x128x32xf32, #tpu.memory_space<hbm>> -> memref<128x32xf32, #tpu.memory_space<hbm>>
    tpu.wait_dma2 semaphore(%arg67 : memref<!tpu.dma_semaphore, #tpu.memory_space<semaphore_mem>>) src(%arg53 : memref<128x32xf32, #tpu.memory_space<vmem>>) dst(%dma_wait3A_466 : memref<128x32xf32, #tpu.memory_space<hbm>>)
    %dma_wait3A_467 = arith.constant 256 : i32
    %dma_wait3A_468 = tpu.memref_slice %arg21[%select_n3A_415, %sub3A_418, %dma_wait3A_467] : memref<200x1024x416xf32, #tpu.memory_space<hbm>> -> memref<1x128x160xf32, #tpu.memory_space<hbm>>
    %dma_wait3A_469 = tpu.memref_squeeze %dma_wait3A_468 : memref<1x128x160xf32, #tpu.memory_space<hbm>> -> memref<128x160xf32, #tpu.memory_space<hbm>>
    %dma_wait3A_470 = arith.constant 256 : i32
    %dma_wait3A_471 = tpu.memref_slice %arg21[%select_n3A_415, %sub3A_418, %dma_wait3A_470] : memref<200x1024x416xf32, #tpu.memory_space<hbm>> -> memref<1x128x160xf32, #tpu.memory_space<hbm>>
    %dma_wait3A_472 = tpu.memref_squeeze %dma_wait3A_471 : memref<1x128x160xf32, #tpu.memory_space<hbm>> -> memref<128x160xf32, #tpu.memory_space<hbm>>
    tpu.wait_dma2 semaphore(%arg67 : memref<!tpu.dma_semaphore, #tpu.memory_space<semaphore_mem>>) src(%arg59 : memref<128x160xf32, #tpu.memory_space<vmem>>) dst(%dma_wait3A_472 : memref<128x160xf32, #tpu.memory_space<hbm>>)
    return
  }
}

</mosaic_0001>

<sc_bundles>
// kernel: _sc_call.3.cloned.1.call-start
scs
__scs_entry_jumppad:
0x0: {  	(pc) =	sbr.rel $0x88, $3  }
0x1: {  	(tag) =	ssettag $0x0;
	lr =	simm.s32 $0x1  }
0x2: {  	[smem:$0x3F8E] =	sst lr;
	_ =	strace $0xD0000000  }
0x3: {  	_ = 	snop  }
0x4: {  	_ = 	snop  }
0x5: {  	_ = 	snop  }
0x6: {  	_ = 	snop  }
0x7: {  	_ = 	snop  }
__scs_overlays_trampoline_lowered:
0x8: {  	[smem:$0x3F9D] =	sst s0  }
0x9: {  	[smem:$0x3F9E] =	sst s1  }
0xa: {  	[smem:$0x3F9F] =	sst s2  }
0xb: {  	[smem:$0x3FA0] =	sst s3  }
0xc: {  	[smem:$0x3FA1] =	sst s4  }
0xd: {  	[smem:$0x3FA2] =	sst s5  }
0xe: {  	[smem:$0x3FA3] =	sst s6  }
0xf: {  	[smem:$0x3FA4] =	sst s7  }
0x10: {  	[smem:$0x3FA5] =	sst s8  }
0x11: {  	[smem:$0x3FA6] =	sst s9;
	s0 =	simm.s32 @!p0 $0x0  }
0x12: {  	s1 =	sld [smem:$0x3F8C];
	s0 =	simm.s32 @p0 $0x1  }
0x13: {  	[smem:$0x3FA7] =	sst s0;
	s0 =	simm.s32 @!p1 $0x0  }
0x14: {  	s2 =	sld [smem:$0x3F8B];
	s0 =	simm.s32 @p1 $0x1  }
0x15: {  	[smem:$0x3FA8] =	sst s0;
	s0 =	simm.s32 @!p2 $0x0  }
0x16: {  	s3 =	sld [smem:$0x3FDB];
	s0 =	simm.s32 @p2 $0x1  }
0x17: {  	s4 =	simm.s32 $0x1BF5;
	[smem:$0x3FAA] =	sst s0  }
0x18: {  	s0 =	sld [smem:$0x3F8D];
	_ =	swait.ge [sflag:s4], $0x0  }
0x19: {  	s7 =	sld [smem:$0x3F8E]  }
0x1a: {  	s8 =	sadd.s32 $0xFFFFE003, lr  }
0x1b: {  	s9 =	sadd.s32 $0xFFFFFEF7, lr;
	s5 =	simm.s32 $0xFFFFFFFF;
	p2 =	slt.u32 s8, $0xFFFFF086  }
0x1c: {  	p1 =	slt.u32 s9, $0xF7A;
	s5 =	simm.s32 @!p2 $0x0  }
0x1d: {  	s5 =	simm.s32 @p1 $0x1;
	p0 =	seq.s32 s7, s2  }
0x1e: {  	s7 =	smul.u32 @!p0 $0xF7A, s2;
	p2 =	seq.s32 @!p0 s5, $0x0  }
0x1f: {  	s9 =	smul.u32 $0xF7A, s1;
	s8 =	simm.s32 @!p0 $0x1BF5;
	p2 =	por !p2, p0  }
0x20: {  	[sflag:s8] =	ssyncset.s32 @!p0 $0xFFFFF086;
	s6 =	sadd.s32 @!p0 s3, s7;
	s7 =	simm.s32 @!p0 $0x108  }
0x21: {  	s3 =	sadd.s32 s3, s9;
	s6 =	sadd.s32 @!p0 $0x88, s6;
	s7 =	simm.s32 @p2 $0x1082  }
0x22: {  	[simem:s7], [sflag:s8] =	dma.local @!p0 [hbm:s6], $0xF7A  }
0x23: {  	s9 =	sor.u32 $0xD0000000, s2;
	s6 =	simm.s32 $0x108;
	_ =	swait.ge @!p0 [sflag:s8], $0x0  }
0x24: {  	s3 =	sadd.s32 $0x88, s3;
	s6 =	simm.s32 @!p1 $0x1082;
	[sflag:s4] =	ssyncset.s32 $0xFFFFF086  }
0x25: {  	[simem:s6], [sflag:s4] =	dma.local [hbm:s3], $0xF7A  }
0x26: {  	[smem:$0x3F8E] =	sst s1;
	(tag) =	ssettag s2;
	_ =	strace s9  }
0x27: {  	s1 =	sld [smem:$0x3F9E]  }
0x28: {  	s2 =	sld [smem:$0x3F9F]  }
0x29: {  	s4 =	sld [smem:$0x3FA1]  }
0x2a: {  	p0 =	seq.s32 s5, $0x0;
	s5 =	sld [smem:$0x3FA2]  }
0x2b: {  	s6 =	sld [smem:$0x3FA3]  }
0x2c: {  	s7 =	sld [smem:$0x3FA4]  }
0x2d: {  	s3 =	simm.s32 $0x108;
	s8 =	sld [smem:$0x3FA5]  }
0x2e: {  	s3 =	simm.s32 @!p0 $0x1082;
	s9 =	sld [smem:$0x3FA6]  }
0x2f: {  	lr =	sadd.s32 s0, s3;
	s0 =	sld [smem:$0x3F9D]  }
0x30: {  	s3 =	sld [smem:$0x3FA0]  }
0x31: {  	[smem:$0x3FA9] =	sst s10  }
0x32: {  	s10 =	sld [smem:$0x3FA7];
	_ =	sdelay $0x3  }
0x33: {  	p0 =	seq.s32 s10, $0x1;
	s10 =	sld [smem:$0x3FA9];
	_ =	sdelay $0x3  }
0x34: {  	[smem:$0x3FA9] =	sst s10  }
0x35: {  	s10 =	sld [smem:$0x3FA8];
	_ =	sdelay $0x3  }
0x36: {  	p1 =	seq.s32 s10, $0x1;
	s10 =	sld [smem:$0x3FA9];
	_ =	sdelay $0x3  }
0x37: {  	[smem:$0x3FA9] =	sst s10  }
0x38: {  	s10 =	sld [smem:$0x3FAA]  }
0x39: {  	_ = 	snop;
	(pc) =	sbr.ind lr, $3  }
0x3a: {  	_ = 	snop  }
0x3b: {  	_ = 	snop  }
0x3c: {  	p2 =	seq.s32 s10, $0x1;
	s10 =	sld [smem:$0x3FA9]  }
0x3d: {  	_ =	shalt  }
0x3e: {  	_ =	shalt  }
0x3f: {  	_ =	shalt  }
0x40: {  	_ =	shalt  }
0x41: {  	_ =	shalt  }
0x42: {  	_ =	shalt  }
0x43: {  	_ =	shalt  }
0x44: {  	_ =	shalt  }
0x45: {  	_ =	shalt  }
0x46: {  	_ =	shalt  }
0x47: {  	_ =	shalt  }
0x48: {  	_ =	shalt  }
0x49: {  	_ =	shalt  }
0x4a: {  	_ =	shalt  }
0x4b: {  	_ =	shalt  }
0x4c: {  	_ =	shalt  }
0x4d: {  	_ =	shalt  }
0x4e: {  	_ =	shalt  }
0x4f: {  	_ =	shalt  }
0x50: {  	_ =	shalt  }
0x51: {  	_ =	shalt  }
0x52: {  	_ =	shalt  }
0x53: {  	_ =	shalt  }
0x54: {  	_ =	shalt  }
0x55: {  	_ =	shalt  }
0x56: {  	_ =	shalt  }
0x57: {  	_ =	shalt  }
0x58: {  	_ =	shalt  }
0x59: {  	_ =	shalt  }
0x5a: {  	_ =	shalt  }
0x5b: {  	_ =	shalt  }
0x5c: {  	_ =	shalt  }
0x5d: {  	_ =	shalt  }
0x5e: {  	_ =	shalt  }
0x5f: {  	_ =	shalt  }
0x60: {  	_ =	shalt  }
0x61: {  	_ =	shalt  }
0x62: {  	_ =	shalt  }
0x63: {  	_ =	shalt  }
0x64: {  	_ =	shalt  }
0x65: {  	_ =	shalt  }
0x66: {  	_ =	shalt  }
0x67: {  	_ =	shalt  }
0x68: {  	_ =	shalt  }
0x69: {  	_ =	shalt  }
0x6a: {  	_ =	shalt  }
0x6b: {  	_ =	shalt  }
0x6c: {  	_ =	shalt  }
0x6d: {  	_ =	shalt  }
0x6e: {  	_ =	shalt  }
0x6f: {  	_ =	shalt  }
0x70: {  	_ =	shalt  }
0x71: {  	_ =	shalt  }
0x72: {  	_ =	shalt  }
0x73: {  	_ =	shalt  }
0x74: {  	_ =	shalt  }
0x75: {  	_ =	shalt  }
0x76: {  	_ =	shalt  }
0x77: {  	_ =	shalt  }
0x78: {  	_ =	shalt  }
0x79: {  	_ =	shalt  }
0x7a: {  	_ =	shalt  }
0x7b: {  	_ =	shalt  }
0x7c: {  	_ =	shalt  }
0x7d: {  	_ =	shalt  }
0x7e: {  	_ =	shalt  }
0x7f: {  	_ =	shalt  }
0x80: {  	_ =	shalt  }
0x81: {  	_ =	shalt  }
0x82: {  	_ =	shalt  }
0x83: {  	_ =	shalt  }
0x84: {  	_ =	shalt  }
0x85: {  	_ =	shalt  }
0x86: {  	_ =	shalt  }
0x87: {  	_ =	shalt  }
.Lfunc_end0:
.L_simem_size_0:
called_computation.1_lowered:
.L_overlay_start_0:
0x88: {  	s2 =	sld [smem:$0x3FD9]  }
0x89: {  	s3 =	sld [smem:$0x3FFE];
	_ =	sdelay $0x1  }
0x8a: {  	s1 =	srdreg.scid  }
0x8b: {  	s0 =	sand.u32 $0x1, s1  }
0x8c: {  	s17 =	sshll.u32 s0, $0xA;
	s2 =	sadd.s32 s3, s2  }
0x8d: {  	s2 =	sadd.s32 s2, s17  }
0x8e: {  	[smem:$0x3FB5] =	sst s2  }
0x8f: {  	_ = 	snop  }
0x90: {  	s2 =	sld [smem:$0x3FC9]  }
0x91: {  	s18 =	sld [smem:$0x3FC8]  }
0x92: {  	s4 =	sld [smem:$0x3FC7]  }
0x93: {  	s5 =	sld [smem:$0x3FC6]  }
0x94: {  	s6 =	sld [smem:$0x3FC5]  }
0x95: {  	s7 =	sld [smem:$0x3FC4]  }
0x96: {  	s8 =	sld [smem:$0x3FC3]  }
0x97: {  	s9 =	sld [smem:$0x3FC2]  }
0x98: {  	s10 =	sld [smem:$0x3FB8]  }
0x99: {  	s11 =	sld [smem:$0x3FB7]  }
0x9a: {  	s12 =	sld [smem:$0x3FD0];
	(tm) =	ssettm $0x1  }
0x9b: {  	s13 =	sld [smem:$0x3FFB];
	_ =	sdelay $0x3  }
0x9c: {  	_ =	strace s13  }
0x9d: {  	s13 =	sld [smem:$0x3FFC];
	_ =	sdelay $0x3  }
0x9e: {  	_ =	strace s13  }
0x9f: {  	s13 =	sld [smem:$0x3FFD];
	_ =	sdelay $0x3  }
0xa0: {  	_ =	strace s13  }
0xa1: {  	_ =	strace $0x8FFFFFFF  }
0xa2: {  	s19 =	sld [smem:$0x3FDB];
	_ =	sdelay $0x1  }
0xa3: {  	s14 =	simm.s32 $_scs_section_size  }
0xa4: {  	s15 =	simm.s32 $_size__tile_overlayer_lowered;
	s16 =	simm.s32 $_tile_overlayer_lowered  }
0xa5: {  	s22 =	simm.s32 $0x1BFF;
	s21 =	sshll.u32 s16, $0x1;
	s13 =	sadd.s32 s14, s19  }
0xa6: {  	s20 =	sshll.u32 s15, $0x1;
	s17 =	simm.s32 $0x0;
	s15 =	sadd.s32 s21, s13  }
0xa7: {  	[timem:s17], [sflag:s22] =	dma.local [hbm:s15], s20  }
0xa8: {  	_ =	swait.ge [sflag:s22], s20  }
0xa9: {  	s14 =	ssub.s32 $0x0, s20;
	[sflag:s22] =	ssyncset.done $0x0  }
0xaa: {  	[sflag:s22] =	ssyncadd.s32 s14;
	_ =	sdelay $0x1  }
0xab: {  	s23 =	simm.s32 $0x1B8B  }
0xac: {  	_ =	swait.ge [sflag:s23], $0x1  }
0xad: {  	[sflag:s23] =	ssyncset.done $0x0  }
0xae: {  	s25 =	simm.s32 $0x1B8E;
	s24 =	sld [smem:$0x3FFE];
	[sflag:s23] =	ssyncadd.s32 $0xFFFFFFFF  }
0xaf: {  	s26 =	simm.s32 $execute0_lowered;
	[smem:$0x3FD2] =	sst s25  }
0xb0: {  	s15 =	sshll.u32 s26, $0x1;
	_ =	strace $0x80000046;
	[dreg:$0x1] =	wrdreg $0xFFFFFFFF  }
0xb1: {  	s28 =	simm.s32 $_size_execute0_lowered;
	s13 =	sadd.s32 s13, s15;
	[dreg:$0x0] =	wrdreg $0x0  }
0xb2: {  	s15 =	sshll.u32 s28, $0x1;
	[dreg:$0x2] =	wrdreg s13  }
0xb3: {  	[dreg:$0x3] =	wrdreg s15  }
0xb4: {  	[dreg:$0x4] =	wrdreg $0xC0  }
0xb5: {  	_ =	task [dreg:s17], $0x5FFFF  }
0xb6: {  	[dreg:$0x1] =	wrdreg $0xFFFFFFFF  }
0xb7: {  	[dreg:$0x0] =	wrdreg $0x60  }
0xb8: {  	[dreg:$0x2] =	wrdreg s2  }
0xb9: {  	[dreg:$0x3] =	wrdreg s18  }
0xba: {  	[dreg:$0x4] =	wrdreg s4  }
0xbb: {  	[dreg:$0x5] =	wrdreg s5  }
0xbc: {  	[dreg:$0x6] =	wrdreg s6  }
0xbd: {  	[dreg:$0x7] =	wrdreg s7  }
0xbe: {  	[dreg:$0x8] =	wrdreg s8  }
0xbf: {  	[dreg:$0x9] =	wrdreg s9  }
0xc0: {  	[dreg:$0xa] =	wrdreg s24  }
0xc1: {  	[dreg:$0xb] =	wrdreg s10  }
0xc2: {  	[dreg:$0xc] =	wrdreg s11  }
0xc3: {  	[dreg:$0xd] =	wrdreg s12  }
0xc4: {  	[dreg:$0xe] =	wrdreg $0x9  }
0xc5: {  	_ =	task.clear_ibuf [dreg:s17], $0xFFFFF;
	_ =	strace $0x90000046  }
0xc6: {  	s29 =	simm.s32 $0x9;
	_ =	strace $0x80000048  }
0xc7: {  	_ =	swait.ge [sflag:s29], $0x1  }
0xc8: {  	[sflag:s29] =	ssyncadd.s32 $0xFFFFFFFF  }
0xc9: {  	_ =	strace $0x90000048  }
0xca: {  	_ =	sfence  }
0xcb: {  	s30 =	sld [smem:$0x0];
	_ =	sdelay $0x2  }
0xcc: {  	s31 =	sshll.u32 s1, $0xD;
	s1 =	sshrl.u32 s1, $0x2  }
0xcd: {  	s3 =	sand.u32 $0x4000, s31;
	s1 =	sadd.s32 s1, s30  }
0xce: {  	s0 =	sor.u32 s3, s0;
	s1 =	sshll.u32 s1, $0x11  }
0xcf: {  	s0 =	sor.u32 s1, s0  }
0xd0: {  	s0 =	sadd.s32 $0x8F2B, s0  }
0xd1: {  	[sflag:s0] =	ssyncadd.remote.s32 $0x1  }
0xd2: {  	_ =	sfence.sel $0xFFFF  }
0xd3: {  	[dreg:$0x0] =	wrdreg $0xFFFFFFFF;
	(pc) =	sbr.abs _section_cstart, $3  }
0xd4: {  	[dreg:$0x1] =	wrdreg $0xFFFFFFFF  }
0xd5: {  	_ =	task.clear_ibuf [dreg:s17], $0x2FFFF;
	_ =	strace $0x9FFFFFFF  }
0xd6: {  	(tm) =	ssettm $0x7FFFFFFF  }
0xd7: {  	_ =	shalt  }
tec
execute0_lowered:
.L_overlay_start_1:
0x0: {  	(tag) =	ssettag $0x1  }
0x1: {  	s7 =	rddreg [dreg:$0x0]  }
0x2: {  	s8 =	rddreg [dreg:$0x1]  }
0x3: {  	s9 =	rddreg [dreg:$0x2]  }
0x4: {  	s10 =	rddreg [dreg:$0x3]  }
0x5: {  	s11 =	rddreg [dreg:$0x4]  }
0x6: {  	s12 =	rddreg [dreg:$0x5]  }
0x7: {  	s1 =	srdreg.scid;
	s2 =	stileid.u32  }
0x8: {  	s13 =	rddreg [dreg:$0x6];
	s1 =	sand.u32 $0x1, s1;
	s2 =	sshll.u32 s2, $0x1  }
0x9: {  	s15 =	rddreg [dreg:$0x7];
	s2 =	sor.u32 s1, s2  }
0xa: {  	s0 =	rddreg [dreg:$0x8];
	s16 =	smul.u32 $0x1900, s2  }
0xb: {  	s18 =	rddreg [dreg:$0xb];
	s14 =	simm.s32 $0x0;
	s31 =	simm.s32 $0x1A0  }
0xc: {  	[smem:$0x7FF] =	sst s14;
	s3 =	sshrl.u32 s16, $0xA;
	s4 =	sand.u32 $0x1C00, s16  }
0xd: {  	s17 =	sadd.s32 $0x7800, s0;
	p0 =	seq.s32 s3, $0x0;
	p1 =	sne.s32 s4, $0x0  }
0xe: {  	s19 =	sadd.s32 $0x26C00, s0;
	s20 =	sadd.s32 $0x88800, s0;
	p0 =	por !p0, !p1  }
0xf: {  	s6 =	sadd.s32 $0xEA400, s0;
	s4 =	simm.s32 $0x1;
	p0 =	por !p0, !p0  }
0x10: {  	s24 =	sadd.s32 $0x14C000, s0;
	s5 =	sshrl.u32 s16, $0xD;
	s4 =	simm.s32 @!p0 $0x0  }
0x11: {  	_ =	strace $0x80000047;
	[dreg:$0xd] =	wrdreg s19;
	s4 =	ssub.s32 s5, s4  }
0x12: {  	[dreg:$0xe] =	wrdreg s20;
	s22 =	sshll.u32 s3, $0x7;
	s23 =	sshll.u32 s4, $0xA  }
0x13: {  	[dreg:$0xf] =	wrdreg s6;
	s4 =	sshll.u32 s4, $0xD;
	s5 =	ssub.s32 s22, s23  }
0x14: {  	s2 =	smul.u32 $0xC800, s2;
	s3 =	sshll.u32 s3, $0xD;
	s4 =	sadd.s32 s4, s5  }
0x15: {  	s25 =	sadd.s32 $0x1ADC00, s0;
	[dreg:$0x10] =	wrdreg s24;
	s3 =	ssub.s32 s4, s3  }
0x16: {  	s26 =	sadd.s32 $0x20F800, s0;
	[dreg:$0x11] =	wrdreg s25;
	s2 =	sadd.s32 s2, s3  }
0x17: {  	s22 =	sadd.s32 $0x271400, s0;
	s23 =	sadd.s32 $0x2D3000, s0;
	s0 =	sshrl.u32 s2, $0x3  }
0x18: {  	s28 =	sadd.s32 $0x18, s18;
	[dreg:$0x12] =	wrdreg s26;
	s5 =	sadd.s32 s7, s0  }
0x19: {  	s29 =	sadd.s32 $0x1C, s18;
	s6 =	sadd.s32 s8, s0;
	[dreg:$0x13] =	wrdreg s5  }
0x1a: {  	s1 =	ssub.s32 $0x2, s1;
	s19 =	sadd.s32 s9, s0;
	[dreg:$0x14] =	wrdreg s6  }
0x1b: {  	s21 =	sshrl.u32 s1, $0x1;
	s20 =	sadd.s32 s10, s0;
	[dreg:$0x15] =	wrdreg s19  }
0x1c: {  	s1 =	ssub.s32 s1, s21;
	s21 =	sadd.s32 s11, s0;
	[dreg:$0x16] =	wrdreg s20  }
0x1d: {  	s30 =	sadd.s32 $0x20, s18;
	s24 =	sadd.s32 s12, s0;
	[dreg:$0x17] =	wrdreg s21  }
0x1e: {  	s4 =	sshrl.u32 s3, $0x3;
	s25 =	sadd.s32 s13, s0;
	[dreg:$0x18] =	wrdreg s24  }
0x1f: {  	s3 =	sor.u32 $0x80, s16;
	s0 =	sadd.s32 s15, s0;
	[dreg:$0x19] =	wrdreg s25  }
0x20: {  	v0 =	vlaneseq.u32;
	s26 =	sshrl.u32 s16, $0x3;
	s2 =	sadd.s32 s3, s4;
	[dreg:$0x1a] =	wrdreg s0  }
0x21: {  	v0 =	vmul.u32 $0x10, v0;
	s5 =	sadd.s32 s17, s26;
	s6 =	sand.u32 $0x1FFFFFF0, s2;
	s21 =	smov.u32 s17  }
0x22: {  	s24 =	sadd.s32 $0xC, s18;
	s19 =	sadd.s32 $0x180, s16;
	[dreg:$0x1b] =	wrdreg s5  }
0x23: {  	v1 =	vor.u32 $0x100, v0;
	v5 =	vor.u32 $0x500, v0;
	v6 =	vor.u32 $0x600, v0;
	s25 =	sadd.s32 $0x10, s18;
	s2 =	sadd.s32 s7, s6;
	[smem:$0x7FD] =	sst s19  }
0x24: {  	v7 =	vor.u32 $0x700, v0;
	v8 =	vor.u32 $0x1, v0;
	v9 =	vor.u32 $0x101, v0;
	s26 =	sadd.s32 $0x14, s18;
	s7 =	sadd.s32 s8, s6;
	[dreg:$0x1c] =	wrdreg s2  }
0x25: {  	v10 =	vor.u32 $0x201, v0;
	v11 =	vor.u32 $0x301, v0;
	v12 =	vor.u32 $0x401, v0;
	s20 =	smov.u32 s16;
	s8 =	sadd.s32 s9, s6;
	[dreg:$0x1d] =	wrdreg s7  }
0x26: {  	v13 =	vor.u32 $0x501, v0;
	v14 =	vor.u32 $0x601, v0;
	v15 =	vor.u32 $0x701, v0;
	s9 =	sadd.s32 s10, s6;
	s10 =	sadd.s32 s11, s6;
	[dreg:$0x1e] =	wrdreg s8  }
0x27: {  	v16 =	vor.u32 $0x2, v0;
	v17 =	vor.u32 $0x102, v0;
	v18 =	vor.u32 $0x202, v0;
	s11 =	sadd.s32 s12, s6;
	s12 =	sadd.s32 s13, s6;
	[dreg:$0x1f] =	wrdreg s9  }
0x28: {  	v19 =	vor.u32 $0x302, v0;
	v20 =	vor.u32 $0x402, v0;
	v21 =	vor.u32 $0x502, v0;
	s0 =	sadd.s32 s15, s6;
	s13 =	sshrl.u32 s3, $0x3;
	[smem:$0x7F6] =	sst s10  }
0x29: {  	v22 =	vor.u32 $0x602, v0;
	v23 =	vor.u32 $0x702, v0;
	v24 =	vor.u32 $0x3, v0;
	s15 =	smax.u32 s1, $0x1;
	s6 =	simm.s32 $0x1;
	[smem:$0x7F7] =	sst s11  }
0x2a: {  	v25 =	vor.u32 $0x103, v0;
	v26 =	vor.u32 $0x203, v0;
	v27 =	vor.u32 $0x303, v0;
	s1 =	simm.s32 $0x4;
	s5 =	simm.s32 $0x0;
	[smem:$0x7F8] =	sst s12  }
.Ltmp0:
0x2b: {  	v28 =	vor.u32 $0x403, v0;
	v29 =	vor.u32 $0x503, v0;
	v30 =	vor.u32 $0x603, v0;
	[smem:$0x7F9] =	sst s0;
	s0 =	sadd.s32 s17, s13;
	(pc) =	sbr.rel .LBB2_1-.Ltmp0, $4  }
0x2c: {  	v31 =	vor.u32 $0x703, v0;
	v32 =	vor.u32 $0x4, v0;
	[tilespmem:$0x1FFC0] =	vst v1;
	v1 =	vor.u32 $0x200, v0;
	[smem:$0x7FB] =	sst s15;
	s9 =	sadd.s32 $0x4, s18;
	s11 =	sadd.s32 $0x8, s18  }
0x2d: {  	v33 =	vor.u32 $0x104, v0;
	v34 =	vor.u32 $0x204, v0;
	[tilespmem:$0x1FFD0] =	vst v1;
	v1 =	vor.u32 $0x300, v0;
	s17 =	sadd.s32 $0x100, s16;
	s8 =	simm.s32 $0x10D00;
	s12 =	simm.s32 $0x3  }
0x2e: {  	v35 =	vor.u32 $0x304, v0;
	v36 =	vor.u32 $0x404, v0;
	[tilespmem:$0x1FFE0] =	vst v1;
	v1 =	vor.u32 $0x400, v0;
	s10 =	simm.s32 $0x20;
	s2 =	simm.s32 $0x2;
	[smem:$0x7FA] =	sst s0  }
0x2f: {  	v37 =	vor.u32 $0x504, v0;
	v38 =	vor.u32 $0x604, v0;
	v39 =	vor.u32 $0x704, v0;
	[tilespmem:$0x1FFF0] =	vst v1;
	s7 =	simm.s32 $0x11500;
	[smem:$0x7FC] =	sst s17;
	s0 =	simm.s32 $0x80  }
.LBB2_8:
0x30: {  	s3 =	simm.s32 $0x5  }
0x31: {  	_ =	swait.ge [sflag:s3], $0x1000  }
0x32: {  	[sflag:s3] =	ssyncset.done $0x0  }
0x33: {  	[sflag:s3] =	ssyncadd.s32 $0xFFFFF000  }
0x34: {  	_ =	swait.ge [sflag:s3], $0x1000  }
0x35: {  	[sflag:s3] =	ssyncset.done $0x0  }
0x36: {  	[sflag:s3] =	ssyncadd.s32 $0xFFFFF000  }
0x37: {  	_ =	swait.ge [sflag:s3], $0x1000  }
0x38: {  	[sflag:s3] =	ssyncset.done $0x0  }
0x39: {  	[sflag:s3] =	ssyncadd.s32 $0xFFFFF000  }
0x3a: {  	_ =	swait.ge [sflag:s3], $0x1000  }
0x3b: {  	[sflag:s3] =	ssyncset.done $0x0  }
0x3c: {  	[sflag:s3] =	ssyncadd.s32 $0xFFFFF000  }
0x3d: {  	_ =	swait.ge [sflag:s3], $0x1000  }
0x3e: {  	[sflag:s3] =	ssyncset.done $0x0  }
0x3f: {  	[sflag:s3] =	ssyncadd.s32 $0xFFFFF000  }
0x40: {  	_ =	swait.ge [sflag:s3], $0x1000  }
0x41: {  	[sflag:s3] =	ssyncset.done $0x0  }
0x42: {  	[sflag:s3] =	ssyncadd.s32 $0xFFFFF000  }
0x43: {  	_ =	swait.ge [sflag:s3], $0x1000  }
0x44: {  	[sflag:s3] =	ssyncset.done $0x0  }
0x45: {  	[sflag:s3] =	ssyncadd.s32 $0xFFFFF000  }
0x46: {  	_ =	swait.ge [sflag:s3], $0x1000  }
0x47: {  	[sflag:s3] =	ssyncset.done $0x0  }
0x48: {  	[sflag:s3] =	ssyncadd.s32 $0xFFFFF000  }
0x49: {  	_ =	swait.ge [sflag:s3], $0x5000  }
0x4a: {  	[sflag:s3] =	ssyncset.done $0x0  }
0x4b: {  	s4 =	simm.s32 $0x6;
	[sflag:s3] =	ssyncadd.s32 $0xFFFFB000  }
0x4c: {  	_ =	swait.ge [sflag:s4], $0x1000  }
0x4d: {  	[sflag:s4] =	ssyncset.done $0x0  }
0x4e: {  	[sflag:s4] =	ssyncadd.s32 $0xFFFFF000  }
0x4f: {  	_ =	swait.ge [sflag:s4], $0x1000  }
0x50: {  	[sflag:s4] =	ssyncset.done $0x0  }
0x51: {  	[sflag:s4] =	ssyncadd.s32 $0xFFFFF000  }
0x52: {  	_ =	swait.ge [sflag:s4], $0x1000  }
0x53: {  	[sflag:s4] =	ssyncset.done $0x0  }
0x54: {  	[sflag:s4] =	ssyncadd.s32 $0xFFFFF000  }
0x55: {  	_ =	swait.ge [sflag:s4], $0x1000  }
0x56: {  	[sflag:s4] =	ssyncset.done $0x0  }
0x57: {  	[sflag:s4] =	ssyncadd.s32 $0xFFFFF000  }
0x58: {  	_ =	swait.ge [sflag:s4], $0x1000  }
0x59: {  	[sflag:s4] =	ssyncset.done $0x0  }
0x5a: {  	[sflag:s4] =	ssyncadd.s32 $0xFFFFF000  }
0x5b: {  	_ =	swait.ge [sflag:s4], $0x1000  }
0x5c: {  	[sflag:s4] =	ssyncset.done $0x0  }
0x5d: {  	[sflag:s4] =	ssyncadd.s32 $0xFFFFF000  }
0x5e: {  	_ =	swait.ge [sflag:s4], $0x1000  }
0x5f: {  	[sflag:s4] =	ssyncset.done $0x0  }
0x60: {  	[sflag:s4] =	ssyncadd.s32 $0xFFFFF000  }
0x61: {  	_ =	swait.ge [sflag:s4], $0x1000  }
0x62: {  	[sflag:s4] =	ssyncset.done $0x0  }
0x63: {  	[sflag:s4] =	ssyncadd.s32 $0xFFFFF000  }
0x64: {  	_ =	swait.ge [sflag:s4], $0x5000  }
0x65: {  	s5 =	sld [smem:$0x7F5]  }
0x66: {  	s19 =	sld [smem:$0x7FB];
	_ =	sdelay $0x1  }
0x67: {  	s5 =	sadd.s32 $0x1, s5  }
0x68: {  	p0 =	sne.s32 s5, s19  }
.Ltmp1:
0x69: {  	_ = 	snop;
	(pc) =	sbr.rel @!p0 .LBB2_9-.Ltmp1, $3  }
0x6a: {  	_ =	sdelay $0x1  }
0x6b: {  	[sflag:s4] =	ssyncset.done $0x0  }
0x6c: {  	[sflag:s4] =	ssyncadd.s32 $0xFFFFB000  }
.LBB2_1:
0x6d: {  	[smem:$0x7F5] =	sst s5  }
0x6e: {  	s3 =	rddreg [dreg:$0x9];
	s4 =	simm.s32 $0x1BD00;
	s19 =	simm.s32 $0x7  }
0x6f: {  	[tilespmem:s4], [sflag:$0x7] =	stream.linear.gather [hbm4b:s3+s14], $0xA0, $0x38;
	[tilespmem:$0x1BE40] =	vst v63  }
0x70: {  	_ =	swait.ge [sflag:s19], $0xA0  }
0x71: {  	[sflag:s19] =	ssyncset.done $0x0  }
0x72: {  	[sflag:s19] =	ssyncadd.s32 $0xFFFFFF60  }
0x73: {  	s13 =	simm.s32 $0x1BDA0;
	s5 =	rddreg [dreg:$0xa]  }
0x74: {  	[tilespmem:s13], [sflag:$0x7] =	stream.linear.gather [hbm4b:s5+s14], $0xA0, $0x38;
	[tilespmem:$0x1BE40] =	vst v63  }
0x75: {  	_ =	swait.ge [sflag:s19], $0xA0  }
0x76: {  	[sflag:s19] =	ssyncset.done $0x0  }
0x77: {  	[sflag:s19] =	ssyncadd.s32 $0xFFFFFF60  }
0x78: {  	v40 =	vld [tilespmem:$0x1BD00]  }
0x79: {  	v41 =	vld [tilespmem:$0x1BD10]  }
0x7a: {  	v42 =	vld [tilespmem:$0x1BD20]  }
0x7b: {  	v43 =	vld [tilespmem:$0x1BD30]  }
0x7c: {  	v44 =	vld [tilespmem:$0x1BD40]  }
0x7d: {  	v45 =	vld [tilespmem:$0x1BD50]  }
0x7e: {  	v46 =	vld [tilespmem:$0x1BD60]  }
0x7f: {  	v47 =	vld [tilespmem:$0x1BD70]  }
0x80: {  	v48 =	vld [tilespmem:$0x1BD80]  }
0x81: {  	v49 =	vld [tilespmem:$0x1BD90]  }
0x82: {  	v50 =	vld [tilespmem:$0x1BDA0]  }
0x83: {  	v51 =	vld [tilespmem:$0x1BDB0]  }
0x84: {  	v52 =	vld [tilespmem:$0x1BDC0]  }
0x85: {  	v53 =	vld [tilespmem:$0x1BDD0]  }
0x86: {  	v54 =	vld [tilespmem:$0x1BDE0]  }
0x87: {  	v55 =	vld [tilespmem:$0x1BDF0]  }
0x88: {  	v56 =	vld [tilespmem:$0x1BE00]  }
0x89: {  	s15 =	rddreg [dreg:$0x13];
	v57 =	vld [tilespmem:$0x1BE10]  }
0x8a: {  	s16 =	rddreg [dreg:$0x14];
	v58 =	vld [tilespmem:$0x1BE20]  }
0x8b: {  	v59 =	vld [tilespmem:$0x1BE30];
	[tilespmem:s14], [sflag:$0x1] =	stream.linear.gather [hbm4b:s15+s14], $0x80, $0x38  }
0x8c: {  	s17 =	rddreg [dreg:$0x15]  }
0x8d: {  	[tilespmem:s0], [sflag:$0x1] =	stream.linear.gather [hbm4b:s16+s14], $0x80, $0x38;
	[tilespmem:$0x1BE40] =	vst v63  }
0x8e: {  	s5 =	rddreg [dreg:$0x16];
	s19 =	simm.s32 $0x100  }
0x8f: {  	[tilespmem:s19], [sflag:$0x1] =	stream.linear.gather [hbm4b:s17+s14], $0x80, $0x38;
	[tilespmem:$0x1BE40] =	vst v63  }
0x90: {  	s13 =	simm.s32 $0x180;
	s15 =	rddreg [dreg:$0x17]  }
0x91: {  	[tilespmem:s13], [sflag:$0x1] =	stream.linear.gather [hbm4b:s5+s14], $0x80, $0x38;
	[tilespmem:$0x1BE40] =	vst v63  }
0x92: {  	s16 =	simm.s32 $0x200;
	s17 =	rddreg [dreg:$0x18]  }
0x93: {  	[tilespmem:s16], [sflag:$0x1] =	stream.linear.gather [hbm4b:s15+s14], $0x80, $0x38;
	[tilespmem:$0x1BE40] =	vst v63  }
0x94: {  	s19 =	simm.s32 $0x280;
	s5 =	rddreg [dreg:$0x19]  }
0x95: {  	[tilespmem:s19], [sflag:$0x1] =	stream.linear.gather [hbm4b:s17+s14], $0x80, $0x38;
	[tilespmem:$0x1BE40] =	vst v63  }
0x96: {  	s13 =	simm.s32 $0x300;
	s15 =	rddreg [dreg:$0x1a]  }
0x97: {  	[tilespmem:s13], [sflag:$0x1] =	stream.linear.gather [hbm4b:s5+s14], $0x80, $0x38;
	[tilespmem:$0x1BE40] =	vst v63  }
0x98: {  	s16 =	simm.s32 $0x380;
	s17 =	rddreg [dreg:$0x1b]  }
0x99: {  	[tilespmem:s16], [sflag:$0x1] =	stream.linear.gather [hbm4b:s15+s14], $0x80, $0x38;
	[tilespmem:$0x1BE40] =	vst v63  }
0x9a: {  	s4 =	simm.s32 $0x32000;
	s19 =	simm.s32 $0x10800;
	s5 =	rddreg [dreg:$0x1c]  }
0x9b: {  	[tilespmem:s19], [sflag:$0x1] =	stream.strided.gather [hbm4b:s17+s0], $0x280, s4, s0, $0x38;
	[tilespmem:$0x1BE40] =	vst v63  }
0x9c: {  	s13 =	simm.s32 $0x400;
	s15 =	rddreg [dreg:$0x1d]  }
0x9d: {  	[tilespmem:s13], [sflag:$0x2] =	stream.linear.gather [hbm4b:s5+s14], $0x80, $0x38;
	[tilespmem:$0x1BE40] =	vst v63  }
0x9e: {  	s16 =	simm.s32 $0x480;
	s17 =	rddreg [dreg:$0x1e]  }
0x9f: {  	[tilespmem:s16], [sflag:$0x2] =	stream.linear.gather [hbm4b:s15+s14], $0x80, $0x38;
	[tilespmem:$0x1BE40] =	vst v63  }
0xa0: {  	s19 =	simm.s32 $0x500;
	s5 =	rddreg [dreg:$0x1f]  }
0xa1: {  	[tilespmem:s19], [sflag:$0x2] =	stream.linear.gather [hbm4b:s17+s14], $0x80, $0x38;
	[tilespmem:$0x1BE40] =	vst v63  }
0xa2: {  	s13 =	simm.s32 $0x580;
	s15 =	sld [smem:$0x7F6]  }
0xa3: {  	[tilespmem:s13], [sflag:$0x2] =	stream.linear.gather [hbm4b:s5+s14], $0x80, $0x38;
	[tilespmem:$0x1BE40] =	vst v63  }
0xa4: {  	s16 =	simm.s32 $0x600;
	s17 =	sld [smem:$0x7F7]  }
0xa5: {  	[tilespmem:s16], [sflag:$0x2] =	stream.linear.gather [hbm4b:s15+s14], $0x80, $0x38;
	[tilespmem:$0x1BE40] =	vst v63  }
0xa6: {  	s19 =	simm.s32 $0x680;
	s5 =	sld [smem:$0x7F8]  }
0xa7: {  	[tilespmem:s19], [sflag:$0x2] =	stream.linear.gather [hbm4b:s17+s14], $0x80, $0x38;
	[tilespmem:$0x1BE40] =	vst v63  }
0xa8: {  	s13 =	simm.s32 $0x700;
	s15 =	sld [smem:$0x7F9]  }
0xa9: {  	[tilespmem:s13], [sflag:$0x2] =	stream.linear.gather [hbm4b:s5+s14], $0x80, $0x38;
	[tilespmem:$0x1BE40] =	vst v63  }
0xaa: {  	s16 =	simm.s32 $0x780;
	s17 =	sld [smem:$0x7FA]  }
0xab: {  	[tilespmem:s16], [sflag:$0x2] =	stream.linear.gather [hbm4b:s15+s14], $0x80, $0x38;
	[tilespmem:$0x1BE40] =	vst v63  }
0xac: {  	s3 =	simm.s32 $0x0;
	s19 =	simm.s32 $0x10A80  }
0xad: {  	[tilespmem:s19], [sflag:$0x2] =	stream.strided.gather [hbm4b:s17+s0], $0x280, s4, s0, $0x38;
	[tilespmem:$0x1BE40] =	vst v63  }
.LBB2_2:
0xae: {  	_ =	swait.ge [sflag:s6], $0x80  }
0xaf: {  	[sflag:s6] =	ssyncset.done $0x0  }
0xb0: {  	[sflag:s6] =	ssyncadd.s32 $0xFFFFFF80  }
0xb1: {  	_ =	swait.ge [sflag:s6], $0x80  }
0xb2: {  	[sflag:s6] =	ssyncset.done $0x0  }
0xb3: {  	[sflag:s6] =	ssyncadd.s32 $0xFFFFFF80  }
0xb4: {  	_ =	swait.ge [sflag:s6], $0x80  }
0xb5: {  	[sflag:s6] =	ssyncset.done $0x0  }
0xb6: {  	[sflag:s6] =	ssyncadd.s32 $0xFFFFFF80  }
0xb7: {  	_ =	swait.ge [sflag:s6], $0x80  }
0xb8: {  	[sflag:s6] =	ssyncset.done $0x0  }
0xb9: {  	[sflag:s6] =	ssyncadd.s32 $0xFFFFFF80  }
0xba: {  	_ =	swait.ge [sflag:s6], $0x80  }
0xbb: {  	[sflag:s6] =	ssyncset.done $0x0  }
0xbc: {  	[sflag:s6] =	ssyncadd.s32 $0xFFFFFF80  }
0xbd: {  	_ =	swait.ge [sflag:s6], $0x80  }
0xbe: {  	[sflag:s6] =	ssyncset.done $0x0  }
0xbf: {  	[sflag:s6] =	ssyncadd.s32 $0xFFFFFF80  }
0xc0: {  	_ =	swait.ge [sflag:s6], $0x80  }
0xc1: {  	[sflag:s6] =	ssyncset.done $0x0  }
0xc2: {  	[sflag:s6] =	ssyncadd.s32 $0xFFFFFF80  }
0xc3: {  	_ =	swait.ge [sflag:s6], $0x80  }
0xc4: {  	[sflag:s6] =	ssyncset.done $0x0  }
0xc5: {  	[sflag:s6] =	ssyncadd.s32 $0xFFFFFF80  }
0xc6: {  	_ =	swait.ge [sflag:s6], $0x280  }
0xc7: {  	p0 =	seq.s32 s3, $0x0;
	[sflag:s6] =	ssyncset.done $0x0  }
0xc8: {  	s4 =	simm.s32 @!p0 $0x5;
	[sflag:s6] =	ssyncadd.s32 $0xFFFFFD80  }
0xc9: {  	_ =	swait.ge @!p0 [sflag:s4], $0x1000  }
0xca: {  	[sflag:s4] =	ssyncset.done @!p0 $0x0  }
0xcb: {  	[sflag:s4] =	ssyncadd.s32 @!p0 $0xFFFFF000  }
0xcc: {  	_ =	swait.ge @!p0 [sflag:s4], $0x1000  }
0xcd: {  	[sflag:s4] =	ssyncset.done @!p0 $0x0  }
0xce: {  	[sflag:s4] =	ssyncadd.s32 @!p0 $0xFFFFF000  }
0xcf: {  	_ =	swait.ge @!p0 [sflag:s4], $0x1000  }
0xd0: {  	[sflag:s4] =	ssyncset.done @!p0 $0x0  }
0xd1: {  	[sflag:s4] =	ssyncadd.s32 @!p0 $0xFFFFF000  }
0xd2: {  	_ =	swait.ge @!p0 [sflag:s4], $0x1000  }
0xd3: {  	[sflag:s4] =	ssyncset.done @!p0 $0x0  }
0xd4: {  	[sflag:s4] =	ssyncadd.s32 @!p0 $0xFFFFF000  }
0xd5: {  	_ =	swait.ge @!p0 [sflag:s4], $0x1000  }
0xd6: {  	[sflag:s4] =	ssyncset.done @!p0 $0x0  }
0xd7: {  	[sflag:s4] =	ssyncadd.s32 @!p0 $0xFFFFF000  }
0xd8: {  	_ =	swait.ge @!p0 [sflag:s4], $0x1000  }
0xd9: {  	[sflag:s4] =	ssyncset.done @!p0 $0x0  }
0xda: {  	[sflag:s4] =	ssyncadd.s32 @!p0 $0xFFFFF000  }
0xdb: {  	_ =	swait.ge @!p0 [sflag:s4], $0x1000  }
0xdc: {  	[sflag:s4] =	ssyncset.done @!p0 $0x0  }
0xdd: {  	[sflag:s4] =	ssyncadd.s32 @!p0 $0xFFFFF000  }
0xde: {  	_ =	swait.ge @!p0 [sflag:s4], $0x1000  }
0xdf: {  	[sflag:s4] =	ssyncset.done @!p0 $0x0  }
0xe0: {  	[sflag:s4] =	ssyncadd.s32 @!p0 $0xFFFFF000  }
0xe1: {  	_ =	swait.ge @!p0 [sflag:s4], $0x5000  }
0xe2: {  	s16 =	simm.s32 $0x0;
	[sflag:s4] =	ssyncset.done @!p0 $0x0  }
0xe3: {  	s13 =	simm.s32 $0x800;
	s5 =	rddreg [dreg:$0xd];
	[sflag:s4] =	ssyncadd.s32 @!p0 $0xFFFFB000  }
0xe4: {  	[tilespmem:s13], [sflag:$0x3] =	stream.indirect.gather [hbm4b:s5+s0], $0x20, s16, s0, $0xb8;
	[tilespmem:$0x1BE40] =	vst v63  }
0xe5: {  	s19 =	simm.s32 $0x1800;
	s17 =	rddreg [dreg:$0xe]  }
0xe6: {  	[tilespmem:s19], [sflag:$0x3] =	stream.indirect.gather [hbm4b:s17+s0], $0x20, s0, s0, $0xb8;
	[tilespmem:$0x1BE40] =	vst v63  }
0xe7: {  	s15 =	simm.s32 $0x2800;
	s5 =	rddreg [dreg:$0xf];
	s13 =	simm.s32 $0x100  }
0xe8: {  	[tilespmem:s15], [sflag:$0x3] =	stream.indirect.gather [hbm4b:s5+s0], $0x20, s13, s0, $0xb8;
	[tilespmem:$0x1BE40] =	vst v63  }
0xe9: {  	s16 =	rddreg [dreg:$0x10];
	s17 =	simm.s32 $0x180;
	s19 =	simm.s32 $0x3800  }
0xea: {  	[tilespmem:s19], [sflag:$0x3] =	stream.indirect.gather [hbm4b:s16+s0], $0x20, s17, s0, $0xb8;
	[tilespmem:$0x1BE40] =	vst v63  }
0xeb: {  	s5 =	rddreg [dreg:$0x11];
	s13 =	simm.s32 $0x200;
	s15 =	simm.s32 $0x4800  }
0xec: {  	[tilespmem:s15], [sflag:$0x3] =	stream.indirect.gather [hbm4b:s5+s0], $0x20, s13, s0, $0xb8;
	[tilespmem:$0x1BE40] =	vst v63  }
0xed: {  	s16 =	rddreg [dreg:$0x12];
	s17 =	simm.s32 $0x280;
	s19 =	simm.s32 $0x5800  }
0xee: {  	[tilespmem:s19], [sflag:$0x3] =	stream.indirect.gather [hbm4b:s16+s0], $0x20, s17, s0, $0xb8;
	[tilespmem:$0x1BE40] =	vst v63  }
0xef: {  	s13 =	simm.s32 $0x300;
	s15 =	simm.s32 $0x6800  }
0xf0: {  	[tilespmem:s15], [sflag:$0x3] =	stream.indirect.gather [hbm4b:s22+s0], $0x20, s13, s0, $0xb8;
	[tilespmem:$0x1BE40] =	vst v63  }
0xf1: {  	s16 =	simm.s32 $0x380;
	s17 =	simm.s32 $0x7800  }
0xf2: {  	[tilespmem:s17], [sflag:$0x3] =	stream.indirect.gather [hbm4b:s23+s0], $0x20, s16, s0, $0xb8;
	[tilespmem:$0x1BE40] =	vst v63  }
0xf3: {  	v60 =	vld [tilespmem:$0x10800];
	_ =	sdelay $0x2  }
0xf4: {  	v1 =	vld [tilespmem:$0x1FFC0];
	_ =	sdelay $0x1  }
0xf5: {  	[tilespmem:v0+s8+$0x0] =	vst.idx.msk $0xffff, v60  }
0xf6: {  	v60 =	vld [tilespmem:$0x10810];
	_ =	sdelay $0x4  }
0xf7: {  	[tilespmem:v1+s8+$0x0] =	vst.idx.msk $0xffff, v60;
	v1 =	vld [tilespmem:$0x1FFD0];
	_ =	sdelay $0x2  }
0xf8: {  	v60 =	vld [tilespmem:$0x10820];
	_ =	sdelay $0x4  }
0xf9: {  	[tilespmem:v1+s8+$0x0] =	vst.idx.msk $0xffff, v60;
	v1 =	vld [tilespmem:$0x1FFE0];
	_ =	sdelay $0x2  }
0xfa: {  	v60 =	vld [tilespmem:$0x10830];
	_ =	sdelay $0x4  }
0xfb: {  	[tilespmem:v1+s8+$0x0] =	vst.idx.msk $0xffff, v60;
	v1 =	vld [tilespmem:$0x1FFF0];
	_ =	sdelay $0x2  }
0xfc: {  	v60 =	vld [tilespmem:$0x10840];
	_ =	sdelay $0x4  }
0xfd: {  	[tilespmem:v1+s8+$0x0] =	vst.idx.msk $0xffff, v60  }
0xfe: {  	v60 =	vld [tilespmem:$0x10850];
	_ =	sdelay $0x4  }
0xff: {  	[tilespmem:v5+s8+$0x0] =	vst.idx.msk $0xffff, v60  }
0x100: {  	v60 =	vld [tilespmem:$0x10860];
	_ =	sdelay $0x4  }
0x101: {  	[tilespmem:v6+s8+$0x0] =	vst.idx.msk $0xffff, v60  }
0x102: {  	v60 =	vld [tilespmem:$0x10870];
	_ =	sdelay $0x4  }
0x103: {  	[tilespmem:v7+s8+$0x0] =	vst.idx.msk $0xffff, v60  }
0x104: {  	v60 =	vld [tilespmem:$0x10880];
	_ =	sdelay $0x4  }
0x105: {  	[tilespmem:v8+s8+$0x0] =	vst.idx.msk $0xffff, v60  }
0x106: {  	v60 =	vld [tilespmem:$0x10890];
	_ =	sdelay $0x4  }
0x107: {  	[tilespmem:v9+s8+$0x0] =	vst.idx.msk $0xffff, v60  }
0x108: {  	v60 =	vld [tilespmem:$0x108A0];
	_ =	sdelay $0x4  }
0x109: {  	[tilespmem:v10+s8+$0x0] =	vst.idx.msk $0xffff, v60  }
0x10a: {  	v60 =	vld [tilespmem:$0x108B0];
	_ =	sdelay $0x4  }
0x10b: {  	[tilespmem:v11+s8+$0x0] =	vst.idx.msk $0xffff, v60  }
0x10c: {  	v60 =	vld [tilespmem:$0x108C0];
	_ =	sdelay $0x4  }
0x10d: {  	[tilespmem:v12+s8+$0x0] =	vst.idx.msk $0xffff, v60  }
0x10e: {  	v60 =	vld [tilespmem:$0x108D0];
	_ =	sdelay $0x4  }
0x10f: {  	[tilespmem:v13+s8+$0x0] =	vst.idx.msk $0xffff, v60  }
0x110: {  	v60 =	vld [tilespmem:$0x108E0];
	_ =	sdelay $0x4  }
0x111: {  	[tilespmem:v14+s8+$0x0] =	vst.idx.msk $0xffff, v60  }
0x112: {  	v60 =	vld [tilespmem:$0x108F0];
	_ =	sdelay $0x4  }
0x113: {  	[tilespmem:v15+s8+$0x0] =	vst.idx.msk $0xffff, v60  }
0x114: {  	v60 =	vld [tilespmem:$0x10900];
	_ =	sdelay $0x4  }
0x115: {  	[tilespmem:v16+s8+$0x0] =	vst.idx.msk $0xffff, v60  }
0x116: {  	v60 =	vld [tilespmem:$0x10910];
	_ =	sdelay $0x4  }
0x117: {  	[tilespmem:v17+s8+$0x0] =	vst.idx.msk $0xffff, v60  }
0x118: {  	v60 =	vld [tilespmem:$0x10920];
	_ =	sdelay $0x4  }
0x119: {  	[tilespmem:v18+s8+$0x0] =	vst.idx.msk $0xffff, v60  }
0x11a: {  	v60 =	vld [tilespmem:$0x10930];
	_ =	sdelay $0x4  }
0x11b: {  	[tilespmem:v19+s8+$0x0] =	vst.idx.msk $0xffff, v60  }
0x11c: {  	v60 =	vld [tilespmem:$0x10940];
	_ =	sdelay $0x4  }
0x11d: {  	[tilespmem:v20+s8+$0x0] =	vst.idx.msk $0xffff, v60  }
0x11e: {  	v60 =	vld [tilespmem:$0x10950];
	_ =	sdelay $0x4  }
0x11f: {  	[tilespmem:v21+s8+$0x0] =	vst.idx.msk $0xffff, v60  }
0x120: {  	v60 =	vld [tilespmem:$0x10960];
	_ =	sdelay $0x4  }
0x121: {  	[tilespmem:v22+s8+$0x0] =	vst.idx.msk $0xffff, v60  }
0x122: {  	v60 =	vld [tilespmem:$0x10970];
	_ =	sdelay $0x4  }
0x123: {  	[tilespmem:v23+s8+$0x0] =	vst.idx.msk $0xffff, v60  }
0x124: {  	v60 =	vld [tilespmem:$0x10980];
	_ =	sdelay $0x4  }
0x125: {  	[tilespmem:v24+s8+$0x0] =	vst.idx.msk $0xffff, v60  }
0x126: {  	v60 =	vld [tilespmem:$0x10990];
	_ =	sdelay $0x4  }
0x127: {  	[tilespmem:v25+s8+$0x0] =	vst.idx.msk $0xffff, v60  }
0x128: {  	v60 =	vld [tilespmem:$0x109A0];
	_ =	sdelay $0x4  }
0x129: {  	[tilespmem:v26+s8+$0x0] =	vst.idx.msk $0xffff, v60  }
0x12a: {  	v60 =	vld [tilespmem:$0x109B0];
	_ =	sdelay $0x4  }
0x12b: {  	[tilespmem:v27+s8+$0x0] =	vst.idx.msk $0xffff, v60  }
0x12c: {  	v60 =	vld [tilespmem:$0x109C0];
	_ =	sdelay $0x4  }
0x12d: {  	[tilespmem:v28+s8+$0x0] =	vst.idx.msk $0xffff, v60  }
0x12e: {  	v60 =	vld [tilespmem:$0x109D0];
	_ =	sdelay $0x4  }
0x12f: {  	[tilespmem:v29+s8+$0x0] =	vst.idx.msk $0xffff, v60  }
0x130: {  	v60 =	vld [tilespmem:$0x109E0];
	_ =	sdelay $0x4  }
0x131: {  	[tilespmem:v30+s8+$0x0] =	vst.idx.msk $0xffff, v60  }
0x132: {  	v60 =	vld [tilespmem:$0x109F0];
	_ =	sdelay $0x4  }
0x133: {  	[tilespmem:v31+s8+$0x0] =	vst.idx.msk $0xffff, v60  }
0x134: {  	v60 =	vld [tilespmem:$0x10A00];
	_ =	sdelay $0x4  }
0x135: {  	[tilespmem:v32+s8+$0x0] =	vst.idx.msk $0xffff, v60  }
0x136: {  	v60 =	vld [tilespmem:$0x10A10];
	_ =	sdelay $0x4  }
0x137: {  	[tilespmem:v33+s8+$0x0] =	vst.idx.msk $0xffff, v60  }
0x138: {  	v60 =	vld [tilespmem:$0x10A20];
	_ =	sdelay $0x4  }
0x139: {  	[tilespmem:v34+s8+$0x0] =	vst.idx.msk $0xffff, v60  }
0x13a: {  	v60 =	vld [tilespmem:$0x10A30];
	_ =	sdelay $0x4  }
0x13b: {  	[tilespmem:v35+s8+$0x0] =	vst.idx.msk $0xffff, v60  }
0x13c: {  	v60 =	vld [tilespmem:$0x10A40];
	_ =	sdelay $0x4  }
0x13d: {  	[tilespmem:v36+s8+$0x0] =	vst.idx.msk $0xffff, v60  }
0x13e: {  	v60 =	vld [tilespmem:$0x10A50];
	_ =	sdelay $0x4  }
0x13f: {  	[tilespmem:v37+s8+$0x0] =	vst.idx.msk $0xffff, v60  }
0x140: {  	v60 =	vld [tilespmem:$0x10A60];
	_ =	sdelay $0x4  }
0x141: {  	[tilespmem:v38+s8+$0x0] =	vst.idx.msk $0xffff, v60  }
0x142: {  	v60 =	vld [tilespmem:$0x10A70];
	_ =	sdelay $0x4  }
0x143: {  	s19 =	simm.s32 $0x0;
	[tilespmem:v39+s8+$0x0] =	vst.idx.msk $0xffff, v60  }
0x144: {  	v60 =	vld [tilespmem:s19+$0x10D00];
	_ =	sdelay $0x4  }
0x145: {  	v61 =	vbroadcast v60, $0x0;
	_ =	sdelay $0x1  }
0x146: {  	v62 =	vbroadcast v60, $0x1;
	v63 =	vmul.f32 v61, v40  }
0x147: {  	v61 =	vmul.f32 v61, v41  }
0x148: {  	v1 =	vbroadcast v60, $0x2;
	v2 =	vmul.f32 v62, v42;
	v63 =	vadd.f32 v63, v50  }
0x149: {  	s13 =	simm.s32 $0x11D50;
	v62 =	vmul.f32 v62, v43;
	v61 =	vadd.f32 v61, v51  }
0x14a: {  	v3 =	vbroadcast v60, $0x3;
	v2 =	vadd.f32 v2, v52;
	[tilespmem:s13+$0xFFFFFFB0] =	vst v63;
	v63 =	vmul.f32 v1, v44  }
0x14b: {  	[tilespmem:s13+$0xFFFFFFC0] =	vst v61;
	v61 =	vadd.f32 v62, v53;
	v1 =	vmul.f32 v1, v45  }
0x14c: {  	v60 =	vbroadcast v60, $0x4;
	[tilespmem:s13+$0xFFFFFFD0] =	vst v2;
	v2 =	vmul.f32 v3, v46;
	v62 =	vadd.f32 v63, v54  }
0x14d: {  	v3 =	vmul.f32 v3, v47;
	[tilespmem:s13+$0xFFFFFFE0] =	vst v61;
	v1 =	vadd.f32 v1, v55  }
0x14e: {  	v2 =	vadd.f32 v2, v56;
	v61 =	vmul.f32 v60, v48;
	[tilespmem:s13+$0xFFFFFFF0] =	vst v62  }
0x14f: {  	[tilespmem:s13+$0x0] =	vst v1;
	v1 =	vadd.f32 v3, v57;
	v3 =	vmul.f32 v60, v49  }
0x150: {  	s4 =	sshll.u32 s3, $0x8;
	[tilespmem:s13+$0x10] =	vst v2;
	v2 =	vadd.f32 v61, v58  }
0x151: {  	s15 =	sadd.s32 s20, s4;
	[tilespmem:s13+$0x20] =	vst v1;
	v1 =	vadd.f32 v3, v59  }
0x152: {  	s5 =	sshrl.u32 s15, $0xA;
	[tilespmem:s13+$0x30] =	vst v2  }
0x153: {  	s15 =	sand.u32 $0x300, s15;
	s17 =	simm.s32 $0x10;
	s16 =	simm.s32 $0x80;
	[tilespmem:s13+$0x40] =	vst v1  }
.LBB2_3:
0x154: {  	p1 =	sne.s32 s16, $0x1FC0;
	v1 =	vld [tilespmem:s17+$0x10D00];
	_ =	sdelay $0x4  }
0x155: {  	v2 =	vbroadcast v1, $0x0;
	v3 =	vbroadcast v1, $0x1  }
0x156: {  	v60 =	vbroadcast v1, $0x2;
	v61 =	vbroadcast v1, $0x3  }
0x157: {  	v62 =	vmul.f32 v2, v40;
	v2 =	vmul.f32 v2, v41  }
0x158: {  	v63 =	vmul.f32 v3, v42;
	v3 =	vmul.f32 v3, v43  }
0x159: {  	v4 =	vmul.f32 v60, v44;
	v62 =	vadd.f32 v62, v50;
	v2 =	vadd.f32 v2, v51  }
0x15a: {  	s13 =	sadd.s32 $0xA0, s13;
	v60 =	vmul.f32 v60, v45;
	v63 =	vadd.f32 v63, v52;
	v3 =	vadd.f32 v3, v53  }
0x15b: {  	v4 =	vadd.f32 v4, v54;
	[tilespmem:s13+$0xFFFFFFB0] =	vst v62;
	v62 =	vmul.f32 v61, v46;
	v61 =	vmul.f32 v61, v47  }
0x15c: {  	v1 =	vbroadcast v1, $0x4;
	[tilespmem:s13+$0xFFFFFFC0] =	vst v2;
	v2 =	vadd.f32 v60, v55  }
0x15d: {  	[tilespmem:s13+$0xFFFFFFD0] =	vst v63;
	v60 =	vadd.f32 v62, v56;
	v61 =	vadd.f32 v61, v57  }
0x15e: {  	[tilespmem:s13+$0xFFFFFFE0] =	vst v3;
	v3 =	vmul.f32 v1, v48;
	v1 =	vmul.f32 v1, v49  }
0x15f: {  	[tilespmem:s13+$0xFFFFFFF0] =	vst v4  }
.Ltmp2:
0x160: {  	[tilespmem:s13+$0x0] =	vst v2;
	v2 =	vadd.f32 v3, v58;
	v1 =	vadd.f32 v1, v59;
	(pc) =	sbr.rel @p1 .LBB2_3-.Ltmp2, $4  }
0x161: {  	[tilespmem:s13+$0x10] =	vst v60  }
0x162: {  	[tilespmem:s13+$0x20] =	vst v61  }
0x163: {  	[tilespmem:s13+$0x30] =	vst v2  }
0x164: {  	s17 =	sshra.s32 s16, $0x2;
	s16 =	sadd.s32 $0x40, s16;
	[tilespmem:s13+$0x40] =	vst v1  }
0x165: {  	v1 =	vld [tilespmem:s17+$0x10D00];
	_ =	sdelay $0x4  }
0x166: {  	v2 =	vbroadcast v1, $0x0;
	_ =	sdelay $0x1  }
0x167: {  	v3 =	vbroadcast v1, $0x1;
	v4 =	vmul.f32 v2, v40  }
0x168: {  	v2 =	vmul.f32 v2, v41  }
0x169: {  	v60 =	vbroadcast v1, $0x2;
	v61 =	vmul.f32 v3, v42;
	v4 =	vadd.f32 v4, v50  }
0x16a: {  	s13 =	sadd.s32 $0xA0, s13;
	v3 =	vmul.f32 v3, v43;
	v2 =	vadd.f32 v2, v51  }
0x16b: {  	v62 =	vbroadcast v1, $0x3;
	v61 =	vadd.f32 v61, v52;
	[tilespmem:s13+$0xFFFFFFB0] =	vst v4;
	v4 =	vmul.f32 v60, v44  }
0x16c: {  	v3 =	vadd.f32 v3, v53;
	v60 =	vmul.f32 v60, v45;
	[tilespmem:s13+$0xFFFFFFC0] =	vst v2  }
0x16d: {  	v1 =	vbroadcast v1, $0x4;
	[tilespmem:s13+$0xFFFFFFD0] =	vst v61;
	v2 =	vadd.f32 v4, v54;
	v4 =	vmul.f32 v62, v46  }
0x16e: {  	v61 =	vmul.f32 v62, v47;
	[tilespmem:s13+$0xFFFFFFE0] =	vst v3;
	v60 =	vadd.f32 v60, v55  }
0x16f: {  	v3 =	vadd.f32 v4, v56;
	v4 =	vmul.f32 v1, v48;
	[tilespmem:s13+$0xFFFFFFF0] =	vst v2  }
0x170: {  	v2 =	vadd.f32 v61, v57;
	v1 =	vmul.f32 v1, v49;
	[tilespmem:s13+$0x0] =	vst v60  }
0x171: {  	v4 =	vadd.f32 v4, v58;
	[tilespmem:s13+$0x10] =	vst v3  }
0x172: {  	v1 =	vadd.f32 v1, v59;
	[tilespmem:s13+$0x20] =	vst v2  }
0x173: {  	[tilespmem:s13+$0x30] =	vst v4  }
0x174: {  	[tilespmem:s13+$0x40] =	vst v1  }
0x175: {  	_ =	swait.ge [sflag:s12], $0x1000  }
0x176: {  	[sflag:s12] =	ssyncset.done $0x0  }
0x177: {  	[sflag:s12] =	ssyncadd.s32 $0xFFFFF000  }
0x178: {  	_ =	swait.ge [sflag:s12], $0x1000  }
0x179: {  	[sflag:s12] =	ssyncset.done $0x0  }
0x17a: {  	[sflag:s12] =	ssyncadd.s32 $0xFFFFF000  }
0x17b: {  	_ =	swait.ge [sflag:s12], $0x1000  }
0x17c: {  	[sflag:s12] =	ssyncset.done $0x0  }
0x17d: {  	[sflag:s12] =	ssyncadd.s32 $0xFFFFF000  }
0x17e: {  	_ =	swait.ge [sflag:s12], $0x1000  }
0x17f: {  	[sflag:s12] =	ssyncset.done $0x0  }
0x180: {  	[sflag:s12] =	ssyncadd.s32 $0xFFFFF000  }
0x181: {  	_ =	swait.ge [sflag:s12], $0x1000  }
0x182: {  	[sflag:s12] =	ssyncset.done $0x0  }
0x183: {  	[sflag:s12] =	ssyncadd.s32 $0xFFFFF000  }
0x184: {  	_ =	swait.ge [sflag:s12], $0x1000  }
0x185: {  	[sflag:s12] =	ssyncset.done $0x0  }
0x186: {  	[sflag:s12] =	ssyncadd.s32 $0xFFFFF000  }
0x187: {  	s5 =	smul.u32 $0x68000, s5;
	_ =	swait.ge [sflag:s12], $0x1000  }
0x188: {  	s16 =	smul.u32 $0x1A0, s15;
	[sflag:s12] =	ssyncset.done $0x0  }
0x189: {  	[sflag:s12] =	ssyncadd.s32 $0xFFFFF000  }
0x18a: {  	s5 =	sadd.s32 s16, s5;
	_ =	swait.ge [sflag:s12], $0x1000  }
0x18b: {  	s19 =	smov.u32 s18;
	s5 =	sshrl.u32 s5, $0x3;
	[sflag:s12] =	ssyncset.done $0x0  }
0x18c: {  	s17 =	sadd.s32 s18, s5;
	s18 =	simm.s32 $0x800;
	[sflag:s12] =	ssyncadd.s32 $0xFFFFF000  }
0x18d: {  	[hbm4b:s17+s10] =	stream.strided.scatter [tilespmem:s18], [sflag:$0x5], $0x1000, s31, s10, $0x38;
	[tilespmem:$0x1BE40] =	vst v63  }
0x18e: {  	s16 =	simm.s32 $0x1800;
	s15 =	sadd.s32 s5, s9  }
0x18f: {  	[hbm4b:s15+s10] =	stream.strided.scatter [tilespmem:s16], [sflag:$0x5], $0x1000, s31, s10, $0x38;
	[tilespmem:$0x1BE40] =	vst v63  }
0x190: {  	s17 =	sadd.s32 s5, s11;
	s18 =	simm.s32 $0x2800  }
0x191: {  	[hbm4b:s17+s10] =	stream.strided.scatter [tilespmem:s18], [sflag:$0x5], $0x1000, s31, s10, $0x38;
	[tilespmem:$0x1BE40] =	vst v63  }
0x192: {  	s15 =	sadd.s32 s5, s24;
	s16 =	simm.s32 $0x3800  }
0x193: {  	[hbm4b:s15+s10] =	stream.strided.scatter [tilespmem:s16], [sflag:$0x5], $0x1000, s31, s10, $0x38;
	[tilespmem:$0x1BE40] =	vst v63  }
0x194: {  	s17 =	sadd.s32 s5, s25;
	s18 =	simm.s32 $0x4800  }
0x195: {  	[hbm4b:s17+s10] =	stream.strided.scatter [tilespmem:s18], [sflag:$0x5], $0x1000, s31, s10, $0x38;
	[tilespmem:$0x1BE40] =	vst v63  }
0x196: {  	s15 =	sadd.s32 s5, s26;
	s16 =	simm.s32 $0x5800  }
0x197: {  	[hbm4b:s15+s10] =	stream.strided.scatter [tilespmem:s16], [sflag:$0x5], $0x1000, s31, s10, $0x38;
	[tilespmem:$0x1BE40] =	vst v63  }
0x198: {  	s17 =	sadd.s32 s5, s28;
	s18 =	simm.s32 $0x6800  }
0x199: {  	[hbm4b:s17+s10] =	stream.strided.scatter [tilespmem:s18], [sflag:$0x5], $0x1000, s31, s10, $0x38;
	[tilespmem:$0x1BE40] =	vst v63  }
0x19a: {  	s15 =	sadd.s32 s5, s29;
	s16 =	simm.s32 $0x7800  }
0x19b: {  	[hbm4b:s15+s10] =	stream.strided.scatter [tilespmem:s16], [sflag:$0x5], $0x1000, s31, s10, $0x38;
	[tilespmem:$0x1BE40] =	vst v63  }
0x19c: {  	s5 =	sadd.s32 s5, s30;
	s17 =	simm.s32 $0xA0;
	s18 =	simm.s32 $0x11D00  }
0x19d: {  	[hbm4b:s5+s17] =	stream.strided.scatter [tilespmem:s18], [sflag:$0x5], $0x5000, s31, s17, $0x38;
	[tilespmem:$0x1BE40] =	vst v63  }
0x19e: {  	s5 =	sld [smem:$0x7FC];
	_ =	sdelay $0x1  }
0x19f: {  	p1 =	seq.s32 s3, $0x18  }
0x1a0: {  	s5 =	sadd.s32 @!p1 s4, s5  }
0x1a1: {  	s13 =	sshrl.u32 @!p1 s5, $0xA;
	s15 =	sand.u32 @!p1 $0x1C00, s5  }
0x1a2: {  	p2 =	seq.s32 @!p1 s13, $0x0;
	p3 =	sne.s32 @!p1 s15, $0x0  }
0x1a3: {  	p2 =	por @!p1 !p2, !p3  }
0x1a4: {  	p2 =	por @!p1 !p2, !p2  }
0x1a5: {  	s16 =	simm.s32 @!p1 $0x1;
	s17 =	sshll.u32 @!p1 s5, $0x3;
	p2 =	por !p2, p1  }
0x1a6: {  	s15 =	sshrl.u32 @!p1 s5, $0xD;
	s18 =	sshll.u32 @!p1 s13, $0xD;
	s16 =	simm.s32 @p2 $0x0  }
0x1a7: {  	s13 =	sshll.u32 @!p1 s13, $0x7;
	s15 =	ssub.s32 @!p1 s15, s16;
	s16 =	ssub.s32 @!p1 s17, s18  }
0x1a8: {  	s17 =	sshll.u32 @!p1 s15, $0xD;
	s13 =	sadd.s32 @!p1 s13, s16  }
0x1a9: {  	s15 =	sshll.u32 @!p1 s15, $0xA;
	s13 =	sadd.s32 @!p1 s17, s13  }
0x1aa: {  	s13 =	ssub.s32 @!p1 s13, s15  }
0x1ab: {  	s15 =	rddreg [dreg:$0x0];
	s13 =	sshrl.u32 @!p1 s13, $0x3  }
0x1ac: {  	s16 =	simm.s32 @!p1 $0x0;
	s15 =	sadd.s32 @!p1 s15, s13  }
0x1ad: {  	[tilespmem:s16], [sflag:$0x1] =	stream.linear.gather @!p1 [hbm4b:s15+s16], $0x80, $0x38;
	[tilespmem:$0x1BE40] =	vst v63  }
0x1ae: {  	s15 =	rddreg [dreg:$0x1]  }
0x1af: {  	s17 =	simm.s32 @!p1 $0x80;
	s15 =	sadd.s32 @!p1 s15, s13  }
0x1b0: {  	[tilespmem:s17], [sflag:$0x1] =	stream.linear.gather @!p1 [hbm4b:s15+s16], $0x80, $0x38;
	[tilespmem:$0x1BE40] =	vst v63  }
0x1b1: {  	s15 =	rddreg [dreg:$0x2]  }
0x1b2: {  	s18 =	simm.s32 @!p1 $0x100;
	s15 =	sadd.s32 @!p1 s15, s13  }
0x1b3: {  	[tilespmem:s18], [sflag:$0x1] =	stream.linear.gather @!p1 [hbm4b:s15+s16], $0x80, $0x38;
	[tilespmem:$0x1BE40] =	vst v63  }
0x1b4: {  	s15 =	rddreg [dreg:$0x3]  }
0x1b5: {  	s18 =	simm.s32 @!p1 $0x180;
	s15 =	sadd.s32 @!p1 s15, s13  }
0x1b6: {  	[tilespmem:s18], [sflag:$0x1] =	stream.linear.gather @!p1 [hbm4b:s15+s16], $0x80, $0x38;
	[tilespmem:$0x1BE40] =	vst v63  }
0x1b7: {  	s15 =	rddreg [dreg:$0x4]  }
0x1b8: {  	s18 =	simm.s32 @!p1 $0x200;
	s15 =	sadd.s32 @!p1 s15, s13  }
0x1b9: {  	[tilespmem:s18], [sflag:$0x1] =	stream.linear.gather @!p1 [hbm4b:s15+s16], $0x80, $0x38;
	[tilespmem:$0x1BE40] =	vst v63  }
0x1ba: {  	s15 =	rddreg [dreg:$0x5]  }
0x1bb: {  	s18 =	simm.s32 @!p1 $0x280;
	s15 =	sadd.s32 @!p1 s15, s13  }
0x1bc: {  	[tilespmem:s18], [sflag:$0x1] =	stream.linear.gather @!p1 [hbm4b:s15+s16], $0x80, $0x38;
	[tilespmem:$0x1BE40] =	vst v63  }
0x1bd: {  	s15 =	rddreg [dreg:$0x6]  }
0x1be: {  	s18 =	simm.s32 @!p1 $0x300;
	s15 =	sadd.s32 @!p1 s15, s13  }
0x1bf: {  	[tilespmem:s18], [sflag:$0x1] =	stream.linear.gather @!p1 [hbm4b:s15+s16], $0x80, $0x38;
	[tilespmem:$0x1BE40] =	vst v63  }
0x1c0: {  	s15 =	rddreg [dreg:$0x7]  }
0x1c1: {  	s5 =	sshrl.u32 @!p1 s5, $0x3;
	s13 =	sadd.s32 @!p1 s15, s13;
	s15 =	simm.s32 @!p1 $0x380  }
0x1c2: {  	[tilespmem:s15], [sflag:$0x1] =	stream.linear.gather @!p1 [hbm4b:s13+s16], $0x80, $0x38;
	[tilespmem:$0x1BE40] =	vst v63  }
0x1c3: {  	s5 =	sadd.s32 @!p1 s21, s5;
	s13 =	simm.s32 @!p1 $0x32000;
	s15 =	simm.s32 @!p1 $0x10800  }
0x1c4: {  	[tilespmem:s15], [sflag:$0x1] =	stream.strided.gather @!p1 [hbm4b:s5+s17], $0x280, s13, s17, $0x38;
	[tilespmem:$0x1BE40] =	vst v63  }
0x1c5: {  	_ =	swait.ge [sflag:s2], $0x80  }
0x1c6: {  	[sflag:s2] =	ssyncset.done $0x0  }
0x1c7: {  	[sflag:s2] =	ssyncadd.s32 $0xFFFFFF80  }
0x1c8: {  	_ =	swait.ge [sflag:s2], $0x80  }
0x1c9: {  	[sflag:s2] =	ssyncset.done $0x0  }
0x1ca: {  	[sflag:s2] =	ssyncadd.s32 $0xFFFFFF80  }
0x1cb: {  	_ =	swait.ge [sflag:s2], $0x80  }
0x1cc: {  	[sflag:s2] =	ssyncset.done $0x0  }
0x1cd: {  	[sflag:s2] =	ssyncadd.s32 $0xFFFFFF80  }
0x1ce: {  	_ =	swait.ge [sflag:s2], $0x80  }
0x1cf: {  	[sflag:s2] =	ssyncset.done $0x0  }
0x1d0: {  	[sflag:s2] =	ssyncadd.s32 $0xFFFFFF80  }
0x1d1: {  	_ =	swait.ge [sflag:s2], $0x80  }
0x1d2: {  	[sflag:s2] =	ssyncset.done $0x0  }
0x1d3: {  	[sflag:s2] =	ssyncadd.s32 $0xFFFFFF80  }
0x1d4: {  	_ =	swait.ge [sflag:s2], $0x80  }
0x1d5: {  	[sflag:s2] =	ssyncset.done $0x0  }
0x1d6: {  	[sflag:s2] =	ssyncadd.s32 $0xFFFFFF80  }
0x1d7: {  	_ =	swait.ge [sflag:s2], $0x80  }
0x1d8: {  	[sflag:s2] =	ssyncset.done $0x0  }
0x1d9: {  	[sflag:s2] =	ssyncadd.s32 $0xFFFFFF80  }
0x1da: {  	_ =	swait.ge [sflag:s2], $0x80  }
0x1db: {  	[sflag:s2] =	ssyncset.done $0x0  }
0x1dc: {  	[sflag:s2] =	ssyncadd.s32 $0xFFFFFF80  }
0x1dd: {  	_ =	swait.ge [sflag:s2], $0x280  }
0x1de: {  	[sflag:s2] =	ssyncset.done $0x0  }
0x1df: {  	s5 =	simm.s32 @!p0 $0x6;
	[sflag:s2] =	ssyncadd.s32 $0xFFFFFD80  }
0x1e0: {  	_ =	swait.ge @!p0 [sflag:s5], $0x1000  }
0x1e1: {  	[sflag:s5] =	ssyncset.done @!p0 $0x0  }
0x1e2: {  	[sflag:s5] =	ssyncadd.s32 @!p0 $0xFFFFF000  }
0x1e3: {  	_ =	swait.ge @!p0 [sflag:s5], $0x1000  }
0x1e4: {  	[sflag:s5] =	ssyncset.done @!p0 $0x0  }
0x1e5: {  	[sflag:s5] =	ssyncadd.s32 @!p0 $0xFFFFF000  }
0x1e6: {  	_ =	swait.ge @!p0 [sflag:s5], $0x1000  }
0x1e7: {  	[sflag:s5] =	ssyncset.done @!p0 $0x0  }
0x1e8: {  	[sflag:s5] =	ssyncadd.s32 @!p0 $0xFFFFF000  }
0x1e9: {  	_ =	swait.ge @!p0 [sflag:s5], $0x1000  }
0x1ea: {  	[sflag:s5] =	ssyncset.done @!p0 $0x0  }
0x1eb: {  	[sflag:s5] =	ssyncadd.s32 @!p0 $0xFFFFF000  }
0x1ec: {  	_ =	swait.ge @!p0 [sflag:s5], $0x1000  }
0x1ed: {  	[sflag:s5] =	ssyncset.done @!p0 $0x0  }
0x1ee: {  	[sflag:s5] =	ssyncadd.s32 @!p0 $0xFFFFF000  }
0x1ef: {  	_ =	swait.ge @!p0 [sflag:s5], $0x1000  }
0x1f0: {  	[sflag:s5] =	ssyncset.done @!p0 $0x0  }
0x1f1: {  	[sflag:s5] =	ssyncadd.s32 @!p0 $0xFFFFF000  }
0x1f2: {  	_ =	swait.ge @!p0 [sflag:s5], $0x1000  }
0x1f3: {  	[sflag:s5] =	ssyncset.done @!p0 $0x0  }
0x1f4: {  	[sflag:s5] =	ssyncadd.s32 @!p0 $0xFFFFF000  }
0x1f5: {  	_ =	swait.ge @!p0 [sflag:s5], $0x1000  }
0x1f6: {  	[sflag:s5] =	ssyncset.done @!p0 $0x0  }
0x1f7: {  	[sflag:s5] =	ssyncadd.s32 @!p0 $0xFFFFF000  }
0x1f8: {  	_ =	swait.ge @!p0 [sflag:s5], $0x5000  }
0x1f9: {  	s18 =	simm.s32 $0x8800;
	[sflag:s5] =	ssyncset.done @!p0 $0x0  }
0x1fa: {  	s17 =	simm.s32 $0x400;
	s16 =	rddreg [dreg:$0xd];
	[sflag:s5] =	ssyncadd.s32 @!p0 $0xFFFFB000  }
0x1fb: {  	[tilespmem:s18], [sflag:$0x4] =	stream.indirect.gather [hbm4b:s16+s0], $0x20, s17, s0, $0xb8;
	[tilespmem:$0x1BE40] =	vst v63  }
0x1fc: {  	s16 =	rddreg [dreg:$0xe];
	s17 =	simm.s32 $0x480;
	s18 =	simm.s32 $0x9800  }
0x1fd: {  	[tilespmem:s18], [sflag:$0x4] =	stream.indirect.gather [hbm4b:s16+s0], $0x20, s17, s0, $0xb8;
	[tilespmem:$0x1BE40] =	vst v63  }
0x1fe: {  	s16 =	rddreg [dreg:$0xf];
	s17 =	simm.s32 $0x500;
	s18 =	simm.s32 $0xA800  }
0x1ff: {  	[tilespmem:s18], [sflag:$0x4] =	stream.indirect.gather [hbm4b:s16+s0], $0x20, s17, s0, $0xb8;
	[tilespmem:$0x1BE40] =	vst v63  }
0x200: {  	s16 =	rddreg [dreg:$0x10];
	s17 =	simm.s32 $0x580;
	s18 =	simm.s32 $0xB800  }
0x201: {  	[tilespmem:s18], [sflag:$0x4] =	stream.indirect.gather [hbm4b:s16+s0], $0x20, s17, s0, $0xb8;
	[tilespmem:$0x1BE40] =	vst v63  }
0x202: {  	s16 =	rddreg [dreg:$0x11];
	s17 =	simm.s32 $0x600;
	s18 =	simm.s32 $0xC800  }
0x203: {  	[tilespmem:s18], [sflag:$0x4] =	stream.indirect.gather [hbm4b:s16+s0], $0x20, s17, s0, $0xb8;
	[tilespmem:$0x1BE40] =	vst v63  }
0x204: {  	s15 =	simm.s32 $0x680;
	s13 =	rddreg [dreg:$0x12];
	s16 =	simm.s32 $0xD800  }
0x205: {  	[tilespmem:s16], [sflag:$0x4] =	stream.indirect.gather [hbm4b:s13+s0], $0x20, s15, s0, $0xb8;
	[tilespmem:$0x1BE40] =	vst v63  }
0x206: {  	s17 =	simm.s32 $0x700;
	s18 =	simm.s32 $0xE800  }
0x207: {  	[tilespmem:s18], [sflag:$0x4] =	stream.indirect.gather [hbm4b:s22+s0], $0x20, s17, s0, $0xb8;
	[tilespmem:$0x1BE40] =	vst v63  }
0x208: {  	s13 =	simm.s32 $0x780;
	s15 =	simm.s32 $0xF800  }
0x209: {  	[tilespmem:s15], [sflag:$0x4] =	stream.indirect.gather [hbm4b:s23+s0], $0x20, s13, s0, $0xb8;
	[tilespmem:$0x1BE40] =	vst v63  }
0x20a: {  	v1 =	vld [tilespmem:$0x10A80];
	_ =	sdelay $0x2  }
0x20b: {  	v2 =	vld [tilespmem:$0x1FFC0];
	_ =	sdelay $0x1  }
0x20c: {  	[tilespmem:v0+s7+$0x0] =	vst.idx.msk $0xffff, v1  }
0x20d: {  	v1 =	vld [tilespmem:$0x10A90];
	_ =	sdelay $0x4  }
0x20e: {  	[tilespmem:v2+s7+$0x0] =	vst.idx.msk $0xffff, v1;
	v2 =	vld [tilespmem:$0x1FFD0];
	_ =	sdelay $0x2  }
0x20f: {  	v1 =	vld [tilespmem:$0x10AA0];
	_ =	sdelay $0x4  }
0x210: {  	[tilespmem:v2+s7+$0x0] =	vst.idx.msk $0xffff, v1;
	v2 =	vld [tilespmem:$0x1FFE0];
	_ =	sdelay $0x2  }
0x211: {  	v1 =	vld [tilespmem:$0x10AB0];
	_ =	sdelay $0x4  }
0x212: {  	[tilespmem:v2+s7+$0x0] =	vst.idx.msk $0xffff, v1;
	v2 =	vld [tilespmem:$0x1FFF0];
	_ =	sdelay $0x2  }
0x213: {  	v1 =	vld [tilespmem:$0x10AC0];
	_ =	sdelay $0x4  }
0x214: {  	[tilespmem:v2+s7+$0x0] =	vst.idx.msk $0xffff, v1  }
0x215: {  	v1 =	vld [tilespmem:$0x10AD0];
	_ =	sdelay $0x4  }
0x216: {  	[tilespmem:v5+s7+$0x0] =	vst.idx.msk $0xffff, v1  }
0x217: {  	v1 =	vld [tilespmem:$0x10AE0];
	_ =	sdelay $0x4  }
0x218: {  	[tilespmem:v6+s7+$0x0] =	vst.idx.msk $0xffff, v1  }
0x219: {  	v1 =	vld [tilespmem:$0x10AF0];
	_ =	sdelay $0x4  }
0x21a: {  	[tilespmem:v7+s7+$0x0] =	vst.idx.msk $0xffff, v1  }
0x21b: {  	v1 =	vld [tilespmem:$0x10B00];
	_ =	sdelay $0x4  }
0x21c: {  	[tilespmem:v8+s7+$0x0] =	vst.idx.msk $0xffff, v1  }
0x21d: {  	v1 =	vld [tilespmem:$0x10B10];
	_ =	sdelay $0x4  }
0x21e: {  	[tilespmem:v9+s7+$0x0] =	vst.idx.msk $0xffff, v1  }
0x21f: {  	v1 =	vld [tilespmem:$0x10B20];
	_ =	sdelay $0x4  }
0x220: {  	[tilespmem:v10+s7+$0x0] =	vst.idx.msk $0xffff, v1  }
0x221: {  	v1 =	vld [tilespmem:$0x10B30];
	_ =	sdelay $0x4  }
0x222: {  	[tilespmem:v11+s7+$0x0] =	vst.idx.msk $0xffff, v1  }
0x223: {  	v1 =	vld [tilespmem:$0x10B40];
	_ =	sdelay $0x4  }
0x224: {  	[tilespmem:v12+s7+$0x0] =	vst.idx.msk $0xffff, v1  }
0x225: {  	v1 =	vld [tilespmem:$0x10B50];
	_ =	sdelay $0x4  }
0x226: {  	[tilespmem:v13+s7+$0x0] =	vst.idx.msk $0xffff, v1  }
0x227: {  	v1 =	vld [tilespmem:$0x10B60];
	_ =	sdelay $0x4  }
0x228: {  	[tilespmem:v14+s7+$0x0] =	vst.idx.msk $0xffff, v1  }
0x229: {  	v1 =	vld [tilespmem:$0x10B70];
	_ =	sdelay $0x4  }
0x22a: {  	[tilespmem:v15+s7+$0x0] =	vst.idx.msk $0xffff, v1  }
0x22b: {  	v1 =	vld [tilespmem:$0x10B80];
	_ =	sdelay $0x4  }
0x22c: {  	[tilespmem:v16+s7+$0x0] =	vst.idx.msk $0xffff, v1  }
0x22d: {  	v1 =	vld [tilespmem:$0x10B90];
	_ =	sdelay $0x4  }
0x22e: {  	[tilespmem:v17+s7+$0x0] =	vst.idx.msk $0xffff, v1  }
0x22f: {  	v1 =	vld [tilespmem:$0x10BA0];
	_ =	sdelay $0x4  }
0x230: {  	[tilespmem:v18+s7+$0x0] =	vst.idx.msk $0xffff, v1  }
0x231: {  	v1 =	vld [tilespmem:$0x10BB0];
	_ =	sdelay $0x4  }
0x232: {  	[tilespmem:v19+s7+$0x0] =	vst.idx.msk $0xffff, v1  }
0x233: {  	v1 =	vld [tilespmem:$0x10BC0];
	_ =	sdelay $0x4  }
0x234: {  	[tilespmem:v20+s7+$0x0] =	vst.idx.msk $0xffff, v1  }
0x235: {  	v1 =	vld [tilespmem:$0x10BD0];
	_ =	sdelay $0x4  }
0x236: {  	[tilespmem:v21+s7+$0x0] =	vst.idx.msk $0xffff, v1  }
0x237: {  	v1 =	vld [tilespmem:$0x10BE0];
	_ =	sdelay $0x4  }
0x238: {  	[tilespmem:v22+s7+$0x0] =	vst.idx.msk $0xffff, v1  }
0x239: {  	v1 =	vld [tilespmem:$0x10BF0];
	_ =	sdelay $0x4  }
0x23a: {  	[tilespmem:v23+s7+$0x0] =	vst.idx.msk $0xffff, v1  }
0x23b: {  	v1 =	vld [tilespmem:$0x10C00];
	_ =	sdelay $0x4  }
0x23c: {  	[tilespmem:v24+s7+$0x0] =	vst.idx.msk $0xffff, v1  }
0x23d: {  	v1 =	vld [tilespmem:$0x10C10];
	_ =	sdelay $0x4  }
0x23e: {  	[tilespmem:v25+s7+$0x0] =	vst.idx.msk $0xffff, v1  }
0x23f: {  	v1 =	vld [tilespmem:$0x10C20];
	_ =	sdelay $0x4  }
0x240: {  	[tilespmem:v26+s7+$0x0] =	vst.idx.msk $0xffff, v1  }
0x241: {  	v1 =	vld [tilespmem:$0x10C30];
	_ =	sdelay $0x4  }
0x242: {  	[tilespmem:v27+s7+$0x0] =	vst.idx.msk $0xffff, v1  }
0x243: {  	v1 =	vld [tilespmem:$0x10C40];
	_ =	sdelay $0x4  }
0x244: {  	[tilespmem:v28+s7+$0x0] =	vst.idx.msk $0xffff, v1  }
0x245: {  	v1 =	vld [tilespmem:$0x10C50];
	_ =	sdelay $0x4  }
0x246: {  	[tilespmem:v29+s7+$0x0] =	vst.idx.msk $0xffff, v1  }
0x247: {  	v1 =	vld [tilespmem:$0x10C60];
	_ =	sdelay $0x4  }
0x248: {  	[tilespmem:v30+s7+$0x0] =	vst.idx.msk $0xffff, v1  }
0x249: {  	v1 =	vld [tilespmem:$0x10C70];
	_ =	sdelay $0x4  }
0x24a: {  	[tilespmem:v31+s7+$0x0] =	vst.idx.msk $0xffff, v1  }
0x24b: {  	v1 =	vld [tilespmem:$0x10C80];
	_ =	sdelay $0x4  }
0x24c: {  	[tilespmem:v32+s7+$0x0] =	vst.idx.msk $0xffff, v1  }
0x24d: {  	v1 =	vld [tilespmem:$0x10C90];
	_ =	sdelay $0x4  }
0x24e: {  	[tilespmem:v33+s7+$0x0] =	vst.idx.msk $0xffff, v1  }
0x24f: {  	v1 =	vld [tilespmem:$0x10CA0];
	_ =	sdelay $0x4  }
0x250: {  	[tilespmem:v34+s7+$0x0] =	vst.idx.msk $0xffff, v1  }
0x251: {  	v1 =	vld [tilespmem:$0x10CB0];
	_ =	sdelay $0x4  }
0x252: {  	[tilespmem:v35+s7+$0x0] =	vst.idx.msk $0xffff, v1  }
0x253: {  	v1 =	vld [tilespmem:$0x10CC0];
	_ =	sdelay $0x4  }
0x254: {  	[tilespmem:v36+s7+$0x0] =	vst.idx.msk $0xffff, v1  }
0x255: {  	v1 =	vld [tilespmem:$0x10CD0];
	_ =	sdelay $0x4  }
0x256: {  	[tilespmem:v37+s7+$0x0] =	vst.idx.msk $0xffff, v1  }
0x257: {  	v1 =	vld [tilespmem:$0x10CE0];
	_ =	sdelay $0x4  }
0x258: {  	[tilespmem:v38+s7+$0x0] =	vst.idx.msk $0xffff, v1  }
0x259: {  	v1 =	vld [tilespmem:$0x10CF0];
	_ =	sdelay $0x4  }
0x25a: {  	s16 =	simm.s32 $0x0;
	[tilespmem:v39+s7+$0x0] =	vst.idx.msk $0xffff, v1  }
0x25b: {  	v1 =	vld [tilespmem:s16+$0x11500];
	_ =	sdelay $0x4  }
0x25c: {  	v2 =	vbroadcast v1, $0x0;
	_ =	sdelay $0x1  }
0x25d: {  	v3 =	vbroadcast v1, $0x1;
	v4 =	vmul.f32 v2, v40  }
0x25e: {  	v2 =	vmul.f32 v2, v41  }
0x25f: {  	v60 =	vbroadcast v1, $0x2;
	v61 =	vmul.f32 v3, v42;
	v4 =	vadd.f32 v4, v50  }
0x260: {  	s13 =	simm.s32 $0x16D50;
	v3 =	vmul.f32 v3, v43;
	v2 =	vadd.f32 v2, v51  }
0x261: {  	v62 =	vbroadcast v1, $0x3;
	v61 =	vadd.f32 v61, v52;
	[tilespmem:s13+$0xFFFFFFB0] =	vst v4;
	v4 =	vmul.f32 v60, v44  }
0x262: {  	[tilespmem:s13+$0xFFFFFFC0] =	vst v2;
	v2 =	vadd.f32 v3, v53;
	v3 =	vmul.f32 v60, v45  }
0x263: {  	v1 =	vbroadcast v1, $0x4;
	[tilespmem:s13+$0xFFFFFFD0] =	vst v61;
	v60 =	vmul.f32 v62, v46;
	v4 =	vadd.f32 v4, v54  }
0x264: {  	[tilespmem:s13+$0xFFFFFFE0] =	vst v2;
	v2 =	vmul.f32 v62, v47;
	v3 =	vadd.f32 v3, v55  }
0x265: {  	v60 =	vadd.f32 v60, v56;
	[tilespmem:s13+$0xFFFFFFF0] =	vst v4;
	v4 =	vmul.f32 v1, v48  }
0x266: {  	[tilespmem:s13+$0x0] =	vst v3;
	v2 =	vadd.f32 v2, v57;
	v1 =	vmul.f32 v1, v49  }
0x267: {  	[tilespmem:s13+$0x10] =	vst v60;
	v3 =	vadd.f32 v4, v58  }
0x268: {  	s17 =	sadd.s32 s4, s20;
	[tilespmem:s13+$0x20] =	vst v2;
	v1 =	vadd.f32 v1, v59  }
0x269: {  	s18 =	sadd.s32 $0x80, s17;
	s17 =	simm.s32 $0x10;
	[tilespmem:s13+$0x30] =	vst v3  }
0x26a: {  	s5 =	sshrl.u32 s18, $0xA;
	s15 =	sand.u32 $0x380, s18;
	s16 =	simm.s32 $0x80;
	[tilespmem:s13+$0x40] =	vst v1  }
.LBB2_5:
0x26b: {  	p0 =	sne.s32 s16, $0x1FC0;
	v1 =	vld [tilespmem:s17+$0x11500];
	_ =	sdelay $0x4  }
0x26c: {  	v2 =	vbroadcast v1, $0x0;
	v3 =	vbroadcast v1, $0x1  }
0x26d: {  	v4 =	vbroadcast v1, $0x2;
	v60 =	vbroadcast v1, $0x3  }
0x26e: {  	v61 =	vmul.f32 v2, v40;
	v2 =	vmul.f32 v2, v41  }
0x26f: {  	v62 =	vmul.f32 v3, v42;
	v3 =	vmul.f32 v3, v43  }
0x270: {  	v63 =	vmul.f32 v4, v44;
	v61 =	vadd.f32 v61, v50;
	v2 =	vadd.f32 v2, v51  }
0x271: {  	s13 =	sadd.s32 $0xA0, s13;
	v4 =	vmul.f32 v4, v45;
	v62 =	vadd.f32 v62, v52;
	v3 =	vadd.f32 v3, v53  }
0x272: {  	[tilespmem:s13+$0xFFFFFFB0] =	vst v61;
	v61 =	vadd.f32 v63, v54;
	v63 =	vmul.f32 v60, v46;
	v60 =	vmul.f32 v60, v47  }
0x273: {  	v1 =	vbroadcast v1, $0x4;
	[tilespmem:s13+$0xFFFFFFC0] =	vst v2;
	v2 =	vadd.f32 v4, v55  }
0x274: {  	[tilespmem:s13+$0xFFFFFFD0] =	vst v62;
	v4 =	vadd.f32 v63, v56;
	v60 =	vadd.f32 v60, v57  }
0x275: {  	[tilespmem:s13+$0xFFFFFFE0] =	vst v3;
	v3 =	vmul.f32 v1, v48;
	v1 =	vmul.f32 v1, v49  }
0x276: {  	[tilespmem:s13+$0xFFFFFFF0] =	vst v61  }
.Ltmp3:
0x277: {  	[tilespmem:s13+$0x0] =	vst v2;
	v2 =	vadd.f32 v3, v58;
	v1 =	vadd.f32 v1, v59;
	(pc) =	sbr.rel @p0 .LBB2_5-.Ltmp3, $4  }
0x278: {  	[tilespmem:s13+$0x10] =	vst v4  }
0x279: {  	[tilespmem:s13+$0x20] =	vst v60  }
0x27a: {  	[tilespmem:s13+$0x30] =	vst v2  }
0x27b: {  	s17 =	sshra.s32 s16, $0x2;
	s16 =	sadd.s32 $0x40, s16;
	[tilespmem:s13+$0x40] =	vst v1  }
0x27c: {  	v1 =	vld [tilespmem:s17+$0x11500];
	_ =	sdelay $0x4  }
0x27d: {  	v2 =	vbroadcast v1, $0x0;
	_ =	sdelay $0x1  }
0x27e: {  	v3 =	vbroadcast v1, $0x1;
	v4 =	vmul.f32 v2, v40  }
0x27f: {  	v2 =	vmul.f32 v2, v41  }
0x280: {  	v60 =	vbroadcast v1, $0x2;
	v61 =	vmul.f32 v3, v42;
	v4 =	vadd.f32 v4, v50  }
0x281: {  	s13 =	sadd.s32 $0xA0, s13;
	v3 =	vmul.f32 v3, v43;
	v2 =	vadd.f32 v2, v51  }
0x282: {  	v62 =	vbroadcast v1, $0x3;
	v63 =	vmul.f32 v60, v44;
	v61 =	vadd.f32 v61, v52;
	[tilespmem:s13+$0xFFFFFFB0] =	vst v4  }
0x283: {  	v3 =	vadd.f32 v3, v53;
	v4 =	vmul.f32 v60, v45;
	[tilespmem:s13+$0xFFFFFFC0] =	vst v2  }
0x284: {  	v1 =	vbroadcast v1, $0x4;
	v2 =	vadd.f32 v63, v54;
	v60 =	vmul.f32 v62, v46;
	[tilespmem:s13+$0xFFFFFFD0] =	vst v61  }
0x285: {  	v61 =	vmul.f32 v62, v47;
	[tilespmem:s13+$0xFFFFFFE0] =	vst v3;
	v4 =	vadd.f32 v4, v55  }
0x286: {  	v3 =	vadd.f32 v60, v56;
	v60 =	vmul.f32 v1, v48;
	[tilespmem:s13+$0xFFFFFFF0] =	vst v2  }
0x287: {  	v2 =	vadd.f32 v61, v57;
	v1 =	vmul.f32 v1, v49;
	[tilespmem:s13+$0x0] =	vst v4  }
0x288: {  	v4 =	vadd.f32 v60, v58;
	[tilespmem:s13+$0x10] =	vst v3  }
0x289: {  	v1 =	vadd.f32 v1, v59;
	[tilespmem:s13+$0x20] =	vst v2  }
0x28a: {  	[tilespmem:s13+$0x30] =	vst v4  }
0x28b: {  	[tilespmem:s13+$0x40] =	vst v1  }
0x28c: {  	_ =	swait.ge [sflag:s1], $0x1000  }
0x28d: {  	[sflag:s1] =	ssyncset.done $0x0  }
0x28e: {  	[sflag:s1] =	ssyncadd.s32 $0xFFFFF000  }
0x28f: {  	_ =	swait.ge [sflag:s1], $0x1000  }
0x290: {  	[sflag:s1] =	ssyncset.done $0x0  }
0x291: {  	[sflag:s1] =	ssyncadd.s32 $0xFFFFF000  }
0x292: {  	_ =	swait.ge [sflag:s1], $0x1000  }
0x293: {  	[sflag:s1] =	ssyncset.done $0x0  }
0x294: {  	[sflag:s1] =	ssyncadd.s32 $0xFFFFF000  }
0x295: {  	_ =	swait.ge [sflag:s1], $0x1000  }
0x296: {  	[sflag:s1] =	ssyncset.done $0x0  }
0x297: {  	[sflag:s1] =	ssyncadd.s32 $0xFFFFF000  }
0x298: {  	_ =	swait.ge [sflag:s1], $0x1000  }
0x299: {  	[sflag:s1] =	ssyncset.done $0x0  }
0x29a: {  	[sflag:s1] =	ssyncadd.s32 $0xFFFFF000  }
0x29b: {  	_ =	swait.ge [sflag:s1], $0x1000  }
0x29c: {  	[sflag:s1] =	ssyncset.done $0x0  }
0x29d: {  	[sflag:s1] =	ssyncadd.s32 $0xFFFFF000  }
0x29e: {  	s5 =	smul.u32 $0x68000, s5;
	_ =	swait.ge [sflag:s1], $0x1000  }
0x29f: {  	s16 =	smul.u32 $0x1A0, s15;
	[sflag:s1] =	ssyncset.done $0x0  }
0x2a0: {  	[sflag:s1] =	ssyncadd.s32 $0xFFFFF000  }
0x2a1: {  	s5 =	sadd.s32 s16, s5;
	_ =	swait.ge [sflag:s1], $0x1000  }
0x2a2: {  	s18 =	smov.u32 s19;
	s5 =	sshrl.u32 s5, $0x3;
	[sflag:s1] =	ssyncset.done $0x0  }
0x2a3: {  	s17 =	sadd.s32 s19, s5;
	s19 =	simm.s32 $0x8800;
	[sflag:s1] =	ssyncadd.s32 $0xFFFFF000  }
0x2a4: {  	[hbm4b:s17+s10] =	stream.strided.scatter [tilespmem:s19], [sflag:$0x6], $0x1000, s31, s10, $0x38;
	[tilespmem:$0x1BE40] =	vst v63  }
0x2a5: {  	s16 =	simm.s32 $0x9800;
	s15 =	sadd.s32 s5, s9  }
0x2a6: {  	[hbm4b:s15+s10] =	stream.strided.scatter [tilespmem:s16], [sflag:$0x6], $0x1000, s31, s10, $0x38;
	[tilespmem:$0x1BE40] =	vst v63  }
0x2a7: {  	s17 =	sadd.s32 s5, s11;
	s19 =	simm.s32 $0xA800  }
0x2a8: {  	[hbm4b:s17+s10] =	stream.strided.scatter [tilespmem:s19], [sflag:$0x6], $0x1000, s31, s10, $0x38;
	[tilespmem:$0x1BE40] =	vst v63  }
0x2a9: {  	s15 =	sadd.s32 s5, s24;
	s16 =	simm.s32 $0xB800  }
0x2aa: {  	[hbm4b:s15+s10] =	stream.strided.scatter [tilespmem:s16], [sflag:$0x6], $0x1000, s31, s10, $0x38;
	[tilespmem:$0x1BE40] =	vst v63  }
0x2ab: {  	s17 =	sadd.s32 s5, s25;
	s19 =	simm.s32 $0xC800  }
0x2ac: {  	[hbm4b:s17+s10] =	stream.strided.scatter [tilespmem:s19], [sflag:$0x6], $0x1000, s31, s10, $0x38;
	[tilespmem:$0x1BE40] =	vst v63  }
0x2ad: {  	s15 =	sadd.s32 s5, s26;
	s16 =	simm.s32 $0xD800  }
0x2ae: {  	[hbm4b:s15+s10] =	stream.strided.scatter [tilespmem:s16], [sflag:$0x6], $0x1000, s31, s10, $0x38;
	[tilespmem:$0x1BE40] =	vst v63  }
0x2af: {  	s17 =	sadd.s32 s5, s28;
	s19 =	simm.s32 $0xE800  }
0x2b0: {  	[hbm4b:s17+s10] =	stream.strided.scatter [tilespmem:s19], [sflag:$0x6], $0x1000, s31, s10, $0x38;
	[tilespmem:$0x1BE40] =	vst v63  }
.Ltmp4:
0x2b1: {  	_ = 	snop;
	(pc) =	sbr.rel @p1 .LBB2_8-.Ltmp4, $4  }
0x2b2: {  	s15 =	sadd.s32 s5, s29;
	s16 =	simm.s32 $0xF800  }
0x2b3: {  	[hbm4b:s15+s10] =	stream.strided.scatter [tilespmem:s16], [sflag:$0x6], $0x1000, s31, s10, $0x38;
	[tilespmem:$0x1BE40] =	vst v63  }
0x2b4: {  	s5 =	sadd.s32 s5, s30;
	s17 =	simm.s32 $0xA0;
	s19 =	simm.s32 $0x16D00  }
0x2b5: {  	[hbm4b:s5+s17] =	stream.strided.scatter [tilespmem:s19], [sflag:$0x6], $0x5000, s31, s17, $0x38;
	[tilespmem:$0x1BE40] =	vst v63  }
0x2b6: {  	s5 =	sld [smem:$0x7FD];
	_ =	sdelay $0x2  }
0x2b7: {  	s4 =	sadd.s32 s4, s5  }
0x2b8: {  	s5 =	sshrl.u32 s4, $0xA;
	s13 =	sand.u32 $0x1C00, s4  }
0x2b9: {  	p0 =	seq.s32 s5, $0x0;
	p1 =	sne.s32 s13, $0x0  }
0x2ba: {  	p0 =	por !p0, !p1  }
0x2bb: {  	s15 =	simm.s32 $0x1;
	s19 =	sshrl.u32 s4, $0xD;
	p0 =	por !p0, !p0  }
0x2bc: {  	s16 =	sshll.u32 s4, $0x3;
	s17 =	sshll.u32 s5, $0xD;
	s15 =	simm.s32 @!p0 $0x0  }
0x2bd: {  	s5 =	sshll.u32 s5, $0x7;
	s13 =	ssub.s32 s19, s15;
	s19 =	ssub.s32 s16, s17  }
0x2be: {  	s5 =	sadd.s32 s5, s19;
	s16 =	sshll.u32 s13, $0xD  }
0x2bf: {  	s13 =	sshll.u32 s13, $0xA;
	s5 =	sadd.s32 s16, s5  }
0x2c0: {  	s5 =	ssub.s32 s5, s13  }
0x2c1: {  	s17 =	rddreg [dreg:$0x0];
	s5 =	sshrl.u32 s5, $0x3  }
0x2c2: {  	s15 =	rddreg [dreg:$0x1];
	s19 =	simm.s32 $0x400;
	s13 =	sadd.s32 s17, s5  }
0x2c3: {  	[tilespmem:s19], [sflag:$0x2] =	stream.linear.gather [hbm4b:s13+s14], $0x80, $0x38;
	[tilespmem:$0x1BE40] =	vst v63  }
0x2c4: {  	s16 =	simm.s32 $0x480;
	s17 =	rddreg [dreg:$0x2];
	s13 =	sadd.s32 s15, s5  }
0x2c5: {  	[tilespmem:s16], [sflag:$0x2] =	stream.linear.gather [hbm4b:s13+s14], $0x80, $0x38;
	[tilespmem:$0x1BE40] =	vst v63  }
0x2c6: {  	s19 =	simm.s32 $0x500;
	s15 =	rddreg [dreg:$0x3];
	s13 =	sadd.s32 s17, s5  }
0x2c7: {  	[tilespmem:s19], [sflag:$0x2] =	stream.linear.gather [hbm4b:s13+s14], $0x80, $0x38;
	[tilespmem:$0x1BE40] =	vst v63  }
0x2c8: {  	s16 =	simm.s32 $0x580;
	s17 =	rddreg [dreg:$0x4];
	s13 =	sadd.s32 s15, s5  }
0x2c9: {  	[tilespmem:s16], [sflag:$0x2] =	stream.linear.gather [hbm4b:s13+s14], $0x80, $0x38;
	[tilespmem:$0x1BE40] =	vst v63  }
0x2ca: {  	s19 =	simm.s32 $0x600;
	s15 =	rddreg [dreg:$0x5];
	s13 =	sadd.s32 s17, s5  }
0x2cb: {  	[tilespmem:s19], [sflag:$0x2] =	stream.linear.gather [hbm4b:s13+s14], $0x80, $0x38;
	[tilespmem:$0x1BE40] =	vst v63  }
0x2cc: {  	s16 =	simm.s32 $0x680;
	s17 =	rddreg [dreg:$0x6];
	s13 =	sadd.s32 s15, s5  }
0x2cd: {  	[tilespmem:s16], [sflag:$0x2] =	stream.linear.gather [hbm4b:s13+s14], $0x80, $0x38;
	[tilespmem:$0x1BE40] =	vst v63  }
0x2ce: {  	s19 =	simm.s32 $0x700;
	s13 =	sadd.s32 s17, s5  }
0x2cf: {  	[tilespmem:s19], [sflag:$0x2] =	stream.linear.gather [hbm4b:s13+s14], $0x80, $0x38;
	[tilespmem:$0x1BE40] =	vst v63  }
.Ltmp5:
0x2d0: {  	s3 =	sadd.s32 $0x1, s3;
	s15 =	rddreg [dreg:$0x7];
	(pc) =	sbr.rel .LBB2_2-.Ltmp5, $4  }
0x2d1: {  	s4 =	sshrl.u32 s4, $0x3;
	s5 =	sadd.s32 s15, s5;
	s16 =	simm.s32 $0x780  }
0x2d2: {  	[tilespmem:s16], [sflag:$0x2] =	stream.linear.gather [hbm4b:s5+s14], $0x80, $0x38;
	[tilespmem:$0x1BE40] =	vst v63  }
0x2d3: {  	s4 =	sadd.s32 s21, s4;
	s17 =	simm.s32 $0x32000;
	s19 =	simm.s32 $0x10A80  }
0x2d4: {  	[tilespmem:s19], [sflag:$0x2] =	stream.strided.gather [hbm4b:s4+s0], $0x280, s17, s0, $0x38;
	[tilespmem:$0x1BE40] =	vst v63  }
.LBB2_9:
0x2d5: {  	_ =	sfence.sel $0x180000  }
0x2d6: {  	[bflag:$0x0] =	sbarrier.arrive $0xFFFF  }
0x2d7: {  	_ =	strace $0x90000047  }
0x2d8: {  	s0 =	stileid.u32;
	[bflag:$0x2] =	sbarrier.arrive $0xFFFF  }
0x2d9: {  	p0 =	sne.s32 s0, $0x0;
	s0 =	rddreg [dreg:$0xc]  }
0x2da: {  	s0 =	sadd.s32 @!p0 $0x100000, s0  }
0x2db: {  	[sflag:s0] =	ssyncadd.tile.s32 @!p0 $0x1;
	_ =	shalt  }
.Lfunc_end2:
_tile_overlayer_lowered:
.L_overlay_start_2:
0x2dc: {  	(tag) =	ssettag $0x2  }
0x2dd: {  	s0 =	rddreg [dreg:$0x0];
	s2 =	stileid.u32  }
0x2de: {  	s1 =	rddreg [dreg:$0x1];
	p0 =	sne.s32 s2, $0x0  }
0x2df: {  	s3 =	rddreg [dreg:$0x2];
	[bflag:$0x3] =	sbarrier.arrive $0xFFFF;
	s2 =	simm.s32 @!p0 $0x1C07  }
0x2e0: {  	[timem:s3], [sflag:s2] =	dma.local @!p0 [hbm:s0], s1  }
0x2e1: {  	s0 =	simm.s32 @!p0 $0x7  }
0x2e2: {  	_ =	swait.ge @!p0 [sflag:s0], s1  }
0x2e3: {  	s1 =	ssub.s32 @!p0 $0x0, s1;
	[sflag:s0] =	ssyncset.done @!p0 $0x0  }
0x2e4: {  	[sflag:s0] =	ssyncadd.s32 @!p0 s1  }
0x2e5: {  	[bflag:$0x3] =	sbarrier.arrive $0xFFFF  }
0x2e6: {  	_ =	shalt  }

// kernel: sparse-core-data-format-call.cloned.1.call-start
scs
called_computation_lowered:
.L_overlay_start_0:
0x0: {  	s2 =	sld [smem:$0x3FD9]  }
0x1: {  	s3 =	sld [smem:$0x3FFE];
	_ =	sdelay $0x1  }
0x2: {  	s1 =	srdreg.scid  }
0x3: {  	s0 =	sand.u32 $0x1, s1  }
0x4: {  	s18 =	sshll.u32 s0, $0xA;
	s2 =	sadd.s32 s3, s2  }
0x5: {  	s2 =	sadd.s32 s2, s18  }
0x6: {  	[smem:$0x3FB5] =	sst s2  }
0x7: {  	_ = 	snop  }
0x8: {  	s2 =	sld [smem:$0x3FD0];
	(tm) =	ssettm $0x1  }
0x9: {  	s19 =	sld [smem:$0x3FFB];
	_ =	sdelay $0x3  }
0xa: {  	_ =	strace s19  }
0xb: {  	s3 =	sld [smem:$0x3FFC];
	_ =	sdelay $0x3  }
0xc: {  	_ =	strace s3  }
0xd: {  	s3 =	sld [smem:$0x3FFD];
	_ =	sdelay $0x3  }
0xe: {  	_ =	strace s3  }
0xf: {  	_ =	strace $0x8FFFFFFF  }
0x10: {  	s20 =	sld [smem:$0x3FDB];
	_ =	sdelay $0x1  }
0x11: {  	s4 =	simm.s32 $_scs_section_size  }
0x12: {  	s5 =	simm.s32 $_size__tile_overlayer_lowered;
	s6 =	simm.s32 $_tile_overlayer_lowered  }
0x13: {  	s23 =	simm.s32 $0x1BFF;
	s22 =	sshll.u32 s6, $0x1;
	s3 =	sadd.s32 s4, s20  }
0x14: {  	s7 =	simm.s32 $0x0;
	s21 =	sshll.u32 s5, $0x1;
	s5 =	sadd.s32 s22, s3  }
0x15: {  	[timem:s7], [sflag:s23] =	dma.local [hbm:s5], s21  }
0x16: {  	_ =	swait.ge [sflag:s23], s21  }
0x17: {  	s4 =	ssub.s32 $0x0, s21;
	[sflag:s23] =	ssyncset.done $0x0  }
0x18: {  	[sflag:s23] =	ssyncadd.s32 s4;
	_ =	sdelay $0x1  }
0x19: {  	s24 =	simm.s32 $0x1B8B  }
0x1a: {  	_ =	swait.ge [sflag:s24], $0x1  }
0x1b: {  	[sflag:s24] =	ssyncset.done $0x0  }
0x1c: {  	s26 =	simm.s32 $0x1B8E;
	s25 =	sld [smem:$0x3FFE];
	[sflag:s24] =	ssyncadd.s32 $0xFFFFFFFF  }
0x1d: {  	s27 =	simm.s32 $execute0_lowered;
	[smem:$0x3FD2] =	sst s26  }
0x1e: {  	s5 =	sshll.u32 s27, $0x1;
	_ =	strace $0x80000049;
	[dreg:$0x1] =	wrdreg $0xFFFFFFFF  }
0x1f: {  	s28 =	simm.s32 $_size_execute0_lowered;
	s3 =	sadd.s32 s3, s5;
	[dreg:$0x0] =	wrdreg $0x0  }
0x20: {  	s5 =	sshll.u32 s28, $0x1;
	[dreg:$0x2] =	wrdreg s3  }
0x21: {  	[dreg:$0x3] =	wrdreg s5  }
0x22: {  	[dreg:$0x4] =	wrdreg $0xC0  }
0x23: {  	_ =	task [dreg:s7], $0x5FFFF  }
0x24: {  	[dreg:$0x1] =	wrdreg $0xFFFFFFFF  }
0x25: {  	[dreg:$0x0] =	wrdreg $0x60  }
0x26: {  	[dreg:$0x2] =	wrdreg s25  }
0x27: {  	[dreg:$0x3] =	wrdreg s2  }
0x28: {  	[dreg:$0x4] =	wrdreg $0x9  }
0x29: {  	_ =	task.clear_ibuf [dreg:s7], $0x5FFFF;
	_ =	strace $0x90000049  }
0x2a: {  	s29 =	simm.s32 $0x9;
	_ =	strace $0x8000004B  }
0x2b: {  	_ =	swait.ge [sflag:s29], $0x1  }
0x2c: {  	[sflag:s29] =	ssyncadd.s32 $0xFFFFFFFF  }
0x2d: {  	_ =	strace $0x9000004B  }
0x2e: {  	_ =	sfence  }
0x2f: {  	s30 =	sld [smem:$0x0];
	_ =	sdelay $0x2  }
0x30: {  	s31 =	sshll.u32 s1, $0xD;
	s1 =	sshrl.u32 s1, $0x2  }
0x31: {  	s3 =	sand.u32 $0x4000, s31;
	s1 =	sadd.s32 s1, s30  }
0x32: {  	s0 =	sor.u32 s3, s0;
	s1 =	sshll.u32 s1, $0x11  }
0x33: {  	s0 =	sor.u32 s1, s0  }
0x34: {  	s0 =	sadd.s32 $0x8F2B, s0  }
0x35: {  	[sflag:s0] =	ssyncadd.remote.s32 $0x1  }
0x36: {  	_ =	sfence.sel $0xFFFF  }
0x37: {  	[dreg:$0x0] =	wrdreg $0xFFFFFFFF;
	(pc) =	sbr.abs _section_cstart, $3  }
0x38: {  	[dreg:$0x1] =	wrdreg $0xFFFFFFFF  }
0x39: {  	_ =	task.clear_ibuf [dreg:s7], $0x2FFFF;
	_ =	strace $0x9FFFFFFF  }
0x3a: {  	(tm) =	ssettm $0x7FFFFFFF  }
0x3b: {  	_ =	shalt  }
tec
execute0_lowered:
.L_overlay_start_1:
0x0: {  	(tag) =	ssettag $0x1  }
0x1: {  	s7 =	rddreg [dreg:$0x0];
	s0 =	stileid.u32  }
0x2: {  	s2 =	rddreg [dreg:$0x1];
	s1 =	srdreg.scid;
	s31 =	simm.s32 $0x2  }
0x3: {  	s14 =	simm.s32 $0x0;
	s10 =	simm.s32 $0x2000;
	s16 =	simm.s32 $0x0  }
0x4: {  	s11 =	simm.s32 $0x0;
	s17 =	simm.s32 $0x0;
	s12 =	simm.s32 $0x0  }
0x5: {  	s13 =	simm.s32 $0x0;
	s3 =	sshll.u32 s0, $0x7;
	s4 =	sshll.u32 s0, $0x4  }
0x6: {  	s5 =	sshll.u32 s1, $0x8;
	s1 =	rddreg [dreg:$0x2];
	s3 =	sand.u32 $0x380, s3  }
0x7: {  	_ =	strace $0x8000004A;
	s8 =	sshll.u32 s0, $0xD;
	s30 =	ssub.s32 $0x400, s3  }
0x8: {  	s4 =	sor.u32 s4, s5;
	s8 =	sand.u32 $0xE000, s8;
	s6 =	sand.u32 $0x380, s30  }
0x9: {  	s4 =	sand.u32 $0x180, s4;
	p0 =	sne.s32 s6, $0x0;
	s6 =	simm.s32 $0x1  }
.Ltmp0:
0xa: {  	s9 =	sshrl.u32 s30, $0xA;
	s6 =	simm.s32 @!p0 $0x0;
	(pc) =	sbr.rel .LBB1_1-.Ltmp0, $4  }
0xb: {  	s5 =	simm.s32 $0x1;
	s8 =	sor.u32 s4, s8;
	s6 =	sadd.s32 s6, s9  }
0xc: {  	[sflag:s5] =	ssyncpa.u1 $0x0;
	s7 =	sadd.s32 s8, s7;
	s6 =	smul.u32 $0xC8, s6  }
0xd: {  	s15 =	simm.s32 $0x0;
	[sflag:s31] =	ssyncpa.u1 $0x0;
	s7 =	sadd.s32 $0x7800, s7  }
0xe: {  	p0 =	por $0x0, $0x0;
	s9 =	simm.s32 $0x400;
	s8 =	sor.u32 $0x1, s6  }
.LBB1_4:
0xf: {  	v5 =	vld [tilespmem:s19+$0xFFFFFFD0];
	[tilespmem:s21+$0x2040 ss:$0x81] =	vst.msk $0xffff, v2  }
0x10: {  	v58 =	vld [tilespmem:s19+$0xFFFFFFE0];
	[tilespmem:s21+$0x2850 ss:$0x81] =	vst.msk $0xffff, v3  }
0x11: {  	s22 =	sshra.s32 s22, $0x2;
	v59 =	vld [tilespmem:s19+$0xFFFFFFF0];
	[tilespmem:s21+$0x3060 ss:$0x81] =	vst.msk $0xffff, v4;
	p1 =	sgt.s32 s12, $0xC7  }
0x12: {  	v60 =	vld [tilespmem:s19+$0x0];
	[tilespmem:s21+$0x0 ss:$0x81] =	vst.msk $0xffff, v0;
	s21 =	smov.u32 s12;
	s27 =	sshra.s32 s12, $0x1F;
	s20 =	sadd.s32 s22, s20  }
0x13: {  	v61 =	vld [tilespmem:s19+$0x10];
	s21 =	simm.s32 @!p1 $0xC7;
	s22 =	sand.u32 s27, s12;
	[tilespmem:s20+$0x3870 ss:$0x81] =	vst.msk $0xffff, v1  }
0x14: {  	v62 =	vld [tilespmem:s19+$0x20];
	p1 =	sgt.s32 s11, $0x120;
	s21 =	ssub.s32 s21, s22;
	s22 =	smov.u32 s11;
	[tilespmem:s20+$0x810 ss:$0x81] =	vst.msk $0xffff, v5  }
0x15: {  	v63 =	vld [tilespmem:s19+$0xFFFFFFC0];
	s28 =	sadd.s32 $0xFFFFFF39, s21;
	s22 =	simm.s32 @!p1 $0x120;
	[tilespmem:s20+$0x1020 ss:$0x81] =	vst.msk $0xffff, v58  }
0x16: {  	s19 =	ssub.s32 $0xC8, s21;
	p1 =	sgt.s32 s28, $0x0;
	s29 =	sshll.u32 s22, $0x7;
	[tilespmem:s20+$0x1830 ss:$0x81] =	vst.msk $0xffff, v59  }
0x17: {  	s30 =	smul.u32 $0xD000, s12;
	[tilespmem:s20+$0x2040 ss:$0x81] =	vst.msk $0xffff, v60;
	s19 =	simm.s32 @p1 $0x0;
	s21 =	ssub.s32 $0xD000, s29  }
0x18: {  	s17 =	sadd.s32 s2, s17;
	[tilespmem:s20+$0x2850 ss:$0x81] =	vst.msk $0xffff, v61;
	s19 =	smul.u32 s19, s21  }
0x19: {  	s31 =	sshll.u32 s11, $0x7;
	s17 =	sadd.s32 s30, s17;
	[tilespmem:s20+$0x3060 ss:$0x81] =	vst.msk $0xffff, v62  }
0x1a: {  	s17 =	sadd.s32 s31, s17;
	[tilespmem:s20+$0x0 ss:$0x81] =	vst.msk $0xffff, v63;
	s19 =	sand.u32 $0x3FFFFF80, s19  }
0x1b: {  	[hbm4b:s17+s9] =	stream.strided.scatter [tilespmem:s18], [sflag:$0x2], s19, s10, s9, $0x20;
	[tilespmem:$0x10100] =	vst v63  }
.LBB1_5:
0x1c: {  	p1 =	slt.u32 s15, $0x2  }
0x1d: {  	p2 =	sgt.s32 @!p1 s16, $0xC7  }
0x1e: {  	s17 =	smov.u32 s16;
	s18 =	sshra.s32 @!p1 s16, $0x1F;
	p2 =	por !p2, p1  }
0x1f: {  	s16 =	sand.u32 @!p1 s18, s16;
	s17 =	simm.s32 @p2 $0xC7  }
0x20: {  	p2 =	sgt.s32 @!p1 s14, $0x120;
	s16 =	ssub.s32 @!p1 s17, s16  }
0x21: {  	s20 =	sadd.s32 $0x1, s15;
	p2 =	por !p2, p1;
	s17 =	sadd.s32 @!p1 $0xFFFFFF39, s16  }
0x22: {  	s18 =	sadd.s32 $0x1, s13;
	s14 =	simm.s32 @p2 $0x120;
	p2 =	sgt.s32 @!p1 s17, $0x0  }
0x23: {  	s16 =	ssub.s32 @!p1 $0xC8, s16;
	s14 =	sshll.u32 @!p1 s14, $0x7;
	p2 =	por !p2, p1  }
0x24: {  	s14 =	ssub.s32 @!p1 $0xD000, s14;
	s16 =	simm.s32 @!p2 $0x0;
	p2 =	sgt.s32 s18, $0xC7  }
0x25: {  	s14 =	smul.u32 @!p1 s16, s14;
	s18 =	simm.s32 @p2 $0x0;
	p2 =	sne.s32 s15, s8  }
.Ltmp1:
0x26: {  	p0 =	por !p0, !p0;
	s17 =	simm.s32 @!p1 $0x2;
	(pc) =	sbr.rel @!p2 .LBB1_6-.Ltmp1, $4  }
0x27: {  	s16 =	smov.u32 s12;
	s12 =	smov.u32 s13;
	s14 =	sand.u32 @!p1 $0x3FFFFF80, s14  }
0x28: {  	s15 =	smov.u32 s20;
	s13 =	smov.u32 s18;
	_ =	swait.ge @!p1 [sflag:s17], s14  }
0x29: {  	s19 =	ssub.s32 @!p1 $0x0, s14;
	s14 =	smov.u32 s11;
	[sflag:s17] =	ssyncset.done @!p1 $0x0  }
0x2a: {  	s11 =	smov.u32 s4;
	[sflag:s17] =	ssyncadd.s32 @!p1 s19;
	s17 =	smov.u32 s3  }
.LBB1_1:
0x2b: {  	p1 =	sge.u32 s15, s6  }
0x2c: {  	s31 =	sadd.s32 $0xFFFFFFFF, s15;
	s18 =	sxor.u32 @!p1 $0xFFFFFFFF, s15  }
0x2d: {  	s19 =	sshll.u32 @!p1 s13, $0x10;
	s20 =	simm.s32 @!p1 $0x400;
	s18 =	sshll.u32 @!p1 s18, $0xE  }
0x2e: {  	s21 =	simm.s32 @!p1 $0x1000;
	s19 =	sadd.s32 @!p1 s19, s7;
	s18 =	sand.u32 @!p1 $0x4000, s18  }
0x2f: {  	[tilespmem:s18], [sflag:$0x1] =	stream.strided.gather @!p1 [hbm4b:s19+s20], $0x4000, s21, s20, $0x38;
	[tilespmem:$0x10100] =	vst v63  }
0x30: {  	p1 =	sge.u32 s31, s6  }
.Ltmp2:
0x31: {  	_ = 	snop;
	(pc) =	sbr.rel @p1 .LBB1_5-.Ltmp2, $1  }
0x32: {  	_ =	sdelay $0x3  }
0x33: {  	s18 =	simm.s32 $0x1  }
0x34: {  	_ =	swait.ge [sflag:s5], $0x4000;
	s18 =	simm.s32 @!p0 $0x0  }
0x35: {  	[sflag:s5] =	ssyncset.done $0x0;
	s19 =	sshll.u32 s18, $0xE  }
0x36: {  	[sflag:s5] =	ssyncadd.s32 $0xFFFFC000;
	s19 =	sor.u32 $0x40, s19  }
0x37: {  	s18 =	smul.u32 $0x10200, s18;
	v0 =	vld [tilespmem:s19+$0x30]  }
0x38: {  	v1 =	vld [tilespmem:s19+$0xFFFFFFD0]  }
0x39: {  	s18 =	sshrl.u32 s18, $0x2;
	v5 =	vld [tilespmem:s19+$0xFFFFFFE0]  }
0x3a: {  	v6 =	vld [tilespmem:s19+$0xFFFFFFF0];
	s20 =	sor.u32 $0x8000, s18  }
0x3b: {  	s31 =	sand.u32 $0x1, s15;
	v2 =	vld [tilespmem:s19+$0x0];
	s21 =	sadd.s32 $0x0, s20  }
0x3c: {  	v3 =	vld [tilespmem:s19+$0x10];
	s18 =	smul.u32 $0x10200, s31;
	[tilespmem:s21+$0x3870 ss:$0x81] =	vst.msk $0xffff, v0  }
0x3d: {  	v4 =	vld [tilespmem:s19+$0x20];
	[tilespmem:s21+$0x810 ss:$0x81] =	vst.msk $0xffff, v1  }
0x3e: {  	s18 =	sshrl.u32 s18, $0x2;
	v0 =	vld [tilespmem:s19+$0xFFFFFFC0];
	[tilespmem:s21+$0x1020 ss:$0x81] =	vst.msk $0xffff, v5;
	s19 =	sadd.s32 $0x80, s19  }
0x3f: {  	s22 =	simm.s32 $0x4;
	s23 =	simm.s32 $0x8;
	s18 =	sor.u32 $0x8000, s18;
	[tilespmem:s21+$0x1830 ss:$0x81] =	vst.msk $0xffff, v6;
	v1 =	vld [tilespmem:s19+$0x30]  }
.LBB1_3:
0x40: {  	p1 =	sne.s32 s23, $0x1FC;
	v5 =	vld [tilespmem:s19+$0xFFFFFFD0];
	[tilespmem:s21+$0x2040 ss:$0x81] =	vst.msk $0xffff, v2  }
0x41: {  	v6 =	vld [tilespmem:s19+$0xFFFFFFE0];
	[tilespmem:s21+$0x2850 ss:$0x81] =	vst.msk $0xffff, v3  }
0x42: {  	s24 =	sshra.s32 s22, $0x2;
	s22 =	smov.u32 s23;
	v7 =	vld [tilespmem:s19+$0xFFFFFFF0];
	[tilespmem:s21+$0x3060 ss:$0x81] =	vst.msk $0xffff, v4  }
.Ltmp3:
0x43: {  	v2 =	vld [tilespmem:s19+$0x0];
	[tilespmem:s21+$0x0 ss:$0x81] =	vst.msk $0xffff, v0;
	s21 =	sadd.s32 s24, s20;
	(pc) =	sbr.rel @p1 .LBB1_3-.Ltmp3, $4  }
0x44: {  	v3 =	vld [tilespmem:s19+$0x10];
	[tilespmem:s21+$0x3870 ss:$0x81] =	vst.msk $0xffff, v1  }
0x45: {  	[tilespmem:s21+$0x810 ss:$0x81] =	vst.msk $0xffff, v5;
	v4 =	vld [tilespmem:s19+$0x20]  }
0x46: {  	v0 =	vld [tilespmem:s19+$0xFFFFFFC0];
	[tilespmem:s21+$0x1020 ss:$0x81] =	vst.msk $0xffff, v6;
	s19 =	sadd.s32 $0x80, s19  }
0x47: {  	s23 =	sadd.s32 $0x4, s23;
	v1 =	vld [tilespmem:s19+$0x30];
	[tilespmem:s21+$0x1830 ss:$0x81] =	vst.msk $0xffff, v7  }
.Ltmp4:
0x48: {  	_ = 	snop;
	(pc) =	sbr.rel .LBB1_4-.Ltmp4, $1  }
0x49: {  	_ =	sdelay $0x3  }
.LBB1_6:
0x4a: {  	_ =	sfence.sel $0x180000  }
0x4b: {  	s2 =	simm.s32 $0x1;
	[bflag:$0x0] =	sbarrier.arrive $0xFFFF  }
0x4c: {  	s31 =	simm.s32 $0x2;
	[sflag:s2] =	ssyncpa.u1 $0x1  }
0x4d: {  	[sflag:s31] =	ssyncpa.u1 $0x1  }
0x4e: {  	p0 =	sne.s32 s0, $0x0;
	_ =	strace $0x9000004A  }
0x4f: {  	s0 =	sadd.s32 @!p0 $0x100000, s1;
	[bflag:$0x2] =	sbarrier.arrive $0xFFFF  }
0x50: {  	[sflag:s0] =	ssyncadd.tile.s32 @!p0 $0x1;
	_ =	shalt  }
.Lfunc_end1:
_tile_overlayer_lowered:
.L_overlay_start_2:
0x51: {  	(tag) =	ssettag $0x2  }
0x52: {  	s0 =	rddreg [dreg:$0x0];
	s2 =	stileid.u32  }
0x53: {  	s1 =	rddreg [dreg:$0x1];
	p0 =	sne.s32 s2, $0x0  }
0x54: {  	s3 =	rddreg [dreg:$0x2];
	[bflag:$0x3] =	sbarrier.arrive $0xFFFF;
	s2 =	simm.s32 @!p0 $0x1C01  }
0x55: {  	[timem:s3], [sflag:s2] =	dma.local @!p0 [hbm:s0], s1  }
0x56: {  	s0 =	simm.s32 @!p0 $0x1  }
0x57: {  	_ =	swait.ge @!p0 [sflag:s0], s1  }
0x58: {  	s1 =	ssub.s32 @!p0 $0x0, s1;
	[sflag:s0] =	ssyncset.done @!p0 $0x0  }
0x59: {  	[sflag:s0] =	ssyncadd.s32 @!p0 s1  }
0x5a: {  	[bflag:$0x3] =	sbarrier.arrive $0xFFFF  }
0x5b: {  	_ =	shalt  }

</sc_bundles>
